<compile_context>
chip_gen: v7x
topology: tpu7x:2x2x1
jax: 0.10.2.dev20260603
libtpu: 0.0.44.dev20260713+nightly
codegen_flags: <defaults>
</compile_context>

<pallas_src>
import functools

import jax
import jax.numpy as jnp
from jax import lax
from jax.experimental import pallas as pl
from jax.experimental.pallas import tpu as pltpu
from jax.experimental.pallas import tpu_sc as plsc

N = 10000
E = 320000
NP = 10240
D = 128
H1 = 1024
H2 = 16

NC = 2
NS = 16
NW = NC * NS
RPT = NP // NW
ECH = 128
EP = 327680
ER = EP // ECH
NCH = ER // NW
NB = 8
NG = NCH // NB

_mesh = plsc.VectorSubcoreMesh(
    core_axis_name="c", subcore_axis_name="s", num_cores=NC, num_subcores=NS)


def _newton_rsqrt(x16):
    i = lax.bitcast_convert_type(x16, jnp.int32)
    i = jnp.int32(0x5F3759DF) - lax.shift_right_logical(i, 1)
    y = lax.bitcast_convert_type(i, jnp.float32)
    for _ in range(3):
        y = y * (1.5 - 0.5 * x16 * y * y)
    return y


DGR = EP // 128 // NS
TR = EP // 128 // NW


@functools.partial(
    pl.kernel,
    out_type=(
        jax.ShapeDtypeStruct((NP,), jnp.float32),
        jax.ShapeDtypeStruct((NC, NP), jnp.float32),
    ),
    mesh=_mesh,
    scratch_types=[
        pltpu.VMEM((DGR, 128), jnp.int32),
        pltpu.VMEM((TR, 128), jnp.int32),
        pltpu.VMEM((TR, 128), jnp.int32),
        pltpu.VMEM((NB, 128), jnp.float32),
        pltpu.VMEM((128,), jnp.float32),
        pltpu.VMEM((NP // NS,), jnp.float32),
        pltpu.VMEM_SHARED((NP,), jnp.float32),
        pltpu.VMEM_SHARED((NP,), jnp.float32),
    ]
    + [pltpu.SemaphoreType.DMA] * (3 * NB),
)
def _sc_deg(dst128_hbm, src128_hbm, dinv_hbm, t2_hbm,
            didxd, sidxt, didxt, dsc, ones_v, wk_v, dsh, acc_t, *sems):
    dmsem = sems[:NB]
    tgsem = sems[NB:2 * NB]
    tssem = sems[2 * NB:]
    c = lax.axis_index("c")
    s = lax.axis_index("s")
    wid = c * NS + s
    sbase = s * (NP // NS)

    @pl.loop(0, (NP // NS) // 16)
    def _(i):
        wk_v[pl.ds(i * 16, 16)] = jnp.zeros((16,), jnp.float32)

    @pl.loop(0, 8)
    def _(i):
        ones_v[pl.ds(i * 16, 16)] = jnp.ones((16,), jnp.float32)

    pltpu.sync_copy(wk_v, dsh.at[pl.ds(sbase, NP // NS)])
    pltpu.sync_copy(wk_v, acc_t.at[pl.ds(sbase, NP // NS)])
    pltpu.sync_copy(dst128_hbm.at[pl.ds(s * DGR, DGR), :], didxd)
    pltpu.sync_copy(src128_hbm.at[pl.ds(wid * TR, TR), :], sidxt)
    pltpu.sync_copy(dst128_hbm.at[pl.ds(wid * TR, TR), :], didxt)
    plsc.subcore_barrier()

    @pl.loop(0, DGR // NB)
    def _(g):
        for b in range(NB):
            @pl.when(g > 0)
            def _():
                pltpu.make_async_copy(
                    ones_v, dsh.at[didxd.at[(g - 1) * NB + b]], dmsem[b]).wait()
            pltpu.async_copy(
                ones_v, dsh.at[didxd.at[g * NB + b]], dmsem[b], add=True)

    for b in range(NB):
        pltpu.make_async_copy(
            ones_v, dsh.at[didxd.at[(DGR // NB - 1) * NB + b]], dmsem[b]).wait()

    plsc.subcore_barrier()

    pltpu.sync_copy(dsh.at[pl.ds(sbase, NP // NS)], wk_v)

    @pl.loop(0, (NP // NS) // 16)
    def _(j):
        dvec = wk_v[pl.ds(j * 16, 16)] + 1.0
        wk_v[pl.ds(j * 16, 16)] = _newton_rsqrt(dvec)

    @pl.when(c == 0)
    def _():
        pltpu.sync_copy(wk_v, dinv_hbm.at[pl.ds(sbase, NP // NS)])

    pltpu.sync_copy(wk_v, dsh.at[pl.ds(sbase, NP // NS)])
    plsc.subcore_barrier()

    @pl.loop(0, TR // NB)
    def _(g):
        for b in range(NB):
            @pl.when(g > 0)
            def _():
                pltpu.make_async_copy(
                    dsc.at[b], acc_t.at[sidxt.at[(g - 1) * NB + b]],
                    tssem[b]).wait()
            pltpu.async_copy(
                dsh.at[didxt.at[g * NB + b]], dsc.at[b], tgsem[b])
        for b in range(NB):
            ci = g * NB + b
            pltpu.make_async_copy(
                dsh.at[didxt.at[ci]], dsc.at[b], tgsem[b]).wait()
            pltpu.async_copy(
                dsc.at[b], acc_t.at[sidxt.at[ci]], tssem[b], add=True)

    for b in range(NB):
        pltpu.make_async_copy(
            dsc.at[b], acc_t.at[sidxt.at[(TR // NB - 1) * NB + b]],
            tssem[b]).wait()

    plsc.subcore_barrier()

    pltpu.sync_copy(acc_t.at[pl.ds(sbase, NP // NS)],
                    t2_hbm.at[c, pl.ds(sbase, NP // NS)])


EC1 = 64
EPT = EP // NW
NC1 = EPT // EC1


@functools.partial(
    pl.kernel,
    out_type=jax.ShapeDtypeStruct((NC, NP, D), jnp.float32),
    mesh=_mesh,
    scratch_types=[
        [pltpu.VMEM((EC1,), jnp.int32) for _ in range(4)],
        [pltpu.VMEM((EC1,), jnp.int32) for _ in range(4)],
        pltpu.VMEM((4, EC1, D), jnp.float32),
        pltpu.VMEM((8, D), jnp.float32),
        pltpu.VMEM_SHARED((NP, D), jnp.float32),
    ]
    + [pltpu.SemaphoreType.DMA] * 16,
)
def _sc_agg1(srcf_hbm, dstf_hbm, u_hbm, s2_hbm,
             sidx, didx, rows, zb, acc_s, *sems):
    gsem = sems[:4]
    ssem = sems[4:8]
    isg = sems[8:12]
    isd = sems[12:16]
    c = lax.axis_index("c")
    s = lax.axis_index("s")
    wid = c * NS + s

    @pl.loop(0, 8)
    def _(r):
        for j in range(D // 16):
            zb[r, pl.ds(j * 16, 16)] = jnp.zeros((16,), jnp.float32)

    @pl.loop(0, (NP // NS) // 8)
    def _(k):
        pltpu.sync_copy(zb, acc_s.at[pl.ds(s * (NP // NS) + k * 8, 8), :])

    ebase = wid * EPT

    def sload(i, k, fire):
        d = pltpu.make_async_copy(
            srcf_hbm.at[pl.ds(ebase + i * EC1, EC1)], sidx[k], isg[k])
        d.start() if fire else d.wait()

    def dload(i, k, fire):
        d = pltpu.make_async_copy(
            dstf_hbm.at[pl.ds(ebase + i * EC1, EC1)], didx[k], isd[k])
        d.start() if fire else d.wait()

    for k in range(4):
        pltpu.sync_copy(srcf_hbm.at[pl.ds(ebase + k * EC1, EC1)], sidx[k])
        pltpu.sync_copy(dstf_hbm.at[pl.ds(ebase + k * EC1, EC1)], didx[k])
    plsc.subcore_barrier()

    pltpu.async_copy(u_hbm.at[sidx[0]], rows.at[0], gsem[0])
    pltpu.async_copy(u_hbm.at[sidx[1]], rows.at[1], gsem[1])

    @pl.loop(0, NC1 // 4)
    def _(h):
        for k in range(4):
            i = 4 * h + k
            k2 = (k + 2) & 3
            pltpu.make_async_copy(
                u_hbm.at[sidx[k]], rows.at[k], gsem[k]).wait()
            @pl.when(i >= 4)
            def _():
                dload(i, k, fire=False)
            pltpu.async_copy(rows.at[k], acc_s.at[didx[k]], ssem[k], add=True)
            @pl.when(i + 4 < NC1)
            def _():
                sload(i + 4, k, fire=True)
            @pl.when(i >= 2)
            def _():
                pltpu.make_async_copy(
                    rows.at[k2], acc_s.at[didx[k2]], ssem[k2]).wait()
            @pl.when(i + 2 < NC1)
            def _():
                @pl.when(i >= 2)
                def _():
                    dload(i + 2, k2, fire=True)
                    sload(i + 2, k2, fire=False)
                pltpu.async_copy(u_hbm.at[sidx[k2]], rows.at[k2], gsem[k2])

    pltpu.make_async_copy(rows.at[2], acc_s.at[didx[2]], ssem[2]).wait()
    pltpu.make_async_copy(rows.at[3], acc_s.at[didx[3]], ssem[3]).wait()

    plsc.subcore_barrier()

    dbase = s * (NP // NS)
    pltpu.sync_copy(acc_s.at[pl.ds(dbase, NP // NS), :],
                    s2_hbm.at[c, pl.ds(dbase, NP // NS), :])


NB2 = 4


@functools.partial(
    pl.kernel,
    out_type=jax.ShapeDtypeStruct((NC, NP, H2), jnp.float32),
    mesh=_mesh,
    scratch_types=[
        [pltpu.VMEM((ECH,), jnp.int32) for _ in range(NB2)],
        [pltpu.VMEM((ECH,), jnp.int32) for _ in range(NB2)],
        pltpu.VMEM((NB2, ECH, H2), jnp.float32),
        pltpu.VMEM((16, H2), jnp.float32),
        pltpu.VMEM_SHARED((NP, H2), jnp.float32),
    ]
    + [pltpu.SemaphoreType.DMA] * NB2,
    compiler_params=pltpu.CompilerParams(use_tc_tiling_on_sc=False),
)
def _sc_agg2(srcf_hbm, dstf_hbm, v_hbm, sv_hbm,
             sidx, didx, rows, zb, acc_v, *gsem):
    c = lax.axis_index("c")
    s = lax.axis_index("s")
    wid = c * NS + s

    @pl.loop(0, 16)
    def _(r):
        zb[r, pl.ds(0, 16)] = jnp.zeros((16,), jnp.float32)

    @pl.loop(0, (NP // NS) // 16)
    def _(k):
        pltpu.sync_copy(zb, acc_v.at[pl.ds(s * (NP // NS) + k * 16, 16), :])

    ebase = wid * EPT
    for b in range(NB2):
        pltpu.sync_copy(srcf_hbm.at[pl.ds(ebase + b * ECH, ECH)], sidx[b])
        pltpu.sync_copy(dstf_hbm.at[pl.ds(ebase + b * ECH, ECH)], didx[b])
    plsc.subcore_barrier()

    for b in range(NB2):
        pltpu.async_copy(v_hbm.at[sidx[b]], rows.at[b], gsem[b])

    @pl.loop(0, NCH // NB2)
    def _(h):
        for b in range(NB2):
            i = NB2 * h + b
            pltpu.make_async_copy(
                v_hbm.at[sidx[b]], rows.at[b], gsem[b]).wait()
            pltpu.sync_copy(rows.at[b], acc_v.at[didx[b]], add=True)

            @pl.when(i + NB2 < NCH)
            def _():
                off = ebase + (i + NB2) * ECH
                pltpu.sync_copy(srcf_hbm.at[pl.ds(off, ECH)], sidx[b])
                pltpu.sync_copy(dstf_hbm.at[pl.ds(off, ECH)], didx[b])
                pltpu.async_copy(v_hbm.at[sidx[b]], rows.at[b], gsem[b])

    plsc.subcore_barrier()

    dbase = s * (NP // NS)
    pltpu.sync_copy(acc_v.at[pl.ds(dbase, NP // NS), :],
                    sv_hbm.at[c, pl.ds(dbase, NP // NS), :])


def _tc_scale_body(dinv_ref, x_ref, u_ref):
    u_ref[...] = dinv_ref[...] * x_ref[...]


def _tc_mm_body(s2_ref, u_ref, dinv_ref, w1_ref, b1_ref, w2_ref, v_ref):
    dinv = dinv_ref[...]
    y = dinv * (s2_ref[0] + s2_ref[1] + u_ref[...])
    t1 = jnp.maximum(
        jnp.dot(y, w1_ref[...], preferred_element_type=jnp.float32) + b1_ref[...],
        0.0)
    z2 = jnp.dot(t1, w2_ref[...], preferred_element_type=jnp.float32)
    v_ref[...] = dinv * z2


def _tc_fin_body(sv_ref, v_ref, dinv_ref, tp_ref, b2_ref, w3_ref, b3_ref,
                 wl_ref, bl_ref, o_ref, acc_ref):
    i = pl.program_id(0)

    @pl.when(i == 0)
    def _():
        acc_ref[...] = jnp.zeros_like(acc_ref)

    dinv = dinv_ref[...]
    h2 = jnp.maximum(
        dinv * (sv_ref[0] + sv_ref[1] + v_ref[...]) + b2_ref[...], 0.0)
    cvec = dinv * (tp_ref[:, 0:1] + tp_ref[:, 1:2]) + dinv * dinv
    acc_ref[...] += jnp.sum(cvec * h2, axis=0, keepdims=True)

    @pl.when(i == pl.num_programs(0) - 1)
    def _():
        pooled = jnp.dot(acc_ref[...] * (1.0 / N), w3_ref[...],
                         preferred_element_type=jnp.float32) + b3_ref[...]
        o_ref[...] = jnp.dot(pooled, wl_ref[...],
                             preferred_element_type=jnp.float32) + bl_ref[...]


_RT = 512
_G = NP // _RT
_RTF = 400
_GF = N // _RTF


def kernel(x, edge_index, W1, b1, W2, b2, W3, b3, Wl, bl):
    pad = jnp.full((EP - E,), N, dtype=jnp.int32)
    src_f = jnp.concatenate([edge_index[0].astype(jnp.int32), pad])
    dst_f = jnp.concatenate([edge_index[1].astype(jnp.int32), pad])
    src2 = src_f.reshape(ER, ECH)
    dst2 = dst_f.reshape(ER, ECH)
    x_p = jnp.pad(x, ((0, NP - N), (0, 0)))

    dinv_p, t2 = _sc_deg(dst2, src2)
    dinv2d = dinv_p.reshape(NP, 1)

    u = pl.pallas_call(
        _tc_scale_body,
        grid=(_G,),
        in_specs=[
            pl.BlockSpec((_RT, 1), lambda i: (i, 0)),
            pl.BlockSpec((_RT, D), lambda i: (i, 0)),
        ],
        out_specs=pl.BlockSpec((_RT, D), lambda i: (i, 0)),
        out_shape=jax.ShapeDtypeStruct((NP, D), jnp.float32),
    )(dinv2d, x_p)

    s2 = _sc_agg1(src_f, dst_f, u)

    v = pl.pallas_call(
        _tc_mm_body,
        grid=(_G,),
        in_specs=[
            pl.BlockSpec((NC, _RT, D), lambda i: (0, i, 0)),
            pl.BlockSpec((_RT, D), lambda i: (i, 0)),
            pl.BlockSpec((_RT, 1), lambda i: (i, 0)),
            pl.BlockSpec((D, H1), lambda i: (0, 0)),
            pl.BlockSpec((1, H1), lambda i: (0, 0)),
            pl.BlockSpec((H1, H2), lambda i: (0, 0)),
        ],
        out_specs=pl.BlockSpec((_RT, H2), lambda i: (i, 0)),
        out_shape=jax.ShapeDtypeStruct((NP, H2), jnp.float32),
    )(s2, u, dinv2d, W1, b1.reshape(1, H1), W2)

    sv = _sc_agg2(src_f, dst_f, v)

    tp = t2.T

    out = pl.pallas_call(
        _tc_fin_body,
        grid=(_GF,),
        in_specs=[
            pl.BlockSpec((NC, _RTF, H2), lambda i: (0, i, 0)),
            pl.BlockSpec((_RTF, H2), lambda i: (i, 0)),
            pl.BlockSpec((_RTF, 1), lambda i: (i, 0)),
            pl.BlockSpec((_RTF, NC), lambda i: (i, 0)),
            pl.BlockSpec((1, H2), lambda i: (0, 0)),
            pl.BlockSpec((H2, H2), lambda i: (0, 0)),
            pl.BlockSpec((1, H2), lambda i: (0, 0)),
            pl.BlockSpec((H2, 3), lambda i: (0, 0)),
            pl.BlockSpec((1, 3), lambda i: (0, 0)),
        ],
        out_specs=pl.BlockSpec((1, 3), lambda i: (0, 0)),
        out_shape=jax.ShapeDtypeStruct((1, 3), jnp.float32),
        scratch_shapes=[pltpu.VMEM((1, H2), jnp.float32)],
    )(sv, v, dinv2d, tp, b2.reshape(1, H2), W3, b3.reshape(1, H2),
      Wl, bl.reshape(1, 3))

    return out

# --- scband reference (transcript-rebuilt; emitter-appended) ---
"""Pipeline reference for scband-basic-model-large-12300786336355 (READ-ONLY COPY).

The authoritative reference and input builder live on the scoring server;
editing this copy changes nothing except your own understanding.
"""

import jax, jax.numpy as jnp
import numpy as np

N_NODES = 10000
N_EDGES = 320000
D_IN = 128
H1 = 1024
H2 = 16
NUM_CLASSES = 16


def gcn_conv(x, edge_index, W, b):
    # x: [N, d_in], edge_index: [2, E] (src, dst)
    n = x.shape[0]
    x = x @ W
    loop = jnp.arange(n, dtype=edge_index.dtype)
    src = jnp.concatenate([edge_index[0], loop])
    dst = jnp.concatenate([edge_index[1], loop])
    deg = jnp.zeros((n,), dtype=x.dtype).at[dst].add(1.0)
    dinv = jnp.where(deg > 0, jax.lax.rsqrt(deg), 0.0)
    norm = dinv[src] * dinv[dst]
    msg = x[src] * norm[:, None]
    out = jnp.zeros((n, x.shape[1]), dtype=x.dtype).at[dst].add(msg)
    return out + b


def setup_inputs(seed: int = 0) -> dict:
    key = jax.random.key(seed)
    ks = jax.random.split(key, 12)
    x = jax.random.normal(ks[0], (N_NODES, D_IN), dtype=jnp.float32)
    edge_index = jax.random.randint(ks[1], (2, N_EDGES), 0, N_NODES)
    W1 = jax.random.normal(ks[2], (D_IN, H1), dtype=jnp.float32) / np.sqrt(D_IN)
    b1 = jnp.zeros((H1,), dtype=jnp.float32)
    W2 = jax.random.normal(ks[3], (H1, H2), dtype=jnp.float32) / np.sqrt(H1)
    b2 = jnp.zeros((H2,), dtype=jnp.float32)
    W3 = jax.random.normal(ks[4], (H2, NUM_CLASSES), dtype=jnp.float32) / np.sqrt(H2)
    b3 = jnp.zeros((NUM_CLASSES,), dtype=jnp.float32)
    Wl = jax.random.normal(ks[5], (NUM_CLASSES, 3), dtype=jnp.float32) / np.sqrt(NUM_CLASSES)
    bl = jnp.zeros((3,), dtype=jnp.float32)
    return {"x": x, "edge_index": edge_index, "W1": W1, "b1": b1, "W2": W2, "b2": b2, "W3": W3, "b3": b3, "Wl": Wl, "bl": bl}


def reference(x, edge_index, W1, b1, W2, b2, W3, b3, Wl, bl):
    h = gcn_conv(x, edge_index, W1, b1)
    h = jax.nn.relu(h)
    # dropout is identity in eval mode (training=False)
    h = gcn_conv(h, edge_index, W2, b2)
    h = jax.nn.relu(h)
    h = gcn_conv(h, edge_index, W3, b3)
    # scatter_mean(x, tensor([0]), dim=0): index broadcasts to all-zeros -> global mean pool -> [1, C]
    seg = jnp.zeros((h.shape[0],), dtype=jnp.int32)
    summed = jax.ops.segment_sum(h, seg, num_segments=1)
    cnt = jax.ops.segment_sum(jnp.ones((h.shape[0],), dtype=h.dtype), seg, num_segments=1)
    pooled = summed / cnt[:, None]
    return pooled @ Wl + bl

if __name__ == "__main__":
    import jax
    _d = setup_inputs()
    print(jax.jit(kernel)(*tuple(_d.values())))

</pallas_src>

<mosaic_0001>
#map = affine_map<(d0, d1) -> (0, 0)>
#map1 = affine_map<(d0, d1) -> (0)>
module attributes {stable_mosaic.version = 14 : i64} {
  func.func @_sc_deg(%arg0: i32, %arg1: i32, %arg2: memref<2560x128xi32, #tpu.memory_space<hbm>>, %arg3: memref<2560x128xi32, #tpu.memory_space<hbm>>, %arg4: memref<10240xf32, #tpu.memory_space<hbm>>, %arg5: memref<2x10240xf32, #tpu.memory_space<hbm>>, %arg6: memref<160x128xi32, #tpu.memory_space<vmem>>, %arg7: memref<80x128xi32, #tpu.memory_space<vmem>>, %arg8: memref<80x128xi32, #tpu.memory_space<vmem>>, %arg9: memref<8x128xf32, #tpu.memory_space<vmem>>, %arg10: memref<128xf32, #tpu.memory_space<vmem>>, %arg11: memref<640xf32, #tpu.memory_space<vmem>>, %arg12: memref<10240xf32, #tpu.memory_space<vmem_shared>>, %arg13: memref<10240xf32, #tpu.memory_space<vmem_shared>>, %arg14: memref<!tpu.dma_semaphore, #tpu.memory_space<semaphore_mem>>, %arg15: memref<!tpu.dma_semaphore, #tpu.memory_space<semaphore_mem>>, %arg16: memref<!tpu.dma_semaphore, #tpu.memory_space<semaphore_mem>>, %arg17: memref<!tpu.dma_semaphore, #tpu.memory_space<semaphore_mem>>, %arg18: memref<!tpu.dma_semaphore, #tpu.memory_space<semaphore_mem>>, %arg19: memref<!tpu.dma_semaphore, #tpu.memory_space<semaphore_mem>>, %arg20: memref<!tpu.dma_semaphore, #tpu.memory_space<semaphore_mem>>, %arg21: memref<!tpu.dma_semaphore, #tpu.memory_space<semaphore_mem>>, %arg22: memref<!tpu.dma_semaphore, #tpu.memory_space<semaphore_mem>>, %arg23: memref<!tpu.dma_semaphore, #tpu.memory_space<semaphore_mem>>, %arg24: memref<!tpu.dma_semaphore, #tpu.memory_space<semaphore_mem>>, %arg25: memref<!tpu.dma_semaphore, #tpu.memory_space<semaphore_mem>>, %arg26: memref<!tpu.dma_semaphore, #tpu.memory_space<semaphore_mem>>, %arg27: memref<!tpu.dma_semaphore, #tpu.memory_space<semaphore_mem>>, %arg28: memref<!tpu.dma_semaphore, #tpu.memory_space<semaphore_mem>>, %arg29: memref<!tpu.dma_semaphore, #tpu.memory_space<semaphore_mem>>, %arg30: memref<!tpu.dma_semaphore, #tpu.memory_space<semaphore_mem>>, %arg31: memref<!tpu.dma_semaphore, #tpu.memory_space<semaphore_mem>>, %arg32: memref<!tpu.dma_semaphore, #tpu.memory_space<semaphore_mem>>, %arg33: memref<!tpu.dma_semaphore, #tpu.memory_space<semaphore_mem>>, %arg34: memref<!tpu.dma_semaphore, #tpu.memory_space<semaphore_mem>>, %arg35: memref<!tpu.dma_semaphore, #tpu.memory_space<semaphore_mem>>, %arg36: memref<!tpu.dma_semaphore, #tpu.memory_space<semaphore_mem>>, %arg37: memref<!tpu.dma_semaphore, #tpu.memory_space<semaphore_mem>>) attributes {dimension_semantics = [#tpu.dimension_semantics<core_parallel>, #tpu.dimension_semantics<subcore_parallel>], iteration_bounds = array<i64: 2, 16>, scalar_prefetch = 0 : i64, scratch_operands = 32 : i64, tpu.core_type = #tpu.core_type<sc_vector_subcore>, window_params = [{transform_indices = #map}, {transform_indices = #map}, {transform_indices = #map1}, {transform_indices = #map}]} {
    %mul3A = arith.constant 16 : i32
    %mul3A_0 = arith.muli %arg0, %mul3A : i32
    %add3A = arith.addi %mul3A_0, %arg1 : i32
    %mul3A_1 = arith.constant 640 : i32
    %mul3A_2 = arith.muli %arg1, %mul3A_1 : i32
    %scan3A = arith.constant 0 : i32
    %scan3A_3 = arith.constant 40 : i32
    %scan3A_4 = arith.addi %scan3A, %scan3A_3 : i32
    %scan3A_5 = arith.constant 1 : i32
    scf.for %scan3A_165 = %scan3A to %scan3A_4 step %scan3A_5  : i32 {
      %mul3A_166 = arith.constant 1 : i32
      %mul3A_167 = arith.muli %scan3A_165, %mul3A_166 : i32
      %add3A_168 = arith.constant 0 : i32
      %add3A_169 = arith.addi %add3A_168, %mul3A_167 : i32
      %broadcast_in_dim3A = arith.constant 0.000000e+00 : f32
      %broadcast_in_dim3A_170 = vector.broadcast %broadcast_in_dim3A : f32 to vector<16xf32>
      %mul3A_171 = arith.constant 16 : i32
      %mul3A_172 = arith.muli %add3A_169, %mul3A_171 : i32
      %swap3A = arith.index_cast %mul3A_172 : i32 to index
      %swap3A_173 = tpu.vector_load %arg11[%swap3A] {strides = array<i32>} : memref<640xf32, #tpu.memory_space<vmem>>, vector<16xf32>,
      %swap3A_174 = vector.shape_cast %swap3A_173 : vector<16xf32> to vector<16xf32>
      %swap3A_175 = vector.shape_cast %broadcast_in_dim3A_170 : vector<16xf32> to vector<16xf32>
      tpu.vector_store %arg11[%swap3A], %swap3A_175 {strides = array<i32>} : memref<640xf32, #tpu.memory_space<vmem>>, vector<16xf32>,
    }
    %scan3A_6 = arith.constant 40 : i32
    %scan3A_7 = arith.constant 0 : i32
    %scan3A_8 = arith.constant 8 : i32
    %scan3A_9 = arith.addi %scan3A_7, %scan3A_8 : i32
    %scan3A_10 = arith.constant 1 : i32
    scf.for %scan3A_165 = %scan3A_7 to %scan3A_9 step %scan3A_10  : i32 {
      %mul3A_166 = arith.constant 1 : i32
      %mul3A_167 = arith.muli %scan3A_165, %mul3A_166 : i32
      %add3A_168 = arith.constant 0 : i32
      %add3A_169 = arith.addi %add3A_168, %mul3A_167 : i32
      %broadcast_in_dim3A = arith.constant 1.000000e+00 : f32
      %broadcast_in_dim3A_170 = vector.broadcast %broadcast_in_dim3A : f32 to vector<16xf32>
      %mul3A_171 = arith.constant 16 : i32
      %mul3A_172 = arith.muli %add3A_169, %mul3A_171 : i32
      %swap3A = arith.index_cast %mul3A_172 : i32 to index
      %swap3A_173 = tpu.vector_load %arg10[%swap3A] {strides = array<i32>} : memref<128xf32, #tpu.memory_space<vmem>>, vector<16xf32>,
      %swap3A_174 = vector.shape_cast %swap3A_173 : vector<16xf32> to vector<16xf32>
      %swap3A_175 = vector.shape_cast %broadcast_in_dim3A_170 : vector<16xf32> to vector<16xf32>
      tpu.vector_store %arg10[%swap3A], %swap3A_175 {strides = array<i32>} : memref<128xf32, #tpu.memory_space<vmem>>, vector<16xf32>,
    }
    %scan3A_11 = arith.constant 8 : i32
    "tpu.region"() ({
      %run_scoped3A = tpu.sem_alloc : memref<!tpu.dma_semaphore, #tpu.memory_space<semaphore_mem>>
      %dma_start3A = tpu.memref_slice %arg12[%mul3A_2] : memref<10240xf32, #tpu.memory_space<vmem_shared>> -> memref<640xf32, #tpu.memory_space<vmem_shared>>
      %dma_start3A_165 = tpu.memref_slice %arg12[%mul3A_2] : memref<10240xf32, #tpu.memory_space<vmem_shared>> -> memref<640xf32, #tpu.memory_space<vmem_shared>>
      tpu.enqueue_dma source(%arg11 : memref<640xf32, #tpu.memory_space<vmem>>) target(%dma_start3A_165 : memref<640xf32, #tpu.memory_space<vmem_shared>>) target_semaphore(%run_scoped3A : memref<!tpu.dma_semaphore, #tpu.memory_space<semaphore_mem>>)
      %dma_wait3A_166 = tpu.memref_slice %arg12[%mul3A_2] : memref<10240xf32, #tpu.memory_space<vmem_shared>> -> memref<640xf32, #tpu.memory_space<vmem_shared>>
      %dma_wait3A_167 = tpu.memref_slice %arg12[%mul3A_2] : memref<10240xf32, #tpu.memory_space<vmem_shared>> -> memref<640xf32, #tpu.memory_space<vmem_shared>>
      tpu.wait_dma2 semaphore(%run_scoped3A : memref<!tpu.dma_semaphore, #tpu.memory_space<semaphore_mem>>) src(%arg11 : memref<640xf32, #tpu.memory_space<vmem>>) dst(%dma_wait3A_167 : memref<640xf32, #tpu.memory_space<vmem_shared>>)
      tpu.yield
    }) : () -> ()
    "tpu.region"() ({
      %run_scoped3A = tpu.sem_alloc : memref<!tpu.dma_semaphore, #tpu.memory_space<semaphore_mem>>
      %dma_start3A = tpu.memref_slice %arg13[%mul3A_2] : memref<10240xf32, #tpu.memory_space<vmem_shared>> -> memref<640xf32, #tpu.memory_space<vmem_shared>>
      %dma_start3A_165 = tpu.memref_slice %arg13[%mul3A_2] : memref<10240xf32, #tpu.memory_space<vmem_shared>> -> memref<640xf32, #tpu.memory_space<vmem_shared>>
      tpu.enqueue_dma source(%arg11 : memref<640xf32, #tpu.memory_space<vmem>>) target(%dma_start3A_165 : memref<640xf32, #tpu.memory_space<vmem_shared>>) target_semaphore(%run_scoped3A : memref<!tpu.dma_semaphore, #tpu.memory_space<semaphore_mem>>)
      %dma_wait3A_166 = tpu.memref_slice %arg13[%mul3A_2] : memref<10240xf32, #tpu.memory_space<vmem_shared>> -> memref<640xf32, #tpu.memory_space<vmem_shared>>
      %dma_wait3A_167 = tpu.memref_slice %arg13[%mul3A_2] : memref<10240xf32, #tpu.memory_space<vmem_shared>> -> memref<640xf32, #tpu.memory_space<vmem_shared>>
      tpu.wait_dma2 semaphore(%run_scoped3A : memref<!tpu.dma_semaphore, #tpu.memory_space<semaphore_mem>>) src(%arg11 : memref<640xf32, #tpu.memory_space<vmem>>) dst(%dma_wait3A_167 : memref<640xf32, #tpu.memory_space<vmem_shared>>)
      tpu.yield
    }) : () -> ()
    %mul3A_12 = arith.constant 160 : i32
    %mul3A_13 = arith.muli %arg1, %mul3A_12 : i32
    "tpu.region"() ({
      %run_scoped3A = tpu.sem_alloc : memref<!tpu.dma_semaphore, #tpu.memory_space<semaphore_mem>>
      %dma_start3A = arith.constant 0 : i32
      %dma_start3A_165 = tpu.memref_slice %arg2[%mul3A_13, %dma_start3A] : memref<2560x128xi32, #tpu.memory_space<hbm>> -> memref<160x128xi32, #tpu.memory_space<hbm>>
      %dma_start3A_166 = arith.constant 0 : i32
      %dma_start3A_167 = tpu.memref_slice %arg2[%mul3A_13, %dma_start3A_166] : memref<2560x128xi32, #tpu.memory_space<hbm>> -> memref<160x128xi32, #tpu.memory_space<hbm>>
      tpu.enqueue_dma source(%dma_start3A_167 : memref<160x128xi32, #tpu.memory_space<hbm>>) target(%arg6 : memref<160x128xi32, #tpu.memory_space<vmem>>) target_semaphore(%run_scoped3A : memref<!tpu.dma_semaphore, #tpu.memory_space<semaphore_mem>>)
      %dma_wait3A_168 = arith.constant 0 : i32
      %dma_wait3A_169 = tpu.memref_slice %arg2[%mul3A_13, %dma_wait3A_168] : memref<2560x128xi32, #tpu.memory_space<hbm>> -> memref<160x128xi32, #tpu.memory_space<hbm>>
      %dma_wait3A_170 = arith.constant 0 : i32
      %dma_wait3A_171 = tpu.memref_slice %arg2[%mul3A_13, %dma_wait3A_170] : memref<2560x128xi32, #tpu.memory_space<hbm>> -> memref<160x128xi32, #tpu.memory_space<hbm>>
      tpu.wait_dma2 semaphore(%run_scoped3A : memref<!tpu.dma_semaphore, #tpu.memory_space<semaphore_mem>>) src(%dma_wait3A_171 : memref<160x128xi32, #tpu.memory_space<hbm>>) dst(%arg6 : memref<160x128xi32, #tpu.memory_space<vmem>>)
      tpu.yield
    }) : () -> ()
    %mul3A_14 = arith.constant 80 : i32
    %mul3A_15 = arith.muli %add3A, %mul3A_14 : i32
    "tpu.region"() ({
      %run_scoped3A = tpu.sem_alloc : memref<!tpu.dma_semaphore, #tpu.memory_space<semaphore_mem>>
      %dma_start3A = arith.constant 0 : i32
      %dma_start3A_165 = tpu.memref_slice %arg3[%mul3A_15, %dma_start3A] : memref<2560x128xi32, #tpu.memory_space<hbm>> -> memref<80x128xi32, #tpu.memory_space<hbm>>
      %dma_start3A_166 = arith.constant 0 : i32
      %dma_start3A_167 = tpu.memref_slice %arg3[%mul3A_15, %dma_start3A_166] : memref<2560x128xi32, #tpu.memory_space<hbm>> -> memref<80x128xi32, #tpu.memory_space<hbm>>
      tpu.enqueue_dma source(%dma_start3A_167 : memref<80x128xi32, #tpu.memory_space<hbm>>) target(%arg7 : memref<80x128xi32, #tpu.memory_space<vmem>>) target_semaphore(%run_scoped3A : memref<!tpu.dma_semaphore, #tpu.memory_space<semaphore_mem>>)
      %dma_wait3A_168 = arith.constant 0 : i32
      %dma_wait3A_169 = tpu.memref_slice %arg3[%mul3A_15, %dma_wait3A_168] : memref<2560x128xi32, #tpu.memory_space<hbm>> -> memref<80x128xi32, #tpu.memory_space<hbm>>
      %dma_wait3A_170 = arith.constant 0 : i32
      %dma_wait3A_171 = tpu.memref_slice %arg3[%mul3A_15, %dma_wait3A_170] : memref<2560x128xi32, #tpu.memory_space<hbm>> -> memref<80x128xi32, #tpu.memory_space<hbm>>
      tpu.wait_dma2 semaphore(%run_scoped3A : memref<!tpu.dma_semaphore, #tpu.memory_space<semaphore_mem>>) src(%dma_wait3A_171 : memref<80x128xi32, #tpu.memory_space<hbm>>) dst(%arg7 : memref<80x128xi32, #tpu.memory_space<vmem>>)
      tpu.yield
    }) : () -> ()
    %mul3A_16 = arith.constant 80 : i32
    %mul3A_17 = arith.muli %add3A, %mul3A_16 : i32
    "tpu.region"() ({
      %run_scoped3A = tpu.sem_alloc : memref<!tpu.dma_semaphore, #tpu.memory_space<semaphore_mem>>
      %dma_start3A = arith.constant 0 : i32
      %dma_start3A_165 = tpu.memref_slice %arg2[%mul3A_17, %dma_start3A] : memref<2560x128xi32, #tpu.memory_space<hbm>> -> memref<80x128xi32, #tpu.memory_space<hbm>>
      %dma_start3A_166 = arith.constant 0 : i32
      %dma_start3A_167 = tpu.memref_slice %arg2[%mul3A_17, %dma_start3A_166] : memref<2560x128xi32, #tpu.memory_space<hbm>> -> memref<80x128xi32, #tpu.memory_space<hbm>>
      tpu.enqueue_dma source(%dma_start3A_167 : memref<80x128xi32, #tpu.memory_space<hbm>>) target(%arg8 : memref<80x128xi32, #tpu.memory_space<vmem>>) target_semaphore(%run_scoped3A : memref<!tpu.dma_semaphore, #tpu.memory_space<semaphore_mem>>)
      %dma_wait3A_168 = arith.constant 0 : i32
      %dma_wait3A_169 = tpu.memref_slice %arg2[%mul3A_17, %dma_wait3A_168] : memref<2560x128xi32, #tpu.memory_space<hbm>> -> memref<80x128xi32, #tpu.memory_space<hbm>>
      %dma_wait3A_170 = arith.constant 0 : i32
      %dma_wait3A_171 = tpu.memref_slice %arg2[%mul3A_17, %dma_wait3A_170] : memref<2560x128xi32, #tpu.memory_space<hbm>> -> memref<80x128xi32, #tpu.memory_space<hbm>>
      tpu.wait_dma2 semaphore(%run_scoped3A : memref<!tpu.dma_semaphore, #tpu.memory_space<semaphore_mem>>) src(%dma_wait3A_171 : memref<80x128xi32, #tpu.memory_space<hbm>>) dst(%arg8 : memref<80x128xi32, #tpu.memory_space<vmem>>)
      tpu.yield
    }) : () -> ()
    %barrier3A = arith.constant 0 : index
    tpu.barrier barrier_id(%barrier3A)
    %scan3A_18 = arith.constant 0 : i32
    %scan3A_19 = arith.constant 20 : i32
    %scan3A_20 = arith.addi %scan3A_18, %scan3A_19 : i32
    %scan3A_21 = arith.constant 1 : i32
    scf.for %scan3A_165 = %scan3A_18 to %scan3A_20 step %scan3A_21  : i32 {
      %mul3A_166 = arith.constant 1 : i32
      %mul3A_167 = arith.muli %scan3A_165, %mul3A_166 : i32
      %add3A_168 = arith.constant 0 : i32
      %add3A_169 = arith.addi %add3A_168, %mul3A_167 : i32
      %gt3A = arith.constant 0 : i32
      %gt3A_170 = arith.cmpi sgt, %add3A_169, %gt3A : i32
      %convert_element_type3A_171 = arith.extui %gt3A_170 : i1 to i32
      %cond3A_172 = arith.constant 0 : i32
      %cond3A_173 = arith.cmpi ne, %convert_element_type3A_171, %cond3A_172 : i32
      scf.if %cond3A_173 {
        %sub3A = arith.constant 1 : i32
        %sub3A_280 = arith.subi %add3A_169, %sub3A : i32
        %mul3A_281 = arith.constant 8 : i32
        %mul3A_282 = arith.muli %sub3A_280, %mul3A_281 : i32
        %add3A_283 = arith.constant 0 : i32
        %add3A_284 = arith.addi %mul3A_282, %add3A_283 : i32
        %dma_wait3A_285 = arith.constant 0 : i32
        %dma_wait3A_286 = tpu.memref_slice %arg6[%add3A_284, %dma_wait3A_285] : memref<160x128xi32, #tpu.memory_space<vmem>> -> memref<1x128xi32, #tpu.memory_space<vmem>>
        %dma_wait3A_287 = tpu.memref_squeeze %dma_wait3A_286 : memref<1x128xi32, #tpu.memory_space<vmem>> -> memref<128xi32, #tpu.memory_space<vmem>>
        %dma_wait3A_288 = arith.constant 0 : i32
        %dma_wait3A_289 = tpu.memref_slice %arg12[%dma_wait3A_288] : memref<10240xf32, #tpu.memory_space<vmem_shared>> -> memref<10240xf32, #tpu.memory_space<vmem_shared>>
        tpu.wait_indirect_dma semaphore(%arg14 : memref<!tpu.dma_semaphore, #tpu.memory_space<semaphore_mem>>) src(%arg10 : memref<128xf32, #tpu.memory_space<vmem>>) dst(%dma_wait3A_289 : memref<10240xf32, #tpu.memory_space<vmem_shared>>)
      } else {
      }
      %mul3A_174 = arith.constant 8 : i32
      %mul3A_175 = arith.muli %add3A_169, %mul3A_174 : i32
      %add3A_176 = arith.constant 0 : i32
      %add3A_177 = arith.addi %mul3A_175, %add3A_176 : i32
      %dma_start3A = arith.constant 0 : i32
      %dma_start3A_178 = tpu.memref_slice %arg6[%add3A_177, %dma_start3A] : memref<160x128xi32, #tpu.memory_space<vmem>> -> memref<1x128xi32, #tpu.memory_space<vmem>>
      %dma_start3A_179 = tpu.memref_squeeze %dma_start3A_178 : memref<1x128xi32, #tpu.memory_space<vmem>> -> memref<128xi32, #tpu.memory_space<vmem>>
      %dma_start3A_180 = arith.constant 0 : i32
      %dma_start3A_181 = tpu.memref_slice %arg12[%dma_start3A_180] : memref<10240xf32, #tpu.memory_space<vmem_shared>> -> memref<10240xf32, #tpu.memory_space<vmem_shared>>
      tpu.enqueue_indirect_dma source(%arg10 : memref<128xf32, #tpu.memory_space<vmem>>) target(%dma_start3A_181 : memref<10240xf32, #tpu.memory_space<vmem_shared>>) offsets(%dma_start3A_179 : memref<128xi32, #tpu.memory_space<vmem>>) semaphore(%arg14 : memref<!tpu.dma_semaphore, #tpu.memory_space<semaphore_mem>>) {add = true}
      %gt3A_182 = arith.constant 0 : i32
      %gt3A_183 = arith.cmpi sgt, %add3A_169, %gt3A_182 : i32
      %convert_element_type3A_184 = arith.extui %gt3A_183 : i1 to i32
      %cond3A_185 = arith.constant 0 : i32
      %cond3A_186 = arith.cmpi ne, %convert_element_type3A_184, %cond3A_185 : i32
      scf.if %cond3A_186 {
        %sub3A = arith.constant 1 : i32
        %sub3A_280 = arith.subi %add3A_169, %sub3A : i32
        %mul3A_281 = arith.constant 8 : i32
        %mul3A_282 = arith.muli %sub3A_280, %mul3A_281 : i32
        %add3A_283 = arith.constant 1 : i32
        %add3A_284 = arith.addi %mul3A_282, %add3A_283 : i32
        %dma_wait3A_285 = arith.constant 0 : i32
        %dma_wait3A_286 = tpu.memref_slice %arg6[%add3A_284, %dma_wait3A_285] : memref<160x128xi32, #tpu.memory_space<vmem>> -> memref<1x128xi32, #tpu.memory_space<vmem>>
        %dma_wait3A_287 = tpu.memref_squeeze %dma_wait3A_286 : memref<1x128xi32, #tpu.memory_space<vmem>> -> memref<128xi32, #tpu.memory_space<vmem>>
        %dma_wait3A_288 = arith.constant 0 : i32
        %dma_wait3A_289 = tpu.memref_slice %arg12[%dma_wait3A_288] : memref<10240xf32, #tpu.memory_space<vmem_shared>> -> memref<10240xf32, #tpu.memory_space<vmem_shared>>
        tpu.wait_indirect_dma semaphore(%arg15 : memref<!tpu.dma_semaphore, #tpu.memory_space<semaphore_mem>>) src(%arg10 : memref<128xf32, #tpu.memory_space<vmem>>) dst(%dma_wait3A_289 : memref<10240xf32, #tpu.memory_space<vmem_shared>>)
      } else {
      }
      %mul3A_187 = arith.constant 8 : i32
      %mul3A_188 = arith.muli %add3A_169, %mul3A_187 : i32
      %add3A_189 = arith.constant 1 : i32
      %add3A_190 = arith.addi %mul3A_188, %add3A_189 : i32
      %dma_start3A_191 = arith.constant 0 : i32
      %dma_start3A_192 = tpu.memref_slice %arg6[%add3A_190, %dma_start3A_191] : memref<160x128xi32, #tpu.memory_space<vmem>> -> memref<1x128xi32, #tpu.memory_space<vmem>>
      %dma_start3A_193 = tpu.memref_squeeze %dma_start3A_192 : memref<1x128xi32, #tpu.memory_space<vmem>> -> memref<128xi32, #tpu.memory_space<vmem>>
      %dma_start3A_194 = arith.constant 0 : i32
      %dma_start3A_195 = tpu.memref_slice %arg12[%dma_start3A_194] : memref<10240xf32, #tpu.memory_space<vmem_shared>> -> memref<10240xf32, #tpu.memory_space<vmem_shared>>
      tpu.enqueue_indirect_dma source(%arg10 : memref<128xf32, #tpu.memory_space<vmem>>) target(%dma_start3A_195 : memref<10240xf32, #tpu.memory_space<vmem_shared>>) offsets(%dma_start3A_193 : memref<128xi32, #tpu.memory_space<vmem>>) semaphore(%arg15 : memref<!tpu.dma_semaphore, #tpu.memory_space<semaphore_mem>>) {add = true}
      %gt3A_196 = arith.constant 0 : i32
      %gt3A_197 = arith.cmpi sgt, %add3A_169, %gt3A_196 : i32
      %convert_element_type3A_198 = arith.extui %gt3A_197 : i1 to i32
      %cond3A_199 = arith.constant 0 : i32
      %cond3A_200 = arith.cmpi ne, %convert_element_type3A_198, %cond3A_199 : i32
      scf.if %cond3A_200 {
        %sub3A = arith.constant 1 : i32
        %sub3A_280 = arith.subi %add3A_169, %sub3A : i32
        %mul3A_281 = arith.constant 8 : i32
        %mul3A_282 = arith.muli %sub3A_280, %mul3A_281 : i32
        %add3A_283 = arith.constant 2 : i32
        %add3A_284 = arith.addi %mul3A_282, %add3A_283 : i32
        %dma_wait3A_285 = arith.constant 0 : i32
        %dma_wait3A_286 = tpu.memref_slice %arg6[%add3A_284, %dma_wait3A_285] : memref<160x128xi32, #tpu.memory_space<vmem>> -> memref<1x128xi32, #tpu.memory_space<vmem>>
        %dma_wait3A_287 = tpu.memref_squeeze %dma_wait3A_286 : memref<1x128xi32, #tpu.memory_space<vmem>> -> memref<128xi32, #tpu.memory_space<vmem>>
        %dma_wait3A_288 = arith.constant 0 : i32
        %dma_wait3A_289 = tpu.memref_slice %arg12[%dma_wait3A_288] : memref<10240xf32, #tpu.memory_space<vmem_shared>> -> memref<10240xf32, #tpu.memory_space<vmem_shared>>
        tpu.wait_indirect_dma semaphore(%arg16 : memref<!tpu.dma_semaphore, #tpu.memory_space<semaphore_mem>>) src(%arg10 : memref<128xf32, #tpu.memory_space<vmem>>) dst(%dma_wait3A_289 : memref<10240xf32, #tpu.memory_space<vmem_shared>>)
      } else {
      }
      %mul3A_201 = arith.constant 8 : i32
      %mul3A_202 = arith.muli %add3A_169, %mul3A_201 : i32
      %add3A_203 = arith.constant 2 : i32
      %add3A_204 = arith.addi %mul3A_202, %add3A_203 : i32
      %dma_start3A_205 = arith.constant 0 : i32
      %dma_start3A_206 = tpu.memref_slice %arg6[%add3A_204, %dma_start3A_205] : memref<160x128xi32, #tpu.memory_space<vmem>> -> memref<1x128xi32, #tpu.memory_space<vmem>>
      %dma_start3A_207 = tpu.memref_squeeze %dma_start3A_206 : memref<1x128xi32, #tpu.memory_space<vmem>> -> memref<128xi32, #tpu.memory_space<vmem>>
      %dma_start3A_208 = arith.constant 0 : i32
      %dma_start3A_209 = tpu.memref_slice %arg12[%dma_start3A_208] : memref<10240xf32, #tpu.memory_space<vmem_shared>> -> memref<10240xf32, #tpu.memory_space<vmem_shared>>
      tpu.enqueue_indirect_dma source(%arg10 : memref<128xf32, #tpu.memory_space<vmem>>) target(%dma_start3A_209 : memref<10240xf32, #tpu.memory_space<vmem_shared>>) offsets(%dma_start3A_207 : memref<128xi32, #tpu.memory_space<vmem>>) semaphore(%arg16 : memref<!tpu.dma_semaphore, #tpu.memory_space<semaphore_mem>>) {add = true}
      %gt3A_210 = arith.constant 0 : i32
      %gt3A_211 = arith.cmpi sgt, %add3A_169, %gt3A_210 : i32
      %convert_element_type3A_212 = arith.extui %gt3A_211 : i1 to i32
      %cond3A_213 = arith.constant 0 : i32
      %cond3A_214 = arith.cmpi ne, %convert_element_type3A_212, %cond3A_213 : i32
      scf.if %cond3A_214 {
        %sub3A = arith.constant 1 : i32
        %sub3A_280 = arith.subi %add3A_169, %sub3A : i32
        %mul3A_281 = arith.constant 8 : i32
        %mul3A_282 = arith.muli %sub3A_280, %mul3A_281 : i32
        %add3A_283 = arith.constant 3 : i32
        %add3A_284 = arith.addi %mul3A_282, %add3A_283 : i32
        %dma_wait3A_285 = arith.constant 0 : i32
        %dma_wait3A_286 = tpu.memref_slice %arg6[%add3A_284, %dma_wait3A_285] : memref<160x128xi32, #tpu.memory_space<vmem>> -> memref<1x128xi32, #tpu.memory_space<vmem>>
        %dma_wait3A_287 = tpu.memref_squeeze %dma_wait3A_286 : memref<1x128xi32, #tpu.memory_space<vmem>> -> memref<128xi32, #tpu.memory_space<vmem>>
        %dma_wait3A_288 = arith.constant 0 : i32
        %dma_wait3A_289 = tpu.memref_slice %arg12[%dma_wait3A_288] : memref<10240xf32, #tpu.memory_space<vmem_shared>> -> memref<10240xf32, #tpu.memory_space<vmem_shared>>
        tpu.wait_indirect_dma semaphore(%arg17 : memref<!tpu.dma_semaphore, #tpu.memory_space<semaphore_mem>>) src(%arg10 : memref<128xf32, #tpu.memory_space<vmem>>) dst(%dma_wait3A_289 : memref<10240xf32, #tpu.memory_space<vmem_shared>>)
      } else {
      }
      %mul3A_215 = arith.constant 8 : i32
      %mul3A_216 = arith.muli %add3A_169, %mul3A_215 : i32
      %add3A_217 = arith.constant 3 : i32
      %add3A_218 = arith.addi %mul3A_216, %add3A_217 : i32
      %dma_start3A_219 = arith.constant 0 : i32
      %dma_start3A_220 = tpu.memref_slice %arg6[%add3A_218, %dma_start3A_219] : memref<160x128xi32, #tpu.memory_space<vmem>> -> memref<1x128xi32, #tpu.memory_space<vmem>>
      %dma_start3A_221 = tpu.memref_squeeze %dma_start3A_220 : memref<1x128xi32, #tpu.memory_space<vmem>> -> memref<128xi32, #tpu.memory_space<vmem>>
      %dma_start3A_222 = arith.constant 0 : i32
      %dma_start3A_223 = tpu.memref_slice %arg12[%dma_start3A_222] : memref<10240xf32, #tpu.memory_space<vmem_shared>> -> memref<10240xf32, #tpu.memory_space<vmem_shared>>
      tpu.enqueue_indirect_dma source(%arg10 : memref<128xf32, #tpu.memory_space<vmem>>) target(%dma_start3A_223 : memref<10240xf32, #tpu.memory_space<vmem_shared>>) offsets(%dma_start3A_221 : memref<128xi32, #tpu.memory_space<vmem>>) semaphore(%arg17 : memref<!tpu.dma_semaphore, #tpu.memory_space<semaphore_mem>>) {add = true}
      %gt3A_224 = arith.constant 0 : i32
      %gt3A_225 = arith.cmpi sgt, %add3A_169, %gt3A_224 : i32
      %convert_element_type3A_226 = arith.extui %gt3A_225 : i1 to i32
      %cond3A_227 = arith.constant 0 : i32
      %cond3A_228 = arith.cmpi ne, %convert_element_type3A_226, %cond3A_227 : i32
      scf.if %cond3A_228 {
        %sub3A = arith.constant 1 : i32
        %sub3A_280 = arith.subi %add3A_169, %sub3A : i32
        %mul3A_281 = arith.constant 8 : i32
        %mul3A_282 = arith.muli %sub3A_280, %mul3A_281 : i32
        %add3A_283 = arith.constant 4 : i32
        %add3A_284 = arith.addi %mul3A_282, %add3A_283 : i32
        %dma_wait3A_285 = arith.constant 0 : i32
        %dma_wait3A_286 = tpu.memref_slice %arg6[%add3A_284, %dma_wait3A_285] : memref<160x128xi32, #tpu.memory_space<vmem>> -> memref<1x128xi32, #tpu.memory_space<vmem>>
        %dma_wait3A_287 = tpu.memref_squeeze %dma_wait3A_286 : memref<1x128xi32, #tpu.memory_space<vmem>> -> memref<128xi32, #tpu.memory_space<vmem>>
        %dma_wait3A_288 = arith.constant 0 : i32
        %dma_wait3A_289 = tpu.memref_slice %arg12[%dma_wait3A_288] : memref<10240xf32, #tpu.memory_space<vmem_shared>> -> memref<10240xf32, #tpu.memory_space<vmem_shared>>
        tpu.wait_indirect_dma semaphore(%arg18 : memref<!tpu.dma_semaphore, #tpu.memory_space<semaphore_mem>>) src(%arg10 : memref<128xf32, #tpu.memory_space<vmem>>) dst(%dma_wait3A_289 : memref<10240xf32, #tpu.memory_space<vmem_shared>>)
      } else {
      }
      %mul3A_229 = arith.constant 8 : i32
      %mul3A_230 = arith.muli %add3A_169, %mul3A_229 : i32
      %add3A_231 = arith.constant 4 : i32
      %add3A_232 = arith.addi %mul3A_230, %add3A_231 : i32
      %dma_start3A_233 = arith.constant 0 : i32
      %dma_start3A_234 = tpu.memref_slice %arg6[%add3A_232, %dma_start3A_233] : memref<160x128xi32, #tpu.memory_space<vmem>> -> memref<1x128xi32, #tpu.memory_space<vmem>>
      %dma_start3A_235 = tpu.memref_squeeze %dma_start3A_234 : memref<1x128xi32, #tpu.memory_space<vmem>> -> memref<128xi32, #tpu.memory_space<vmem>>
      %dma_start3A_236 = arith.constant 0 : i32
      %dma_start3A_237 = tpu.memref_slice %arg12[%dma_start3A_236] : memref<10240xf32, #tpu.memory_space<vmem_shared>> -> memref<10240xf32, #tpu.memory_space<vmem_shared>>
      tpu.enqueue_indirect_dma source(%arg10 : memref<128xf32, #tpu.memory_space<vmem>>) target(%dma_start3A_237 : memref<10240xf32, #tpu.memory_space<vmem_shared>>) offsets(%dma_start3A_235 : memref<128xi32, #tpu.memory_space<vmem>>) semaphore(%arg18 : memref<!tpu.dma_semaphore, #tpu.memory_space<semaphore_mem>>) {add = true}
      %gt3A_238 = arith.constant 0 : i32
      %gt3A_239 = arith.cmpi sgt, %add3A_169, %gt3A_238 : i32
      %convert_element_type3A_240 = arith.extui %gt3A_239 : i1 to i32
      %cond3A_241 = arith.constant 0 : i32
      %cond3A_242 = arith.cmpi ne, %convert_element_type3A_240, %cond3A_241 : i32
      scf.if %cond3A_242 {
        %sub3A = arith.constant 1 : i32
        %sub3A_280 = arith.subi %add3A_169, %sub3A : i32
        %mul3A_281 = arith.constant 8 : i32
        %mul3A_282 = arith.muli %sub3A_280, %mul3A_281 : i32
        %add3A_283 = arith.constant 5 : i32
        %add3A_284 = arith.addi %mul3A_282, %add3A_283 : i32
        %dma_wait3A_285 = arith.constant 0 : i32
        %dma_wait3A_286 = tpu.memref_slice %arg6[%add3A_284, %dma_wait3A_285] : memref<160x128xi32, #tpu.memory_space<vmem>> -> memref<1x128xi32, #tpu.memory_space<vmem>>
        %dma_wait3A_287 = tpu.memref_squeeze %dma_wait3A_286 : memref<1x128xi32, #tpu.memory_space<vmem>> -> memref<128xi32, #tpu.memory_space<vmem>>
        %dma_wait3A_288 = arith.constant 0 : i32
        %dma_wait3A_289 = tpu.memref_slice %arg12[%dma_wait3A_288] : memref<10240xf32, #tpu.memory_space<vmem_shared>> -> memref<10240xf32, #tpu.memory_space<vmem_shared>>
        tpu.wait_indirect_dma semaphore(%arg19 : memref<!tpu.dma_semaphore, #tpu.memory_space<semaphore_mem>>) src(%arg10 : memref<128xf32, #tpu.memory_space<vmem>>) dst(%dma_wait3A_289 : memref<10240xf32, #tpu.memory_space<vmem_shared>>)
      } else {
      }
      %mul3A_243 = arith.constant 8 : i32
      %mul3A_244 = arith.muli %add3A_169, %mul3A_243 : i32
      %add3A_245 = arith.constant 5 : i32
      %add3A_246 = arith.addi %mul3A_244, %add3A_245 : i32
      %dma_start3A_247 = arith.constant 0 : i32
      %dma_start3A_248 = tpu.memref_slice %arg6[%add3A_246, %dma_start3A_247] : memref<160x128xi32, #tpu.memory_space<vmem>> -> memref<1x128xi32, #tpu.memory_space<vmem>>
      %dma_start3A_249 = tpu.memref_squeeze %dma_start3A_248 : memref<1x128xi32, #tpu.memory_space<vmem>> -> memref<128xi32, #tpu.memory_space<vmem>>
      %dma_start3A_250 = arith.constant 0 : i32
      %dma_start3A_251 = tpu.memref_slice %arg12[%dma_start3A_250] : memref<10240xf32, #tpu.memory_space<vmem_shared>> -> memref<10240xf32, #tpu.memory_space<vmem_shared>>
      tpu.enqueue_indirect_dma source(%arg10 : memref<128xf32, #tpu.memory_space<vmem>>) target(%dma_start3A_251 : memref<10240xf32, #tpu.memory_space<vmem_shared>>) offsets(%dma_start3A_249 : memref<128xi32, #tpu.memory_space<vmem>>) semaphore(%arg19 : memref<!tpu.dma_semaphore, #tpu.memory_space<semaphore_mem>>) {add = true}
      %gt3A_252 = arith.constant 0 : i32
      %gt3A_253 = arith.cmpi sgt, %add3A_169, %gt3A_252 : i32
      %convert_element_type3A_254 = arith.extui %gt3A_253 : i1 to i32
      %cond3A_255 = arith.constant 0 : i32
      %cond3A_256 = arith.cmpi ne, %convert_element_type3A_254, %cond3A_255 : i32
      scf.if %cond3A_256 {
        %sub3A = arith.constant 1 : i32
        %sub3A_280 = arith.subi %add3A_169, %sub3A : i32
        %mul3A_281 = arith.constant 8 : i32
        %mul3A_282 = arith.muli %sub3A_280, %mul3A_281 : i32
        %add3A_283 = arith.constant 6 : i32
        %add3A_284 = arith.addi %mul3A_282, %add3A_283 : i32
        %dma_wait3A_285 = arith.constant 0 : i32
        %dma_wait3A_286 = tpu.memref_slice %arg6[%add3A_284, %dma_wait3A_285] : memref<160x128xi32, #tpu.memory_space<vmem>> -> memref<1x128xi32, #tpu.memory_space<vmem>>
        %dma_wait3A_287 = tpu.memref_squeeze %dma_wait3A_286 : memref<1x128xi32, #tpu.memory_space<vmem>> -> memref<128xi32, #tpu.memory_space<vmem>>
        %dma_wait3A_288 = arith.constant 0 : i32
        %dma_wait3A_289 = tpu.memref_slice %arg12[%dma_wait3A_288] : memref<10240xf32, #tpu.memory_space<vmem_shared>> -> memref<10240xf32, #tpu.memory_space<vmem_shared>>
        tpu.wait_indirect_dma semaphore(%arg20 : memref<!tpu.dma_semaphore, #tpu.memory_space<semaphore_mem>>) src(%arg10 : memref<128xf32, #tpu.memory_space<vmem>>) dst(%dma_wait3A_289 : memref<10240xf32, #tpu.memory_space<vmem_shared>>)
      } else {
      }
      %mul3A_257 = arith.constant 8 : i32
      %mul3A_258 = arith.muli %add3A_169, %mul3A_257 : i32
      %add3A_259 = arith.constant 6 : i32
      %add3A_260 = arith.addi %mul3A_258, %add3A_259 : i32
      %dma_start3A_261 = arith.constant 0 : i32
      %dma_start3A_262 = tpu.memref_slice %arg6[%add3A_260, %dma_start3A_261] : memref<160x128xi32, #tpu.memory_space<vmem>> -> memref<1x128xi32, #tpu.memory_space<vmem>>
      %dma_start3A_263 = tpu.memref_squeeze %dma_start3A_262 : memref<1x128xi32, #tpu.memory_space<vmem>> -> memref<128xi32, #tpu.memory_space<vmem>>
      %dma_start3A_264 = arith.constant 0 : i32
      %dma_start3A_265 = tpu.memref_slice %arg12[%dma_start3A_264] : memref<10240xf32, #tpu.memory_space<vmem_shared>> -> memref<10240xf32, #tpu.memory_space<vmem_shared>>
      tpu.enqueue_indirect_dma source(%arg10 : memref<128xf32, #tpu.memory_space<vmem>>) target(%dma_start3A_265 : memref<10240xf32, #tpu.memory_space<vmem_shared>>) offsets(%dma_start3A_263 : memref<128xi32, #tpu.memory_space<vmem>>) semaphore(%arg20 : memref<!tpu.dma_semaphore, #tpu.memory_space<semaphore_mem>>) {add = true}
      %gt3A_266 = arith.constant 0 : i32
      %gt3A_267 = arith.cmpi sgt, %add3A_169, %gt3A_266 : i32
      %convert_element_type3A_268 = arith.extui %gt3A_267 : i1 to i32
      %cond3A_269 = arith.constant 0 : i32
      %cond3A_270 = arith.cmpi ne, %convert_element_type3A_268, %cond3A_269 : i32
      scf.if %cond3A_270 {
        %sub3A = arith.constant 1 : i32
        %sub3A_280 = arith.subi %add3A_169, %sub3A : i32
        %mul3A_281 = arith.constant 8 : i32
        %mul3A_282 = arith.muli %sub3A_280, %mul3A_281 : i32
        %add3A_283 = arith.constant 7 : i32
        %add3A_284 = arith.addi %mul3A_282, %add3A_283 : i32
        %dma_wait3A_285 = arith.constant 0 : i32
        %dma_wait3A_286 = tpu.memref_slice %arg6[%add3A_284, %dma_wait3A_285] : memref<160x128xi32, #tpu.memory_space<vmem>> -> memref<1x128xi32, #tpu.memory_space<vmem>>
        %dma_wait3A_287 = tpu.memref_squeeze %dma_wait3A_286 : memref<1x128xi32, #tpu.memory_space<vmem>> -> memref<128xi32, #tpu.memory_space<vmem>>
        %dma_wait3A_288 = arith.constant 0 : i32
        %dma_wait3A_289 = tpu.memref_slice %arg12[%dma_wait3A_288] : memref<10240xf32, #tpu.memory_space<vmem_shared>> -> memref<10240xf32, #tpu.memory_space<vmem_shared>>
        tpu.wait_indirect_dma semaphore(%arg21 : memref<!tpu.dma_semaphore, #tpu.memory_space<semaphore_mem>>) src(%arg10 : memref<128xf32, #tpu.memory_space<vmem>>) dst(%dma_wait3A_289 : memref<10240xf32, #tpu.memory_space<vmem_shared>>)
      } else {
      }
      %mul3A_271 = arith.constant 8 : i32
      %mul3A_272 = arith.muli %add3A_169, %mul3A_271 : i32
      %add3A_273 = arith.constant 7 : i32
      %add3A_274 = arith.addi %mul3A_272, %add3A_273 : i32
      %dma_start3A_275 = arith.constant 0 : i32
      %dma_start3A_276 = tpu.memref_slice %arg6[%add3A_274, %dma_start3A_275] : memref<160x128xi32, #tpu.memory_space<vmem>> -> memref<1x128xi32, #tpu.memory_space<vmem>>
      %dma_start3A_277 = tpu.memref_squeeze %dma_start3A_276 : memref<1x128xi32, #tpu.memory_space<vmem>> -> memref<128xi32, #tpu.memory_space<vmem>>
      %dma_start3A_278 = arith.constant 0 : i32
      %dma_start3A_279 = tpu.memref_slice %arg12[%dma_start3A_278] : memref<10240xf32, #tpu.memory_space<vmem_shared>> -> memref<10240xf32, #tpu.memory_space<vmem_shared>>
      tpu.enqueue_indirect_dma source(%arg10 : memref<128xf32, #tpu.memory_space<vmem>>) target(%dma_start3A_279 : memref<10240xf32, #tpu.memory_space<vmem_shared>>) offsets(%dma_start3A_277 : memref<128xi32, #tpu.memory_space<vmem>>) semaphore(%arg21 : memref<!tpu.dma_semaphore, #tpu.memory_space<semaphore_mem>>) {add = true}
    }
    %scan3A_22 = arith.constant 20 : i32
    %dma_wait3A = arith.constant 152 : i32
    %dma_wait3A_23 = arith.constant 0 : i32
    %dma_wait3A_24 = tpu.memref_slice %arg6[%dma_wait3A, %dma_wait3A_23] : memref<160x128xi32, #tpu.memory_space<vmem>> -> memref<1x128xi32, #tpu.memory_space<vmem>>
    %dma_wait3A_25 = tpu.memref_squeeze %dma_wait3A_24 : memref<1x128xi32, #tpu.memory_space<vmem>> -> memref<128xi32, #tpu.memory_space<vmem>>
    %dma_wait3A_26 = arith.constant 0 : i32
    %dma_wait3A_27 = tpu.memref_slice %arg12[%dma_wait3A_26] : memref<10240xf32, #tpu.memory_space<vmem_shared>> -> memref<10240xf32, #tpu.memory_space<vmem_shared>>
    tpu.wait_indirect_dma semaphore(%arg14 : memref<!tpu.dma_semaphore, #tpu.memory_space<semaphore_mem>>) src(%arg10 : memref<128xf32, #tpu.memory_space<vmem>>) dst(%dma_wait3A_27 : memref<10240xf32, #tpu.memory_space<vmem_shared>>)
    %dma_wait3A_28 = arith.constant 153 : i32
    %dma_wait3A_29 = arith.constant 0 : i32
    %dma_wait3A_30 = tpu.memref_slice %arg6[%dma_wait3A_28, %dma_wait3A_29] : memref<160x128xi32, #tpu.memory_space<vmem>> -> memref<1x128xi32, #tpu.memory_space<vmem>>
    %dma_wait3A_31 = tpu.memref_squeeze %dma_wait3A_30 : memref<1x128xi32, #tpu.memory_space<vmem>> -> memref<128xi32, #tpu.memory_space<vmem>>
    %dma_wait3A_32 = arith.constant 0 : i32
    %dma_wait3A_33 = tpu.memref_slice %arg12[%dma_wait3A_32] : memref<10240xf32, #tpu.memory_space<vmem_shared>> -> memref<10240xf32, #tpu.memory_space<vmem_shared>>
    tpu.wait_indirect_dma semaphore(%arg15 : memref<!tpu.dma_semaphore, #tpu.memory_space<semaphore_mem>>) src(%arg10 : memref<128xf32, #tpu.memory_space<vmem>>) dst(%dma_wait3A_33 : memref<10240xf32, #tpu.memory_space<vmem_shared>>)
    %dma_wait3A_34 = arith.constant 154 : i32
    %dma_wait3A_35 = arith.constant 0 : i32
    %dma_wait3A_36 = tpu.memref_slice %arg6[%dma_wait3A_34, %dma_wait3A_35] : memref<160x128xi32, #tpu.memory_space<vmem>> -> memref<1x128xi32, #tpu.memory_space<vmem>>
    %dma_wait3A_37 = tpu.memref_squeeze %dma_wait3A_36 : memref<1x128xi32, #tpu.memory_space<vmem>> -> memref<128xi32, #tpu.memory_space<vmem>>
    %dma_wait3A_38 = arith.constant 0 : i32
    %dma_wait3A_39 = tpu.memref_slice %arg12[%dma_wait3A_38] : memref<10240xf32, #tpu.memory_space<vmem_shared>> -> memref<10240xf32, #tpu.memory_space<vmem_shared>>
    tpu.wait_indirect_dma semaphore(%arg16 : memref<!tpu.dma_semaphore, #tpu.memory_space<semaphore_mem>>) src(%arg10 : memref<128xf32, #tpu.memory_space<vmem>>) dst(%dma_wait3A_39 : memref<10240xf32, #tpu.memory_space<vmem_shared>>)
    %dma_wait3A_40 = arith.constant 155 : i32
    %dma_wait3A_41 = arith.constant 0 : i32
    %dma_wait3A_42 = tpu.memref_slice %arg6[%dma_wait3A_40, %dma_wait3A_41] : memref<160x128xi32, #tpu.memory_space<vmem>> -> memref<1x128xi32, #tpu.memory_space<vmem>>
    %dma_wait3A_43 = tpu.memref_squeeze %dma_wait3A_42 : memref<1x128xi32, #tpu.memory_space<vmem>> -> memref<128xi32, #tpu.memory_space<vmem>>
    %dma_wait3A_44 = arith.constant 0 : i32
    %dma_wait3A_45 = tpu.memref_slice %arg12[%dma_wait3A_44] : memref<10240xf32, #tpu.memory_space<vmem_shared>> -> memref<10240xf32, #tpu.memory_space<vmem_shared>>
    tpu.wait_indirect_dma semaphore(%arg17 : memref<!tpu.dma_semaphore, #tpu.memory_space<semaphore_mem>>) src(%arg10 : memref<128xf32, #tpu.memory_space<vmem>>) dst(%dma_wait3A_45 : memref<10240xf32, #tpu.memory_space<vmem_shared>>)
    %dma_wait3A_46 = arith.constant 156 : i32
    %dma_wait3A_47 = arith.constant 0 : i32
    %dma_wait3A_48 = tpu.memref_slice %arg6[%dma_wait3A_46, %dma_wait3A_47] : memref<160x128xi32, #tpu.memory_space<vmem>> -> memref<1x128xi32, #tpu.memory_space<vmem>>
    %dma_wait3A_49 = tpu.memref_squeeze %dma_wait3A_48 : memref<1x128xi32, #tpu.memory_space<vmem>> -> memref<128xi32, #tpu.memory_space<vmem>>
    %dma_wait3A_50 = arith.constant 0 : i32
    %dma_wait3A_51 = tpu.memref_slice %arg12[%dma_wait3A_50] : memref<10240xf32, #tpu.memory_space<vmem_shared>> -> memref<10240xf32, #tpu.memory_space<vmem_shared>>
    tpu.wait_indirect_dma semaphore(%arg18 : memref<!tpu.dma_semaphore, #tpu.memory_space<semaphore_mem>>) src(%arg10 : memref<128xf32, #tpu.memory_space<vmem>>) dst(%dma_wait3A_51 : memref<10240xf32, #tpu.memory_space<vmem_shared>>)
    %dma_wait3A_52 = arith.constant 157 : i32
    %dma_wait3A_53 = arith.constant 0 : i32
    %dma_wait3A_54 = tpu.memref_slice %arg6[%dma_wait3A_52, %dma_wait3A_53] : memref<160x128xi32, #tpu.memory_space<vmem>> -> memref<1x128xi32, #tpu.memory_space<vmem>>
    %dma_wait3A_55 = tpu.memref_squeeze %dma_wait3A_54 : memref<1x128xi32, #tpu.memory_space<vmem>> -> memref<128xi32, #tpu.memory_space<vmem>>
    %dma_wait3A_56 = arith.constant 0 : i32
    %dma_wait3A_57 = tpu.memref_slice %arg12[%dma_wait3A_56] : memref<10240xf32, #tpu.memory_space<vmem_shared>> -> memref<10240xf32, #tpu.memory_space<vmem_shared>>
    tpu.wait_indirect_dma semaphore(%arg19 : memref<!tpu.dma_semaphore, #tpu.memory_space<semaphore_mem>>) src(%arg10 : memref<128xf32, #tpu.memory_space<vmem>>) dst(%dma_wait3A_57 : memref<10240xf32, #tpu.memory_space<vmem_shared>>)
    %dma_wait3A_58 = arith.constant 158 : i32
    %dma_wait3A_59 = arith.constant 0 : i32
    %dma_wait3A_60 = tpu.memref_slice %arg6[%dma_wait3A_58, %dma_wait3A_59] : memref<160x128xi32, #tpu.memory_space<vmem>> -> memref<1x128xi32, #tpu.memory_space<vmem>>
    %dma_wait3A_61 = tpu.memref_squeeze %dma_wait3A_60 : memref<1x128xi32, #tpu.memory_space<vmem>> -> memref<128xi32, #tpu.memory_space<vmem>>
    %dma_wait3A_62 = arith.constant 0 : i32
    %dma_wait3A_63 = tpu.memref_slice %arg12[%dma_wait3A_62] : memref<10240xf32, #tpu.memory_space<vmem_shared>> -> memref<10240xf32, #tpu.memory_space<vmem_shared>>
    tpu.wait_indirect_dma semaphore(%arg20 : memref<!tpu.dma_semaphore, #tpu.memory_space<semaphore_mem>>) src(%arg10 : memref<128xf32, #tpu.memory_space<vmem>>) dst(%dma_wait3A_63 : memref<10240xf32, #tpu.memory_space<vmem_shared>>)
    %dma_wait3A_64 = arith.constant 159 : i32
    %dma_wait3A_65 = arith.constant 0 : i32
    %dma_wait3A_66 = tpu.memref_slice %arg6[%dma_wait3A_64, %dma_wait3A_65] : memref<160x128xi32, #tpu.memory_space<vmem>> -> memref<1x128xi32, #tpu.memory_space<vmem>>
    %dma_wait3A_67 = tpu.memref_squeeze %dma_wait3A_66 : memref<1x128xi32, #tpu.memory_space<vmem>> -> memref<128xi32, #tpu.memory_space<vmem>>
    %dma_wait3A_68 = arith.constant 0 : i32
    %dma_wait3A_69 = tpu.memref_slice %arg12[%dma_wait3A_68] : memref<10240xf32, #tpu.memory_space<vmem_shared>> -> memref<10240xf32, #tpu.memory_space<vmem_shared>>
    tpu.wait_indirect_dma semaphore(%arg21 : memref<!tpu.dma_semaphore, #tpu.memory_space<semaphore_mem>>) src(%arg10 : memref<128xf32, #tpu.memory_space<vmem>>) dst(%dma_wait3A_69 : memref<10240xf32, #tpu.memory_space<vmem_shared>>)
    %barrier3A_70 = arith.constant 0 : index
    tpu.barrier barrier_id(%barrier3A_70)
    "tpu.region"() ({
      %run_scoped3A = tpu.sem_alloc : memref<!tpu.dma_semaphore, #tpu.memory_space<semaphore_mem>>
      %dma_start3A = tpu.memref_slice %arg12[%mul3A_2] : memref<10240xf32, #tpu.memory_space<vmem_shared>> -> memref<640xf32, #tpu.memory_space<vmem_shared>>
      %dma_start3A_165 = tpu.memref_slice %arg12[%mul3A_2] : memref<10240xf32, #tpu.memory_space<vmem_shared>> -> memref<640xf32, #tpu.memory_space<vmem_shared>>
      tpu.enqueue_dma source(%dma_start3A_165 : memref<640xf32, #tpu.memory_space<vmem_shared>>) target(%arg11 : memref<640xf32, #tpu.memory_space<vmem>>) target_semaphore(%run_scoped3A : memref<!tpu.dma_semaphore, #tpu.memory_space<semaphore_mem>>)
      %dma_wait3A_166 = tpu.memref_slice %arg12[%mul3A_2] : memref<10240xf32, #tpu.memory_space<vmem_shared>> -> memref<640xf32, #tpu.memory_space<vmem_shared>>
      %dma_wait3A_167 = tpu.memref_slice %arg12[%mul3A_2] : memref<10240xf32, #tpu.memory_space<vmem_shared>> -> memref<640xf32, #tpu.memory_space<vmem_shared>>
      tpu.wait_dma2 semaphore(%run_scoped3A : memref<!tpu.dma_semaphore, #tpu.memory_space<semaphore_mem>>) src(%dma_wait3A_167 : memref<640xf32, #tpu.memory_space<vmem_shared>>) dst(%arg11 : memref<640xf32, #tpu.memory_space<vmem>>)
      tpu.yield
    }) : () -> ()
    %scan3A_71 = arith.constant 0 : i32
    %scan3A_72 = arith.constant 40 : i32
    %scan3A_73 = arith.addi %scan3A_71, %scan3A_72 : i32
    %scan3A_74 = arith.constant 1 : i32
    scf.for %scan3A_165 = %scan3A_71 to %scan3A_73 step %scan3A_74  : i32 {
      %mul3A_166 = arith.constant 1 : i32
      %mul3A_167 = arith.muli %scan3A_165, %mul3A_166 : i32
      %add3A_168 = arith.constant 0 : i32
      %add3A_169 = arith.addi %add3A_168, %mul3A_167 : i32
      %mul3A_170 = arith.constant 16 : i32
      %mul3A_171 = arith.muli %add3A_169, %mul3A_170 : i32
      %get3A = arith.index_cast %mul3A_171 : i32 to index
      %get3A_172 = tpu.vector_load %arg11[%get3A] {strides = array<i32>} : memref<640xf32, #tpu.memory_space<vmem>>, vector<16xf32>,
      %get3A_173 = vector.shape_cast %get3A_172 : vector<16xf32> to vector<16xf32>
      %add3A_174 = arith.constant 1.000000e+00 : f32
      %add3A_175 = vector.broadcast %add3A_174 : f32 to vector<16xf32>
      %add3A_176 = arith.addf %get3A_173, %add3A_175 : vector<16xf32>
      %bitcast_convert_type3A = tpu.bitcast %add3A_176 : vector<16xf32> -> vector<16xi32>
      %shift_right_logical3A = arith.constant 1 : i32
      %shift_right_logical3A_177 = vector.broadcast %shift_right_logical3A : i32 to vector<16xi32>
      %shift_right_logical3A_178 = arith.shrui %bitcast_convert_type3A, %shift_right_logical3A_177 : vector<16xi32>
      %sub3A = arith.constant 1597463007 : i32
      %sub3A_179 = vector.broadcast %sub3A : i32 to vector<16xi32>
      %sub3A_180 = arith.subi %sub3A_179, %shift_right_logical3A_178 : vector<16xi32>
      %bitcast_convert_type3A_181 = tpu.bitcast %sub3A_180 : vector<16xi32> -> vector<16xf32>
      %mul3A_182 = arith.constant 5.000000e-01 : f32
      %mul3A_183 = vector.broadcast %mul3A_182 : f32 to vector<16xf32>
      %mul3A_184 = arith.mulf %mul3A_183, %add3A_176 : vector<16xf32>
      %mul3A_185 = arith.mulf %mul3A_184, %bitcast_convert_type3A_181 : vector<16xf32>
      %mul3A_186 = arith.mulf %mul3A_185, %bitcast_convert_type3A_181 : vector<16xf32>
      %sub3A_187 = arith.constant 1.500000e+00 : f32
      %sub3A_188 = vector.broadcast %sub3A_187 : f32 to vector<16xf32>
      %sub3A_189 = arith.subf %sub3A_188, %mul3A_186 : vector<16xf32>
      %mul3A_190 = arith.mulf %bitcast_convert_type3A_181, %sub3A_189 : vector<16xf32>
      %mul3A_191 = arith.constant 5.000000e-01 : f32
      %mul3A_192 = vector.broadcast %mul3A_191 : f32 to vector<16xf32>
      %mul3A_193 = arith.mulf %mul3A_192, %add3A_176 : vector<16xf32>
      %mul3A_194 = arith.mulf %mul3A_193, %mul3A_190 : vector<16xf32>
      %mul3A_195 = arith.mulf %mul3A_194, %mul3A_190 : vector<16xf32>
      %sub3A_196 = arith.constant 1.500000e+00 : f32
      %sub3A_197 = vector.broadcast %sub3A_196 : f32 to vector<16xf32>
      %sub3A_198 = arith.subf %sub3A_197, %mul3A_195 : vector<16xf32>
      %mul3A_199 = arith.mulf %mul3A_190, %sub3A_198 : vector<16xf32>
      %mul3A_200 = arith.constant 5.000000e-01 : f32
      %mul3A_201 = vector.broadcast %mul3A_200 : f32 to vector<16xf32>
      %mul3A_202 = arith.mulf %mul3A_201, %add3A_176 : vector<16xf32>
      %mul3A_203 = arith.mulf %mul3A_202, %mul3A_199 : vector<16xf32>
      %mul3A_204 = arith.mulf %mul3A_203, %mul3A_199 : vector<16xf32>
      %sub3A_205 = arith.constant 1.500000e+00 : f32
      %sub3A_206 = vector.broadcast %sub3A_205 : f32 to vector<16xf32>
      %sub3A_207 = arith.subf %sub3A_206, %mul3A_204 : vector<16xf32>
      %mul3A_208 = arith.mulf %mul3A_199, %sub3A_207 : vector<16xf32>
      %mul3A_209 = arith.constant 16 : i32
      %mul3A_210 = arith.muli %add3A_169, %mul3A_209 : i32
      %swap3A = arith.index_cast %mul3A_210 : i32 to index
      %swap3A_211 = tpu.vector_load %arg11[%swap3A] {strides = array<i32>} : memref<640xf32, #tpu.memory_space<vmem>>, vector<16xf32>,
      %swap3A_212 = vector.shape_cast %swap3A_211 : vector<16xf32> to vector<16xf32>
      %swap3A_213 = vector.shape_cast %mul3A_208 : vector<16xf32> to vector<16xf32>
      tpu.vector_store %arg11[%swap3A], %swap3A_213 {strides = array<i32>} : memref<640xf32, #tpu.memory_space<vmem>>, vector<16xf32>,
    }
    %scan3A_75 = arith.constant 40 : i32
    %eq3A = arith.constant 0 : i32
    %eq3A_76 = arith.cmpi eq, %arg0, %eq3A : i32
    %convert_element_type3A = arith.extui %eq3A_76 : i1 to i32
    %cond3A = arith.constant 0 : i32
    %cond3A_77 = arith.cmpi ne, %convert_element_type3A, %cond3A : i32
    scf.if %cond3A_77 {
      "tpu.region"() ({
        %run_scoped3A = tpu.sem_alloc : memref<!tpu.dma_semaphore, #tpu.memory_space<semaphore_mem>>
        %dma_start3A = tpu.memref_slice %arg4[%mul3A_2] : memref<10240xf32, #tpu.memory_space<hbm>> -> memref<640xf32, #tpu.memory_space<hbm>>
        %dma_start3A_165 = tpu.memref_slice %arg4[%mul3A_2] : memref<10240xf32, #tpu.memory_space<hbm>> -> memref<640xf32, #tpu.memory_space<hbm>>
        tpu.enqueue_dma source(%arg11 : memref<640xf32, #tpu.memory_space<vmem>>) target(%dma_start3A_165 : memref<640xf32, #tpu.memory_space<hbm>>) target_semaphore(%run_scoped3A : memref<!tpu.dma_semaphore, #tpu.memory_space<semaphore_mem>>)
        %dma_wait3A_166 = tpu.memref_slice %arg4[%mul3A_2] : memref<10240xf32, #tpu.memory_space<hbm>> -> memref<640xf32, #tpu.memory_space<hbm>>
        %dma_wait3A_167 = tpu.memref_slice %arg4[%mul3A_2] : memref<10240xf32, #tpu.memory_space<hbm>> -> memref<640xf32, #tpu.memory_space<hbm>>
        tpu.wait_dma2 semaphore(%run_scoped3A : memref<!tpu.dma_semaphore, #tpu.memory_space<semaphore_mem>>) src(%arg11 : memref<640xf32, #tpu.memory_space<vmem>>) dst(%dma_wait3A_167 : memref<640xf32, #tpu.memory_space<hbm>>)
        tpu.yield
      }) : () -> ()
    } else {
    }
    "tpu.region"() ({
      %run_scoped3A = tpu.sem_alloc : memref<!tpu.dma_semaphore, #tpu.memory_space<semaphore_mem>>
      %dma_start3A = tpu.memref_slice %arg12[%mul3A_2] : memref<10240xf32, #tpu.memory_space<vmem_shared>> -> memref<640xf32, #tpu.memory_space<vmem_shared>>
      %dma_start3A_165 = tpu.memref_slice %arg12[%mul3A_2] : memref<10240xf32, #tpu.memory_space<vmem_shared>> -> memref<640xf32, #tpu.memory_space<vmem_shared>>
      tpu.enqueue_dma source(%arg11 : memref<640xf32, #tpu.memory_space<vmem>>) target(%dma_start3A_165 : memref<640xf32, #tpu.memory_space<vmem_shared>>) target_semaphore(%run_scoped3A : memref<!tpu.dma_semaphore, #tpu.memory_space<semaphore_mem>>)
      %dma_wait3A_166 = tpu.memref_slice %arg12[%mul3A_2] : memref<10240xf32, #tpu.memory_space<vmem_shared>> -> memref<640xf32, #tpu.memory_space<vmem_shared>>
      %dma_wait3A_167 = tpu.memref_slice %arg12[%mul3A_2] : memref<10240xf32, #tpu.memory_space<vmem_shared>> -> memref<640xf32, #tpu.memory_space<vmem_shared>>
      tpu.wait_dma2 semaphore(%run_scoped3A : memref<!tpu.dma_semaphore, #tpu.memory_space<semaphore_mem>>) src(%arg11 : memref<640xf32, #tpu.memory_space<vmem>>) dst(%dma_wait3A_167 : memref<640xf32, #tpu.memory_space<vmem_shared>>)
      tpu.yield
    }) : () -> ()
    %barrier3A_78 = arith.constant 0 : index
    tpu.barrier barrier_id(%barrier3A_78)
    %scan3A_79 = arith.constant 0 : i32
    %scan3A_80 = arith.constant 10 : i32
    %scan3A_81 = arith.addi %scan3A_79, %scan3A_80 : i32
    %scan3A_82 = arith.constant 1 : i32
    scf.for %scan3A_165 = %scan3A_79 to %scan3A_81 step %scan3A_82  : i32 {
      %mul3A_166 = arith.constant 1 : i32
      %mul3A_167 = arith.muli %scan3A_165, %mul3A_166 : i32
      %add3A_168 = arith.constant 0 : i32
      %add3A_169 = arith.addi %add3A_168, %mul3A_167 : i32
      %gt3A = arith.constant 0 : i32
      %gt3A_170 = arith.cmpi sgt, %add3A_169, %gt3A : i32
      %convert_element_type3A_171 = arith.extui %gt3A_170 : i1 to i32
      %cond3A_172 = arith.constant 0 : i32
      %cond3A_173 = arith.cmpi ne, %convert_element_type3A_171, %cond3A_172 : i32
      scf.if %cond3A_173 {
        %sub3A = arith.constant 1 : i32
        %sub3A_488 = arith.subi %add3A_169, %sub3A : i32
        %mul3A_489 = arith.constant 8 : i32
        %mul3A_490 = arith.muli %sub3A_488, %mul3A_489 : i32
        %add3A_491 = arith.constant 0 : i32
        %add3A_492 = arith.addi %mul3A_490, %add3A_491 : i32
        %dma_wait3A_493 = arith.constant 0 : i32
        %dma_wait3A_494 = arith.constant 0 : i32
        %dma_wait3A_495 = tpu.memref_slice %arg9[%dma_wait3A_493, %dma_wait3A_494] : memref<8x128xf32, #tpu.memory_space<vmem>> -> memref<1x128xf32, #tpu.memory_space<vmem>>
        %dma_wait3A_496 = tpu.memref_squeeze %dma_wait3A_495 : memref<1x128xf32, #tpu.memory_space<vmem>> -> memref<128xf32, #tpu.memory_space<vmem>>
        %dma_wait3A_497 = arith.constant 0 : i32
        %dma_wait3A_498 = tpu.memref_slice %arg7[%add3A_492, %dma_wait3A_497] : memref<80x128xi32, #tpu.memory_space<vmem>> -> memref<1x128xi32, #tpu.memory_space<vmem>>
        %dma_wait3A_499 = tpu.memref_squeeze %dma_wait3A_498 : memref<1x128xi32, #tpu.memory_space<vmem>> -> memref<128xi32, #tpu.memory_space<vmem>>
        %dma_wait3A_500 = arith.constant 0 : i32
        %dma_wait3A_501 = tpu.memref_slice %arg13[%dma_wait3A_500] : memref<10240xf32, #tpu.memory_space<vmem_shared>> -> memref<10240xf32, #tpu.memory_space<vmem_shared>>
        tpu.wait_indirect_dma semaphore(%arg30 : memref<!tpu.dma_semaphore, #tpu.memory_space<semaphore_mem>>) src(%dma_wait3A_496 : memref<128xf32, #tpu.memory_space<vmem>>) dst(%dma_wait3A_501 : memref<10240xf32, #tpu.memory_space<vmem_shared>>)
      } else {
      }
      %mul3A_174 = arith.constant 8 : i32
      %mul3A_175 = arith.muli %add3A_169, %mul3A_174 : i32
      %add3A_176 = arith.constant 0 : i32
      %add3A_177 = arith.addi %mul3A_175, %add3A_176 : i32
      %dma_start3A = arith.constant 0 : i32
      %dma_start3A_178 = arith.constant 0 : i32
      %dma_start3A_179 = tpu.memref_slice %arg9[%dma_start3A, %dma_start3A_178] : memref<8x128xf32, #tpu.memory_space<vmem>> -> memref<1x128xf32, #tpu.memory_space<vmem>>
      %dma_start3A_180 = tpu.memref_squeeze %dma_start3A_179 : memref<1x128xf32, #tpu.memory_space<vmem>> -> memref<128xf32, #tpu.memory_space<vmem>>
      %dma_start3A_181 = arith.constant 0 : i32
      %dma_start3A_182 = tpu.memref_slice %arg8[%add3A_177, %dma_start3A_181] : memref<80x128xi32, #tpu.memory_space<vmem>> -> memref<1x128xi32, #tpu.memory_space<vmem>>
      %dma_start3A_183 = tpu.memref_squeeze %dma_start3A_182 : memref<1x128xi32, #tpu.memory_space<vmem>> -> memref<128xi32, #tpu.memory_space<vmem>>
      %dma_start3A_184 = arith.constant 0 : i32
      %dma_start3A_185 = tpu.memref_slice %arg12[%dma_start3A_184] : memref<10240xf32, #tpu.memory_space<vmem_shared>> -> memref<10240xf32, #tpu.memory_space<vmem_shared>>
      tpu.enqueue_indirect_dma source(%dma_start3A_185 : memref<10240xf32, #tpu.memory_space<vmem_shared>>) target(%dma_start3A_180 : memref<128xf32, #tpu.memory_space<vmem>>) offsets(%dma_start3A_183 : memref<128xi32, #tpu.memory_space<vmem>>) semaphore(%arg22 : memref<!tpu.dma_semaphore, #tpu.memory_space<semaphore_mem>>)
      %gt3A_186 = arith.constant 0 : i32
      %gt3A_187 = arith.cmpi sgt, %add3A_169, %gt3A_186 : i32
      %convert_element_type3A_188 = arith.extui %gt3A_187 : i1 to i32
      %cond3A_189 = arith.constant 0 : i32
      %cond3A_190 = arith.cmpi ne, %convert_element_type3A_188, %cond3A_189 : i32
      scf.if %cond3A_190 {
        %sub3A = arith.constant 1 : i32
        %sub3A_488 = arith.subi %add3A_169, %sub3A : i32
        %mul3A_489 = arith.constant 8 : i32
        %mul3A_490 = arith.muli %sub3A_488, %mul3A_489 : i32
        %add3A_491 = arith.constant 1 : i32
        %add3A_492 = arith.addi %mul3A_490, %add3A_491 : i32
        %dma_wait3A_493 = arith.constant 1 : i32
        %dma_wait3A_494 = arith.constant 0 : i32
        %dma_wait3A_495 = tpu.memref_slice %arg9[%dma_wait3A_493, %dma_wait3A_494] : memref<8x128xf32, #tpu.memory_space<vmem>> -> memref<1x128xf32, #tpu.memory_space<vmem>>
        %dma_wait3A_496 = tpu.memref_squeeze %dma_wait3A_495 : memref<1x128xf32, #tpu.memory_space<vmem>> -> memref<128xf32, #tpu.memory_space<vmem>>
        %dma_wait3A_497 = arith.constant 0 : i32
        %dma_wait3A_498 = tpu.memref_slice %arg7[%add3A_492, %dma_wait3A_497] : memref<80x128xi32, #tpu.memory_space<vmem>> -> memref<1x128xi32, #tpu.memory_space<vmem>>
        %dma_wait3A_499 = tpu.memref_squeeze %dma_wait3A_498 : memref<1x128xi32, #tpu.memory_space<vmem>> -> memref<128xi32, #tpu.memory_space<vmem>>
        %dma_wait3A_500 = arith.constant 0 : i32
        %dma_wait3A_501 = tpu.memref_slice %arg13[%dma_wait3A_500] : memref<10240xf32, #tpu.memory_space<vmem_shared>> -> memref<10240xf32, #tpu.memory_space<vmem_shared>>
        tpu.wait_indirect_dma semaphore(%arg31 : memref<!tpu.dma_semaphore, #tpu.memory_space<semaphore_mem>>) src(%dma_wait3A_496 : memref<128xf32, #tpu.memory_space<vmem>>) dst(%dma_wait3A_501 : memref<10240xf32, #tpu.memory_space<vmem_shared>>)
      } else {
      }
      %mul3A_191 = arith.constant 8 : i32
      %mul3A_192 = arith.muli %add3A_169, %mul3A_191 : i32
      %add3A_193 = arith.constant 1 : i32
      %add3A_194 = arith.addi %mul3A_192, %add3A_193 : i32
      %dma_start3A_195 = arith.constant 1 : i32
      %dma_start3A_196 = arith.constant 0 : i32
      %dma_start3A_197 = tpu.memref_slice %arg9[%dma_start3A_195, %dma_start3A_196] : memref<8x128xf32, #tpu.memory_space<vmem>> -> memref<1x128xf32, #tpu.memory_space<vmem>>
      %dma_start3A_198 = tpu.memref_squeeze %dma_start3A_197 : memref<1x128xf32, #tpu.memory_space<vmem>> -> memref<128xf32, #tpu.memory_space<vmem>>
      %dma_start3A_199 = arith.constant 0 : i32
      %dma_start3A_200 = tpu.memref_slice %arg8[%add3A_194, %dma_start3A_199] : memref<80x128xi32, #tpu.memory_space<vmem>> -> memref<1x128xi32, #tpu.memory_space<vmem>>
      %dma_start3A_201 = tpu.memref_squeeze %dma_start3A_200 : memref<1x128xi32, #tpu.memory_space<vmem>> -> memref<128xi32, #tpu.memory_space<vmem>>
      %dma_start3A_202 = arith.constant 0 : i32
      %dma_start3A_203 = tpu.memref_slice %arg12[%dma_start3A_202] : memref<10240xf32, #tpu.memory_space<vmem_shared>> -> memref<10240xf32, #tpu.memory_space<vmem_shared>>
      tpu.enqueue_indirect_dma source(%dma_start3A_203 : memref<10240xf32, #tpu.memory_space<vmem_shared>>) target(%dma_start3A_198 : memref<128xf32, #tpu.memory_space<vmem>>) offsets(%dma_start3A_201 : memref<128xi32, #tpu.memory_space<vmem>>) semaphore(%arg23 : memref<!tpu.dma_semaphore, #tpu.memory_space<semaphore_mem>>)
      %gt3A_204 = arith.constant 0 : i32
      %gt3A_205 = arith.cmpi sgt, %add3A_169, %gt3A_204 : i32
      %convert_element_type3A_206 = arith.extui %gt3A_205 : i1 to i32
      %cond3A_207 = arith.constant 0 : i32
      %cond3A_208 = arith.cmpi ne, %convert_element_type3A_206, %cond3A_207 : i32
      scf.if %cond3A_208 {
        %sub3A = arith.constant 1 : i32
        %sub3A_488 = arith.subi %add3A_169, %sub3A : i32
        %mul3A_489 = arith.constant 8 : i32
        %mul3A_490 = arith.muli %sub3A_488, %mul3A_489 : i32
        %add3A_491 = arith.constant 2 : i32
        %add3A_492 = arith.addi %mul3A_490, %add3A_491 : i32
        %dma_wait3A_493 = arith.constant 2 : i32
        %dma_wait3A_494 = arith.constant 0 : i32
        %dma_wait3A_495 = tpu.memref_slice %arg9[%dma_wait3A_493, %dma_wait3A_494] : memref<8x128xf32, #tpu.memory_space<vmem>> -> memref<1x128xf32, #tpu.memory_space<vmem>>
        %dma_wait3A_496 = tpu.memref_squeeze %dma_wait3A_495 : memref<1x128xf32, #tpu.memory_space<vmem>> -> memref<128xf32, #tpu.memory_space<vmem>>
        %dma_wait3A_497 = arith.constant 0 : i32
        %dma_wait3A_498 = tpu.memref_slice %arg7[%add3A_492, %dma_wait3A_497] : memref<80x128xi32, #tpu.memory_space<vmem>> -> memref<1x128xi32, #tpu.memory_space<vmem>>
        %dma_wait3A_499 = tpu.memref_squeeze %dma_wait3A_498 : memref<1x128xi32, #tpu.memory_space<vmem>> -> memref<128xi32, #tpu.memory_space<vmem>>
        %dma_wait3A_500 = arith.constant 0 : i32
        %dma_wait3A_501 = tpu.memref_slice %arg13[%dma_wait3A_500] : memref<10240xf32, #tpu.memory_space<vmem_shared>> -> memref<10240xf32, #tpu.memory_space<vmem_shared>>
        tpu.wait_indirect_dma semaphore(%arg32 : memref<!tpu.dma_semaphore, #tpu.memory_space<semaphore_mem>>) src(%dma_wait3A_496 : memref<128xf32, #tpu.memory_space<vmem>>) dst(%dma_wait3A_501 : memref<10240xf32, #tpu.memory_space<vmem_shared>>)
      } else {
      }
      %mul3A_209 = arith.constant 8 : i32
      %mul3A_210 = arith.muli %add3A_169, %mul3A_209 : i32
      %add3A_211 = arith.constant 2 : i32
      %add3A_212 = arith.addi %mul3A_210, %add3A_211 : i32
      %dma_start3A_213 = arith.constant 2 : i32
      %dma_start3A_214 = arith.constant 0 : i32
      %dma_start3A_215 = tpu.memref_slice %arg9[%dma_start3A_213, %dma_start3A_214] : memref<8x128xf32, #tpu.memory_space<vmem>> -> memref<1x128xf32, #tpu.memory_space<vmem>>
      %dma_start3A_216 = tpu.memref_squeeze %dma_start3A_215 : memref<1x128xf32, #tpu.memory_space<vmem>> -> memref<128xf32, #tpu.memory_space<vmem>>
      %dma_start3A_217 = arith.constant 0 : i32
      %dma_start3A_218 = tpu.memref_slice %arg8[%add3A_212, %dma_start3A_217] : memref<80x128xi32, #tpu.memory_space<vmem>> -> memref<1x128xi32, #tpu.memory_space<vmem>>
      %dma_start3A_219 = tpu.memref_squeeze %dma_start3A_218 : memref<1x128xi32, #tpu.memory_space<vmem>> -> memref<128xi32, #tpu.memory_space<vmem>>
      %dma_start3A_220 = arith.constant 0 : i32
      %dma_start3A_221 = tpu.memref_slice %arg12[%dma_start3A_220] : memref<10240xf32, #tpu.memory_space<vmem_shared>> -> memref<10240xf32, #tpu.memory_space<vmem_shared>>
      tpu.enqueue_indirect_dma source(%dma_start3A_221 : memref<10240xf32, #tpu.memory_space<vmem_shared>>) target(%dma_start3A_216 : memref<128xf32, #tpu.memory_space<vmem>>) offsets(%dma_start3A_219 : memref<128xi32, #tpu.memory_space<vmem>>) semaphore(%arg24 : memref<!tpu.dma_semaphore, #tpu.memory_space<semaphore_mem>>)
      %gt3A_222 = arith.constant 0 : i32
      %gt3A_223 = arith.cmpi sgt, %add3A_169, %gt3A_222 : i32
      %convert_element_type3A_224 = arith.extui %gt3A_223 : i1 to i32
      %cond3A_225 = arith.constant 0 : i32
      %cond3A_226 = arith.cmpi ne, %convert_element_type3A_224, %cond3A_225 : i32
      scf.if %cond3A_226 {
        %sub3A = arith.constant 1 : i32
        %sub3A_488 = arith.subi %add3A_169, %sub3A : i32
        %mul3A_489 = arith.constant 8 : i32
        %mul3A_490 = arith.muli %sub3A_488, %mul3A_489 : i32
        %add3A_491 = arith.constant 3 : i32
        %add3A_492 = arith.addi %mul3A_490, %add3A_491 : i32
        %dma_wait3A_493 = arith.constant 3 : i32
        %dma_wait3A_494 = arith.constant 0 : i32
        %dma_wait3A_495 = tpu.memref_slice %arg9[%dma_wait3A_493, %dma_wait3A_494] : memref<8x128xf32, #tpu.memory_space<vmem>> -> memref<1x128xf32, #tpu.memory_space<vmem>>
        %dma_wait3A_496 = tpu.memref_squeeze %dma_wait3A_495 : memref<1x128xf32, #tpu.memory_space<vmem>> -> memref<128xf32, #tpu.memory_space<vmem>>
        %dma_wait3A_497 = arith.constant 0 : i32
        %dma_wait3A_498 = tpu.memref_slice %arg7[%add3A_492, %dma_wait3A_497] : memref<80x128xi32, #tpu.memory_space<vmem>> -> memref<1x128xi32, #tpu.memory_space<vmem>>
        %dma_wait3A_499 = tpu.memref_squeeze %dma_wait3A_498 : memref<1x128xi32, #tpu.memory_space<vmem>> -> memref<128xi32, #tpu.memory_space<vmem>>
        %dma_wait3A_500 = arith.constant 0 : i32
        %dma_wait3A_501 = tpu.memref_slice %arg13[%dma_wait3A_500] : memref<10240xf32, #tpu.memory_space<vmem_shared>> -> memref<10240xf32, #tpu.memory_space<vmem_shared>>
        tpu.wait_indirect_dma semaphore(%arg33 : memref<!tpu.dma_semaphore, #tpu.memory_space<semaphore_mem>>) src(%dma_wait3A_496 : memref<128xf32, #tpu.memory_space<vmem>>) dst(%dma_wait3A_501 : memref<10240xf32, #tpu.memory_space<vmem_shared>>)
      } else {
      }
      %mul3A_227 = arith.constant 8 : i32
      %mul3A_228 = arith.muli %add3A_169, %mul3A_227 : i32
      %add3A_229 = arith.constant 3 : i32
      %add3A_230 = arith.addi %mul3A_228, %add3A_229 : i32
      %dma_start3A_231 = arith.constant 3 : i32
      %dma_start3A_232 = arith.constant 0 : i32
      %dma_start3A_233 = tpu.memref_slice %arg9[%dma_start3A_231, %dma_start3A_232] : memref<8x128xf32, #tpu.memory_space<vmem>> -> memref<1x128xf32, #tpu.memory_space<vmem>>
      %dma_start3A_234 = tpu.memref_squeeze %dma_start3A_233 : memref<1x128xf32, #tpu.memory_space<vmem>> -> memref<128xf32, #tpu.memory_space<vmem>>
      %dma_start3A_235 = arith.constant 0 : i32
      %dma_start3A_236 = tpu.memref_slice %arg8[%add3A_230, %dma_start3A_235] : memref<80x128xi32, #tpu.memory_space<vmem>> -> memref<1x128xi32, #tpu.memory_space<vmem>>
      %dma_start3A_237 = tpu.memref_squeeze %dma_start3A_236 : memref<1x128xi32, #tpu.memory_space<vmem>> -> memref<128xi32, #tpu.memory_space<vmem>>
      %dma_start3A_238 = arith.constant 0 : i32
      %dma_start3A_239 = tpu.memref_slice %arg12[%dma_start3A_238] : memref<10240xf32, #tpu.memory_space<vmem_shared>> -> memref<10240xf32, #tpu.memory_space<vmem_shared>>
      tpu.enqueue_indirect_dma source(%dma_start3A_239 : memref<10240xf32, #tpu.memory_space<vmem_shared>>) target(%dma_start3A_234 : memref<128xf32, #tpu.memory_space<vmem>>) offsets(%dma_start3A_237 : memref<128xi32, #tpu.memory_space<vmem>>) semaphore(%arg25 : memref<!tpu.dma_semaphore, #tpu.memory_space<semaphore_mem>>)
      %gt3A_240 = arith.constant 0 : i32
      %gt3A_241 = arith.cmpi sgt, %add3A_169, %gt3A_240 : i32
      %convert_element_type3A_242 = arith.extui %gt3A_241 : i1 to i32
      %cond3A_243 = arith.constant 0 : i32
      %cond3A_244 = arith.cmpi ne, %convert_element_type3A_242, %cond3A_243 : i32
      scf.if %cond3A_244 {
        %sub3A = arith.constant 1 : i32
        %sub3A_488 = arith.subi %add3A_169, %sub3A : i32
        %mul3A_489 = arith.constant 8 : i32
        %mul3A_490 = arith.muli %sub3A_488, %mul3A_489 : i32
        %add3A_491 = arith.constant 4 : i32
        %add3A_492 = arith.addi %mul3A_490, %add3A_491 : i32
        %dma_wait3A_493 = arith.constant 4 : i32
        %dma_wait3A_494 = arith.constant 0 : i32
        %dma_wait3A_495 = tpu.memref_slice %arg9[%dma_wait3A_493, %dma_wait3A_494] : memref<8x128xf32, #tpu.memory_space<vmem>> -> memref<1x128xf32, #tpu.memory_space<vmem>>
        %dma_wait3A_496 = tpu.memref_squeeze %dma_wait3A_495 : memref<1x128xf32, #tpu.memory_space<vmem>> -> memref<128xf32, #tpu.memory_space<vmem>>
        %dma_wait3A_497 = arith.constant 0 : i32
        %dma_wait3A_498 = tpu.memref_slice %arg7[%add3A_492, %dma_wait3A_497] : memref<80x128xi32, #tpu.memory_space<vmem>> -> memref<1x128xi32, #tpu.memory_space<vmem>>
        %dma_wait3A_499 = tpu.memref_squeeze %dma_wait3A_498 : memref<1x128xi32, #tpu.memory_space<vmem>> -> memref<128xi32, #tpu.memory_space<vmem>>
        %dma_wait3A_500 = arith.constant 0 : i32
        %dma_wait3A_501 = tpu.memref_slice %arg13[%dma_wait3A_500] : memref<10240xf32, #tpu.memory_space<vmem_shared>> -> memref<10240xf32, #tpu.memory_space<vmem_shared>>
        tpu.wait_indirect_dma semaphore(%arg34 : memref<!tpu.dma_semaphore, #tpu.memory_space<semaphore_mem>>) src(%dma_wait3A_496 : memref<128xf32, #tpu.memory_space<vmem>>) dst(%dma_wait3A_501 : memref<10240xf32, #tpu.memory_space<vmem_shared>>)
      } else {
      }
      %mul3A_245 = arith.constant 8 : i32
      %mul3A_246 = arith.muli %add3A_169, %mul3A_245 : i32
      %add3A_247 = arith.constant 4 : i32
      %add3A_248 = arith.addi %mul3A_246, %add3A_247 : i32
      %dma_start3A_249 = arith.constant 4 : i32
      %dma_start3A_250 = arith.constant 0 : i32
      %dma_start3A_251 = tpu.memref_slice %arg9[%dma_start3A_249, %dma_start3A_250] : memref<8x128xf32, #tpu.memory_space<vmem>> -> memref<1x128xf32, #tpu.memory_space<vmem>>
      %dma_start3A_252 = tpu.memref_squeeze %dma_start3A_251 : memref<1x128xf32, #tpu.memory_space<vmem>> -> memref<128xf32, #tpu.memory_space<vmem>>
      %dma_start3A_253 = arith.constant 0 : i32
      %dma_start3A_254 = tpu.memref_slice %arg8[%add3A_248, %dma_start3A_253] : memref<80x128xi32, #tpu.memory_space<vmem>> -> memref<1x128xi32, #tpu.memory_space<vmem>>
      %dma_start3A_255 = tpu.memref_squeeze %dma_start3A_254 : memref<1x128xi32, #tpu.memory_space<vmem>> -> memref<128xi32, #tpu.memory_space<vmem>>
      %dma_start3A_256 = arith.constant 0 : i32
      %dma_start3A_257 = tpu.memref_slice %arg12[%dma_start3A_256] : memref<10240xf32, #tpu.memory_space<vmem_shared>> -> memref<10240xf32, #tpu.memory_space<vmem_shared>>
      tpu.enqueue_indirect_dma source(%dma_start3A_257 : memref<10240xf32, #tpu.memory_space<vmem_shared>>) target(%dma_start3A_252 : memref<128xf32, #tpu.memory_space<vmem>>) offsets(%dma_start3A_255 : memref<128xi32, #tpu.memory_space<vmem>>) semaphore(%arg26 : memref<!tpu.dma_semaphore, #tpu.memory_space<semaphore_mem>>)
      %gt3A_258 = arith.constant 0 : i32
      %gt3A_259 = arith.cmpi sgt, %add3A_169, %gt3A_258 : i32
      %convert_element_type3A_260 = arith.extui %gt3A_259 : i1 to i32
      %cond3A_261 = arith.constant 0 : i32
      %cond3A_262 = arith.cmpi ne, %convert_element_type3A_260, %cond3A_261 : i32
      scf.if %cond3A_262 {
        %sub3A = arith.constant 1 : i32
        %sub3A_488 = arith.subi %add3A_169, %sub3A : i32
        %mul3A_489 = arith.constant 8 : i32
        %mul3A_490 = arith.muli %sub3A_488, %mul3A_489 : i32
        %add3A_491 = arith.constant 5 : i32
        %add3A_492 = arith.addi %mul3A_490, %add3A_491 : i32
        %dma_wait3A_493 = arith.constant 5 : i32
        %dma_wait3A_494 = arith.constant 0 : i32
        %dma_wait3A_495 = tpu.memref_slice %arg9[%dma_wait3A_493, %dma_wait3A_494] : memref<8x128xf32, #tpu.memory_space<vmem>> -> memref<1x128xf32, #tpu.memory_space<vmem>>
        %dma_wait3A_496 = tpu.memref_squeeze %dma_wait3A_495 : memref<1x128xf32, #tpu.memory_space<vmem>> -> memref<128xf32, #tpu.memory_space<vmem>>
        %dma_wait3A_497 = arith.constant 0 : i32
        %dma_wait3A_498 = tpu.memref_slice %arg7[%add3A_492, %dma_wait3A_497] : memref<80x128xi32, #tpu.memory_space<vmem>> -> memref<1x128xi32, #tpu.memory_space<vmem>>
        %dma_wait3A_499 = tpu.memref_squeeze %dma_wait3A_498 : memref<1x128xi32, #tpu.memory_space<vmem>> -> memref<128xi32, #tpu.memory_space<vmem>>
        %dma_wait3A_500 = arith.constant 0 : i32
        %dma_wait3A_501 = tpu.memref_slice %arg13[%dma_wait3A_500] : memref<10240xf32, #tpu.memory_space<vmem_shared>> -> memref<10240xf32, #tpu.memory_space<vmem_shared>>
        tpu.wait_indirect_dma semaphore(%arg35 : memref<!tpu.dma_semaphore, #tpu.memory_space<semaphore_mem>>) src(%dma_wait3A_496 : memref<128xf32, #tpu.memory_space<vmem>>) dst(%dma_wait3A_501 : memref<10240xf32, #tpu.memory_space<vmem_shared>>)
      } else {
      }
      %mul3A_263 = arith.constant 8 : i32
      %mul3A_264 = arith.muli %add3A_169, %mul3A_263 : i32
      %add3A_265 = arith.constant 5 : i32
      %add3A_266 = arith.addi %mul3A_264, %add3A_265 : i32
      %dma_start3A_267 = arith.constant 5 : i32
      %dma_start3A_268 = arith.constant 0 : i32
      %dma_start3A_269 = tpu.memref_slice %arg9[%dma_start3A_267, %dma_start3A_268] : memref<8x128xf32, #tpu.memory_space<vmem>> -> memref<1x128xf32, #tpu.memory_space<vmem>>
      %dma_start3A_270 = tpu.memref_squeeze %dma_start3A_269 : memref<1x128xf32, #tpu.memory_space<vmem>> -> memref<128xf32, #tpu.memory_space<vmem>>
      %dma_start3A_271 = arith.constant 0 : i32
      %dma_start3A_272 = tpu.memref_slice %arg8[%add3A_266, %dma_start3A_271] : memref<80x128xi32, #tpu.memory_space<vmem>> -> memref<1x128xi32, #tpu.memory_space<vmem>>
      %dma_start3A_273 = tpu.memref_squeeze %dma_start3A_272 : memref<1x128xi32, #tpu.memory_space<vmem>> -> memref<128xi32, #tpu.memory_space<vmem>>
      %dma_start3A_274 = arith.constant 0 : i32
      %dma_start3A_275 = tpu.memref_slice %arg12[%dma_start3A_274] : memref<10240xf32, #tpu.memory_space<vmem_shared>> -> memref<10240xf32, #tpu.memory_space<vmem_shared>>
      tpu.enqueue_indirect_dma source(%dma_start3A_275 : memref<10240xf32, #tpu.memory_space<vmem_shared>>) target(%dma_start3A_270 : memref<128xf32, #tpu.memory_space<vmem>>) offsets(%dma_start3A_273 : memref<128xi32, #tpu.memory_space<vmem>>) semaphore(%arg27 : memref<!tpu.dma_semaphore, #tpu.memory_space<semaphore_mem>>)
      %gt3A_276 = arith.constant 0 : i32
      %gt3A_277 = arith.cmpi sgt, %add3A_169, %gt3A_276 : i32
      %convert_element_type3A_278 = arith.extui %gt3A_277 : i1 to i32
      %cond3A_279 = arith.constant 0 : i32
      %cond3A_280 = arith.cmpi ne, %convert_element_type3A_278, %cond3A_279 : i32
      scf.if %cond3A_280 {
        %sub3A = arith.constant 1 : i32
        %sub3A_488 = arith.subi %add3A_169, %sub3A : i32
        %mul3A_489 = arith.constant 8 : i32
        %mul3A_490 = arith.muli %sub3A_488, %mul3A_489 : i32
        %add3A_491 = arith.constant 6 : i32
        %add3A_492 = arith.addi %mul3A_490, %add3A_491 : i32
        %dma_wait3A_493 = arith.constant 6 : i32
        %dma_wait3A_494 = arith.constant 0 : i32
        %dma_wait3A_495 = tpu.memref_slice %arg9[%dma_wait3A_493, %dma_wait3A_494] : memref<8x128xf32, #tpu.memory_space<vmem>> -> memref<1x128xf32, #tpu.memory_space<vmem>>
        %dma_wait3A_496 = tpu.memref_squeeze %dma_wait3A_495 : memref<1x128xf32, #tpu.memory_space<vmem>> -> memref<128xf32, #tpu.memory_space<vmem>>
        %dma_wait3A_497 = arith.constant 0 : i32
        %dma_wait3A_498 = tpu.memref_slice %arg7[%add3A_492, %dma_wait3A_497] : memref<80x128xi32, #tpu.memory_space<vmem>> -> memref<1x128xi32, #tpu.memory_space<vmem>>
        %dma_wait3A_499 = tpu.memref_squeeze %dma_wait3A_498 : memref<1x128xi32, #tpu.memory_space<vmem>> -> memref<128xi32, #tpu.memory_space<vmem>>
        %dma_wait3A_500 = arith.constant 0 : i32
        %dma_wait3A_501 = tpu.memref_slice %arg13[%dma_wait3A_500] : memref<10240xf32, #tpu.memory_space<vmem_shared>> -> memref<10240xf32, #tpu.memory_space<vmem_shared>>
        tpu.wait_indirect_dma semaphore(%arg36 : memref<!tpu.dma_semaphore, #tpu.memory_space<semaphore_mem>>) src(%dma_wait3A_496 : memref<128xf32, #tpu.memory_space<vmem>>) dst(%dma_wait3A_501 : memref<10240xf32, #tpu.memory_space<vmem_shared>>)
      } else {
      }
      %mul3A_281 = arith.constant 8 : i32
      %mul3A_282 = arith.muli %add3A_169, %mul3A_281 : i32
      %add3A_283 = arith.constant 6 : i32
      %add3A_284 = arith.addi %mul3A_282, %add3A_283 : i32
      %dma_start3A_285 = arith.constant 6 : i32
      %dma_start3A_286 = arith.constant 0 : i32
      %dma_start3A_287 = tpu.memref_slice %arg9[%dma_start3A_285, %dma_start3A_286] : memref<8x128xf32, #tpu.memory_space<vmem>> -> memref<1x128xf32, #tpu.memory_space<vmem>>
      %dma_start3A_288 = tpu.memref_squeeze %dma_start3A_287 : memref<1x128xf32, #tpu.memory_space<vmem>> -> memref<128xf32, #tpu.memory_space<vmem>>
      %dma_start3A_289 = arith.constant 0 : i32
      %dma_start3A_290 = tpu.memref_slice %arg8[%add3A_284, %dma_start3A_289] : memref<80x128xi32, #tpu.memory_space<vmem>> -> memref<1x128xi32, #tpu.memory_space<vmem>>
      %dma_start3A_291 = tpu.memref_squeeze %dma_start3A_290 : memref<1x128xi32, #tpu.memory_space<vmem>> -> memref<128xi32, #tpu.memory_space<vmem>>
      %dma_start3A_292 = arith.constant 0 : i32
      %dma_start3A_293 = tpu.memref_slice %arg12[%dma_start3A_292] : memref<10240xf32, #tpu.memory_space<vmem_shared>> -> memref<10240xf32, #tpu.memory_space<vmem_shared>>
      tpu.enqueue_indirect_dma source(%dma_start3A_293 : memref<10240xf32, #tpu.memory_space<vmem_shared>>) target(%dma_start3A_288 : memref<128xf32, #tpu.memory_space<vmem>>) offsets(%dma_start3A_291 : memref<128xi32, #tpu.memory_space<vmem>>) semaphore(%arg28 : memref<!tpu.dma_semaphore, #tpu.memory_space<semaphore_mem>>)
      %gt3A_294 = arith.constant 0 : i32
      %gt3A_295 = arith.cmpi sgt, %add3A_169, %gt3A_294 : i32
      %convert_element_type3A_296 = arith.extui %gt3A_295 : i1 to i32
      %cond3A_297 = arith.constant 0 : i32
      %cond3A_298 = arith.cmpi ne, %convert_element_type3A_296, %cond3A_297 : i32
      scf.if %cond3A_298 {
        %sub3A = arith.constant 1 : i32
        %sub3A_488 = arith.subi %add3A_169, %sub3A : i32
        %mul3A_489 = arith.constant 8 : i32
        %mul3A_490 = arith.muli %sub3A_488, %mul3A_489 : i32
        %add3A_491 = arith.constant 7 : i32
        %add3A_492 = arith.addi %mul3A_490, %add3A_491 : i32
        %dma_wait3A_493 = arith.constant 7 : i32
        %dma_wait3A_494 = arith.constant 0 : i32
        %dma_wait3A_495 = tpu.memref_slice %arg9[%dma_wait3A_493, %dma_wait3A_494] : memref<8x128xf32, #tpu.memory_space<vmem>> -> memref<1x128xf32, #tpu.memory_space<vmem>>
        %dma_wait3A_496 = tpu.memref_squeeze %dma_wait3A_495 : memref<1x128xf32, #tpu.memory_space<vmem>> -> memref<128xf32, #tpu.memory_space<vmem>>
        %dma_wait3A_497 = arith.constant 0 : i32
        %dma_wait3A_498 = tpu.memref_slice %arg7[%add3A_492, %dma_wait3A_497] : memref<80x128xi32, #tpu.memory_space<vmem>> -> memref<1x128xi32, #tpu.memory_space<vmem>>
        %dma_wait3A_499 = tpu.memref_squeeze %dma_wait3A_498 : memref<1x128xi32, #tpu.memory_space<vmem>> -> memref<128xi32, #tpu.memory_space<vmem>>
        %dma_wait3A_500 = arith.constant 0 : i32
        %dma_wait3A_501 = tpu.memref_slice %arg13[%dma_wait3A_500] : memref<10240xf32, #tpu.memory_space<vmem_shared>> -> memref<10240xf32, #tpu.memory_space<vmem_shared>>
        tpu.wait_indirect_dma semaphore(%arg37 : memref<!tpu.dma_semaphore, #tpu.memory_space<semaphore_mem>>) src(%dma_wait3A_496 : memref<128xf32, #tpu.memory_space<vmem>>) dst(%dma_wait3A_501 : memref<10240xf32, #tpu.memory_space<vmem_shared>>)
      } else {
      }
      %mul3A_299 = arith.constant 8 : i32
      %mul3A_300 = arith.muli %add3A_169, %mul3A_299 : i32
      %add3A_301 = arith.constant 7 : i32
      %add3A_302 = arith.addi %mul3A_300, %add3A_301 : i32
      %dma_start3A_303 = arith.constant 7 : i32
      %dma_start3A_304 = arith.constant 0 : i32
      %dma_start3A_305 = tpu.memref_slice %arg9[%dma_start3A_303, %dma_start3A_304] : memref<8x128xf32, #tpu.memory_space<vmem>> -> memref<1x128xf32, #tpu.memory_space<vmem>>
      %dma_start3A_306 = tpu.memref_squeeze %dma_start3A_305 : memref<1x128xf32, #tpu.memory_space<vmem>> -> memref<128xf32, #tpu.memory_space<vmem>>
      %dma_start3A_307 = arith.constant 0 : i32
      %dma_start3A_308 = tpu.memref_slice %arg8[%add3A_302, %dma_start3A_307] : memref<80x128xi32, #tpu.memory_space<vmem>> -> memref<1x128xi32, #tpu.memory_space<vmem>>
      %dma_start3A_309 = tpu.memref_squeeze %dma_start3A_308 : memref<1x128xi32, #tpu.memory_space<vmem>> -> memref<128xi32, #tpu.memory_space<vmem>>
      %dma_start3A_310 = arith.constant 0 : i32
      %dma_start3A_311 = tpu.memref_slice %arg12[%dma_start3A_310] : memref<10240xf32, #tpu.memory_space<vmem_shared>> -> memref<10240xf32, #tpu.memory_space<vmem_shared>>
      tpu.enqueue_indirect_dma source(%dma_start3A_311 : memref<10240xf32, #tpu.memory_space<vmem_shared>>) target(%dma_start3A_306 : memref<128xf32, #tpu.memory_space<vmem>>) offsets(%dma_start3A_309 : memref<128xi32, #tpu.memory_space<vmem>>) semaphore(%arg29 : memref<!tpu.dma_semaphore, #tpu.memory_space<semaphore_mem>>)
      %mul3A_312 = arith.constant 8 : i32
      %mul3A_313 = arith.muli %add3A_169, %mul3A_312 : i32
      %add3A_314 = arith.constant 0 : i32
      %add3A_315 = arith.addi %mul3A_313, %add3A_314 : i32
      %dma_wait3A_316 = arith.constant 0 : i32
      %dma_wait3A_317 = arith.constant 0 : i32
      %dma_wait3A_318 = tpu.memref_slice %arg9[%dma_wait3A_316, %dma_wait3A_317] : memref<8x128xf32, #tpu.memory_space<vmem>> -> memref<1x128xf32, #tpu.memory_space<vmem>>
      %dma_wait3A_319 = tpu.memref_squeeze %dma_wait3A_318 : memref<1x128xf32, #tpu.memory_space<vmem>> -> memref<128xf32, #tpu.memory_space<vmem>>
      %dma_wait3A_320 = arith.constant 0 : i32
      %dma_wait3A_321 = tpu.memref_slice %arg8[%add3A_315, %dma_wait3A_320] : memref<80x128xi32, #tpu.memory_space<vmem>> -> memref<1x128xi32, #tpu.memory_space<vmem>>
      %dma_wait3A_322 = tpu.memref_squeeze %dma_wait3A_321 : memref<1x128xi32, #tpu.memory_space<vmem>> -> memref<128xi32, #tpu.memory_space<vmem>>
      %dma_wait3A_323 = arith.constant 0 : i32
      %dma_wait3A_324 = tpu.memref_slice %arg12[%dma_wait3A_323] : memref<10240xf32, #tpu.memory_space<vmem_shared>> -> memref<10240xf32, #tpu.memory_space<vmem_shared>>
      tpu.wait_indirect_dma semaphore(%arg22 : memref<!tpu.dma_semaphore, #tpu.memory_space<semaphore_mem>>) src(%dma_wait3A_324 : memref<10240xf32, #tpu.memory_space<vmem_shared>>) dst(%dma_wait3A_319 : memref<128xf32, #tpu.memory_space<vmem>>)
      %dma_start3A_325 = arith.constant 0 : i32
      %dma_start3A_326 = arith.constant 0 : i32
      %dma_start3A_327 = tpu.memref_slice %arg9[%dma_start3A_325, %dma_start3A_326] : memref<8x128xf32, #tpu.memory_space<vmem>> -> memref<1x128xf32, #tpu.memory_space<vmem>>
      %dma_start3A_328 = tpu.memref_squeeze %dma_start3A_327 : memref<1x128xf32, #tpu.memory_space<vmem>> -> memref<128xf32, #tpu.memory_space<vmem>>
      %dma_start3A_329 = arith.constant 0 : i32
      %dma_start3A_330 = tpu.memref_slice %arg7[%add3A_315, %dma_start3A_329] : memref<80x128xi32, #tpu.memory_space<vmem>> -> memref<1x128xi32, #tpu.memory_space<vmem>>
      %dma_start3A_331 = tpu.memref_squeeze %dma_start3A_330 : memref<1x128xi32, #tpu.memory_space<vmem>> -> memref<128xi32, #tpu.memory_space<vmem>>
      %dma_start3A_332 = arith.constant 0 : i32
      %dma_start3A_333 = tpu.memref_slice %arg13[%dma_start3A_332] : memref<10240xf32, #tpu.memory_space<vmem_shared>> -> memref<10240xf32, #tpu.memory_space<vmem_shared>>
      tpu.enqueue_indirect_dma source(%dma_start3A_328 : memref<128xf32, #tpu.memory_space<vmem>>) target(%dma_start3A_333 : memref<10240xf32, #tpu.memory_space<vmem_shared>>) offsets(%dma_start3A_331 : memref<128xi32, #tpu.memory_space<vmem>>) semaphore(%arg30 : memref<!tpu.dma_semaphore, #tpu.memory_space<semaphore_mem>>) {add = true}
      %mul3A_334 = arith.constant 8 : i32
      %mul3A_335 = arith.muli %add3A_169, %mul3A_334 : i32
      %add3A_336 = arith.constant 1 : i32
      %add3A_337 = arith.addi %mul3A_335, %add3A_336 : i32
      %dma_wait3A_338 = arith.constant 1 : i32
      %dma_wait3A_339 = arith.constant 0 : i32
      %dma_wait3A_340 = tpu.memref_slice %arg9[%dma_wait3A_338, %dma_wait3A_339] : memref<8x128xf32, #tpu.memory_space<vmem>> -> memref<1x128xf32, #tpu.memory_space<vmem>>
      %dma_wait3A_341 = tpu.memref_squeeze %dma_wait3A_340 : memref<1x128xf32, #tpu.memory_space<vmem>> -> memref<128xf32, #tpu.memory_space<vmem>>
      %dma_wait3A_342 = arith.constant 0 : i32
      %dma_wait3A_343 = tpu.memref_slice %arg8[%add3A_337, %dma_wait3A_342] : memref<80x128xi32, #tpu.memory_space<vmem>> -> memref<1x128xi32, #tpu.memory_space<vmem>>
      %dma_wait3A_344 = tpu.memref_squeeze %dma_wait3A_343 : memref<1x128xi32, #tpu.memory_space<vmem>> -> memref<128xi32, #tpu.memory_space<vmem>>
      %dma_wait3A_345 = arith.constant 0 : i32
      %dma_wait3A_346 = tpu.memref_slice %arg12[%dma_wait3A_345] : memref<10240xf32, #tpu.memory_space<vmem_shared>> -> memref<10240xf32, #tpu.memory_space<vmem_shared>>
      tpu.wait_indirect_dma semaphore(%arg23 : memref<!tpu.dma_semaphore, #tpu.memory_space<semaphore_mem>>) src(%dma_wait3A_346 : memref<10240xf32, #tpu.memory_space<vmem_shared>>) dst(%dma_wait3A_341 : memref<128xf32, #tpu.memory_space<vmem>>)
      %dma_start3A_347 = arith.constant 1 : i32
      %dma_start3A_348 = arith.constant 0 : i32
      %dma_start3A_349 = tpu.memref_slice %arg9[%dma_start3A_347, %dma_start3A_348] : memref<8x128xf32, #tpu.memory_space<vmem>> -> memref<1x128xf32, #tpu.memory_space<vmem>>
      %dma_start3A_350 = tpu.memref_squeeze %dma_start3A_349 : memref<1x128xf32, #tpu.memory_space<vmem>> -> memref<128xf32, #tpu.memory_space<vmem>>
      %dma_start3A_351 = arith.constant 0 : i32
      %dma_start3A_352 = tpu.memref_slice %arg7[%add3A_337, %dma_start3A_351] : memref<80x128xi32, #tpu.memory_space<vmem>> -> memref<1x128xi32, #tpu.memory_space<vmem>>
      %dma_start3A_353 = tpu.memref_squeeze %dma_start3A_352 : memref<1x128xi32, #tpu.memory_space<vmem>> -> memref<128xi32, #tpu.memory_space<vmem>>
      %dma_start3A_354 = arith.constant 0 : i32
      %dma_start3A_355 = tpu.memref_slice %arg13[%dma_start3A_354] : memref<10240xf32, #tpu.memory_space<vmem_shared>> -> memref<10240xf32, #tpu.memory_space<vmem_shared>>
      tpu.enqueue_indirect_dma source(%dma_start3A_350 : memref<128xf32, #tpu.memory_space<vmem>>) target(%dma_start3A_355 : memref<10240xf32, #tpu.memory_space<vmem_shared>>) offsets(%dma_start3A_353 : memref<128xi32, #tpu.memory_space<vmem>>) semaphore(%arg31 : memref<!tpu.dma_semaphore, #tpu.memory_space<semaphore_mem>>) {add = true}
      %mul3A_356 = arith.constant 8 : i32
      %mul3A_357 = arith.muli %add3A_169, %mul3A_356 : i32
      %add3A_358 = arith.constant 2 : i32
      %add3A_359 = arith.addi %mul3A_357, %add3A_358 : i32
      %dma_wait3A_360 = arith.constant 2 : i32
      %dma_wait3A_361 = arith.constant 0 : i32
      %dma_wait3A_362 = tpu.memref_slice %arg9[%dma_wait3A_360, %dma_wait3A_361] : memref<8x128xf32, #tpu.memory_space<vmem>> -> memref<1x128xf32, #tpu.memory_space<vmem>>
      %dma_wait3A_363 = tpu.memref_squeeze %dma_wait3A_362 : memref<1x128xf32, #tpu.memory_space<vmem>> -> memref<128xf32, #tpu.memory_space<vmem>>
      %dma_wait3A_364 = arith.constant 0 : i32
      %dma_wait3A_365 = tpu.memref_slice %arg8[%add3A_359, %dma_wait3A_364] : memref<80x128xi32, #tpu.memory_space<vmem>> -> memref<1x128xi32, #tpu.memory_space<vmem>>
      %dma_wait3A_366 = tpu.memref_squeeze %dma_wait3A_365 : memref<1x128xi32, #tpu.memory_space<vmem>> -> memref<128xi32, #tpu.memory_space<vmem>>
      %dma_wait3A_367 = arith.constant 0 : i32
      %dma_wait3A_368 = tpu.memref_slice %arg12[%dma_wait3A_367] : memref<10240xf32, #tpu.memory_space<vmem_shared>> -> memref<10240xf32, #tpu.memory_space<vmem_shared>>
      tpu.wait_indirect_dma semaphore(%arg24 : memref<!tpu.dma_semaphore, #tpu.memory_space<semaphore_mem>>) src(%dma_wait3A_368 : memref<10240xf32, #tpu.memory_space<vmem_shared>>) dst(%dma_wait3A_363 : memref<128xf32, #tpu.memory_space<vmem>>)
      %dma_start3A_369 = arith.constant 2 : i32
      %dma_start3A_370 = arith.constant 0 : i32
      %dma_start3A_371 = tpu.memref_slice %arg9[%dma_start3A_369, %dma_start3A_370] : memref<8x128xf32, #tpu.memory_space<vmem>> -> memref<1x128xf32, #tpu.memory_space<vmem>>
      %dma_start3A_372 = tpu.memref_squeeze %dma_start3A_371 : memref<1x128xf32, #tpu.memory_space<vmem>> -> memref<128xf32, #tpu.memory_space<vmem>>
      %dma_start3A_373 = arith.constant 0 : i32
      %dma_start3A_374 = tpu.memref_slice %arg7[%add3A_359, %dma_start3A_373] : memref<80x128xi32, #tpu.memory_space<vmem>> -> memref<1x128xi32, #tpu.memory_space<vmem>>
      %dma_start3A_375 = tpu.memref_squeeze %dma_start3A_374 : memref<1x128xi32, #tpu.memory_space<vmem>> -> memref<128xi32, #tpu.memory_space<vmem>>
      %dma_start3A_376 = arith.constant 0 : i32
      %dma_start3A_377 = tpu.memref_slice %arg13[%dma_start3A_376] : memref<10240xf32, #tpu.memory_space<vmem_shared>> -> memref<10240xf32, #tpu.memory_space<vmem_shared>>
      tpu.enqueue_indirect_dma source(%dma_start3A_372 : memref<128xf32, #tpu.memory_space<vmem>>) target(%dma_start3A_377 : memref<10240xf32, #tpu.memory_space<vmem_shared>>) offsets(%dma_start3A_375 : memref<128xi32, #tpu.memory_space<vmem>>) semaphore(%arg32 : memref<!tpu.dma_semaphore, #tpu.memory_space<semaphore_mem>>) {add = true}
      %mul3A_378 = arith.constant 8 : i32
      %mul3A_379 = arith.muli %add3A_169, %mul3A_378 : i32
      %add3A_380 = arith.constant 3 : i32
      %add3A_381 = arith.addi %mul3A_379, %add3A_380 : i32
      %dma_wait3A_382 = arith.constant 3 : i32
      %dma_wait3A_383 = arith.constant 0 : i32
      %dma_wait3A_384 = tpu.memref_slice %arg9[%dma_wait3A_382, %dma_wait3A_383] : memref<8x128xf32, #tpu.memory_space<vmem>> -> memref<1x128xf32, #tpu.memory_space<vmem>>
      %dma_wait3A_385 = tpu.memref_squeeze %dma_wait3A_384 : memref<1x128xf32, #tpu.memory_space<vmem>> -> memref<128xf32, #tpu.memory_space<vmem>>
      %dma_wait3A_386 = arith.constant 0 : i32
      %dma_wait3A_387 = tpu.memref_slice %arg8[%add3A_381, %dma_wait3A_386] : memref<80x128xi32, #tpu.memory_space<vmem>> -> memref<1x128xi32, #tpu.memory_space<vmem>>
      %dma_wait3A_388 = tpu.memref_squeeze %dma_wait3A_387 : memref<1x128xi32, #tpu.memory_space<vmem>> -> memref<128xi32, #tpu.memory_space<vmem>>
      %dma_wait3A_389 = arith.constant 0 : i32
      %dma_wait3A_390 = tpu.memref_slice %arg12[%dma_wait3A_389] : memref<10240xf32, #tpu.memory_space<vmem_shared>> -> memref<10240xf32, #tpu.memory_space<vmem_shared>>
      tpu.wait_indirect_dma semaphore(%arg25 : memref<!tpu.dma_semaphore, #tpu.memory_space<semaphore_mem>>) src(%dma_wait3A_390 : memref<10240xf32, #tpu.memory_space<vmem_shared>>) dst(%dma_wait3A_385 : memref<128xf32, #tpu.memory_space<vmem>>)
      %dma_start3A_391 = arith.constant 3 : i32
      %dma_start3A_392 = arith.constant 0 : i32
      %dma_start3A_393 = tpu.memref_slice %arg9[%dma_start3A_391, %dma_start3A_392] : memref<8x128xf32, #tpu.memory_space<vmem>> -> memref<1x128xf32, #tpu.memory_space<vmem>>
      %dma_start3A_394 = tpu.memref_squeeze %dma_start3A_393 : memref<1x128xf32, #tpu.memory_space<vmem>> -> memref<128xf32, #tpu.memory_space<vmem>>
      %dma_start3A_395 = arith.constant 0 : i32
      %dma_start3A_396 = tpu.memref_slice %arg7[%add3A_381, %dma_start3A_395] : memref<80x128xi32, #tpu.memory_space<vmem>> -> memref<1x128xi32, #tpu.memory_space<vmem>>
      %dma_start3A_397 = tpu.memref_squeeze %dma_start3A_396 : memref<1x128xi32, #tpu.memory_space<vmem>> -> memref<128xi32, #tpu.memory_space<vmem>>
      %dma_start3A_398 = arith.constant 0 : i32
      %dma_start3A_399 = tpu.memref_slice %arg13[%dma_start3A_398] : memref<10240xf32, #tpu.memory_space<vmem_shared>> -> memref<10240xf32, #tpu.memory_space<vmem_shared>>
      tpu.enqueue_indirect_dma source(%dma_start3A_394 : memref<128xf32, #tpu.memory_space<vmem>>) target(%dma_start3A_399 : memref<10240xf32, #tpu.memory_space<vmem_shared>>) offsets(%dma_start3A_397 : memref<128xi32, #tpu.memory_space<vmem>>) semaphore(%arg33 : memref<!tpu.dma_semaphore, #tpu.memory_space<semaphore_mem>>) {add = true}
      %mul3A_400 = arith.constant 8 : i32
      %mul3A_401 = arith.muli %add3A_169, %mul3A_400 : i32
      %add3A_402 = arith.constant 4 : i32
      %add3A_403 = arith.addi %mul3A_401, %add3A_402 : i32
      %dma_wait3A_404 = arith.constant 4 : i32
      %dma_wait3A_405 = arith.constant 0 : i32
      %dma_wait3A_406 = tpu.memref_slice %arg9[%dma_wait3A_404, %dma_wait3A_405] : memref<8x128xf32, #tpu.memory_space<vmem>> -> memref<1x128xf32, #tpu.memory_space<vmem>>
      %dma_wait3A_407 = tpu.memref_squeeze %dma_wait3A_406 : memref<1x128xf32, #tpu.memory_space<vmem>> -> memref<128xf32, #tpu.memory_space<vmem>>
      %dma_wait3A_408 = arith.constant 0 : i32
      %dma_wait3A_409 = tpu.memref_slice %arg8[%add3A_403, %dma_wait3A_408] : memref<80x128xi32, #tpu.memory_space<vmem>> -> memref<1x128xi32, #tpu.memory_space<vmem>>
      %dma_wait3A_410 = tpu.memref_squeeze %dma_wait3A_409 : memref<1x128xi32, #tpu.memory_space<vmem>> -> memref<128xi32, #tpu.memory_space<vmem>>
      %dma_wait3A_411 = arith.constant 0 : i32
      %dma_wait3A_412 = tpu.memref_slice %arg12[%dma_wait3A_411] : memref<10240xf32, #tpu.memory_space<vmem_shared>> -> memref<10240xf32, #tpu.memory_space<vmem_shared>>
      tpu.wait_indirect_dma semaphore(%arg26 : memref<!tpu.dma_semaphore, #tpu.memory_space<semaphore_mem>>) src(%dma_wait3A_412 : memref<10240xf32, #tpu.memory_space<vmem_shared>>) dst(%dma_wait3A_407 : memref<128xf32, #tpu.memory_space<vmem>>)
      %dma_start3A_413 = arith.constant 4 : i32
      %dma_start3A_414 = arith.constant 0 : i32
      %dma_start3A_415 = tpu.memref_slice %arg9[%dma_start3A_413, %dma_start3A_414] : memref<8x128xf32, #tpu.memory_space<vmem>> -> memref<1x128xf32, #tpu.memory_space<vmem>>
      %dma_start3A_416 = tpu.memref_squeeze %dma_start3A_415 : memref<1x128xf32, #tpu.memory_space<vmem>> -> memref<128xf32, #tpu.memory_space<vmem>>
      %dma_start3A_417 = arith.constant 0 : i32
      %dma_start3A_418 = tpu.memref_slice %arg7[%add3A_403, %dma_start3A_417] : memref<80x128xi32, #tpu.memory_space<vmem>> -> memref<1x128xi32, #tpu.memory_space<vmem>>
      %dma_start3A_419 = tpu.memref_squeeze %dma_start3A_418 : memref<1x128xi32, #tpu.memory_space<vmem>> -> memref<128xi32, #tpu.memory_space<vmem>>
      %dma_start3A_420 = arith.constant 0 : i32
      %dma_start3A_421 = tpu.memref_slice %arg13[%dma_start3A_420] : memref<10240xf32, #tpu.memory_space<vmem_shared>> -> memref<10240xf32, #tpu.memory_space<vmem_shared>>
      tpu.enqueue_indirect_dma source(%dma_start3A_416 : memref<128xf32, #tpu.memory_space<vmem>>) target(%dma_start3A_421 : memref<10240xf32, #tpu.memory_space<vmem_shared>>) offsets(%dma_start3A_419 : memref<128xi32, #tpu.memory_space<vmem>>) semaphore(%arg34 : memref<!tpu.dma_semaphore, #tpu.memory_space<semaphore_mem>>) {add = true}
      %mul3A_422 = arith.constant 8 : i32
      %mul3A_423 = arith.muli %add3A_169, %mul3A_422 : i32
      %add3A_424 = arith.constant 5 : i32
      %add3A_425 = arith.addi %mul3A_423, %add3A_424 : i32
      %dma_wait3A_426 = arith.constant 5 : i32
      %dma_wait3A_427 = arith.constant 0 : i32
      %dma_wait3A_428 = tpu.memref_slice %arg9[%dma_wait3A_426, %dma_wait3A_427] : memref<8x128xf32, #tpu.memory_space<vmem>> -> memref<1x128xf32, #tpu.memory_space<vmem>>
      %dma_wait3A_429 = tpu.memref_squeeze %dma_wait3A_428 : memref<1x128xf32, #tpu.memory_space<vmem>> -> memref<128xf32, #tpu.memory_space<vmem>>
      %dma_wait3A_430 = arith.constant 0 : i32
      %dma_wait3A_431 = tpu.memref_slice %arg8[%add3A_425, %dma_wait3A_430] : memref<80x128xi32, #tpu.memory_space<vmem>> -> memref<1x128xi32, #tpu.memory_space<vmem>>
      %dma_wait3A_432 = tpu.memref_squeeze %dma_wait3A_431 : memref<1x128xi32, #tpu.memory_space<vmem>> -> memref<128xi32, #tpu.memory_space<vmem>>
      %dma_wait3A_433 = arith.constant 0 : i32
      %dma_wait3A_434 = tpu.memref_slice %arg12[%dma_wait3A_433] : memref<10240xf32, #tpu.memory_space<vmem_shared>> -> memref<10240xf32, #tpu.memory_space<vmem_shared>>
      tpu.wait_indirect_dma semaphore(%arg27 : memref<!tpu.dma_semaphore, #tpu.memory_space<semaphore_mem>>) src(%dma_wait3A_434 : memref<10240xf32, #tpu.memory_space<vmem_shared>>) dst(%dma_wait3A_429 : memref<128xf32, #tpu.memory_space<vmem>>)
      %dma_start3A_435 = arith.constant 5 : i32
      %dma_start3A_436 = arith.constant 0 : i32
      %dma_start3A_437 = tpu.memref_slice %arg9[%dma_start3A_435, %dma_start3A_436] : memref<8x128xf32, #tpu.memory_space<vmem>> -> memref<1x128xf32, #tpu.memory_space<vmem>>
      %dma_start3A_438 = tpu.memref_squeeze %dma_start3A_437 : memref<1x128xf32, #tpu.memory_space<vmem>> -> memref<128xf32, #tpu.memory_space<vmem>>
      %dma_start3A_439 = arith.constant 0 : i32
      %dma_start3A_440 = tpu.memref_slice %arg7[%add3A_425, %dma_start3A_439] : memref<80x128xi32, #tpu.memory_space<vmem>> -> memref<1x128xi32, #tpu.memory_space<vmem>>
      %dma_start3A_441 = tpu.memref_squeeze %dma_start3A_440 : memref<1x128xi32, #tpu.memory_space<vmem>> -> memref<128xi32, #tpu.memory_space<vmem>>
      %dma_start3A_442 = arith.constant 0 : i32
      %dma_start3A_443 = tpu.memref_slice %arg13[%dma_start3A_442] : memref<10240xf32, #tpu.memory_space<vmem_shared>> -> memref<10240xf32, #tpu.memory_space<vmem_shared>>
      tpu.enqueue_indirect_dma source(%dma_start3A_438 : memref<128xf32, #tpu.memory_space<vmem>>) target(%dma_start3A_443 : memref<10240xf32, #tpu.memory_space<vmem_shared>>) offsets(%dma_start3A_441 : memref<128xi32, #tpu.memory_space<vmem>>) semaphore(%arg35 : memref<!tpu.dma_semaphore, #tpu.memory_space<semaphore_mem>>) {add = true}
      %mul3A_444 = arith.constant 8 : i32
      %mul3A_445 = arith.muli %add3A_169, %mul3A_444 : i32
      %add3A_446 = arith.constant 6 : i32
      %add3A_447 = arith.addi %mul3A_445, %add3A_446 : i32
      %dma_wait3A_448 = arith.constant 6 : i32
      %dma_wait3A_449 = arith.constant 0 : i32
      %dma_wait3A_450 = tpu.memref_slice %arg9[%dma_wait3A_448, %dma_wait3A_449] : memref<8x128xf32, #tpu.memory_space<vmem>> -> memref<1x128xf32, #tpu.memory_space<vmem>>
      %dma_wait3A_451 = tpu.memref_squeeze %dma_wait3A_450 : memref<1x128xf32, #tpu.memory_space<vmem>> -> memref<128xf32, #tpu.memory_space<vmem>>
      %dma_wait3A_452 = arith.constant 0 : i32
      %dma_wait3A_453 = tpu.memref_slice %arg8[%add3A_447, %dma_wait3A_452] : memref<80x128xi32, #tpu.memory_space<vmem>> -> memref<1x128xi32, #tpu.memory_space<vmem>>
      %dma_wait3A_454 = tpu.memref_squeeze %dma_wait3A_453 : memref<1x128xi32, #tpu.memory_space<vmem>> -> memref<128xi32, #tpu.memory_space<vmem>>
      %dma_wait3A_455 = arith.constant 0 : i32
      %dma_wait3A_456 = tpu.memref_slice %arg12[%dma_wait3A_455] : memref<10240xf32, #tpu.memory_space<vmem_shared>> -> memref<10240xf32, #tpu.memory_space<vmem_shared>>
      tpu.wait_indirect_dma semaphore(%arg28 : memref<!tpu.dma_semaphore, #tpu.memory_space<semaphore_mem>>) src(%dma_wait3A_456 : memref<10240xf32, #tpu.memory_space<vmem_shared>>) dst(%dma_wait3A_451 : memref<128xf32, #tpu.memory_space<vmem>>)
      %dma_start3A_457 = arith.constant 6 : i32
      %dma_start3A_458 = arith.constant 0 : i32
      %dma_start3A_459 = tpu.memref_slice %arg9[%dma_start3A_457, %dma_start3A_458] : memref<8x128xf32, #tpu.memory_space<vmem>> -> memref<1x128xf32, #tpu.memory_space<vmem>>
      %dma_start3A_460 = tpu.memref_squeeze %dma_start3A_459 : memref<1x128xf32, #tpu.memory_space<vmem>> -> memref<128xf32, #tpu.memory_space<vmem>>
      %dma_start3A_461 = arith.constant 0 : i32
      %dma_start3A_462 = tpu.memref_slice %arg7[%add3A_447, %dma_start3A_461] : memref<80x128xi32, #tpu.memory_space<vmem>> -> memref<1x128xi32, #tpu.memory_space<vmem>>
      %dma_start3A_463 = tpu.memref_squeeze %dma_start3A_462 : memref<1x128xi32, #tpu.memory_space<vmem>> -> memref<128xi32, #tpu.memory_space<vmem>>
      %dma_start3A_464 = arith.constant 0 : i32
      %dma_start3A_465 = tpu.memref_slice %arg13[%dma_start3A_464] : memref<10240xf32, #tpu.memory_space<vmem_shared>> -> memref<10240xf32, #tpu.memory_space<vmem_shared>>
      tpu.enqueue_indirect_dma source(%dma_start3A_460 : memref<128xf32, #tpu.memory_space<vmem>>) target(%dma_start3A_465 : memref<10240xf32, #tpu.memory_space<vmem_shared>>) offsets(%dma_start3A_463 : memref<128xi32, #tpu.memory_space<vmem>>) semaphore(%arg36 : memref<!tpu.dma_semaphore, #tpu.memory_space<semaphore_mem>>) {add = true}
      %mul3A_466 = arith.constant 8 : i32
      %mul3A_467 = arith.muli %add3A_169, %mul3A_466 : i32
      %add3A_468 = arith.constant 7 : i32
      %add3A_469 = arith.addi %mul3A_467, %add3A_468 : i32
      %dma_wait3A_470 = arith.constant 7 : i32
      %dma_wait3A_471 = arith.constant 0 : i32
      %dma_wait3A_472 = tpu.memref_slice %arg9[%dma_wait3A_470, %dma_wait3A_471] : memref<8x128xf32, #tpu.memory_space<vmem>> -> memref<1x128xf32, #tpu.memory_space<vmem>>
      %dma_wait3A_473 = tpu.memref_squeeze %dma_wait3A_472 : memref<1x128xf32, #tpu.memory_space<vmem>> -> memref<128xf32, #tpu.memory_space<vmem>>
      %dma_wait3A_474 = arith.constant 0 : i32
      %dma_wait3A_475 = tpu.memref_slice %arg8[%add3A_469, %dma_wait3A_474] : memref<80x128xi32, #tpu.memory_space<vmem>> -> memref<1x128xi32, #tpu.memory_space<vmem>>
      %dma_wait3A_476 = tpu.memref_squeeze %dma_wait3A_475 : memref<1x128xi32, #tpu.memory_space<vmem>> -> memref<128xi32, #tpu.memory_space<vmem>>
      %dma_wait3A_477 = arith.constant 0 : i32
      %dma_wait3A_478 = tpu.memref_slice %arg12[%dma_wait3A_477] : memref<10240xf32, #tpu.memory_space<vmem_shared>> -> memref<10240xf32, #tpu.memory_space<vmem_shared>>
      tpu.wait_indirect_dma semaphore(%arg29 : memref<!tpu.dma_semaphore, #tpu.memory_space<semaphore_mem>>) src(%dma_wait3A_478 : memref<10240xf32, #tpu.memory_space<vmem_shared>>) dst(%dma_wait3A_473 : memref<128xf32, #tpu.memory_space<vmem>>)
      %dma_start3A_479 = arith.constant 7 : i32
      %dma_start3A_480 = arith.constant 0 : i32
      %dma_start3A_481 = tpu.memref_slice %arg9[%dma_start3A_479, %dma_start3A_480] : memref<8x128xf32, #tpu.memory_space<vmem>> -> memref<1x128xf32, #tpu.memory_space<vmem>>
      %dma_start3A_482 = tpu.memref_squeeze %dma_start3A_481 : memref<1x128xf32, #tpu.memory_space<vmem>> -> memref<128xf32, #tpu.memory_space<vmem>>
      %dma_start3A_483 = arith.constant 0 : i32
      %dma_start3A_484 = tpu.memref_slice %arg7[%add3A_469, %dma_start3A_483] : memref<80x128xi32, #tpu.memory_space<vmem>> -> memref<1x128xi32, #tpu.memory_space<vmem>>
      %dma_start3A_485 = tpu.memref_squeeze %dma_start3A_484 : memref<1x128xi32, #tpu.memory_space<vmem>> -> memref<128xi32, #tpu.memory_space<vmem>>
      %dma_start3A_486 = arith.constant 0 : i32
      %dma_start3A_487 = tpu.memref_slice %arg13[%dma_start3A_486] : memref<10240xf32, #tpu.memory_space<vmem_shared>> -> memref<10240xf32, #tpu.memory_space<vmem_shared>>
      tpu.enqueue_indirect_dma source(%dma_start3A_482 : memref<128xf32, #tpu.memory_space<vmem>>) target(%dma_start3A_487 : memref<10240xf32, #tpu.memory_space<vmem_shared>>) offsets(%dma_start3A_485 : memref<128xi32, #tpu.memory_space<vmem>>) semaphore(%arg37 : memref<!tpu.dma_semaphore, #tpu.memory_space<semaphore_mem>>) {add = true}
    }
    %scan3A_83 = arith.constant 10 : i32
    %dma_wait3A_84 = arith.constant 0 : i32
    %dma_wait3A_85 = arith.constant 72 : i32
    %dma_wait3A_86 = arith.constant 0 : i32
    %dma_wait3A_87 = tpu.memref_slice %arg9[%dma_wait3A_84, %dma_wait3A_86] : memref<8x128xf32, #tpu.memory_space<vmem>> -> memref<1x128xf32, #tpu.memory_space<vmem>>
    %dma_wait3A_88 = tpu.memref_squeeze %dma_wait3A_87 : memref<1x128xf32, #tpu.memory_space<vmem>> -> memref<128xf32, #tpu.memory_space<vmem>>
    %dma_wait3A_89 = arith.constant 0 : i32
    %dma_wait3A_90 = tpu.memref_slice %arg7[%dma_wait3A_85, %dma_wait3A_89] : memref<80x128xi32, #tpu.memory_space<vmem>> -> memref<1x128xi32, #tpu.memory_space<vmem>>
    %dma_wait3A_91 = tpu.memref_squeeze %dma_wait3A_90 : memref<1x128xi32, #tpu.memory_space<vmem>> -> memref<128xi32, #tpu.memory_space<vmem>>
    %dma_wait3A_92 = arith.constant 0 : i32
    %dma_wait3A_93 = tpu.memref_slice %arg13[%dma_wait3A_92] : memref<10240xf32, #tpu.memory_space<vmem_shared>> -> memref<10240xf32, #tpu.memory_space<vmem_shared>>
    tpu.wait_indirect_dma semaphore(%arg30 : memref<!tpu.dma_semaphore, #tpu.memory_space<semaphore_mem>>) src(%dma_wait3A_88 : memref<128xf32, #tpu.memory_space<vmem>>) dst(%dma_wait3A_93 : memref<10240xf32, #tpu.memory_space<vmem_shared>>)
    %dma_wait3A_94 = arith.constant 1 : i32
    %dma_wait3A_95 = arith.constant 73 : i32
    %dma_wait3A_96 = arith.constant 0 : i32
    %dma_wait3A_97 = tpu.memref_slice %arg9[%dma_wait3A_94, %dma_wait3A_96] : memref<8x128xf32, #tpu.memory_space<vmem>> -> memref<1x128xf32, #tpu.memory_space<vmem>>
    %dma_wait3A_98 = tpu.memref_squeeze %dma_wait3A_97 : memref<1x128xf32, #tpu.memory_space<vmem>> -> memref<128xf32, #tpu.memory_space<vmem>>
    %dma_wait3A_99 = arith.constant 0 : i32
    %dma_wait3A_100 = tpu.memref_slice %arg7[%dma_wait3A_95, %dma_wait3A_99] : memref<80x128xi32, #tpu.memory_space<vmem>> -> memref<1x128xi32, #tpu.memory_space<vmem>>
    %dma_wait3A_101 = tpu.memref_squeeze %dma_wait3A_100 : memref<1x128xi32, #tpu.memory_space<vmem>> -> memref<128xi32, #tpu.memory_space<vmem>>
    %dma_wait3A_102 = arith.constant 0 : i32
    %dma_wait3A_103 = tpu.memref_slice %arg13[%dma_wait3A_102] : memref<10240xf32, #tpu.memory_space<vmem_shared>> -> memref<10240xf32, #tpu.memory_space<vmem_shared>>
    tpu.wait_indirect_dma semaphore(%arg31 : memref<!tpu.dma_semaphore, #tpu.memory_space<semaphore_mem>>) src(%dma_wait3A_98 : memref<128xf32, #tpu.memory_space<vmem>>) dst(%dma_wait3A_103 : memref<10240xf32, #tpu.memory_space<vmem_shared>>)
    %dma_wait3A_104 = arith.constant 2 : i32
    %dma_wait3A_105 = arith.constant 74 : i32
    %dma_wait3A_106 = arith.constant 0 : i32
    %dma_wait3A_107 = tpu.memref_slice %arg9[%dma_wait3A_104, %dma_wait3A_106] : memref<8x128xf32, #tpu.memory_space<vmem>> -> memref<1x128xf32, #tpu.memory_space<vmem>>
    %dma_wait3A_108 = tpu.memref_squeeze %dma_wait3A_107 : memref<1x128xf32, #tpu.memory_space<vmem>> -> memref<128xf32, #tpu.memory_space<vmem>>
    %dma_wait3A_109 = arith.constant 0 : i32
    %dma_wait3A_110 = tpu.memref_slice %arg7[%dma_wait3A_105, %dma_wait3A_109] : memref<80x128xi32, #tpu.memory_space<vmem>> -> memref<1x128xi32, #tpu.memory_space<vmem>>
    %dma_wait3A_111 = tpu.memref_squeeze %dma_wait3A_110 : memref<1x128xi32, #tpu.memory_space<vmem>> -> memref<128xi32, #tpu.memory_space<vmem>>
    %dma_wait3A_112 = arith.constant 0 : i32
    %dma_wait3A_113 = tpu.memref_slice %arg13[%dma_wait3A_112] : memref<10240xf32, #tpu.memory_space<vmem_shared>> -> memref<10240xf32, #tpu.memory_space<vmem_shared>>
    tpu.wait_indirect_dma semaphore(%arg32 : memref<!tpu.dma_semaphore, #tpu.memory_space<semaphore_mem>>) src(%dma_wait3A_108 : memref<128xf32, #tpu.memory_space<vmem>>) dst(%dma_wait3A_113 : memref<10240xf32, #tpu.memory_space<vmem_shared>>)
    %dma_wait3A_114 = arith.constant 3 : i32
    %dma_wait3A_115 = arith.constant 75 : i32
    %dma_wait3A_116 = arith.constant 0 : i32
    %dma_wait3A_117 = tpu.memref_slice %arg9[%dma_wait3A_114, %dma_wait3A_116] : memref<8x128xf32, #tpu.memory_space<vmem>> -> memref<1x128xf32, #tpu.memory_space<vmem>>
    %dma_wait3A_118 = tpu.memref_squeeze %dma_wait3A_117 : memref<1x128xf32, #tpu.memory_space<vmem>> -> memref<128xf32, #tpu.memory_space<vmem>>
    %dma_wait3A_119 = arith.constant 0 : i32
    %dma_wait3A_120 = tpu.memref_slice %arg7[%dma_wait3A_115, %dma_wait3A_119] : memref<80x128xi32, #tpu.memory_space<vmem>> -> memref<1x128xi32, #tpu.memory_space<vmem>>
    %dma_wait3A_121 = tpu.memref_squeeze %dma_wait3A_120 : memref<1x128xi32, #tpu.memory_space<vmem>> -> memref<128xi32, #tpu.memory_space<vmem>>
    %dma_wait3A_122 = arith.constant 0 : i32
    %dma_wait3A_123 = tpu.memref_slice %arg13[%dma_wait3A_122] : memref<10240xf32, #tpu.memory_space<vmem_shared>> -> memref<10240xf32, #tpu.memory_space<vmem_shared>>
    tpu.wait_indirect_dma semaphore(%arg33 : memref<!tpu.dma_semaphore, #tpu.memory_space<semaphore_mem>>) src(%dma_wait3A_118 : memref<128xf32, #tpu.memory_space<vmem>>) dst(%dma_wait3A_123 : memref<10240xf32, #tpu.memory_space<vmem_shared>>)
    %dma_wait3A_124 = arith.constant 4 : i32
    %dma_wait3A_125 = arith.constant 76 : i32
    %dma_wait3A_126 = arith.constant 0 : i32
    %dma_wait3A_127 = tpu.memref_slice %arg9[%dma_wait3A_124, %dma_wait3A_126] : memref<8x128xf32, #tpu.memory_space<vmem>> -> memref<1x128xf32, #tpu.memory_space<vmem>>
    %dma_wait3A_128 = tpu.memref_squeeze %dma_wait3A_127 : memref<1x128xf32, #tpu.memory_space<vmem>> -> memref<128xf32, #tpu.memory_space<vmem>>
    %dma_wait3A_129 = arith.constant 0 : i32
    %dma_wait3A_130 = tpu.memref_slice %arg7[%dma_wait3A_125, %dma_wait3A_129] : memref<80x128xi32, #tpu.memory_space<vmem>> -> memref<1x128xi32, #tpu.memory_space<vmem>>
    %dma_wait3A_131 = tpu.memref_squeeze %dma_wait3A_130 : memref<1x128xi32, #tpu.memory_space<vmem>> -> memref<128xi32, #tpu.memory_space<vmem>>
    %dma_wait3A_132 = arith.constant 0 : i32
    %dma_wait3A_133 = tpu.memref_slice %arg13[%dma_wait3A_132] : memref<10240xf32, #tpu.memory_space<vmem_shared>> -> memref<10240xf32, #tpu.memory_space<vmem_shared>>
    tpu.wait_indirect_dma semaphore(%arg34 : memref<!tpu.dma_semaphore, #tpu.memory_space<semaphore_mem>>) src(%dma_wait3A_128 : memref<128xf32, #tpu.memory_space<vmem>>) dst(%dma_wait3A_133 : memref<10240xf32, #tpu.memory_space<vmem_shared>>)
    %dma_wait3A_134 = arith.constant 5 : i32
    %dma_wait3A_135 = arith.constant 77 : i32
    %dma_wait3A_136 = arith.constant 0 : i32
    %dma_wait3A_137 = tpu.memref_slice %arg9[%dma_wait3A_134, %dma_wait3A_136] : memref<8x128xf32, #tpu.memory_space<vmem>> -> memref<1x128xf32, #tpu.memory_space<vmem>>
    %dma_wait3A_138 = tpu.memref_squeeze %dma_wait3A_137 : memref<1x128xf32, #tpu.memory_space<vmem>> -> memref<128xf32, #tpu.memory_space<vmem>>
    %dma_wait3A_139 = arith.constant 0 : i32
    %dma_wait3A_140 = tpu.memref_slice %arg7[%dma_wait3A_135, %dma_wait3A_139] : memref<80x128xi32, #tpu.memory_space<vmem>> -> memref<1x128xi32, #tpu.memory_space<vmem>>
    %dma_wait3A_141 = tpu.memref_squeeze %dma_wait3A_140 : memref<1x128xi32, #tpu.memory_space<vmem>> -> memref<128xi32, #tpu.memory_space<vmem>>
    %dma_wait3A_142 = arith.constant 0 : i32
    %dma_wait3A_143 = tpu.memref_slice %arg13[%dma_wait3A_142] : memref<10240xf32, #tpu.memory_space<vmem_shared>> -> memref<10240xf32, #tpu.memory_space<vmem_shared>>
    tpu.wait_indirect_dma semaphore(%arg35 : memref<!tpu.dma_semaphore, #tpu.memory_space<semaphore_mem>>) src(%dma_wait3A_138 : memref<128xf32, #tpu.memory_space<vmem>>) dst(%dma_wait3A_143 : memref<10240xf32, #tpu.memory_space<vmem_shared>>)
    %dma_wait3A_144 = arith.constant 6 : i32
    %dma_wait3A_145 = arith.constant 78 : i32
    %dma_wait3A_146 = arith.constant 0 : i32
    %dma_wait3A_147 = tpu.memref_slice %arg9[%dma_wait3A_144, %dma_wait3A_146] : memref<8x128xf32, #tpu.memory_space<vmem>> -> memref<1x128xf32, #tpu.memory_space<vmem>>
    %dma_wait3A_148 = tpu.memref_squeeze %dma_wait3A_147 : memref<1x128xf32, #tpu.memory_space<vmem>> -> memref<128xf32, #tpu.memory_space<vmem>>
    %dma_wait3A_149 = arith.constant 0 : i32
    %dma_wait3A_150 = tpu.memref_slice %arg7[%dma_wait3A_145, %dma_wait3A_149] : memref<80x128xi32, #tpu.memory_space<vmem>> -> memref<1x128xi32, #tpu.memory_space<vmem>>
    %dma_wait3A_151 = tpu.memref_squeeze %dma_wait3A_150 : memref<1x128xi32, #tpu.memory_space<vmem>> -> memref<128xi32, #tpu.memory_space<vmem>>
    %dma_wait3A_152 = arith.constant 0 : i32
    %dma_wait3A_153 = tpu.memref_slice %arg13[%dma_wait3A_152] : memref<10240xf32, #tpu.memory_space<vmem_shared>> -> memref<10240xf32, #tpu.memory_space<vmem_shared>>
    tpu.wait_indirect_dma semaphore(%arg36 : memref<!tpu.dma_semaphore, #tpu.memory_space<semaphore_mem>>) src(%dma_wait3A_148 : memref<128xf32, #tpu.memory_space<vmem>>) dst(%dma_wait3A_153 : memref<10240xf32, #tpu.memory_space<vmem_shared>>)
    %dma_wait3A_154 = arith.constant 7 : i32
    %dma_wait3A_155 = arith.constant 79 : i32
    %dma_wait3A_156 = arith.constant 0 : i32
    %dma_wait3A_157 = tpu.memref_slice %arg9[%dma_wait3A_154, %dma_wait3A_156] : memref<8x128xf32, #tpu.memory_space<vmem>> -> memref<1x128xf32, #tpu.memory_space<vmem>>
    %dma_wait3A_158 = tpu.memref_squeeze %dma_wait3A_157 : memref<1x128xf32, #tpu.memory_space<vmem>> -> memref<128xf32, #tpu.memory_space<vmem>>
    %dma_wait3A_159 = arith.constant 0 : i32
    %dma_wait3A_160 = tpu.memref_slice %arg7[%dma_wait3A_155, %dma_wait3A_159] : memref<80x128xi32, #tpu.memory_space<vmem>> -> memref<1x128xi32, #tpu.memory_space<vmem>>
    %dma_wait3A_161 = tpu.memref_squeeze %dma_wait3A_160 : memref<1x128xi32, #tpu.memory_space<vmem>> -> memref<128xi32, #tpu.memory_space<vmem>>
    %dma_wait3A_162 = arith.constant 0 : i32
    %dma_wait3A_163 = tpu.memref_slice %arg13[%dma_wait3A_162] : memref<10240xf32, #tpu.memory_space<vmem_shared>> -> memref<10240xf32, #tpu.memory_space<vmem_shared>>
    tpu.wait_indirect_dma semaphore(%arg37 : memref<!tpu.dma_semaphore, #tpu.memory_space<semaphore_mem>>) src(%dma_wait3A_158 : memref<128xf32, #tpu.memory_space<vmem>>) dst(%dma_wait3A_163 : memref<10240xf32, #tpu.memory_space<vmem_shared>>)
    %barrier3A_164 = arith.constant 0 : index
    tpu.barrier barrier_id(%barrier3A_164)
    "tpu.region"() ({
      %run_scoped3A = tpu.sem_alloc : memref<!tpu.dma_semaphore, #tpu.memory_space<semaphore_mem>>
      %dma_start3A = tpu.memref_slice %arg5[%arg0, %mul3A_2] : memref<2x10240xf32, #tpu.memory_space<hbm>> -> memref<1x640xf32, #tpu.memory_space<hbm>>
      %dma_start3A_165 = tpu.memref_squeeze %dma_start3A : memref<1x640xf32, #tpu.memory_space<hbm>> -> memref<640xf32, #tpu.memory_space<hbm>>
      %dma_start3A_166 = tpu.memref_slice %arg13[%mul3A_2] : memref<10240xf32, #tpu.memory_space<vmem_shared>> -> memref<640xf32, #tpu.memory_space<vmem_shared>>
      tpu.enqueue_dma source(%dma_start3A_166 : memref<640xf32, #tpu.memory_space<vmem_shared>>) target(%dma_start3A_165 : memref<640xf32, #tpu.memory_space<hbm>>) target_semaphore(%run_scoped3A : memref<!tpu.dma_semaphore, #tpu.memory_space<semaphore_mem>>)
      %dma_wait3A_167 = tpu.memref_slice %arg5[%arg0, %mul3A_2] : memref<2x10240xf32, #tpu.memory_space<hbm>> -> memref<1x640xf32, #tpu.memory_space<hbm>>
      %dma_wait3A_168 = tpu.memref_squeeze %dma_wait3A_167 : memref<1x640xf32, #tpu.memory_space<hbm>> -> memref<640xf32, #tpu.memory_space<hbm>>
      %dma_wait3A_169 = tpu.memref_slice %arg13[%mul3A_2] : memref<10240xf32, #tpu.memory_space<vmem_shared>> -> memref<640xf32, #tpu.memory_space<vmem_shared>>
      tpu.wait_dma2 semaphore(%run_scoped3A : memref<!tpu.dma_semaphore, #tpu.memory_space<semaphore_mem>>) src(%dma_wait3A_169 : memref<640xf32, #tpu.memory_space<vmem_shared>>) dst(%dma_wait3A_168 : memref<640xf32, #tpu.memory_space<hbm>>)
      tpu.yield
    }) : () -> ()
    return
  }
}

#map = affine_map<(d0, d1) -> (0)>
#map1 = affine_map<(d0, d1) -> (0, 0)>
#map2 = affine_map<(d0, d1) -> (0, 0, 0)>
module attributes {stable_mosaic.version = 14 : i64} {
  func.func @_sc_agg2(%arg0: i32, %arg1: i32, %arg2: memref<327680xi32, #tpu.memory_space<hbm>>, %arg3: memref<327680xi32, #tpu.memory_space<hbm>>, %arg4: memref<10240x16xf32, #tpu.memory_space<hbm>>, %arg5: memref<2x10240x16xf32, #tpu.memory_space<hbm>>, %arg6: memref<128xi32, #tpu.memory_space<vmem>>, %arg7: memref<128xi32, #tpu.memory_space<vmem>>, %arg8: memref<128xi32, #tpu.memory_space<vmem>>, %arg9: memref<128xi32, #tpu.memory_space<vmem>>, %arg10: memref<128xi32, #tpu.memory_space<vmem>>, %arg11: memref<128xi32, #tpu.memory_space<vmem>>, %arg12: memref<128xi32, #tpu.memory_space<vmem>>, %arg13: memref<128xi32, #tpu.memory_space<vmem>>, %arg14: memref<4x128x16xf32, #tpu.memory_space<vmem>>, %arg15: memref<16x16xf32, #tpu.memory_space<vmem>>, %arg16: memref<10240x16xf32, #tpu.memory_space<vmem_shared>>, %arg17: memref<!tpu.dma_semaphore, #tpu.memory_space<semaphore_mem>>, %arg18: memref<!tpu.dma_semaphore, #tpu.memory_space<semaphore_mem>>, %arg19: memref<!tpu.dma_semaphore, #tpu.memory_space<semaphore_mem>>, %arg20: memref<!tpu.dma_semaphore, #tpu.memory_space<semaphore_mem>>) attributes {dimension_semantics = [#tpu.dimension_semantics<core_parallel>, #tpu.dimension_semantics<subcore_parallel>], iteration_bounds = array<i64: 2, 16>, scalar_prefetch = 0 : i64, scratch_operands = 15 : i64, tpu.core_type = #tpu.core_type<sc_vector_subcore>, window_params = [{transform_indices = #map}, {transform_indices = #map}, {transform_indices = #map1}, {transform_indices = #map2}]} {
    %mul3A = arith.constant 16 : i32
    %mul3A_0 = arith.muli %arg0, %mul3A : i32
    %add3A = arith.addi %mul3A_0, %arg1 : i32
    %scan3A = arith.constant 0 : i32
    %scan3A_1 = arith.constant 16 : i32
    %scan3A_2 = arith.addi %scan3A, %scan3A_1 : i32
    %scan3A_3 = arith.constant 1 : i32
    scf.for %scan3A_67 = %scan3A to %scan3A_2 step %scan3A_3  : i32 {
      %mul3A_68 = arith.constant 1 : i32
      %mul3A_69 = arith.muli %scan3A_67, %mul3A_68 : i32
      %add3A_70 = arith.constant 0 : i32
      %add3A_71 = arith.addi %add3A_70, %mul3A_69 : i32
      %broadcast_in_dim3A = arith.constant 0.000000e+00 : f32
      %broadcast_in_dim3A_72 = vector.broadcast %broadcast_in_dim3A : f32 to vector<16xf32>
      %swap3A = arith.index_cast %add3A_71 : i32 to index
      %swap3A_73 = arith.constant 0 : index
      %swap3A_74 = tpu.vector_load %arg15[%swap3A, %swap3A_73] {strides = array<i32>} : memref<16x16xf32, #tpu.memory_space<vmem>>, vector<1x16xf32>,
      %swap3A_75 = vector.shape_cast %swap3A_74 : vector<1x16xf32> to vector<16xf32>
      %swap3A_76 = vector.shape_cast %broadcast_in_dim3A_72 : vector<16xf32> to vector<1x16xf32>
      tpu.vector_store %arg15[%swap3A, %swap3A_73], %swap3A_76 {strides = array<i32>} : memref<16x16xf32, #tpu.memory_space<vmem>>, vector<1x16xf32>,
    }
    %scan3A_4 = arith.constant 16 : i32
    %scan3A_5 = arith.constant 0 : i32
    %scan3A_6 = arith.constant 40 : i32
    %scan3A_7 = arith.addi %scan3A_5, %scan3A_6 : i32
    %scan3A_8 = arith.constant 1 : i32
    scf.for %scan3A_67 = %scan3A_5 to %scan3A_7 step %scan3A_8  : i32 {
      %mul3A_68 = arith.constant 1 : i32
      %mul3A_69 = arith.muli %scan3A_67, %mul3A_68 : i32
      %add3A_70 = arith.constant 0 : i32
      %add3A_71 = arith.addi %add3A_70, %mul3A_69 : i32
      %mul3A_72 = arith.constant 640 : i32
      %mul3A_73 = arith.muli %arg1, %mul3A_72 : i32
      %mul3A_74 = arith.constant 16 : i32
      %mul3A_75 = arith.muli %add3A_71, %mul3A_74 : i32
      %add3A_76 = arith.addi %mul3A_73, %mul3A_75 : i32
      "tpu.region"() ({
        %run_scoped3A = tpu.sem_alloc : memref<!tpu.dma_semaphore, #tpu.memory_space<semaphore_mem>>
        %dma_start3A_77 = arith.constant 0 : i32
        %dma_start3A_78 = tpu.memref_slice %arg16[%add3A_76, %dma_start3A_77] : memref<10240x16xf32, #tpu.memory_space<vmem_shared>> -> memref<16x16xf32, #tpu.memory_space<vmem_shared>>
        %dma_start3A_79 = arith.constant 0 : i32
        %dma_start3A_80 = tpu.memref_slice %arg16[%add3A_76, %dma_start3A_79] : memref<10240x16xf32, #tpu.memory_space<vmem_shared>> -> memref<16x16xf32, #tpu.memory_space<vmem_shared>>
        tpu.enqueue_dma source(%arg15 : memref<16x16xf32, #tpu.memory_space<vmem>>) target(%dma_start3A_80 : memref<16x16xf32, #tpu.memory_space<vmem_shared>>) target_semaphore(%run_scoped3A : memref<!tpu.dma_semaphore, #tpu.memory_space<semaphore_mem>>)
        %dma_wait3A = arith.constant 0 : i32
        %dma_wait3A_81 = tpu.memref_slice %arg16[%add3A_76, %dma_wait3A] : memref<10240x16xf32, #tpu.memory_space<vmem_shared>> -> memref<16x16xf32, #tpu.memory_space<vmem_shared>>
        %dma_wait3A_82 = arith.constant 0 : i32
        %dma_wait3A_83 = tpu.memref_slice %arg16[%add3A_76, %dma_wait3A_82] : memref<10240x16xf32, #tpu.memory_space<vmem_shared>> -> memref<16x16xf32, #tpu.memory_space<vmem_shared>>
        tpu.wait_dma2 semaphore(%run_scoped3A : memref<!tpu.dma_semaphore, #tpu.memory_space<semaphore_mem>>) src(%arg15 : memref<16x16xf32, #tpu.memory_space<vmem>>) dst(%dma_wait3A_83 : memref<16x16xf32, #tpu.memory_space<vmem_shared>>)
        tpu.yield
      }) : () -> ()
    }
    %scan3A_9 = arith.constant 40 : i32
    %mul3A_10 = arith.constant 10240 : i32
    %mul3A_11 = arith.muli %add3A, %mul3A_10 : i32
    %add3A_12 = arith.constant 0 : i32
    %add3A_13 = arith.addi %mul3A_11, %add3A_12 : i32
    "tpu.region"() ({
      %run_scoped3A = tpu.sem_alloc : memref<!tpu.dma_semaphore, #tpu.memory_space<semaphore_mem>>
      %dma_start3A_67 = tpu.memref_slice %arg2[%add3A_13] : memref<327680xi32, #tpu.memory_space<hbm>> -> memref<128xi32, #tpu.memory_space<hbm>>
      %dma_start3A_68 = tpu.memref_slice %arg2[%add3A_13] : memref<327680xi32, #tpu.memory_space<hbm>> -> memref<128xi32, #tpu.memory_space<hbm>>
      tpu.enqueue_dma source(%dma_start3A_68 : memref<128xi32, #tpu.memory_space<hbm>>) target(%arg6 : memref<128xi32, #tpu.memory_space<vmem>>) target_semaphore(%run_scoped3A : memref<!tpu.dma_semaphore, #tpu.memory_space<semaphore_mem>>)
      %dma_wait3A = tpu.memref_slice %arg2[%add3A_13] : memref<327680xi32, #tpu.memory_space<hbm>> -> memref<128xi32, #tpu.memory_space<hbm>>
      %dma_wait3A_69 = tpu.memref_slice %arg2[%add3A_13] : memref<327680xi32, #tpu.memory_space<hbm>> -> memref<128xi32, #tpu.memory_space<hbm>>
      tpu.wait_dma2 semaphore(%run_scoped3A : memref<!tpu.dma_semaphore, #tpu.memory_space<semaphore_mem>>) src(%dma_wait3A_69 : memref<128xi32, #tpu.memory_space<hbm>>) dst(%arg6 : memref<128xi32, #tpu.memory_space<vmem>>)
      tpu.yield
    }) : () -> ()
    %add3A_14 = arith.constant 0 : i32
    %add3A_15 = arith.addi %mul3A_11, %add3A_14 : i32
    "tpu.region"() ({
      %run_scoped3A = tpu.sem_alloc : memref<!tpu.dma_semaphore, #tpu.memory_space<semaphore_mem>>
      %dma_start3A_67 = tpu.memref_slice %arg3[%add3A_15] : memref<327680xi32, #tpu.memory_space<hbm>> -> memref<128xi32, #tpu.memory_space<hbm>>
      %dma_start3A_68 = tpu.memref_slice %arg3[%add3A_15] : memref<327680xi32, #tpu.memory_space<hbm>> -> memref<128xi32, #tpu.memory_space<hbm>>
      tpu.enqueue_dma source(%dma_start3A_68 : memref<128xi32, #tpu.memory_space<hbm>>) target(%arg10 : memref<128xi32, #tpu.memory_space<vmem>>) target_semaphore(%run_scoped3A : memref<!tpu.dma_semaphore, #tpu.memory_space<semaphore_mem>>)
      %dma_wait3A = tpu.memref_slice %arg3[%add3A_15] : memref<327680xi32, #tpu.memory_space<hbm>> -> memref<128xi32, #tpu.memory_space<hbm>>
      %dma_wait3A_69 = tpu.memref_slice %arg3[%add3A_15] : memref<327680xi32, #tpu.memory_space<hbm>> -> memref<128xi32, #tpu.memory_space<hbm>>
      tpu.wait_dma2 semaphore(%run_scoped3A : memref<!tpu.dma_semaphore, #tpu.memory_space<semaphore_mem>>) src(%dma_wait3A_69 : memref<128xi32, #tpu.memory_space<hbm>>) dst(%arg10 : memref<128xi32, #tpu.memory_space<vmem>>)
      tpu.yield
    }) : () -> ()
    %add3A_16 = arith.constant 128 : i32
    %add3A_17 = arith.addi %mul3A_11, %add3A_16 : i32
    "tpu.region"() ({
      %run_scoped3A = tpu.sem_alloc : memref<!tpu.dma_semaphore, #tpu.memory_space<semaphore_mem>>
      %dma_start3A_67 = tpu.memref_slice %arg2[%add3A_17] : memref<327680xi32, #tpu.memory_space<hbm>> -> memref<128xi32, #tpu.memory_space<hbm>>
      %dma_start3A_68 = tpu.memref_slice %arg2[%add3A_17] : memref<327680xi32, #tpu.memory_space<hbm>> -> memref<128xi32, #tpu.memory_space<hbm>>
      tpu.enqueue_dma source(%dma_start3A_68 : memref<128xi32, #tpu.memory_space<hbm>>) target(%arg7 : memref<128xi32, #tpu.memory_space<vmem>>) target_semaphore(%run_scoped3A : memref<!tpu.dma_semaphore, #tpu.memory_space<semaphore_mem>>)
      %dma_wait3A = tpu.memref_slice %arg2[%add3A_17] : memref<327680xi32, #tpu.memory_space<hbm>> -> memref<128xi32, #tpu.memory_space<hbm>>
      %dma_wait3A_69 = tpu.memref_slice %arg2[%add3A_17] : memref<327680xi32, #tpu.memory_space<hbm>> -> memref<128xi32, #tpu.memory_space<hbm>>
      tpu.wait_dma2 semaphore(%run_scoped3A : memref<!tpu.dma_semaphore, #tpu.memory_space<semaphore_mem>>) src(%dma_wait3A_69 : memref<128xi32, #tpu.memory_space<hbm>>) dst(%arg7 : memref<128xi32, #tpu.memory_space<vmem>>)
      tpu.yield
    }) : () -> ()
    %add3A_18 = arith.constant 128 : i32
    %add3A_19 = arith.addi %mul3A_11, %add3A_18 : i32
    "tpu.region"() ({
      %run_scoped3A = tpu.sem_alloc : memref<!tpu.dma_semaphore, #tpu.memory_space<semaphore_mem>>
      %dma_start3A_67 = tpu.memref_slice %arg3[%add3A_19] : memref<327680xi32, #tpu.memory_space<hbm>> -> memref<128xi32, #tpu.memory_space<hbm>>
      %dma_start3A_68 = tpu.memref_slice %arg3[%add3A_19] : memref<327680xi32, #tpu.memory_space<hbm>> -> memref<128xi32, #tpu.memory_space<hbm>>
      tpu.enqueue_dma source(%dma_start3A_68 : memref<128xi32, #tpu.memory_space<hbm>>) target(%arg11 : memref<128xi32, #tpu.memory_space<vmem>>) target_semaphore(%run_scoped3A : memref<!tpu.dma_semaphore, #tpu.memory_space<semaphore_mem>>)
      %dma_wait3A = tpu.memref_slice %arg3[%add3A_19] : memref<327680xi32, #tpu.memory_space<hbm>> -> memref<128xi32, #tpu.memory_space<hbm>>
      %dma_wait3A_69 = tpu.memref_slice %arg3[%add3A_19] : memref<327680xi32, #tpu.memory_space<hbm>> -> memref<128xi32, #tpu.memory_space<hbm>>
      tpu.wait_dma2 semaphore(%run_scoped3A : memref<!tpu.dma_semaphore, #tpu.memory_space<semaphore_mem>>) src(%dma_wait3A_69 : memref<128xi32, #tpu.memory_space<hbm>>) dst(%arg11 : memref<128xi32, #tpu.memory_space<vmem>>)
      tpu.yield
    }) : () -> ()
    %add3A_20 = arith.constant 256 : i32
    %add3A_21 = arith.addi %mul3A_11, %add3A_20 : i32
    "tpu.region"() ({
      %run_scoped3A = tpu.sem_alloc : memref<!tpu.dma_semaphore, #tpu.memory_space<semaphore_mem>>
      %dma_start3A_67 = tpu.memref_slice %arg2[%add3A_21] : memref<327680xi32, #tpu.memory_space<hbm>> -> memref<128xi32, #tpu.memory_space<hbm>>
      %dma_start3A_68 = tpu.memref_slice %arg2[%add3A_21] : memref<327680xi32, #tpu.memory_space<hbm>> -> memref<128xi32, #tpu.memory_space<hbm>>
      tpu.enqueue_dma source(%dma_start3A_68 : memref<128xi32, #tpu.memory_space<hbm>>) target(%arg8 : memref<128xi32, #tpu.memory_space<vmem>>) target_semaphore(%run_scoped3A : memref<!tpu.dma_semaphore, #tpu.memory_space<semaphore_mem>>)
      %dma_wait3A = tpu.memref_slice %arg2[%add3A_21] : memref<327680xi32, #tpu.memory_space<hbm>> -> memref<128xi32, #tpu.memory_space<hbm>>
      %dma_wait3A_69 = tpu.memref_slice %arg2[%add3A_21] : memref<327680xi32, #tpu.memory_space<hbm>> -> memref<128xi32, #tpu.memory_space<hbm>>
      tpu.wait_dma2 semaphore(%run_scoped3A : memref<!tpu.dma_semaphore, #tpu.memory_space<semaphore_mem>>) src(%dma_wait3A_69 : memref<128xi32, #tpu.memory_space<hbm>>) dst(%arg8 : memref<128xi32, #tpu.memory_space<vmem>>)
      tpu.yield
    }) : () -> ()
    %add3A_22 = arith.constant 256 : i32
    %add3A_23 = arith.addi %mul3A_11, %add3A_22 : i32
    "tpu.region"() ({
      %run_scoped3A = tpu.sem_alloc : memref<!tpu.dma_semaphore, #tpu.memory_space<semaphore_mem>>
      %dma_start3A_67 = tpu.memref_slice %arg3[%add3A_23] : memref<327680xi32, #tpu.memory_space<hbm>> -> memref<128xi32, #tpu.memory_space<hbm>>
      %dma_start3A_68 = tpu.memref_slice %arg3[%add3A_23] : memref<327680xi32, #tpu.memory_space<hbm>> -> memref<128xi32, #tpu.memory_space<hbm>>
      tpu.enqueue_dma source(%dma_start3A_68 : memref<128xi32, #tpu.memory_space<hbm>>) target(%arg12 : memref<128xi32, #tpu.memory_space<vmem>>) target_semaphore(%run_scoped3A : memref<!tpu.dma_semaphore, #tpu.memory_space<semaphore_mem>>)
      %dma_wait3A = tpu.memref_slice %arg3[%add3A_23] : memref<327680xi32, #tpu.memory_space<hbm>> -> memref<128xi32, #tpu.memory_space<hbm>>
      %dma_wait3A_69 = tpu.memref_slice %arg3[%add3A_23] : memref<327680xi32, #tpu.memory_space<hbm>> -> memref<128xi32, #tpu.memory_space<hbm>>
      tpu.wait_dma2 semaphore(%run_scoped3A : memref<!tpu.dma_semaphore, #tpu.memory_space<semaphore_mem>>) src(%dma_wait3A_69 : memref<128xi32, #tpu.memory_space<hbm>>) dst(%arg12 : memref<128xi32, #tpu.memory_space<vmem>>)
      tpu.yield
    }) : () -> ()
    %add3A_24 = arith.constant 384 : i32
    %add3A_25 = arith.addi %mul3A_11, %add3A_24 : i32
    "tpu.region"() ({
      %run_scoped3A = tpu.sem_alloc : memref<!tpu.dma_semaphore, #tpu.memory_space<semaphore_mem>>
      %dma_start3A_67 = tpu.memref_slice %arg2[%add3A_25] : memref<327680xi32, #tpu.memory_space<hbm>> -> memref<128xi32, #tpu.memory_space<hbm>>
      %dma_start3A_68 = tpu.memref_slice %arg2[%add3A_25] : memref<327680xi32, #tpu.memory_space<hbm>> -> memref<128xi32, #tpu.memory_space<hbm>>
      tpu.enqueue_dma source(%dma_start3A_68 : memref<128xi32, #tpu.memory_space<hbm>>) target(%arg9 : memref<128xi32, #tpu.memory_space<vmem>>) target_semaphore(%run_scoped3A : memref<!tpu.dma_semaphore, #tpu.memory_space<semaphore_mem>>)
      %dma_wait3A = tpu.memref_slice %arg2[%add3A_25] : memref<327680xi32, #tpu.memory_space<hbm>> -> memref<128xi32, #tpu.memory_space<hbm>>
      %dma_wait3A_69 = tpu.memref_slice %arg2[%add3A_25] : memref<327680xi32, #tpu.memory_space<hbm>> -> memref<128xi32, #tpu.memory_space<hbm>>
      tpu.wait_dma2 semaphore(%run_scoped3A : memref<!tpu.dma_semaphore, #tpu.memory_space<semaphore_mem>>) src(%dma_wait3A_69 : memref<128xi32, #tpu.memory_space<hbm>>) dst(%arg9 : memref<128xi32, #tpu.memory_space<vmem>>)
      tpu.yield
    }) : () -> ()
    %add3A_26 = arith.constant 384 : i32
    %add3A_27 = arith.addi %mul3A_11, %add3A_26 : i32
    "tpu.region"() ({
      %run_scoped3A = tpu.sem_alloc : memref<!tpu.dma_semaphore, #tpu.memory_space<semaphore_mem>>
      %dma_start3A_67 = tpu.memref_slice %arg3[%add3A_27] : memref<327680xi32, #tpu.memory_space<hbm>> -> memref<128xi32, #tpu.memory_space<hbm>>
      %dma_start3A_68 = tpu.memref_slice %arg3[%add3A_27] : memref<327680xi32, #tpu.memory_space<hbm>> -> memref<128xi32, #tpu.memory_space<hbm>>
      tpu.enqueue_dma source(%dma_start3A_68 : memref<128xi32, #tpu.memory_space<hbm>>) target(%arg13 : memref<128xi32, #tpu.memory_space<vmem>>) target_semaphore(%run_scoped3A : memref<!tpu.dma_semaphore, #tpu.memory_space<semaphore_mem>>)
      %dma_wait3A = tpu.memref_slice %arg3[%add3A_27] : memref<327680xi32, #tpu.memory_space<hbm>> -> memref<128xi32, #tpu.memory_space<hbm>>
      %dma_wait3A_69 = tpu.memref_slice %arg3[%add3A_27] : memref<327680xi32, #tpu.memory_space<hbm>> -> memref<128xi32, #tpu.memory_space<hbm>>
      tpu.wait_dma2 semaphore(%run_scoped3A : memref<!tpu.dma_semaphore, #tpu.memory_space<semaphore_mem>>) src(%dma_wait3A_69 : memref<128xi32, #tpu.memory_space<hbm>>) dst(%arg13 : memref<128xi32, #tpu.memory_space<vmem>>)
      tpu.yield
    }) : () -> ()
    %barrier3A = arith.constant 0 : index
    tpu.barrier barrier_id(%barrier3A)
    %dma_start3A = arith.constant 0 : i32
    %dma_start3A_28 = arith.constant 0 : i32
    %dma_start3A_29 = arith.constant 0 : i32
    %dma_start3A_30 = tpu.memref_slice %arg14[%dma_start3A, %dma_start3A_28, %dma_start3A_29] : memref<4x128x16xf32, #tpu.memory_space<vmem>> -> memref<1x128x16xf32, #tpu.memory_space<vmem>>
    %dma_start3A_31 = tpu.memref_squeeze %dma_start3A_30 : memref<1x128x16xf32, #tpu.memory_space<vmem>> -> memref<128x16xf32, #tpu.memory_space<vmem>>
    %dma_start3A_32 = arith.constant 0 : i32
    %dma_start3A_33 = arith.constant 0 : i32
    %dma_start3A_34 = tpu.memref_slice %arg4[%dma_start3A_32, %dma_start3A_33] : memref<10240x16xf32, #tpu.memory_space<hbm>> -> memref<10240x16xf32, #tpu.memory_space<hbm>>
    tpu.enqueue_indirect_dma source(%dma_start3A_34 : memref<10240x16xf32, #tpu.memory_space<hbm>>) target(%dma_start3A_31 : memref<128x16xf32, #tpu.memory_space<vmem>>) offsets(%arg6 : memref<128xi32, #tpu.memory_space<vmem>>) semaphore(%arg17 : memref<!tpu.dma_semaphore, #tpu.memory_space<semaphore_mem>>)
    %dma_start3A_35 = arith.constant 1 : i32
    %dma_start3A_36 = arith.constant 0 : i32
    %dma_start3A_37 = arith.constant 0 : i32
    %dma_start3A_38 = tpu.memref_slice %arg14[%dma_start3A_35, %dma_start3A_36, %dma_start3A_37] : memref<4x128x16xf32, #tpu.memory_space<vmem>> -> memref<1x128x16xf32, #tpu.memory_space<vmem>>
    %dma_start3A_39 = tpu.memref_squeeze %dma_start3A_38 : memref<1x128x16xf32, #tpu.memory_space<vmem>> -> memref<128x16xf32, #tpu.memory_space<vmem>>
    %dma_start3A_40 = arith.constant 0 : i32
    %dma_start3A_41 = arith.constant 0 : i32
    %dma_start3A_42 = tpu.memref_slice %arg4[%dma_start3A_40, %dma_start3A_41] : memref<10240x16xf32, #tpu.memory_space<hbm>> -> memref<10240x16xf32, #tpu.memory_space<hbm>>
    tpu.enqueue_indirect_dma source(%dma_start3A_42 : memref<10240x16xf32, #tpu.memory_space<hbm>>) target(%dma_start3A_39 : memref<128x16xf32, #tpu.memory_space<vmem>>) offsets(%arg7 : memref<128xi32, #tpu.memory_space<vmem>>) semaphore(%arg18 : memref<!tpu.dma_semaphore, #tpu.memory_space<semaphore_mem>>)
    %dma_start3A_43 = arith.constant 2 : i32
    %dma_start3A_44 = arith.constant 0 : i32
    %dma_start3A_45 = arith.constant 0 : i32
    %dma_start3A_46 = tpu.memref_slice %arg14[%dma_start3A_43, %dma_start3A_44, %dma_start3A_45] : memref<4x128x16xf32, #tpu.memory_space<vmem>> -> memref<1x128x16xf32, #tpu.memory_space<vmem>>
    %dma_start3A_47 = tpu.memref_squeeze %dma_start3A_46 : memref<1x128x16xf32, #tpu.memory_space<vmem>> -> memref<128x16xf32, #tpu.memory_space<vmem>>
    %dma_start3A_48 = arith.constant 0 : i32
    %dma_start3A_49 = arith.constant 0 : i32
    %dma_start3A_50 = tpu.memref_slice %arg4[%dma_start3A_48, %dma_start3A_49] : memref<10240x16xf32, #tpu.memory_space<hbm>> -> memref<10240x16xf32, #tpu.memory_space<hbm>>
    tpu.enqueue_indirect_dma source(%dma_start3A_50 : memref<10240x16xf32, #tpu.memory_space<hbm>>) target(%dma_start3A_47 : memref<128x16xf32, #tpu.memory_space<vmem>>) offsets(%arg8 : memref<128xi32, #tpu.memory_space<vmem>>) semaphore(%arg19 : memref<!tpu.dma_semaphore, #tpu.memory_space<semaphore_mem>>)
    %dma_start3A_51 = arith.constant 3 : i32
    %dma_start3A_52 = arith.constant 0 : i32
    %dma_start3A_53 = arith.constant 0 : i32
    %dma_start3A_54 = tpu.memref_slice %arg14[%dma_start3A_51, %dma_start3A_52, %dma_start3A_53] : memref<4x128x16xf32, #tpu.memory_space<vmem>> -> memref<1x128x16xf32, #tpu.memory_space<vmem>>
    %dma_start3A_55 = tpu.memref_squeeze %dma_start3A_54 : memref<1x128x16xf32, #tpu.memory_space<vmem>> -> memref<128x16xf32, #tpu.memory_space<vmem>>
    %dma_start3A_56 = arith.constant 0 : i32
    %dma_start3A_57 = arith.constant 0 : i32
    %dma_start3A_58 = tpu.memref_slice %arg4[%dma_start3A_56, %dma_start3A_57] : memref<10240x16xf32, #tpu.memory_space<hbm>> -> memref<10240x16xf32, #tpu.memory_space<hbm>>
    tpu.enqueue_indirect_dma source(%dma_start3A_58 : memref<10240x16xf32, #tpu.memory_space<hbm>>) target(%dma_start3A_55 : memref<128x16xf32, #tpu.memory_space<vmem>>) offsets(%arg9 : memref<128xi32, #tpu.memory_space<vmem>>) semaphore(%arg20 : memref<!tpu.dma_semaphore, #tpu.memory_space<semaphore_mem>>)
    %scan3A_59 = arith.constant 0 : i32
    %scan3A_60 = arith.constant 20 : i32
    %scan3A_61 = arith.addi %scan3A_59, %scan3A_60 : i32
    %scan3A_62 = arith.constant 1 : i32
    scf.for %scan3A_67 = %scan3A_59 to %scan3A_61 step %scan3A_62  : i32 {
      %mul3A_68 = arith.constant 1 : i32
      %mul3A_69 = arith.muli %scan3A_67, %mul3A_68 : i32
      %add3A_70 = arith.constant 0 : i32
      %add3A_71 = arith.addi %add3A_70, %mul3A_69 : i32
      %mul3A_72 = arith.constant 4 : i32
      %mul3A_73 = arith.muli %mul3A_72, %add3A_71 : i32
      %add3A_74 = arith.constant 0 : i32
      %add3A_75 = arith.addi %mul3A_73, %add3A_74 : i32
      %dma_wait3A = arith.constant 0 : i32
      %dma_wait3A_76 = arith.constant 0 : i32
      %dma_wait3A_77 = arith.constant 0 : i32
      %dma_wait3A_78 = tpu.memref_slice %arg14[%dma_wait3A, %dma_wait3A_76, %dma_wait3A_77] : memref<4x128x16xf32, #tpu.memory_space<vmem>> -> memref<1x128x16xf32, #tpu.memory_space<vmem>>
      %dma_wait3A_79 = tpu.memref_squeeze %dma_wait3A_78 : memref<1x128x16xf32, #tpu.memory_space<vmem>> -> memref<128x16xf32, #tpu.memory_space<vmem>>
      %dma_wait3A_80 = arith.constant 0 : i32
      %dma_wait3A_81 = arith.constant 0 : i32
      %dma_wait3A_82 = tpu.memref_slice %arg4[%dma_wait3A_80, %dma_wait3A_81] : memref<10240x16xf32, #tpu.memory_space<hbm>> -> memref<10240x16xf32, #tpu.memory_space<hbm>>
      tpu.wait_indirect_dma semaphore(%arg17 : memref<!tpu.dma_semaphore, #tpu.memory_space<semaphore_mem>>) src(%dma_wait3A_82 : memref<10240x16xf32, #tpu.memory_space<hbm>>) dst(%dma_wait3A_79 : memref<128x16xf32, #tpu.memory_space<vmem>>)
      %run_scoped3A = arith.constant 0 : i32
      "tpu.region"() ({
        %run_scoped3A_147 = tpu.sem_alloc : memref<!tpu.dma_semaphore, #tpu.memory_space<semaphore_mem>>
        %dma_start3A_148 = arith.constant 0 : i32
        %dma_start3A_149 = arith.constant 0 : i32
        %dma_start3A_150 = tpu.memref_slice %arg14[%run_scoped3A, %dma_start3A_148, %dma_start3A_149] : memref<4x128x16xf32, #tpu.memory_space<vmem>> -> memref<1x128x16xf32, #tpu.memory_space<vmem>>
        %dma_start3A_151 = tpu.memref_squeeze %dma_start3A_150 : memref<1x128x16xf32, #tpu.memory_space<vmem>> -> memref<128x16xf32, #tpu.memory_space<vmem>>
        %dma_start3A_152 = arith.constant 0 : i32
        %dma_start3A_153 = arith.constant 0 : i32
        %dma_start3A_154 = tpu.memref_slice %arg16[%dma_start3A_152, %dma_start3A_153] : memref<10240x16xf32, #tpu.memory_space<vmem_shared>> -> memref<10240x16xf32, #tpu.memory_space<vmem_shared>>
        tpu.enqueue_indirect_dma source(%dma_start3A_151 : memref<128x16xf32, #tpu.memory_space<vmem>>) target(%dma_start3A_154 : memref<10240x16xf32, #tpu.memory_space<vmem_shared>>) offsets(%arg10 : memref<128xi32, #tpu.memory_space<vmem>>) semaphore(%run_scoped3A_147 : memref<!tpu.dma_semaphore, #tpu.memory_space<semaphore_mem>>) {add = true}
        %dma_wait3A_155 = arith.constant 0 : i32
        %dma_wait3A_156 = arith.constant 0 : i32
        %dma_wait3A_157 = tpu.memref_slice %arg14[%run_scoped3A, %dma_wait3A_155, %dma_wait3A_156] : memref<4x128x16xf32, #tpu.memory_space<vmem>> -> memref<1x128x16xf32, #tpu.memory_space<vmem>>
        %dma_wait3A_158 = tpu.memref_squeeze %dma_wait3A_157 : memref<1x128x16xf32, #tpu.memory_space<vmem>> -> memref<128x16xf32, #tpu.memory_space<vmem>>
        %dma_wait3A_159 = arith.constant 0 : i32
        %dma_wait3A_160 = arith.constant 0 : i32
        %dma_wait3A_161 = tpu.memref_slice %arg16[%dma_wait3A_159, %dma_wait3A_160] : memref<10240x16xf32, #tpu.memory_space<vmem_shared>> -> memref<10240x16xf32, #tpu.memory_space<vmem_shared>>
        tpu.wait_indirect_dma semaphore(%run_scoped3A_147 : memref<!tpu.dma_semaphore, #tpu.memory_space<semaphore_mem>>) src(%dma_wait3A_158 : memref<128x16xf32, #tpu.memory_space<vmem>>) dst(%dma_wait3A_161 : memref<10240x16xf32, #tpu.memory_space<vmem_shared>>)
        tpu.yield
      }) : () -> ()
      %add3A_83 = arith.constant 4 : i32
      %add3A_84 = arith.addi %add3A_75, %add3A_83 : i32
      %lt3A = arith.constant 80 : i32
      %lt3A_85 = arith.cmpi slt, %add3A_84, %lt3A : i32
      %convert_element_type3A = arith.extui %lt3A_85 : i1 to i32
      %cond3A = arith.constant 0 : i32
      %cond3A_86 = arith.cmpi ne, %convert_element_type3A, %cond3A : i32
      scf.if %cond3A_86 {
        %add3A_147 = arith.constant 4 : i32
        %add3A_148 = arith.addi %add3A_75, %add3A_147 : i32
        %mul3A_149 = arith.constant 128 : i32
        %mul3A_150 = arith.muli %add3A_148, %mul3A_149 : i32
        %add3A_151 = arith.addi %mul3A_11, %mul3A_150 : i32
        "tpu.region"() ({
          %run_scoped3A_160 = tpu.sem_alloc : memref<!tpu.dma_semaphore, #tpu.memory_space<semaphore_mem>>
          %dma_start3A_161 = tpu.memref_slice %arg2[%add3A_151] : memref<327680xi32, #tpu.memory_space<hbm>> -> memref<128xi32, #tpu.memory_space<hbm>>
          %dma_start3A_162 = tpu.memref_slice %arg2[%add3A_151] : memref<327680xi32, #tpu.memory_space<hbm>> -> memref<128xi32, #tpu.memory_space<hbm>>
          tpu.enqueue_dma source(%dma_start3A_162 : memref<128xi32, #tpu.memory_space<hbm>>) target(%arg6 : memref<128xi32, #tpu.memory_space<vmem>>) target_semaphore(%run_scoped3A_160 : memref<!tpu.dma_semaphore, #tpu.memory_space<semaphore_mem>>)
          %dma_wait3A_163 = tpu.memref_slice %arg2[%add3A_151] : memref<327680xi32, #tpu.memory_space<hbm>> -> memref<128xi32, #tpu.memory_space<hbm>>
          %dma_wait3A_164 = tpu.memref_slice %arg2[%add3A_151] : memref<327680xi32, #tpu.memory_space<hbm>> -> memref<128xi32, #tpu.memory_space<hbm>>
          tpu.wait_dma2 semaphore(%run_scoped3A_160 : memref<!tpu.dma_semaphore, #tpu.memory_space<semaphore_mem>>) src(%dma_wait3A_164 : memref<128xi32, #tpu.memory_space<hbm>>) dst(%arg6 : memref<128xi32, #tpu.memory_space<vmem>>)
          tpu.yield
        }) : () -> ()
        "tpu.region"() ({
          %run_scoped3A_160 = tpu.sem_alloc : memref<!tpu.dma_semaphore, #tpu.memory_space<semaphore_mem>>
          %dma_start3A_161 = tpu.memref_slice %arg3[%add3A_151] : memref<327680xi32, #tpu.memory_space<hbm>> -> memref<128xi32, #tpu.memory_space<hbm>>
          %dma_start3A_162 = tpu.memref_slice %arg3[%add3A_151] : memref<327680xi32, #tpu.memory_space<hbm>> -> memref<128xi32, #tpu.memory_space<hbm>>
          tpu.enqueue_dma source(%dma_start3A_162 : memref<128xi32, #tpu.memory_space<hbm>>) target(%arg10 : memref<128xi32, #tpu.memory_space<vmem>>) target_semaphore(%run_scoped3A_160 : memref<!tpu.dma_semaphore, #tpu.memory_space<semaphore_mem>>)
          %dma_wait3A_163 = tpu.memref_slice %arg3[%add3A_151] : memref<327680xi32, #tpu.memory_space<hbm>> -> memref<128xi32, #tpu.memory_space<hbm>>
          %dma_wait3A_164 = tpu.memref_slice %arg3[%add3A_151] : memref<327680xi32, #tpu.memory_space<hbm>> -> memref<128xi32, #tpu.memory_space<hbm>>
          tpu.wait_dma2 semaphore(%run_scoped3A_160 : memref<!tpu.dma_semaphore, #tpu.memory_space<semaphore_mem>>) src(%dma_wait3A_164 : memref<128xi32, #tpu.memory_space<hbm>>) dst(%arg10 : memref<128xi32, #tpu.memory_space<vmem>>)
          tpu.yield
        }) : () -> ()
        %dma_start3A_152 = arith.constant 0 : i32
        %dma_start3A_153 = arith.constant 0 : i32
        %dma_start3A_154 = arith.constant 0 : i32
        %dma_start3A_155 = tpu.memref_slice %arg14[%dma_start3A_152, %dma_start3A_153, %dma_start3A_154] : memref<4x128x16xf32, #tpu.memory_space<vmem>> -> memref<1x128x16xf32, #tpu.memory_space<vmem>>
        %dma_start3A_156 = tpu.memref_squeeze %dma_start3A_155 : memref<1x128x16xf32, #tpu.memory_space<vmem>> -> memref<128x16xf32, #tpu.memory_space<vmem>>
        %dma_start3A_157 = arith.constant 0 : i32
        %dma_start3A_158 = arith.constant 0 : i32
        %dma_start3A_159 = tpu.memref_slice %arg4[%dma_start3A_157, %dma_start3A_158] : memref<10240x16xf32, #tpu.memory_space<hbm>> -> memref<10240x16xf32, #tpu.memory_space<hbm>>
        tpu.enqueue_indirect_dma source(%dma_start3A_159 : memref<10240x16xf32, #tpu.memory_space<hbm>>) target(%dma_start3A_156 : memref<128x16xf32, #tpu.memory_space<vmem>>) offsets(%arg6 : memref<128xi32, #tpu.memory_space<vmem>>) semaphore(%arg17 : memref<!tpu.dma_semaphore, #tpu.memory_space<semaphore_mem>>)
      } else {
      }
      %mul3A_87 = arith.constant 4 : i32
      %mul3A_88 = arith.muli %mul3A_87, %add3A_71 : i32
      %add3A_89 = arith.constant 1 : i32
      %add3A_90 = arith.addi %mul3A_88, %add3A_89 : i32
      %dma_wait3A_91 = arith.constant 1 : i32
      %dma_wait3A_92 = arith.constant 0 : i32
      %dma_wait3A_93 = arith.constant 0 : i32
      %dma_wait3A_94 = tpu.memref_slice %arg14[%dma_wait3A_91, %dma_wait3A_92, %dma_wait3A_93] : memref<4x128x16xf32, #tpu.memory_space<vmem>> -> memref<1x128x16xf32, #tpu.memory_space<vmem>>
      %dma_wait3A_95 = tpu.memref_squeeze %dma_wait3A_94 : memref<1x128x16xf32, #tpu.memory_space<vmem>> -> memref<128x16xf32, #tpu.memory_space<vmem>>
      %dma_wait3A_96 = arith.constant 0 : i32
      %dma_wait3A_97 = arith.constant 0 : i32
      %dma_wait3A_98 = tpu.memref_slice %arg4[%dma_wait3A_96, %dma_wait3A_97] : memref<10240x16xf32, #tpu.memory_space<hbm>> -> memref<10240x16xf32, #tpu.memory_space<hbm>>
      tpu.wait_indirect_dma semaphore(%arg18 : memref<!tpu.dma_semaphore, #tpu.memory_space<semaphore_mem>>) src(%dma_wait3A_98 : memref<10240x16xf32, #tpu.memory_space<hbm>>) dst(%dma_wait3A_95 : memref<128x16xf32, #tpu.memory_space<vmem>>)
      %run_scoped3A_99 = arith.constant 1 : i32
      "tpu.region"() ({
        %run_scoped3A_147 = tpu.sem_alloc : memref<!tpu.dma_semaphore, #tpu.memory_space<semaphore_mem>>
        %dma_start3A_148 = arith.constant 0 : i32
        %dma_start3A_149 = arith.constant 0 : i32
        %dma_start3A_150 = tpu.memref_slice %arg14[%run_scoped3A_99, %dma_start3A_148, %dma_start3A_149] : memref<4x128x16xf32, #tpu.memory_space<vmem>> -> memref<1x128x16xf32, #tpu.memory_space<vmem>>
        %dma_start3A_151 = tpu.memref_squeeze %dma_start3A_150 : memref<1x128x16xf32, #tpu.memory_space<vmem>> -> memref<128x16xf32, #tpu.memory_space<vmem>>
        %dma_start3A_152 = arith.constant 0 : i32
        %dma_start3A_153 = arith.constant 0 : i32
        %dma_start3A_154 = tpu.memref_slice %arg16[%dma_start3A_152, %dma_start3A_153] : memref<10240x16xf32, #tpu.memory_space<vmem_shared>> -> memref<10240x16xf32, #tpu.memory_space<vmem_shared>>
        tpu.enqueue_indirect_dma source(%dma_start3A_151 : memref<128x16xf32, #tpu.memory_space<vmem>>) target(%dma_start3A_154 : memref<10240x16xf32, #tpu.memory_space<vmem_shared>>) offsets(%arg11 : memref<128xi32, #tpu.memory_space<vmem>>) semaphore(%run_scoped3A_147 : memref<!tpu.dma_semaphore, #tpu.memory_space<semaphore_mem>>) {add = true}
        %dma_wait3A_155 = arith.constant 0 : i32
        %dma_wait3A_156 = arith.constant 0 : i32
        %dma_wait3A_157 = tpu.memref_slice %arg14[%run_scoped3A_99, %dma_wait3A_155, %dma_wait3A_156] : memref<4x128x16xf32, #tpu.memory_space<vmem>> -> memref<1x128x16xf32, #tpu.memory_space<vmem>>
        %dma_wait3A_158 = tpu.memref_squeeze %dma_wait3A_157 : memref<1x128x16xf32, #tpu.memory_space<vmem>> -> memref<128x16xf32, #tpu.memory_space<vmem>>
        %dma_wait3A_159 = arith.constant 0 : i32
        %dma_wait3A_160 = arith.constant 0 : i32
        %dma_wait3A_161 = tpu.memref_slice %arg16[%dma_wait3A_159, %dma_wait3A_160] : memref<10240x16xf32, #tpu.memory_space<vmem_shared>> -> memref<10240x16xf32, #tpu.memory_space<vmem_shared>>
        tpu.wait_indirect_dma semaphore(%run_scoped3A_147 : memref<!tpu.dma_semaphore, #tpu.memory_space<semaphore_mem>>) src(%dma_wait3A_158 : memref<128x16xf32, #tpu.memory_space<vmem>>) dst(%dma_wait3A_161 : memref<10240x16xf32, #tpu.memory_space<vmem_shared>>)
        tpu.yield
      }) : () -> ()
      %add3A_100 = arith.constant 4 : i32
      %add3A_101 = arith.addi %add3A_90, %add3A_100 : i32
      %lt3A_102 = arith.constant 80 : i32
      %lt3A_103 = arith.cmpi slt, %add3A_101, %lt3A_102 : i32
      %convert_element_type3A_104 = arith.extui %lt3A_103 : i1 to i32
      %cond3A_105 = arith.constant 0 : i32
      %cond3A_106 = arith.cmpi ne, %convert_element_type3A_104, %cond3A_105 : i32
      scf.if %cond3A_106 {
        %add3A_147 = arith.constant 4 : i32
        %add3A_148 = arith.addi %add3A_90, %add3A_147 : i32
        %mul3A_149 = arith.constant 128 : i32
        %mul3A_150 = arith.muli %add3A_148, %mul3A_149 : i32
        %add3A_151 = arith.addi %mul3A_11, %mul3A_150 : i32
        "tpu.region"() ({
          %run_scoped3A_160 = tpu.sem_alloc : memref<!tpu.dma_semaphore, #tpu.memory_space<semaphore_mem>>
          %dma_start3A_161 = tpu.memref_slice %arg2[%add3A_151] : memref<327680xi32, #tpu.memory_space<hbm>> -> memref<128xi32, #tpu.memory_space<hbm>>
          %dma_start3A_162 = tpu.memref_slice %arg2[%add3A_151] : memref<327680xi32, #tpu.memory_space<hbm>> -> memref<128xi32, #tpu.memory_space<hbm>>
          tpu.enqueue_dma source(%dma_start3A_162 : memref<128xi32, #tpu.memory_space<hbm>>) target(%arg7 : memref<128xi32, #tpu.memory_space<vmem>>) target_semaphore(%run_scoped3A_160 : memref<!tpu.dma_semaphore, #tpu.memory_space<semaphore_mem>>)
          %dma_wait3A_163 = tpu.memref_slice %arg2[%add3A_151] : memref<327680xi32, #tpu.memory_space<hbm>> -> memref<128xi32, #tpu.memory_space<hbm>>
          %dma_wait3A_164 = tpu.memref_slice %arg2[%add3A_151] : memref<327680xi32, #tpu.memory_space<hbm>> -> memref<128xi32, #tpu.memory_space<hbm>>
          tpu.wait_dma2 semaphore(%run_scoped3A_160 : memref<!tpu.dma_semaphore, #tpu.memory_space<semaphore_mem>>) src(%dma_wait3A_164 : memref<128xi32, #tpu.memory_space<hbm>>) dst(%arg7 : memref<128xi32, #tpu.memory_space<vmem>>)
          tpu.yield
        }) : () -> ()
        "tpu.region"() ({
          %run_scoped3A_160 = tpu.sem_alloc : memref<!tpu.dma_semaphore, #tpu.memory_space<semaphore_mem>>
          %dma_start3A_161 = tpu.memref_slice %arg3[%add3A_151] : memref<327680xi32, #tpu.memory_space<hbm>> -> memref<128xi32, #tpu.memory_space<hbm>>
          %dma_start3A_162 = tpu.memref_slice %arg3[%add3A_151] : memref<327680xi32, #tpu.memory_space<hbm>> -> memref<128xi32, #tpu.memory_space<hbm>>
          tpu.enqueue_dma source(%dma_start3A_162 : memref<128xi32, #tpu.memory_space<hbm>>) target(%arg11 : memref<128xi32, #tpu.memory_space<vmem>>) target_semaphore(%run_scoped3A_160 : memref<!tpu.dma_semaphore, #tpu.memory_space<semaphore_mem>>)
          %dma_wait3A_163 = tpu.memref_slice %arg3[%add3A_151] : memref<327680xi32, #tpu.memory_space<hbm>> -> memref<128xi32, #tpu.memory_space<hbm>>
          %dma_wait3A_164 = tpu.memref_slice %arg3[%add3A_151] : memref<327680xi32, #tpu.memory_space<hbm>> -> memref<128xi32, #tpu.memory_space<hbm>>
          tpu.wait_dma2 semaphore(%run_scoped3A_160 : memref<!tpu.dma_semaphore, #tpu.memory_space<semaphore_mem>>) src(%dma_wait3A_164 : memref<128xi32, #tpu.memory_space<hbm>>) dst(%arg11 : memref<128xi32, #tpu.memory_space<vmem>>)
          tpu.yield
        }) : () -> ()
        %dma_start3A_152 = arith.constant 1 : i32
        %dma_start3A_153 = arith.constant 0 : i32
        %dma_start3A_154 = arith.constant 0 : i32
        %dma_start3A_155 = tpu.memref_slice %arg14[%dma_start3A_152, %dma_start3A_153, %dma_start3A_154] : memref<4x128x16xf32, #tpu.memory_space<vmem>> -> memref<1x128x16xf32, #tpu.memory_space<vmem>>
        %dma_start3A_156 = tpu.memref_squeeze %dma_start3A_155 : memref<1x128x16xf32, #tpu.memory_space<vmem>> -> memref<128x16xf32, #tpu.memory_space<vmem>>
        %dma_start3A_157 = arith.constant 0 : i32
        %dma_start3A_158 = arith.constant 0 : i32
        %dma_start3A_159 = tpu.memref_slice %arg4[%dma_start3A_157, %dma_start3A_158] : memref<10240x16xf32, #tpu.memory_space<hbm>> -> memref<10240x16xf32, #tpu.memory_space<hbm>>
        tpu.enqueue_indirect_dma source(%dma_start3A_159 : memref<10240x16xf32, #tpu.memory_space<hbm>>) target(%dma_start3A_156 : memref<128x16xf32, #tpu.memory_space<vmem>>) offsets(%arg7 : memref<128xi32, #tpu.memory_space<vmem>>) semaphore(%arg18 : memref<!tpu.dma_semaphore, #tpu.memory_space<semaphore_mem>>)
      } else {
      }
      %mul3A_107 = arith.constant 4 : i32
      %mul3A_108 = arith.muli %mul3A_107, %add3A_71 : i32
      %add3A_109 = arith.constant 2 : i32
      %add3A_110 = arith.addi %mul3A_108, %add3A_109 : i32
      %dma_wait3A_111 = arith.constant 2 : i32
      %dma_wait3A_112 = arith.constant 0 : i32
      %dma_wait3A_113 = arith.constant 0 : i32
      %dma_wait3A_114 = tpu.memref_slice %arg14[%dma_wait3A_111, %dma_wait3A_112, %dma_wait3A_113] : memref<4x128x16xf32, #tpu.memory_space<vmem>> -> memref<1x128x16xf32, #tpu.memory_space<vmem>>
      %dma_wait3A_115 = tpu.memref_squeeze %dma_wait3A_114 : memref<1x128x16xf32, #tpu.memory_space<vmem>> -> memref<128x16xf32, #tpu.memory_space<vmem>>
      %dma_wait3A_116 = arith.constant 0 : i32
      %dma_wait3A_117 = arith.constant 0 : i32
      %dma_wait3A_118 = tpu.memref_slice %arg4[%dma_wait3A_116, %dma_wait3A_117] : memref<10240x16xf32, #tpu.memory_space<hbm>> -> memref<10240x16xf32, #tpu.memory_space<hbm>>
      tpu.wait_indirect_dma semaphore(%arg19 : memref<!tpu.dma_semaphore, #tpu.memory_space<semaphore_mem>>) src(%dma_wait3A_118 : memref<10240x16xf32, #tpu.memory_space<hbm>>) dst(%dma_wait3A_115 : memref<128x16xf32, #tpu.memory_space<vmem>>)
      %run_scoped3A_119 = arith.constant 2 : i32
      "tpu.region"() ({
        %run_scoped3A_147 = tpu.sem_alloc : memref<!tpu.dma_semaphore, #tpu.memory_space<semaphore_mem>>
        %dma_start3A_148 = arith.constant 0 : i32
        %dma_start3A_149 = arith.constant 0 : i32
        %dma_start3A_150 = tpu.memref_slice %arg14[%run_scoped3A_119, %dma_start3A_148, %dma_start3A_149] : memref<4x128x16xf32, #tpu.memory_space<vmem>> -> memref<1x128x16xf32, #tpu.memory_space<vmem>>
        %dma_start3A_151 = tpu.memref_squeeze %dma_start3A_150 : memref<1x128x16xf32, #tpu.memory_space<vmem>> -> memref<128x16xf32, #tpu.memory_space<vmem>>
        %dma_start3A_152 = arith.constant 0 : i32
        %dma_start3A_153 = arith.constant 0 : i32
        %dma_start3A_154 = tpu.memref_slice %arg16[%dma_start3A_152, %dma_start3A_153] : memref<10240x16xf32, #tpu.memory_space<vmem_shared>> -> memref<10240x16xf32, #tpu.memory_space<vmem_shared>>
        tpu.enqueue_indirect_dma source(%dma_start3A_151 : memref<128x16xf32, #tpu.memory_space<vmem>>) target(%dma_start3A_154 : memref<10240x16xf32, #tpu.memory_space<vmem_shared>>) offsets(%arg12 : memref<128xi32, #tpu.memory_space<vmem>>) semaphore(%run_scoped3A_147 : memref<!tpu.dma_semaphore, #tpu.memory_space<semaphore_mem>>) {add = true}
        %dma_wait3A_155 = arith.constant 0 : i32
        %dma_wait3A_156 = arith.constant 0 : i32
        %dma_wait3A_157 = tpu.memref_slice %arg14[%run_scoped3A_119, %dma_wait3A_155, %dma_wait3A_156] : memref<4x128x16xf32, #tpu.memory_space<vmem>> -> memref<1x128x16xf32, #tpu.memory_space<vmem>>
        %dma_wait3A_158 = tpu.memref_squeeze %dma_wait3A_157 : memref<1x128x16xf32, #tpu.memory_space<vmem>> -> memref<128x16xf32, #tpu.memory_space<vmem>>
        %dma_wait3A_159 = arith.constant 0 : i32
        %dma_wait3A_160 = arith.constant 0 : i32
        %dma_wait3A_161 = tpu.memref_slice %arg16[%dma_wait3A_159, %dma_wait3A_160] : memref<10240x16xf32, #tpu.memory_space<vmem_shared>> -> memref<10240x16xf32, #tpu.memory_space<vmem_shared>>
        tpu.wait_indirect_dma semaphore(%run_scoped3A_147 : memref<!tpu.dma_semaphore, #tpu.memory_space<semaphore_mem>>) src(%dma_wait3A_158 : memref<128x16xf32, #tpu.memory_space<vmem>>) dst(%dma_wait3A_161 : memref<10240x16xf32, #tpu.memory_space<vmem_shared>>)
        tpu.yield
      }) : () -> ()
      %add3A_120 = arith.constant 4 : i32
      %add3A_121 = arith.addi %add3A_110, %add3A_120 : i32
      %lt3A_122 = arith.constant 80 : i32
      %lt3A_123 = arith.cmpi slt, %add3A_121, %lt3A_122 : i32
      %convert_element_type3A_124 = arith.extui %lt3A_123 : i1 to i32
      %cond3A_125 = arith.constant 0 : i32
      %cond3A_126 = arith.cmpi ne, %convert_element_type3A_124, %cond3A_125 : i32
      scf.if %cond3A_126 {
        %add3A_147 = arith.constant 4 : i32
        %add3A_148 = arith.addi %add3A_110, %add3A_147 : i32
        %mul3A_149 = arith.constant 128 : i32
        %mul3A_150 = arith.muli %add3A_148, %mul3A_149 : i32
        %add3A_151 = arith.addi %mul3A_11, %mul3A_150 : i32
        "tpu.region"() ({
          %run_scoped3A_160 = tpu.sem_alloc : memref<!tpu.dma_semaphore, #tpu.memory_space<semaphore_mem>>
          %dma_start3A_161 = tpu.memref_slice %arg2[%add3A_151] : memref<327680xi32, #tpu.memory_space<hbm>> -> memref<128xi32, #tpu.memory_space<hbm>>
          %dma_start3A_162 = tpu.memref_slice %arg2[%add3A_151] : memref<327680xi32, #tpu.memory_space<hbm>> -> memref<128xi32, #tpu.memory_space<hbm>>
          tpu.enqueue_dma source(%dma_start3A_162 : memref<128xi32, #tpu.memory_space<hbm>>) target(%arg8 : memref<128xi32, #tpu.memory_space<vmem>>) target_semaphore(%run_scoped3A_160 : memref<!tpu.dma_semaphore, #tpu.memory_space<semaphore_mem>>)
          %dma_wait3A_163 = tpu.memref_slice %arg2[%add3A_151] : memref<327680xi32, #tpu.memory_space<hbm>> -> memref<128xi32, #tpu.memory_space<hbm>>
          %dma_wait3A_164 = tpu.memref_slice %arg2[%add3A_151] : memref<327680xi32, #tpu.memory_space<hbm>> -> memref<128xi32, #tpu.memory_space<hbm>>
          tpu.wait_dma2 semaphore(%run_scoped3A_160 : memref<!tpu.dma_semaphore, #tpu.memory_space<semaphore_mem>>) src(%dma_wait3A_164 : memref<128xi32, #tpu.memory_space<hbm>>) dst(%arg8 : memref<128xi32, #tpu.memory_space<vmem>>)
          tpu.yield
        }) : () -> ()
        "tpu.region"() ({
          %run_scoped3A_160 = tpu.sem_alloc : memref<!tpu.dma_semaphore, #tpu.memory_space<semaphore_mem>>
          %dma_start3A_161 = tpu.memref_slice %arg3[%add3A_151] : memref<327680xi32, #tpu.memory_space<hbm>> -> memref<128xi32, #tpu.memory_space<hbm>>
          %dma_start3A_162 = tpu.memref_slice %arg3[%add3A_151] : memref<327680xi32, #tpu.memory_space<hbm>> -> memref<128xi32, #tpu.memory_space<hbm>>
          tpu.enqueue_dma source(%dma_start3A_162 : memref<128xi32, #tpu.memory_space<hbm>>) target(%arg12 : memref<128xi32, #tpu.memory_space<vmem>>) target_semaphore(%run_scoped3A_160 : memref<!tpu.dma_semaphore, #tpu.memory_space<semaphore_mem>>)
          %dma_wait3A_163 = tpu.memref_slice %arg3[%add3A_151] : memref<327680xi32, #tpu.memory_space<hbm>> -> memref<128xi32, #tpu.memory_space<hbm>>
          %dma_wait3A_164 = tpu.memref_slice %arg3[%add3A_151] : memref<327680xi32, #tpu.memory_space<hbm>> -> memref<128xi32, #tpu.memory_space<hbm>>
          tpu.wait_dma2 semaphore(%run_scoped3A_160 : memref<!tpu.dma_semaphore, #tpu.memory_space<semaphore_mem>>) src(%dma_wait3A_164 : memref<128xi32, #tpu.memory_space<hbm>>) dst(%arg12 : memref<128xi32, #tpu.memory_space<vmem>>)
          tpu.yield
        }) : () -> ()
        %dma_start3A_152 = arith.constant 2 : i32
        %dma_start3A_153 = arith.constant 0 : i32
        %dma_start3A_154 = arith.constant 0 : i32
        %dma_start3A_155 = tpu.memref_slice %arg14[%dma_start3A_152, %dma_start3A_153, %dma_start3A_154] : memref<4x128x16xf32, #tpu.memory_space<vmem>> -> memref<1x128x16xf32, #tpu.memory_space<vmem>>
        %dma_start3A_156 = tpu.memref_squeeze %dma_start3A_155 : memref<1x128x16xf32, #tpu.memory_space<vmem>> -> memref<128x16xf32, #tpu.memory_space<vmem>>
        %dma_start3A_157 = arith.constant 0 : i32
        %dma_start3A_158 = arith.constant 0 : i32
        %dma_start3A_159 = tpu.memref_slice %arg4[%dma_start3A_157, %dma_start3A_158] : memref<10240x16xf32, #tpu.memory_space<hbm>> -> memref<10240x16xf32, #tpu.memory_space<hbm>>
        tpu.enqueue_indirect_dma source(%dma_start3A_159 : memref<10240x16xf32, #tpu.memory_space<hbm>>) target(%dma_start3A_156 : memref<128x16xf32, #tpu.memory_space<vmem>>) offsets(%arg8 : memref<128xi32, #tpu.memory_space<vmem>>) semaphore(%arg19 : memref<!tpu.dma_semaphore, #tpu.memory_space<semaphore_mem>>)
      } else {
      }
      %mul3A_127 = arith.constant 4 : i32
      %mul3A_128 = arith.muli %mul3A_127, %add3A_71 : i32
      %add3A_129 = arith.constant 3 : i32
      %add3A_130 = arith.addi %mul3A_128, %add3A_129 : i32
      %dma_wait3A_131 = arith.constant 3 : i32
      %dma_wait3A_132 = arith.constant 0 : i32
      %dma_wait3A_133 = arith.constant 0 : i32
      %dma_wait3A_134 = tpu.memref_slice %arg14[%dma_wait3A_131, %dma_wait3A_132, %dma_wait3A_133] : memref<4x128x16xf32, #tpu.memory_space<vmem>> -> memref<1x128x16xf32, #tpu.memory_space<vmem>>
      %dma_wait3A_135 = tpu.memref_squeeze %dma_wait3A_134 : memref<1x128x16xf32, #tpu.memory_space<vmem>> -> memref<128x16xf32, #tpu.memory_space<vmem>>
      %dma_wait3A_136 = arith.constant 0 : i32
      %dma_wait3A_137 = arith.constant 0 : i32
      %dma_wait3A_138 = tpu.memref_slice %arg4[%dma_wait3A_136, %dma_wait3A_137] : memref<10240x16xf32, #tpu.memory_space<hbm>> -> memref<10240x16xf32, #tpu.memory_space<hbm>>
      tpu.wait_indirect_dma semaphore(%arg20 : memref<!tpu.dma_semaphore, #tpu.memory_space<semaphore_mem>>) src(%dma_wait3A_138 : memref<10240x16xf32, #tpu.memory_space<hbm>>) dst(%dma_wait3A_135 : memref<128x16xf32, #tpu.memory_space<vmem>>)
      %run_scoped3A_139 = arith.constant 3 : i32
      "tpu.region"() ({
        %run_scoped3A_147 = tpu.sem_alloc : memref<!tpu.dma_semaphore, #tpu.memory_space<semaphore_mem>>
        %dma_start3A_148 = arith.constant 0 : i32
        %dma_start3A_149 = arith.constant 0 : i32
        %dma_start3A_150 = tpu.memref_slice %arg14[%run_scoped3A_139, %dma_start3A_148, %dma_start3A_149] : memref<4x128x16xf32, #tpu.memory_space<vmem>> -> memref<1x128x16xf32, #tpu.memory_space<vmem>>
        %dma_start3A_151 = tpu.memref_squeeze %dma_start3A_150 : memref<1x128x16xf32, #tpu.memory_space<vmem>> -> memref<128x16xf32, #tpu.memory_space<vmem>>
        %dma_start3A_152 = arith.constant 0 : i32
        %dma_start3A_153 = arith.constant 0 : i32
        %dma_start3A_154 = tpu.memref_slice %arg16[%dma_start3A_152, %dma_start3A_153] : memref<10240x16xf32, #tpu.memory_space<vmem_shared>> -> memref<10240x16xf32, #tpu.memory_space<vmem_shared>>
        tpu.enqueue_indirect_dma source(%dma_start3A_151 : memref<128x16xf32, #tpu.memory_space<vmem>>) target(%dma_start3A_154 : memref<10240x16xf32, #tpu.memory_space<vmem_shared>>) offsets(%arg13 : memref<128xi32, #tpu.memory_space<vmem>>) semaphore(%run_scoped3A_147 : memref<!tpu.dma_semaphore, #tpu.memory_space<semaphore_mem>>) {add = true}
        %dma_wait3A_155 = arith.constant 0 : i32
        %dma_wait3A_156 = arith.constant 0 : i32
        %dma_wait3A_157 = tpu.memref_slice %arg14[%run_scoped3A_139, %dma_wait3A_155, %dma_wait3A_156] : memref<4x128x16xf32, #tpu.memory_space<vmem>> -> memref<1x128x16xf32, #tpu.memory_space<vmem>>
        %dma_wait3A_158 = tpu.memref_squeeze %dma_wait3A_157 : memref<1x128x16xf32, #tpu.memory_space<vmem>> -> memref<128x16xf32, #tpu.memory_space<vmem>>
        %dma_wait3A_159 = arith.constant 0 : i32
        %dma_wait3A_160 = arith.constant 0 : i32
        %dma_wait3A_161 = tpu.memref_slice %arg16[%dma_wait3A_159, %dma_wait3A_160] : memref<10240x16xf32, #tpu.memory_space<vmem_shared>> -> memref<10240x16xf32, #tpu.memory_space<vmem_shared>>
        tpu.wait_indirect_dma semaphore(%run_scoped3A_147 : memref<!tpu.dma_semaphore, #tpu.memory_space<semaphore_mem>>) src(%dma_wait3A_158 : memref<128x16xf32, #tpu.memory_space<vmem>>) dst(%dma_wait3A_161 : memref<10240x16xf32, #tpu.memory_space<vmem_shared>>)
        tpu.yield
      }) : () -> ()
      %add3A_140 = arith.constant 4 : i32
      %add3A_141 = arith.addi %add3A_130, %add3A_140 : i32
      %lt3A_142 = arith.constant 80 : i32
      %lt3A_143 = arith.cmpi slt, %add3A_141, %lt3A_142 : i32
      %convert_element_type3A_144 = arith.extui %lt3A_143 : i1 to i32
      %cond3A_145 = arith.constant 0 : i32
      %cond3A_146 = arith.cmpi ne, %convert_element_type3A_144, %cond3A_145 : i32
      scf.if %cond3A_146 {
        %add3A_147 = arith.constant 4 : i32
        %add3A_148 = arith.addi %add3A_130, %add3A_147 : i32
        %mul3A_149 = arith.constant 128 : i32
        %mul3A_150 = arith.muli %add3A_148, %mul3A_149 : i32
        %add3A_151 = arith.addi %mul3A_11, %mul3A_150 : i32
        "tpu.region"() ({
          %run_scoped3A_160 = tpu.sem_alloc : memref<!tpu.dma_semaphore, #tpu.memory_space<semaphore_mem>>
          %dma_start3A_161 = tpu.memref_slice %arg2[%add3A_151] : memref<327680xi32, #tpu.memory_space<hbm>> -> memref<128xi32, #tpu.memory_space<hbm>>
          %dma_start3A_162 = tpu.memref_slice %arg2[%add3A_151] : memref<327680xi32, #tpu.memory_space<hbm>> -> memref<128xi32, #tpu.memory_space<hbm>>
          tpu.enqueue_dma source(%dma_start3A_162 : memref<128xi32, #tpu.memory_space<hbm>>) target(%arg9 : memref<128xi32, #tpu.memory_space<vmem>>) target_semaphore(%run_scoped3A_160 : memref<!tpu.dma_semaphore, #tpu.memory_space<semaphore_mem>>)
          %dma_wait3A_163 = tpu.memref_slice %arg2[%add3A_151] : memref<327680xi32, #tpu.memory_space<hbm>> -> memref<128xi32, #tpu.memory_space<hbm>>
          %dma_wait3A_164 = tpu.memref_slice %arg2[%add3A_151] : memref<327680xi32, #tpu.memory_space<hbm>> -> memref<128xi32, #tpu.memory_space<hbm>>
          tpu.wait_dma2 semaphore(%run_scoped3A_160 : memref<!tpu.dma_semaphore, #tpu.memory_space<semaphore_mem>>) src(%dma_wait3A_164 : memref<128xi32, #tpu.memory_space<hbm>>) dst(%arg9 : memref<128xi32, #tpu.memory_space<vmem>>)
          tpu.yield
        }) : () -> ()
        "tpu.region"() ({
          %run_scoped3A_160 = tpu.sem_alloc : memref<!tpu.dma_semaphore, #tpu.memory_space<semaphore_mem>>
          %dma_start3A_161 = tpu.memref_slice %arg3[%add3A_151] : memref<327680xi32, #tpu.memory_space<hbm>> -> memref<128xi32, #tpu.memory_space<hbm>>
          %dma_start3A_162 = tpu.memref_slice %arg3[%add3A_151] : memref<327680xi32, #tpu.memory_space<hbm>> -> memref<128xi32, #tpu.memory_space<hbm>>
          tpu.enqueue_dma source(%dma_start3A_162 : memref<128xi32, #tpu.memory_space<hbm>>) target(%arg13 : memref<128xi32, #tpu.memory_space<vmem>>) target_semaphore(%run_scoped3A_160 : memref<!tpu.dma_semaphore, #tpu.memory_space<semaphore_mem>>)
          %dma_wait3A_163 = tpu.memref_slice %arg3[%add3A_151] : memref<327680xi32, #tpu.memory_space<hbm>> -> memref<128xi32, #tpu.memory_space<hbm>>
          %dma_wait3A_164 = tpu.memref_slice %arg3[%add3A_151] : memref<327680xi32, #tpu.memory_space<hbm>> -> memref<128xi32, #tpu.memory_space<hbm>>
          tpu.wait_dma2 semaphore(%run_scoped3A_160 : memref<!tpu.dma_semaphore, #tpu.memory_space<semaphore_mem>>) src(%dma_wait3A_164 : memref<128xi32, #tpu.memory_space<hbm>>) dst(%arg13 : memref<128xi32, #tpu.memory_space<vmem>>)
          tpu.yield
        }) : () -> ()
        %dma_start3A_152 = arith.constant 3 : i32
        %dma_start3A_153 = arith.constant 0 : i32
        %dma_start3A_154 = arith.constant 0 : i32
        %dma_start3A_155 = tpu.memref_slice %arg14[%dma_start3A_152, %dma_start3A_153, %dma_start3A_154] : memref<4x128x16xf32, #tpu.memory_space<vmem>> -> memref<1x128x16xf32, #tpu.memory_space<vmem>>
        %dma_start3A_156 = tpu.memref_squeeze %dma_start3A_155 : memref<1x128x16xf32, #tpu.memory_space<vmem>> -> memref<128x16xf32, #tpu.memory_space<vmem>>
        %dma_start3A_157 = arith.constant 0 : i32
        %dma_start3A_158 = arith.constant 0 : i32
        %dma_start3A_159 = tpu.memref_slice %arg4[%dma_start3A_157, %dma_start3A_158] : memref<10240x16xf32, #tpu.memory_space<hbm>> -> memref<10240x16xf32, #tpu.memory_space<hbm>>
        tpu.enqueue_indirect_dma source(%dma_start3A_159 : memref<10240x16xf32, #tpu.memory_space<hbm>>) target(%dma_start3A_156 : memref<128x16xf32, #tpu.memory_space<vmem>>) offsets(%arg9 : memref<128xi32, #tpu.memory_space<vmem>>) semaphore(%arg20 : memref<!tpu.dma_semaphore, #tpu.memory_space<semaphore_mem>>)
      } else {
      }
    }
    %scan3A_63 = arith.constant 20 : i32
    %barrier3A_64 = arith.constant 0 : index
    tpu.barrier barrier_id(%barrier3A_64)
    %mul3A_65 = arith.constant 640 : i32
    %mul3A_66 = arith.muli %arg1, %mul3A_65 : i32
    "tpu.region"() ({
      %run_scoped3A = tpu.sem_alloc : memref<!tpu.dma_semaphore, #tpu.memory_space<semaphore_mem>>
      %dma_start3A_67 = arith.constant 0 : i32
      %dma_start3A_68 = tpu.memref_slice %arg5[%arg0, %mul3A_66, %dma_start3A_67] : memref<2x10240x16xf32, #tpu.memory_space<hbm>> -> memref<1x640x16xf32, #tpu.memory_space<hbm>>
      %dma_start3A_69 = tpu.memref_squeeze %dma_start3A_68 : memref<1x640x16xf32, #tpu.memory_space<hbm>> -> memref<640x16xf32, #tpu.memory_space<hbm>>
      %dma_start3A_70 = arith.constant 0 : i32
      %dma_start3A_71 = tpu.memref_slice %arg16[%mul3A_66, %dma_start3A_70] : memref<10240x16xf32, #tpu.memory_space<vmem_shared>> -> memref<640x16xf32, #tpu.memory_space<vmem_shared>>
      tpu.enqueue_dma source(%dma_start3A_71 : memref<640x16xf32, #tpu.memory_space<vmem_shared>>) target(%dma_start3A_69 : memref<640x16xf32, #tpu.memory_space<hbm>>) target_semaphore(%run_scoped3A : memref<!tpu.dma_semaphore, #tpu.memory_space<semaphore_mem>>)
      %dma_wait3A = arith.constant 0 : i32
      %dma_wait3A_72 = tpu.memref_slice %arg5[%arg0, %mul3A_66, %dma_wait3A] : memref<2x10240x16xf32, #tpu.memory_space<hbm>> -> memref<1x640x16xf32, #tpu.memory_space<hbm>>
      %dma_wait3A_73 = tpu.memref_squeeze %dma_wait3A_72 : memref<1x640x16xf32, #tpu.memory_space<hbm>> -> memref<640x16xf32, #tpu.memory_space<hbm>>
      %dma_wait3A_74 = arith.constant 0 : i32
      %dma_wait3A_75 = tpu.memref_slice %arg16[%mul3A_66, %dma_wait3A_74] : memref<10240x16xf32, #tpu.memory_space<vmem_shared>> -> memref<640x16xf32, #tpu.memory_space<vmem_shared>>
      tpu.wait_dma2 semaphore(%run_scoped3A : memref<!tpu.dma_semaphore, #tpu.memory_space<semaphore_mem>>) src(%dma_wait3A_75 : memref<640x16xf32, #tpu.memory_space<vmem_shared>>) dst(%dma_wait3A_73 : memref<640x16xf32, #tpu.memory_space<hbm>>)
      tpu.yield
    }) : () -> ()
    return
  }
}

#map = affine_map<(d0, d1) -> (0)>
#map1 = affine_map<(d0, d1) -> (0, 0)>
#map2 = affine_map<(d0, d1) -> (0, 0, 0)>
module attributes {stable_mosaic.version = 14 : i64} {
  func.func @_sc_agg1(%arg0: i32, %arg1: i32, %arg2: memref<327680xi32, #tpu.memory_space<hbm>>, %arg3: memref<327680xi32, #tpu.memory_space<hbm>>, %arg4: memref<10240x128xf32, #tpu.memory_space<hbm>>, %arg5: memref<2x10240x128xf32, #tpu.memory_space<hbm>>, %arg6: memref<64xi32, #tpu.memory_space<vmem>>, %arg7: memref<64xi32, #tpu.memory_space<vmem>>, %arg8: memref<64xi32, #tpu.memory_space<vmem>>, %arg9: memref<64xi32, #tpu.memory_space<vmem>>, %arg10: memref<64xi32, #tpu.memory_space<vmem>>, %arg11: memref<64xi32, #tpu.memory_space<vmem>>, %arg12: memref<64xi32, #tpu.memory_space<vmem>>, %arg13: memref<64xi32, #tpu.memory_space<vmem>>, %arg14: memref<4x64x128xf32, #tpu.memory_space<vmem>>, %arg15: memref<8x128xf32, #tpu.memory_space<vmem>>, %arg16: memref<10240x128xf32, #tpu.memory_space<vmem_shared>>, %arg17: memref<!tpu.dma_semaphore, #tpu.memory_space<semaphore_mem>>, %arg18: memref<!tpu.dma_semaphore, #tpu.memory_space<semaphore_mem>>, %arg19: memref<!tpu.dma_semaphore, #tpu.memory_space<semaphore_mem>>, %arg20: memref<!tpu.dma_semaphore, #tpu.memory_space<semaphore_mem>>, %arg21: memref<!tpu.dma_semaphore, #tpu.memory_space<semaphore_mem>>, %arg22: memref<!tpu.dma_semaphore, #tpu.memory_space<semaphore_mem>>, %arg23: memref<!tpu.dma_semaphore, #tpu.memory_space<semaphore_mem>>, %arg24: memref<!tpu.dma_semaphore, #tpu.memory_space<semaphore_mem>>, %arg25: memref<!tpu.dma_semaphore, #tpu.memory_space<semaphore_mem>>, %arg26: memref<!tpu.dma_semaphore, #tpu.memory_space<semaphore_mem>>, %arg27: memref<!tpu.dma_semaphore, #tpu.memory_space<semaphore_mem>>, %arg28: memref<!tpu.dma_semaphore, #tpu.memory_space<semaphore_mem>>, %arg29: memref<!tpu.dma_semaphore, #tpu.memory_space<semaphore_mem>>, %arg30: memref<!tpu.dma_semaphore, #tpu.memory_space<semaphore_mem>>, %arg31: memref<!tpu.dma_semaphore, #tpu.memory_space<semaphore_mem>>, %arg32: memref<!tpu.dma_semaphore, #tpu.memory_space<semaphore_mem>>) attributes {dimension_semantics = [#tpu.dimension_semantics<core_parallel>, #tpu.dimension_semantics<subcore_parallel>], iteration_bounds = array<i64: 2, 16>, scalar_prefetch = 0 : i64, scratch_operands = 27 : i64, tpu.core_type = #tpu.core_type<sc_vector_subcore>, window_params = [{transform_indices = #map}, {transform_indices = #map}, {transform_indices = #map1}, {transform_indices = #map2}]} {
    %mul3A = arith.constant 16 : i32
    %mul3A_0 = arith.muli %arg0, %mul3A : i32
    %add3A = arith.addi %mul3A_0, %arg1 : i32
    %scan3A = arith.constant 0 : i32
    %scan3A_1 = arith.constant 8 : i32
    %scan3A_2 = arith.addi %scan3A, %scan3A_1 : i32
    %scan3A_3 = arith.constant 1 : i32
    scf.for %scan3A_66 = %scan3A to %scan3A_2 step %scan3A_3  : i32 {
      %mul3A_67 = arith.constant 1 : i32
      %mul3A_68 = arith.muli %scan3A_66, %mul3A_67 : i32
      %add3A_69 = arith.constant 0 : i32
      %add3A_70 = arith.addi %add3A_69, %mul3A_68 : i32
      %broadcast_in_dim3A = arith.constant 0.000000e+00 : f32
      %broadcast_in_dim3A_71 = vector.broadcast %broadcast_in_dim3A : f32 to vector<16xf32>
      %swap3A = arith.index_cast %add3A_70 : i32 to index
      %swap3A_72 = arith.constant 0 : index
      %swap3A_73 = tpu.vector_load %arg15[%swap3A, %swap3A_72] {strides = array<i32>} : memref<8x128xf32, #tpu.memory_space<vmem>>, vector<1x16xf32>,
      %swap3A_74 = vector.shape_cast %swap3A_73 : vector<1x16xf32> to vector<16xf32>
      %swap3A_75 = vector.shape_cast %broadcast_in_dim3A_71 : vector<16xf32> to vector<1x16xf32>
      tpu.vector_store %arg15[%swap3A, %swap3A_72], %swap3A_75 {strides = array<i32>} : memref<8x128xf32, #tpu.memory_space<vmem>>, vector<1x16xf32>,
      %broadcast_in_dim3A_76 = arith.constant 0.000000e+00 : f32
      %broadcast_in_dim3A_77 = vector.broadcast %broadcast_in_dim3A_76 : f32 to vector<16xf32>
      %swap3A_78 = arith.index_cast %add3A_70 : i32 to index
      %swap3A_79 = arith.constant 16 : index
      %swap3A_80 = tpu.vector_load %arg15[%swap3A_78, %swap3A_79] {strides = array<i32>} : memref<8x128xf32, #tpu.memory_space<vmem>>, vector<1x16xf32>,
      %swap3A_81 = vector.shape_cast %swap3A_80 : vector<1x16xf32> to vector<16xf32>
      %swap3A_82 = vector.shape_cast %broadcast_in_dim3A_77 : vector<16xf32> to vector<1x16xf32>
      tpu.vector_store %arg15[%swap3A_78, %swap3A_79], %swap3A_82 {strides = array<i32>} : memref<8x128xf32, #tpu.memory_space<vmem>>, vector<1x16xf32>,
      %broadcast_in_dim3A_83 = arith.constant 0.000000e+00 : f32
      %broadcast_in_dim3A_84 = vector.broadcast %broadcast_in_dim3A_83 : f32 to vector<16xf32>
      %swap3A_85 = arith.index_cast %add3A_70 : i32 to index
      %swap3A_86 = arith.constant 32 : index
      %swap3A_87 = tpu.vector_load %arg15[%swap3A_85, %swap3A_86] {strides = array<i32>} : memref<8x128xf32, #tpu.memory_space<vmem>>, vector<1x16xf32>,
      %swap3A_88 = vector.shape_cast %swap3A_87 : vector<1x16xf32> to vector<16xf32>
      %swap3A_89 = vector.shape_cast %broadcast_in_dim3A_84 : vector<16xf32> to vector<1x16xf32>
      tpu.vector_store %arg15[%swap3A_85, %swap3A_86], %swap3A_89 {strides = array<i32>} : memref<8x128xf32, #tpu.memory_space<vmem>>, vector<1x16xf32>,
      %broadcast_in_dim3A_90 = arith.constant 0.000000e+00 : f32
      %broadcast_in_dim3A_91 = vector.broadcast %broadcast_in_dim3A_90 : f32 to vector<16xf32>
      %swap3A_92 = arith.index_cast %add3A_70 : i32 to index
      %swap3A_93 = arith.constant 48 : index
      %swap3A_94 = tpu.vector_load %arg15[%swap3A_92, %swap3A_93] {strides = array<i32>} : memref<8x128xf32, #tpu.memory_space<vmem>>, vector<1x16xf32>,
      %swap3A_95 = vector.shape_cast %swap3A_94 : vector<1x16xf32> to vector<16xf32>
      %swap3A_96 = vector.shape_cast %broadcast_in_dim3A_91 : vector<16xf32> to vector<1x16xf32>
      tpu.vector_store %arg15[%swap3A_92, %swap3A_93], %swap3A_96 {strides = array<i32>} : memref<8x128xf32, #tpu.memory_space<vmem>>, vector<1x16xf32>,
      %broadcast_in_dim3A_97 = arith.constant 0.000000e+00 : f32
      %broadcast_in_dim3A_98 = vector.broadcast %broadcast_in_dim3A_97 : f32 to vector<16xf32>
      %swap3A_99 = arith.index_cast %add3A_70 : i32 to index
      %swap3A_100 = arith.constant 64 : index
      %swap3A_101 = tpu.vector_load %arg15[%swap3A_99, %swap3A_100] {strides = array<i32>} : memref<8x128xf32, #tpu.memory_space<vmem>>, vector<1x16xf32>,
      %swap3A_102 = vector.shape_cast %swap3A_101 : vector<1x16xf32> to vector<16xf32>
      %swap3A_103 = vector.shape_cast %broadcast_in_dim3A_98 : vector<16xf32> to vector<1x16xf32>
      tpu.vector_store %arg15[%swap3A_99, %swap3A_100], %swap3A_103 {strides = array<i32>} : memref<8x128xf32, #tpu.memory_space<vmem>>, vector<1x16xf32>,
      %broadcast_in_dim3A_104 = arith.constant 0.000000e+00 : f32
      %broadcast_in_dim3A_105 = vector.broadcast %broadcast_in_dim3A_104 : f32 to vector<16xf32>
      %swap3A_106 = arith.index_cast %add3A_70 : i32 to index
      %swap3A_107 = arith.constant 80 : index
      %swap3A_108 = tpu.vector_load %arg15[%swap3A_106, %swap3A_107] {strides = array<i32>} : memref<8x128xf32, #tpu.memory_space<vmem>>, vector<1x16xf32>,
      %swap3A_109 = vector.shape_cast %swap3A_108 : vector<1x16xf32> to vector<16xf32>
      %swap3A_110 = vector.shape_cast %broadcast_in_dim3A_105 : vector<16xf32> to vector<1x16xf32>
      tpu.vector_store %arg15[%swap3A_106, %swap3A_107], %swap3A_110 {strides = array<i32>} : memref<8x128xf32, #tpu.memory_space<vmem>>, vector<1x16xf32>,
      %broadcast_in_dim3A_111 = arith.constant 0.000000e+00 : f32
      %broadcast_in_dim3A_112 = vector.broadcast %broadcast_in_dim3A_111 : f32 to vector<16xf32>
      %swap3A_113 = arith.index_cast %add3A_70 : i32 to index
      %swap3A_114 = arith.constant 96 : index
      %swap3A_115 = tpu.vector_load %arg15[%swap3A_113, %swap3A_114] {strides = array<i32>} : memref<8x128xf32, #tpu.memory_space<vmem>>, vector<1x16xf32>,
      %swap3A_116 = vector.shape_cast %swap3A_115 : vector<1x16xf32> to vector<16xf32>
      %swap3A_117 = vector.shape_cast %broadcast_in_dim3A_112 : vector<16xf32> to vector<1x16xf32>
      tpu.vector_store %arg15[%swap3A_113, %swap3A_114], %swap3A_117 {strides = array<i32>} : memref<8x128xf32, #tpu.memory_space<vmem>>, vector<1x16xf32>,
      %broadcast_in_dim3A_118 = arith.constant 0.000000e+00 : f32
      %broadcast_in_dim3A_119 = vector.broadcast %broadcast_in_dim3A_118 : f32 to vector<16xf32>
      %swap3A_120 = arith.index_cast %add3A_70 : i32 to index
      %swap3A_121 = arith.constant 112 : index
      %swap3A_122 = tpu.vector_load %arg15[%swap3A_120, %swap3A_121] {strides = array<i32>} : memref<8x128xf32, #tpu.memory_space<vmem>>, vector<1x16xf32>,
      %swap3A_123 = vector.shape_cast %swap3A_122 : vector<1x16xf32> to vector<16xf32>
      %swap3A_124 = vector.shape_cast %broadcast_in_dim3A_119 : vector<16xf32> to vector<1x16xf32>
      tpu.vector_store %arg15[%swap3A_120, %swap3A_121], %swap3A_124 {strides = array<i32>} : memref<8x128xf32, #tpu.memory_space<vmem>>, vector<1x16xf32>,
    }
    %scan3A_4 = arith.constant 8 : i32
    %scan3A_5 = arith.constant 0 : i32
    %scan3A_6 = arith.constant 80 : i32
    %scan3A_7 = arith.addi %scan3A_5, %scan3A_6 : i32
    %scan3A_8 = arith.constant 1 : i32
    scf.for %scan3A_66 = %scan3A_5 to %scan3A_7 step %scan3A_8  : i32 {
      %mul3A_67 = arith.constant 1 : i32
      %mul3A_68 = arith.muli %scan3A_66, %mul3A_67 : i32
      %add3A_69 = arith.constant 0 : i32
      %add3A_70 = arith.addi %add3A_69, %mul3A_68 : i32
      %mul3A_71 = arith.constant 640 : i32
      %mul3A_72 = arith.muli %arg1, %mul3A_71 : i32
      %mul3A_73 = arith.constant 8 : i32
      %mul3A_74 = arith.muli %add3A_70, %mul3A_73 : i32
      %add3A_75 = arith.addi %mul3A_72, %mul3A_74 : i32
      "tpu.region"() ({
        %run_scoped3A = tpu.sem_alloc : memref<!tpu.dma_semaphore, #tpu.memory_space<semaphore_mem>>
        %dma_start3A_76 = arith.constant 0 : i32
        %dma_start3A_77 = tpu.memref_slice %arg16[%add3A_75, %dma_start3A_76] : memref<10240x128xf32, #tpu.memory_space<vmem_shared>> -> memref<8x128xf32, #tpu.memory_space<vmem_shared>>
        %dma_start3A_78 = arith.constant 0 : i32
        %dma_start3A_79 = tpu.memref_slice %arg16[%add3A_75, %dma_start3A_78] : memref<10240x128xf32, #tpu.memory_space<vmem_shared>> -> memref<8x128xf32, #tpu.memory_space<vmem_shared>>
        tpu.enqueue_dma source(%arg15 : memref<8x128xf32, #tpu.memory_space<vmem>>) target(%dma_start3A_79 : memref<8x128xf32, #tpu.memory_space<vmem_shared>>) target_semaphore(%run_scoped3A : memref<!tpu.dma_semaphore, #tpu.memory_space<semaphore_mem>>)
        %dma_wait3A_80 = arith.constant 0 : i32
        %dma_wait3A_81 = tpu.memref_slice %arg16[%add3A_75, %dma_wait3A_80] : memref<10240x128xf32, #tpu.memory_space<vmem_shared>> -> memref<8x128xf32, #tpu.memory_space<vmem_shared>>
        %dma_wait3A_82 = arith.constant 0 : i32
        %dma_wait3A_83 = tpu.memref_slice %arg16[%add3A_75, %dma_wait3A_82] : memref<10240x128xf32, #tpu.memory_space<vmem_shared>> -> memref<8x128xf32, #tpu.memory_space<vmem_shared>>
        tpu.wait_dma2 semaphore(%run_scoped3A : memref<!tpu.dma_semaphore, #tpu.memory_space<semaphore_mem>>) src(%arg15 : memref<8x128xf32, #tpu.memory_space<vmem>>) dst(%dma_wait3A_83 : memref<8x128xf32, #tpu.memory_space<vmem_shared>>)
        tpu.yield
      }) : () -> ()
    }
    %scan3A_9 = arith.constant 80 : i32
    %mul3A_10 = arith.constant 10240 : i32
    %mul3A_11 = arith.muli %add3A, %mul3A_10 : i32
    %add3A_12 = arith.constant 0 : i32
    %add3A_13 = arith.addi %mul3A_11, %add3A_12 : i32
    "tpu.region"() ({
      %run_scoped3A = tpu.sem_alloc : memref<!tpu.dma_semaphore, #tpu.memory_space<semaphore_mem>>
      %dma_start3A_66 = tpu.memref_slice %arg2[%add3A_13] : memref<327680xi32, #tpu.memory_space<hbm>> -> memref<64xi32, #tpu.memory_space<hbm>>
      %dma_start3A_67 = tpu.memref_slice %arg2[%add3A_13] : memref<327680xi32, #tpu.memory_space<hbm>> -> memref<64xi32, #tpu.memory_space<hbm>>
      tpu.enqueue_dma source(%dma_start3A_67 : memref<64xi32, #tpu.memory_space<hbm>>) target(%arg6 : memref<64xi32, #tpu.memory_space<vmem>>) target_semaphore(%run_scoped3A : memref<!tpu.dma_semaphore, #tpu.memory_space<semaphore_mem>>)
      %dma_wait3A_68 = tpu.memref_slice %arg2[%add3A_13] : memref<327680xi32, #tpu.memory_space<hbm>> -> memref<64xi32, #tpu.memory_space<hbm>>
      %dma_wait3A_69 = tpu.memref_slice %arg2[%add3A_13] : memref<327680xi32, #tpu.memory_space<hbm>> -> memref<64xi32, #tpu.memory_space<hbm>>
      tpu.wait_dma2 semaphore(%run_scoped3A : memref<!tpu.dma_semaphore, #tpu.memory_space<semaphore_mem>>) src(%dma_wait3A_69 : memref<64xi32, #tpu.memory_space<hbm>>) dst(%arg6 : memref<64xi32, #tpu.memory_space<vmem>>)
      tpu.yield
    }) : () -> ()
    %add3A_14 = arith.constant 0 : i32
    %add3A_15 = arith.addi %mul3A_11, %add3A_14 : i32
    "tpu.region"() ({
      %run_scoped3A = tpu.sem_alloc : memref<!tpu.dma_semaphore, #tpu.memory_space<semaphore_mem>>
      %dma_start3A_66 = tpu.memref_slice %arg3[%add3A_15] : memref<327680xi32, #tpu.memory_space<hbm>> -> memref<64xi32, #tpu.memory_space<hbm>>
      %dma_start3A_67 = tpu.memref_slice %arg3[%add3A_15] : memref<327680xi32, #tpu.memory_space<hbm>> -> memref<64xi32, #tpu.memory_space<hbm>>
      tpu.enqueue_dma source(%dma_start3A_67 : memref<64xi32, #tpu.memory_space<hbm>>) target(%arg10 : memref<64xi32, #tpu.memory_space<vmem>>) target_semaphore(%run_scoped3A : memref<!tpu.dma_semaphore, #tpu.memory_space<semaphore_mem>>)
      %dma_wait3A_68 = tpu.memref_slice %arg3[%add3A_15] : memref<327680xi32, #tpu.memory_space<hbm>> -> memref<64xi32, #tpu.memory_space<hbm>>
      %dma_wait3A_69 = tpu.memref_slice %arg3[%add3A_15] : memref<327680xi32, #tpu.memory_space<hbm>> -> memref<64xi32, #tpu.memory_space<hbm>>
      tpu.wait_dma2 semaphore(%run_scoped3A : memref<!tpu.dma_semaphore, #tpu.memory_space<semaphore_mem>>) src(%dma_wait3A_69 : memref<64xi32, #tpu.memory_space<hbm>>) dst(%arg10 : memref<64xi32, #tpu.memory_space<vmem>>)
      tpu.yield
    }) : () -> ()
    %add3A_16 = arith.constant 64 : i32
    %add3A_17 = arith.addi %mul3A_11, %add3A_16 : i32
    "tpu.region"() ({
      %run_scoped3A = tpu.sem_alloc : memref<!tpu.dma_semaphore, #tpu.memory_space<semaphore_mem>>
      %dma_start3A_66 = tpu.memref_slice %arg2[%add3A_17] : memref<327680xi32, #tpu.memory_space<hbm>> -> memref<64xi32, #tpu.memory_space<hbm>>
      %dma_start3A_67 = tpu.memref_slice %arg2[%add3A_17] : memref<327680xi32, #tpu.memory_space<hbm>> -> memref<64xi32, #tpu.memory_space<hbm>>
      tpu.enqueue_dma source(%dma_start3A_67 : memref<64xi32, #tpu.memory_space<hbm>>) target(%arg7 : memref<64xi32, #tpu.memory_space<vmem>>) target_semaphore(%run_scoped3A : memref<!tpu.dma_semaphore, #tpu.memory_space<semaphore_mem>>)
      %dma_wait3A_68 = tpu.memref_slice %arg2[%add3A_17] : memref<327680xi32, #tpu.memory_space<hbm>> -> memref<64xi32, #tpu.memory_space<hbm>>
      %dma_wait3A_69 = tpu.memref_slice %arg2[%add3A_17] : memref<327680xi32, #tpu.memory_space<hbm>> -> memref<64xi32, #tpu.memory_space<hbm>>
      tpu.wait_dma2 semaphore(%run_scoped3A : memref<!tpu.dma_semaphore, #tpu.memory_space<semaphore_mem>>) src(%dma_wait3A_69 : memref<64xi32, #tpu.memory_space<hbm>>) dst(%arg7 : memref<64xi32, #tpu.memory_space<vmem>>)
      tpu.yield
    }) : () -> ()
    %add3A_18 = arith.constant 64 : i32
    %add3A_19 = arith.addi %mul3A_11, %add3A_18 : i32
    "tpu.region"() ({
      %run_scoped3A = tpu.sem_alloc : memref<!tpu.dma_semaphore, #tpu.memory_space<semaphore_mem>>
      %dma_start3A_66 = tpu.memref_slice %arg3[%add3A_19] : memref<327680xi32, #tpu.memory_space<hbm>> -> memref<64xi32, #tpu.memory_space<hbm>>
      %dma_start3A_67 = tpu.memref_slice %arg3[%add3A_19] : memref<327680xi32, #tpu.memory_space<hbm>> -> memref<64xi32, #tpu.memory_space<hbm>>
      tpu.enqueue_dma source(%dma_start3A_67 : memref<64xi32, #tpu.memory_space<hbm>>) target(%arg11 : memref<64xi32, #tpu.memory_space<vmem>>) target_semaphore(%run_scoped3A : memref<!tpu.dma_semaphore, #tpu.memory_space<semaphore_mem>>)
      %dma_wait3A_68 = tpu.memref_slice %arg3[%add3A_19] : memref<327680xi32, #tpu.memory_space<hbm>> -> memref<64xi32, #tpu.memory_space<hbm>>
      %dma_wait3A_69 = tpu.memref_slice %arg3[%add3A_19] : memref<327680xi32, #tpu.memory_space<hbm>> -> memref<64xi32, #tpu.memory_space<hbm>>
      tpu.wait_dma2 semaphore(%run_scoped3A : memref<!tpu.dma_semaphore, #tpu.memory_space<semaphore_mem>>) src(%dma_wait3A_69 : memref<64xi32, #tpu.memory_space<hbm>>) dst(%arg11 : memref<64xi32, #tpu.memory_space<vmem>>)
      tpu.yield
    }) : () -> ()
    %add3A_20 = arith.constant 128 : i32
    %add3A_21 = arith.addi %mul3A_11, %add3A_20 : i32
    "tpu.region"() ({
      %run_scoped3A = tpu.sem_alloc : memref<!tpu.dma_semaphore, #tpu.memory_space<semaphore_mem>>
      %dma_start3A_66 = tpu.memref_slice %arg2[%add3A_21] : memref<327680xi32, #tpu.memory_space<hbm>> -> memref<64xi32, #tpu.memory_space<hbm>>
      %dma_start3A_67 = tpu.memref_slice %arg2[%add3A_21] : memref<327680xi32, #tpu.memory_space<hbm>> -> memref<64xi32, #tpu.memory_space<hbm>>
      tpu.enqueue_dma source(%dma_start3A_67 : memref<64xi32, #tpu.memory_space<hbm>>) target(%arg8 : memref<64xi32, #tpu.memory_space<vmem>>) target_semaphore(%run_scoped3A : memref<!tpu.dma_semaphore, #tpu.memory_space<semaphore_mem>>)
      %dma_wait3A_68 = tpu.memref_slice %arg2[%add3A_21] : memref<327680xi32, #tpu.memory_space<hbm>> -> memref<64xi32, #tpu.memory_space<hbm>>
      %dma_wait3A_69 = tpu.memref_slice %arg2[%add3A_21] : memref<327680xi32, #tpu.memory_space<hbm>> -> memref<64xi32, #tpu.memory_space<hbm>>
      tpu.wait_dma2 semaphore(%run_scoped3A : memref<!tpu.dma_semaphore, #tpu.memory_space<semaphore_mem>>) src(%dma_wait3A_69 : memref<64xi32, #tpu.memory_space<hbm>>) dst(%arg8 : memref<64xi32, #tpu.memory_space<vmem>>)
      tpu.yield
    }) : () -> ()
    %add3A_22 = arith.constant 128 : i32
    %add3A_23 = arith.addi %mul3A_11, %add3A_22 : i32
    "tpu.region"() ({
      %run_scoped3A = tpu.sem_alloc : memref<!tpu.dma_semaphore, #tpu.memory_space<semaphore_mem>>
      %dma_start3A_66 = tpu.memref_slice %arg3[%add3A_23] : memref<327680xi32, #tpu.memory_space<hbm>> -> memref<64xi32, #tpu.memory_space<hbm>>
      %dma_start3A_67 = tpu.memref_slice %arg3[%add3A_23] : memref<327680xi32, #tpu.memory_space<hbm>> -> memref<64xi32, #tpu.memory_space<hbm>>
      tpu.enqueue_dma source(%dma_start3A_67 : memref<64xi32, #tpu.memory_space<hbm>>) target(%arg12 : memref<64xi32, #tpu.memory_space<vmem>>) target_semaphore(%run_scoped3A : memref<!tpu.dma_semaphore, #tpu.memory_space<semaphore_mem>>)
      %dma_wait3A_68 = tpu.memref_slice %arg3[%add3A_23] : memref<327680xi32, #tpu.memory_space<hbm>> -> memref<64xi32, #tpu.memory_space<hbm>>
      %dma_wait3A_69 = tpu.memref_slice %arg3[%add3A_23] : memref<327680xi32, #tpu.memory_space<hbm>> -> memref<64xi32, #tpu.memory_space<hbm>>
      tpu.wait_dma2 semaphore(%run_scoped3A : memref<!tpu.dma_semaphore, #tpu.memory_space<semaphore_mem>>) src(%dma_wait3A_69 : memref<64xi32, #tpu.memory_space<hbm>>) dst(%arg12 : memref<64xi32, #tpu.memory_space<vmem>>)
      tpu.yield
    }) : () -> ()
    %add3A_24 = arith.constant 192 : i32
    %add3A_25 = arith.addi %mul3A_11, %add3A_24 : i32
    "tpu.region"() ({
      %run_scoped3A = tpu.sem_alloc : memref<!tpu.dma_semaphore, #tpu.memory_space<semaphore_mem>>
      %dma_start3A_66 = tpu.memref_slice %arg2[%add3A_25] : memref<327680xi32, #tpu.memory_space<hbm>> -> memref<64xi32, #tpu.memory_space<hbm>>
      %dma_start3A_67 = tpu.memref_slice %arg2[%add3A_25] : memref<327680xi32, #tpu.memory_space<hbm>> -> memref<64xi32, #tpu.memory_space<hbm>>
      tpu.enqueue_dma source(%dma_start3A_67 : memref<64xi32, #tpu.memory_space<hbm>>) target(%arg9 : memref<64xi32, #tpu.memory_space<vmem>>) target_semaphore(%run_scoped3A : memref<!tpu.dma_semaphore, #tpu.memory_space<semaphore_mem>>)
      %dma_wait3A_68 = tpu.memref_slice %arg2[%add3A_25] : memref<327680xi32, #tpu.memory_space<hbm>> -> memref<64xi32, #tpu.memory_space<hbm>>
      %dma_wait3A_69 = tpu.memref_slice %arg2[%add3A_25] : memref<327680xi32, #tpu.memory_space<hbm>> -> memref<64xi32, #tpu.memory_space<hbm>>
      tpu.wait_dma2 semaphore(%run_scoped3A : memref<!tpu.dma_semaphore, #tpu.memory_space<semaphore_mem>>) src(%dma_wait3A_69 : memref<64xi32, #tpu.memory_space<hbm>>) dst(%arg9 : memref<64xi32, #tpu.memory_space<vmem>>)
      tpu.yield
    }) : () -> ()
    %add3A_26 = arith.constant 192 : i32
    %add3A_27 = arith.addi %mul3A_11, %add3A_26 : i32
    "tpu.region"() ({
      %run_scoped3A = tpu.sem_alloc : memref<!tpu.dma_semaphore, #tpu.memory_space<semaphore_mem>>
      %dma_start3A_66 = tpu.memref_slice %arg3[%add3A_27] : memref<327680xi32, #tpu.memory_space<hbm>> -> memref<64xi32, #tpu.memory_space<hbm>>
      %dma_start3A_67 = tpu.memref_slice %arg3[%add3A_27] : memref<327680xi32, #tpu.memory_space<hbm>> -> memref<64xi32, #tpu.memory_space<hbm>>
      tpu.enqueue_dma source(%dma_start3A_67 : memref<64xi32, #tpu.memory_space<hbm>>) target(%arg13 : memref<64xi32, #tpu.memory_space<vmem>>) target_semaphore(%run_scoped3A : memref<!tpu.dma_semaphore, #tpu.memory_space<semaphore_mem>>)
      %dma_wait3A_68 = tpu.memref_slice %arg3[%add3A_27] : memref<327680xi32, #tpu.memory_space<hbm>> -> memref<64xi32, #tpu.memory_space<hbm>>
      %dma_wait3A_69 = tpu.memref_slice %arg3[%add3A_27] : memref<327680xi32, #tpu.memory_space<hbm>> -> memref<64xi32, #tpu.memory_space<hbm>>
      tpu.wait_dma2 semaphore(%run_scoped3A : memref<!tpu.dma_semaphore, #tpu.memory_space<semaphore_mem>>) src(%dma_wait3A_69 : memref<64xi32, #tpu.memory_space<hbm>>) dst(%arg13 : memref<64xi32, #tpu.memory_space<vmem>>)
      tpu.yield
    }) : () -> ()
    %barrier3A = arith.constant 0 : index
    tpu.barrier barrier_id(%barrier3A)
    %dma_start3A = arith.constant 0 : i32
    %dma_start3A_28 = arith.constant 0 : i32
    %dma_start3A_29 = arith.constant 0 : i32
    %dma_start3A_30 = tpu.memref_slice %arg14[%dma_start3A, %dma_start3A_28, %dma_start3A_29] : memref<4x64x128xf32, #tpu.memory_space<vmem>> -> memref<1x64x128xf32, #tpu.memory_space<vmem>>
    %dma_start3A_31 = tpu.memref_squeeze %dma_start3A_30 : memref<1x64x128xf32, #tpu.memory_space<vmem>> -> memref<64x128xf32, #tpu.memory_space<vmem>>
    %dma_start3A_32 = arith.constant 0 : i32
    %dma_start3A_33 = arith.constant 0 : i32
    %dma_start3A_34 = tpu.memref_slice %arg4[%dma_start3A_32, %dma_start3A_33] : memref<10240x128xf32, #tpu.memory_space<hbm>> -> memref<10240x128xf32, #tpu.memory_space<hbm>>
    tpu.enqueue_indirect_dma source(%dma_start3A_34 : memref<10240x128xf32, #tpu.memory_space<hbm>>) target(%dma_start3A_31 : memref<64x128xf32, #tpu.memory_space<vmem>>) offsets(%arg6 : memref<64xi32, #tpu.memory_space<vmem>>) semaphore(%arg17 : memref<!tpu.dma_semaphore, #tpu.memory_space<semaphore_mem>>)
    %dma_start3A_35 = arith.constant 1 : i32
    %dma_start3A_36 = arith.constant 0 : i32
    %dma_start3A_37 = arith.constant 0 : i32
    %dma_start3A_38 = tpu.memref_slice %arg14[%dma_start3A_35, %dma_start3A_36, %dma_start3A_37] : memref<4x64x128xf32, #tpu.memory_space<vmem>> -> memref<1x64x128xf32, #tpu.memory_space<vmem>>
    %dma_start3A_39 = tpu.memref_squeeze %dma_start3A_38 : memref<1x64x128xf32, #tpu.memory_space<vmem>> -> memref<64x128xf32, #tpu.memory_space<vmem>>
    %dma_start3A_40 = arith.constant 0 : i32
    %dma_start3A_41 = arith.constant 0 : i32
    %dma_start3A_42 = tpu.memref_slice %arg4[%dma_start3A_40, %dma_start3A_41] : memref<10240x128xf32, #tpu.memory_space<hbm>> -> memref<10240x128xf32, #tpu.memory_space<hbm>>
    tpu.enqueue_indirect_dma source(%dma_start3A_42 : memref<10240x128xf32, #tpu.memory_space<hbm>>) target(%dma_start3A_39 : memref<64x128xf32, #tpu.memory_space<vmem>>) offsets(%arg7 : memref<64xi32, #tpu.memory_space<vmem>>) semaphore(%arg18 : memref<!tpu.dma_semaphore, #tpu.memory_space<semaphore_mem>>)
    %scan3A_43 = arith.constant 0 : i32
    %scan3A_44 = arith.constant 40 : i32
    %scan3A_45 = arith.addi %scan3A_43, %scan3A_44 : i32
    %scan3A_46 = arith.constant 1 : i32
    scf.for %scan3A_66 = %scan3A_43 to %scan3A_45 step %scan3A_46  : i32 {
      %mul3A_67 = arith.constant 1 : i32
      %mul3A_68 = arith.muli %scan3A_66, %mul3A_67 : i32
      %add3A_69 = arith.constant 0 : i32
      %add3A_70 = arith.addi %add3A_69, %mul3A_68 : i32
      %mul3A_71 = arith.constant 4 : i32
      %mul3A_72 = arith.muli %mul3A_71, %add3A_70 : i32
      %add3A_73 = arith.constant 0 : i32
      %add3A_74 = arith.addi %mul3A_72, %add3A_73 : i32
      %dma_wait3A_75 = arith.constant 0 : i32
      %dma_wait3A_76 = arith.constant 0 : i32
      %dma_wait3A_77 = arith.constant 0 : i32
      %dma_wait3A_78 = tpu.memref_slice %arg14[%dma_wait3A_75, %dma_wait3A_76, %dma_wait3A_77] : memref<4x64x128xf32, #tpu.memory_space<vmem>> -> memref<1x64x128xf32, #tpu.memory_space<vmem>>
      %dma_wait3A_79 = tpu.memref_squeeze %dma_wait3A_78 : memref<1x64x128xf32, #tpu.memory_space<vmem>> -> memref<64x128xf32, #tpu.memory_space<vmem>>
      %dma_wait3A_80 = arith.constant 0 : i32
      %dma_wait3A_81 = arith.constant 0 : i32
      %dma_wait3A_82 = tpu.memref_slice %arg4[%dma_wait3A_80, %dma_wait3A_81] : memref<10240x128xf32, #tpu.memory_space<hbm>> -> memref<10240x128xf32, #tpu.memory_space<hbm>>
      tpu.wait_indirect_dma semaphore(%arg17 : memref<!tpu.dma_semaphore, #tpu.memory_space<semaphore_mem>>) src(%dma_wait3A_82 : memref<10240x128xf32, #tpu.memory_space<hbm>>) dst(%dma_wait3A_79 : memref<64x128xf32, #tpu.memory_space<vmem>>)
      %ge3A = arith.constant 4 : i32
      %ge3A_83 = arith.cmpi sge, %add3A_74, %ge3A : i32
      %convert_element_type3A = arith.extui %ge3A_83 : i1 to i32
      %cond3A = arith.constant 0 : i32
      %cond3A_84 = arith.cmpi ne, %convert_element_type3A, %cond3A : i32
      scf.if %cond3A_84 {
        %mul3A_243 = arith.constant 64 : i32
        %mul3A_244 = arith.muli %add3A_74, %mul3A_243 : i32
        %add3A_245 = arith.addi %mul3A_11, %mul3A_244 : i32
        %dma_wait3A_246 = tpu.memref_slice %arg3[%add3A_245] : memref<327680xi32, #tpu.memory_space<hbm>> -> memref<64xi32, #tpu.memory_space<hbm>>
        %dma_wait3A_247 = tpu.memref_slice %arg3[%add3A_245] : memref<327680xi32, #tpu.memory_space<hbm>> -> memref<64xi32, #tpu.memory_space<hbm>>
        tpu.wait_dma2 semaphore(%arg29 : memref<!tpu.dma_semaphore, #tpu.memory_space<semaphore_mem>>) src(%dma_wait3A_247 : memref<64xi32, #tpu.memory_space<hbm>>) dst(%arg10 : memref<64xi32, #tpu.memory_space<vmem>>)
      } else {
      }
      %dma_start3A_85 = arith.constant 0 : i32
      %dma_start3A_86 = arith.constant 0 : i32
      %dma_start3A_87 = arith.constant 0 : i32
      %dma_start3A_88 = tpu.memref_slice %arg14[%dma_start3A_85, %dma_start3A_86, %dma_start3A_87] : memref<4x64x128xf32, #tpu.memory_space<vmem>> -> memref<1x64x128xf32, #tpu.memory_space<vmem>>
      %dma_start3A_89 = tpu.memref_squeeze %dma_start3A_88 : memref<1x64x128xf32, #tpu.memory_space<vmem>> -> memref<64x128xf32, #tpu.memory_space<vmem>>
      %dma_start3A_90 = arith.constant 0 : i32
      %dma_start3A_91 = arith.constant 0 : i32
      %dma_start3A_92 = tpu.memref_slice %arg16[%dma_start3A_90, %dma_start3A_91] : memref<10240x128xf32, #tpu.memory_space<vmem_shared>> -> memref<10240x128xf32, #tpu.memory_space<vmem_shared>>
      tpu.enqueue_indirect_dma source(%dma_start3A_89 : memref<64x128xf32, #tpu.memory_space<vmem>>) target(%dma_start3A_92 : memref<10240x128xf32, #tpu.memory_space<vmem_shared>>) offsets(%arg10 : memref<64xi32, #tpu.memory_space<vmem>>) semaphore(%arg21 : memref<!tpu.dma_semaphore, #tpu.memory_space<semaphore_mem>>) {add = true}
      %add3A_93 = arith.constant 4 : i32
      %add3A_94 = arith.addi %add3A_74, %add3A_93 : i32
      %lt3A = arith.constant 160 : i32
      %lt3A_95 = arith.cmpi slt, %add3A_94, %lt3A : i32
      %convert_element_type3A_96 = arith.extui %lt3A_95 : i1 to i32
      %cond3A_97 = arith.constant 0 : i32
      %cond3A_98 = arith.cmpi ne, %convert_element_type3A_96, %cond3A_97 : i32
      scf.if %cond3A_98 {
        %add3A_243 = arith.constant 4 : i32
        %add3A_244 = arith.addi %add3A_74, %add3A_243 : i32
        %mul3A_245 = arith.constant 64 : i32
        %mul3A_246 = arith.muli %add3A_244, %mul3A_245 : i32
        %add3A_247 = arith.addi %mul3A_11, %mul3A_246 : i32
        %dma_start3A_248 = tpu.memref_slice %arg2[%add3A_247] : memref<327680xi32, #tpu.memory_space<hbm>> -> memref<64xi32, #tpu.memory_space<hbm>>
        %dma_start3A_249 = tpu.memref_slice %arg2[%add3A_247] : memref<327680xi32, #tpu.memory_space<hbm>> -> memref<64xi32, #tpu.memory_space<hbm>>
        tpu.enqueue_dma source(%dma_start3A_249 : memref<64xi32, #tpu.memory_space<hbm>>) target(%arg6 : memref<64xi32, #tpu.memory_space<vmem>>) target_semaphore(%arg25 : memref<!tpu.dma_semaphore, #tpu.memory_space<semaphore_mem>>)
      } else {
      }
      %ge3A_99 = arith.constant 2 : i32
      %ge3A_100 = arith.cmpi sge, %add3A_74, %ge3A_99 : i32
      %convert_element_type3A_101 = arith.extui %ge3A_100 : i1 to i32
      %cond3A_102 = arith.constant 0 : i32
      %cond3A_103 = arith.cmpi ne, %convert_element_type3A_101, %cond3A_102 : i32
      scf.if %cond3A_103 {
        %dma_wait3A_243 = arith.constant 2 : i32
        %dma_wait3A_244 = arith.constant 0 : i32
        %dma_wait3A_245 = arith.constant 0 : i32
        %dma_wait3A_246 = tpu.memref_slice %arg14[%dma_wait3A_243, %dma_wait3A_244, %dma_wait3A_245] : memref<4x64x128xf32, #tpu.memory_space<vmem>> -> memref<1x64x128xf32, #tpu.memory_space<vmem>>
        %dma_wait3A_247 = tpu.memref_squeeze %dma_wait3A_246 : memref<1x64x128xf32, #tpu.memory_space<vmem>> -> memref<64x128xf32, #tpu.memory_space<vmem>>
        %dma_wait3A_248 = arith.constant 0 : i32
        %dma_wait3A_249 = arith.constant 0 : i32
        %dma_wait3A_250 = tpu.memref_slice %arg16[%dma_wait3A_248, %dma_wait3A_249] : memref<10240x128xf32, #tpu.memory_space<vmem_shared>> -> memref<10240x128xf32, #tpu.memory_space<vmem_shared>>
        tpu.wait_indirect_dma semaphore(%arg23 : memref<!tpu.dma_semaphore, #tpu.memory_space<semaphore_mem>>) src(%dma_wait3A_247 : memref<64x128xf32, #tpu.memory_space<vmem>>) dst(%dma_wait3A_250 : memref<10240x128xf32, #tpu.memory_space<vmem_shared>>)
      } else {
      }
      %add3A_104 = arith.constant 2 : i32
      %add3A_105 = arith.addi %add3A_74, %add3A_104 : i32
      %lt3A_106 = arith.constant 160 : i32
      %lt3A_107 = arith.cmpi slt, %add3A_105, %lt3A_106 : i32
      %convert_element_type3A_108 = arith.extui %lt3A_107 : i1 to i32
      %cond3A_109 = arith.constant 0 : i32
      %cond3A_110 = arith.cmpi ne, %convert_element_type3A_108, %cond3A_109 : i32
      scf.if %cond3A_110 {
        %ge3A_243 = arith.constant 2 : i32
        %ge3A_244 = arith.cmpi sge, %add3A_74, %ge3A_243 : i32
        %convert_element_type3A_245 = arith.extui %ge3A_244 : i1 to i32
        %cond3A_246 = arith.constant 0 : i32
        %cond3A_247 = arith.cmpi ne, %convert_element_type3A_245, %cond3A_246 : i32
        scf.if %cond3A_247 {
          %add3A_256 = arith.constant 2 : i32
          %add3A_257 = arith.addi %add3A_74, %add3A_256 : i32
          %mul3A_258 = arith.constant 64 : i32
          %mul3A_259 = arith.muli %add3A_257, %mul3A_258 : i32
          %add3A_260 = arith.addi %mul3A_11, %mul3A_259 : i32
          %dma_start3A_261 = tpu.memref_slice %arg3[%add3A_260] : memref<327680xi32, #tpu.memory_space<hbm>> -> memref<64xi32, #tpu.memory_space<hbm>>
          %dma_start3A_262 = tpu.memref_slice %arg3[%add3A_260] : memref<327680xi32, #tpu.memory_space<hbm>> -> memref<64xi32, #tpu.memory_space<hbm>>
          tpu.enqueue_dma source(%dma_start3A_262 : memref<64xi32, #tpu.memory_space<hbm>>) target(%arg12 : memref<64xi32, #tpu.memory_space<vmem>>) target_semaphore(%arg31 : memref<!tpu.dma_semaphore, #tpu.memory_space<semaphore_mem>>)
          %add3A_263 = arith.constant 2 : i32
          %add3A_264 = arith.addi %add3A_74, %add3A_263 : i32
          %mul3A_265 = arith.constant 64 : i32
          %mul3A_266 = arith.muli %add3A_264, %mul3A_265 : i32
          %add3A_267 = arith.addi %mul3A_11, %mul3A_266 : i32
          %dma_wait3A_268 = tpu.memref_slice %arg2[%add3A_267] : memref<327680xi32, #tpu.memory_space<hbm>> -> memref<64xi32, #tpu.memory_space<hbm>>
          %dma_wait3A_269 = tpu.memref_slice %arg2[%add3A_267] : memref<327680xi32, #tpu.memory_space<hbm>> -> memref<64xi32, #tpu.memory_space<hbm>>
          tpu.wait_dma2 semaphore(%arg27 : memref<!tpu.dma_semaphore, #tpu.memory_space<semaphore_mem>>) src(%dma_wait3A_269 : memref<64xi32, #tpu.memory_space<hbm>>) dst(%arg8 : memref<64xi32, #tpu.memory_space<vmem>>)
        } else {
        }
        %dma_start3A_248 = arith.constant 2 : i32
        %dma_start3A_249 = arith.constant 0 : i32
        %dma_start3A_250 = arith.constant 0 : i32
        %dma_start3A_251 = tpu.memref_slice %arg14[%dma_start3A_248, %dma_start3A_249, %dma_start3A_250] : memref<4x64x128xf32, #tpu.memory_space<vmem>> -> memref<1x64x128xf32, #tpu.memory_space<vmem>>
        %dma_start3A_252 = tpu.memref_squeeze %dma_start3A_251 : memref<1x64x128xf32, #tpu.memory_space<vmem>> -> memref<64x128xf32, #tpu.memory_space<vmem>>
        %dma_start3A_253 = arith.constant 0 : i32
        %dma_start3A_254 = arith.constant 0 : i32
        %dma_start3A_255 = tpu.memref_slice %arg4[%dma_start3A_253, %dma_start3A_254] : memref<10240x128xf32, #tpu.memory_space<hbm>> -> memref<10240x128xf32, #tpu.memory_space<hbm>>
        tpu.enqueue_indirect_dma source(%dma_start3A_255 : memref<10240x128xf32, #tpu.memory_space<hbm>>) target(%dma_start3A_252 : memref<64x128xf32, #tpu.memory_space<vmem>>) offsets(%arg8 : memref<64xi32, #tpu.memory_space<vmem>>) semaphore(%arg19 : memref<!tpu.dma_semaphore, #tpu.memory_space<semaphore_mem>>)
      } else {
      }
      %mul3A_111 = arith.constant 4 : i32
      %mul3A_112 = arith.muli %mul3A_111, %add3A_70 : i32
      %add3A_113 = arith.constant 1 : i32
      %add3A_114 = arith.addi %mul3A_112, %add3A_113 : i32
      %dma_wait3A_115 = arith.constant 1 : i32
      %dma_wait3A_116 = arith.constant 0 : i32
      %dma_wait3A_117 = arith.constant 0 : i32
      %dma_wait3A_118 = tpu.memref_slice %arg14[%dma_wait3A_115, %dma_wait3A_116, %dma_wait3A_117] : memref<4x64x128xf32, #tpu.memory_space<vmem>> -> memref<1x64x128xf32, #tpu.memory_space<vmem>>
      %dma_wait3A_119 = tpu.memref_squeeze %dma_wait3A_118 : memref<1x64x128xf32, #tpu.memory_space<vmem>> -> memref<64x128xf32, #tpu.memory_space<vmem>>
      %dma_wait3A_120 = arith.constant 0 : i32
      %dma_wait3A_121 = arith.constant 0 : i32
      %dma_wait3A_122 = tpu.memref_slice %arg4[%dma_wait3A_120, %dma_wait3A_121] : memref<10240x128xf32, #tpu.memory_space<hbm>> -> memref<10240x128xf32, #tpu.memory_space<hbm>>
      tpu.wait_indirect_dma semaphore(%arg18 : memref<!tpu.dma_semaphore, #tpu.memory_space<semaphore_mem>>) src(%dma_wait3A_122 : memref<10240x128xf32, #tpu.memory_space<hbm>>) dst(%dma_wait3A_119 : memref<64x128xf32, #tpu.memory_space<vmem>>)
      %ge3A_123 = arith.constant 4 : i32
      %ge3A_124 = arith.cmpi sge, %add3A_114, %ge3A_123 : i32
      %convert_element_type3A_125 = arith.extui %ge3A_124 : i1 to i32
      %cond3A_126 = arith.constant 0 : i32
      %cond3A_127 = arith.cmpi ne, %convert_element_type3A_125, %cond3A_126 : i32
      scf.if %cond3A_127 {
        %mul3A_243 = arith.constant 64 : i32
        %mul3A_244 = arith.muli %add3A_114, %mul3A_243 : i32
        %add3A_245 = arith.addi %mul3A_11, %mul3A_244 : i32
        %dma_wait3A_246 = tpu.memref_slice %arg3[%add3A_245] : memref<327680xi32, #tpu.memory_space<hbm>> -> memref<64xi32, #tpu.memory_space<hbm>>
        %dma_wait3A_247 = tpu.memref_slice %arg3[%add3A_245] : memref<327680xi32, #tpu.memory_space<hbm>> -> memref<64xi32, #tpu.memory_space<hbm>>
        tpu.wait_dma2 semaphore(%arg30 : memref<!tpu.dma_semaphore, #tpu.memory_space<semaphore_mem>>) src(%dma_wait3A_247 : memref<64xi32, #tpu.memory_space<hbm>>) dst(%arg11 : memref<64xi32, #tpu.memory_space<vmem>>)
      } else {
      }
      %dma_start3A_128 = arith.constant 1 : i32
      %dma_start3A_129 = arith.constant 0 : i32
      %dma_start3A_130 = arith.constant 0 : i32
      %dma_start3A_131 = tpu.memref_slice %arg14[%dma_start3A_128, %dma_start3A_129, %dma_start3A_130] : memref<4x64x128xf32, #tpu.memory_space<vmem>> -> memref<1x64x128xf32, #tpu.memory_space<vmem>>
      %dma_start3A_132 = tpu.memref_squeeze %dma_start3A_131 : memref<1x64x128xf32, #tpu.memory_space<vmem>> -> memref<64x128xf32, #tpu.memory_space<vmem>>
      %dma_start3A_133 = arith.constant 0 : i32
      %dma_start3A_134 = arith.constant 0 : i32
      %dma_start3A_135 = tpu.memref_slice %arg16[%dma_start3A_133, %dma_start3A_134] : memref<10240x128xf32, #tpu.memory_space<vmem_shared>> -> memref<10240x128xf32, #tpu.memory_space<vmem_shared>>
      tpu.enqueue_indirect_dma source(%dma_start3A_132 : memref<64x128xf32, #tpu.memory_space<vmem>>) target(%dma_start3A_135 : memref<10240x128xf32, #tpu.memory_space<vmem_shared>>) offsets(%arg11 : memref<64xi32, #tpu.memory_space<vmem>>) semaphore(%arg22 : memref<!tpu.dma_semaphore, #tpu.memory_space<semaphore_mem>>) {add = true}
      %add3A_136 = arith.constant 4 : i32
      %add3A_137 = arith.addi %add3A_114, %add3A_136 : i32
      %lt3A_138 = arith.constant 160 : i32
      %lt3A_139 = arith.cmpi slt, %add3A_137, %lt3A_138 : i32
      %convert_element_type3A_140 = arith.extui %lt3A_139 : i1 to i32
      %cond3A_141 = arith.constant 0 : i32
      %cond3A_142 = arith.cmpi ne, %convert_element_type3A_140, %cond3A_141 : i32
      scf.if %cond3A_142 {
        %add3A_243 = arith.constant 4 : i32
        %add3A_244 = arith.addi %add3A_114, %add3A_243 : i32
        %mul3A_245 = arith.constant 64 : i32
        %mul3A_246 = arith.muli %add3A_244, %mul3A_245 : i32
        %add3A_247 = arith.addi %mul3A_11, %mul3A_246 : i32
        %dma_start3A_248 = tpu.memref_slice %arg2[%add3A_247] : memref<327680xi32, #tpu.memory_space<hbm>> -> memref<64xi32, #tpu.memory_space<hbm>>
        %dma_start3A_249 = tpu.memref_slice %arg2[%add3A_247] : memref<327680xi32, #tpu.memory_space<hbm>> -> memref<64xi32, #tpu.memory_space<hbm>>
        tpu.enqueue_dma source(%dma_start3A_249 : memref<64xi32, #tpu.memory_space<hbm>>) target(%arg7 : memref<64xi32, #tpu.memory_space<vmem>>) target_semaphore(%arg26 : memref<!tpu.dma_semaphore, #tpu.memory_space<semaphore_mem>>)
      } else {
      }
      %ge3A_143 = arith.constant 2 : i32
      %ge3A_144 = arith.cmpi sge, %add3A_114, %ge3A_143 : i32
      %convert_element_type3A_145 = arith.extui %ge3A_144 : i1 to i32
      %cond3A_146 = arith.constant 0 : i32
      %cond3A_147 = arith.cmpi ne, %convert_element_type3A_145, %cond3A_146 : i32
      scf.if %cond3A_147 {
        %dma_wait3A_243 = arith.constant 3 : i32
        %dma_wait3A_244 = arith.constant 0 : i32
        %dma_wait3A_245 = arith.constant 0 : i32
        %dma_wait3A_246 = tpu.memref_slice %arg14[%dma_wait3A_243, %dma_wait3A_244, %dma_wait3A_245] : memref<4x64x128xf32, #tpu.memory_space<vmem>> -> memref<1x64x128xf32, #tpu.memory_space<vmem>>
        %dma_wait3A_247 = tpu.memref_squeeze %dma_wait3A_246 : memref<1x64x128xf32, #tpu.memory_space<vmem>> -> memref<64x128xf32, #tpu.memory_space<vmem>>
        %dma_wait3A_248 = arith.constant 0 : i32
        %dma_wait3A_249 = arith.constant 0 : i32
        %dma_wait3A_250 = tpu.memref_slice %arg16[%dma_wait3A_248, %dma_wait3A_249] : memref<10240x128xf32, #tpu.memory_space<vmem_shared>> -> memref<10240x128xf32, #tpu.memory_space<vmem_shared>>
        tpu.wait_indirect_dma semaphore(%arg24 : memref<!tpu.dma_semaphore, #tpu.memory_space<semaphore_mem>>) src(%dma_wait3A_247 : memref<64x128xf32, #tpu.memory_space<vmem>>) dst(%dma_wait3A_250 : memref<10240x128xf32, #tpu.memory_space<vmem_shared>>)
      } else {
      }
      %add3A_148 = arith.constant 2 : i32
      %add3A_149 = arith.addi %add3A_114, %add3A_148 : i32
      %lt3A_150 = arith.constant 160 : i32
      %lt3A_151 = arith.cmpi slt, %add3A_149, %lt3A_150 : i32
      %convert_element_type3A_152 = arith.extui %lt3A_151 : i1 to i32
      %cond3A_153 = arith.constant 0 : i32
      %cond3A_154 = arith.cmpi ne, %convert_element_type3A_152, %cond3A_153 : i32
      scf.if %cond3A_154 {
        %ge3A_243 = arith.constant 2 : i32
        %ge3A_244 = arith.cmpi sge, %add3A_114, %ge3A_243 : i32
        %convert_element_type3A_245 = arith.extui %ge3A_244 : i1 to i32
        %cond3A_246 = arith.constant 0 : i32
        %cond3A_247 = arith.cmpi ne, %convert_element_type3A_245, %cond3A_246 : i32
        scf.if %cond3A_247 {
          %add3A_256 = arith.constant 2 : i32
          %add3A_257 = arith.addi %add3A_114, %add3A_256 : i32
          %mul3A_258 = arith.constant 64 : i32
          %mul3A_259 = arith.muli %add3A_257, %mul3A_258 : i32
          %add3A_260 = arith.addi %mul3A_11, %mul3A_259 : i32
          %dma_start3A_261 = tpu.memref_slice %arg3[%add3A_260] : memref<327680xi32, #tpu.memory_space<hbm>> -> memref<64xi32, #tpu.memory_space<hbm>>
          %dma_start3A_262 = tpu.memref_slice %arg3[%add3A_260] : memref<327680xi32, #tpu.memory_space<hbm>> -> memref<64xi32, #tpu.memory_space<hbm>>
          tpu.enqueue_dma source(%dma_start3A_262 : memref<64xi32, #tpu.memory_space<hbm>>) target(%arg13 : memref<64xi32, #tpu.memory_space<vmem>>) target_semaphore(%arg32 : memref<!tpu.dma_semaphore, #tpu.memory_space<semaphore_mem>>)
          %add3A_263 = arith.constant 2 : i32
          %add3A_264 = arith.addi %add3A_114, %add3A_263 : i32
          %mul3A_265 = arith.constant 64 : i32
          %mul3A_266 = arith.muli %add3A_264, %mul3A_265 : i32
          %add3A_267 = arith.addi %mul3A_11, %mul3A_266 : i32
          %dma_wait3A_268 = tpu.memref_slice %arg2[%add3A_267] : memref<327680xi32, #tpu.memory_space<hbm>> -> memref<64xi32, #tpu.memory_space<hbm>>
          %dma_wait3A_269 = tpu.memref_slice %arg2[%add3A_267] : memref<327680xi32, #tpu.memory_space<hbm>> -> memref<64xi32, #tpu.memory_space<hbm>>
          tpu.wait_dma2 semaphore(%arg28 : memref<!tpu.dma_semaphore, #tpu.memory_space<semaphore_mem>>) src(%dma_wait3A_269 : memref<64xi32, #tpu.memory_space<hbm>>) dst(%arg9 : memref<64xi32, #tpu.memory_space<vmem>>)
        } else {
        }
        %dma_start3A_248 = arith.constant 3 : i32
        %dma_start3A_249 = arith.constant 0 : i32
        %dma_start3A_250 = arith.constant 0 : i32
        %dma_start3A_251 = tpu.memref_slice %arg14[%dma_start3A_248, %dma_start3A_249, %dma_start3A_250] : memref<4x64x128xf32, #tpu.memory_space<vmem>> -> memref<1x64x128xf32, #tpu.memory_space<vmem>>
        %dma_start3A_252 = tpu.memref_squeeze %dma_start3A_251 : memref<1x64x128xf32, #tpu.memory_space<vmem>> -> memref<64x128xf32, #tpu.memory_space<vmem>>
        %dma_start3A_253 = arith.constant 0 : i32
        %dma_start3A_254 = arith.constant 0 : i32
        %dma_start3A_255 = tpu.memref_slice %arg4[%dma_start3A_253, %dma_start3A_254] : memref<10240x128xf32, #tpu.memory_space<hbm>> -> memref<10240x128xf32, #tpu.memory_space<hbm>>
        tpu.enqueue_indirect_dma source(%dma_start3A_255 : memref<10240x128xf32, #tpu.memory_space<hbm>>) target(%dma_start3A_252 : memref<64x128xf32, #tpu.memory_space<vmem>>) offsets(%arg9 : memref<64xi32, #tpu.memory_space<vmem>>) semaphore(%arg20 : memref<!tpu.dma_semaphore, #tpu.memory_space<semaphore_mem>>)
      } else {
      }
      %mul3A_155 = arith.constant 4 : i32
      %mul3A_156 = arith.muli %mul3A_155, %add3A_70 : i32
      %add3A_157 = arith.constant 2 : i32
      %add3A_158 = arith.addi %mul3A_156, %add3A_157 : i32
      %dma_wait3A_159 = arith.constant 2 : i32
      %dma_wait3A_160 = arith.constant 0 : i32
      %dma_wait3A_161 = arith.constant 0 : i32
      %dma_wait3A_162 = tpu.memref_slice %arg14[%dma_wait3A_159, %dma_wait3A_160, %dma_wait3A_161] : memref<4x64x128xf32, #tpu.memory_space<vmem>> -> memref<1x64x128xf32, #tpu.memory_space<vmem>>
      %dma_wait3A_163 = tpu.memref_squeeze %dma_wait3A_162 : memref<1x64x128xf32, #tpu.memory_space<vmem>> -> memref<64x128xf32, #tpu.memory_space<vmem>>
      %dma_wait3A_164 = arith.constant 0 : i32
      %dma_wait3A_165 = arith.constant 0 : i32
      %dma_wait3A_166 = tpu.memref_slice %arg4[%dma_wait3A_164, %dma_wait3A_165] : memref<10240x128xf32, #tpu.memory_space<hbm>> -> memref<10240x128xf32, #tpu.memory_space<hbm>>
      tpu.wait_indirect_dma semaphore(%arg19 : memref<!tpu.dma_semaphore, #tpu.memory_space<semaphore_mem>>) src(%dma_wait3A_166 : memref<10240x128xf32, #tpu.memory_space<hbm>>) dst(%dma_wait3A_163 : memref<64x128xf32, #tpu.memory_space<vmem>>)
      %ge3A_167 = arith.constant 4 : i32
      %ge3A_168 = arith.cmpi sge, %add3A_158, %ge3A_167 : i32
      %convert_element_type3A_169 = arith.extui %ge3A_168 : i1 to i32
      %cond3A_170 = arith.constant 0 : i32
      %cond3A_171 = arith.cmpi ne, %convert_element_type3A_169, %cond3A_170 : i32
      scf.if %cond3A_171 {
        %mul3A_243 = arith.constant 64 : i32
        %mul3A_244 = arith.muli %add3A_158, %mul3A_243 : i32
        %add3A_245 = arith.addi %mul3A_11, %mul3A_244 : i32
        %dma_wait3A_246 = tpu.memref_slice %arg3[%add3A_245] : memref<327680xi32, #tpu.memory_space<hbm>> -> memref<64xi32, #tpu.memory_space<hbm>>
        %dma_wait3A_247 = tpu.memref_slice %arg3[%add3A_245] : memref<327680xi32, #tpu.memory_space<hbm>> -> memref<64xi32, #tpu.memory_space<hbm>>
        tpu.wait_dma2 semaphore(%arg31 : memref<!tpu.dma_semaphore, #tpu.memory_space<semaphore_mem>>) src(%dma_wait3A_247 : memref<64xi32, #tpu.memory_space<hbm>>) dst(%arg12 : memref<64xi32, #tpu.memory_space<vmem>>)
      } else {
      }
      %dma_start3A_172 = arith.constant 2 : i32
      %dma_start3A_173 = arith.constant 0 : i32
      %dma_start3A_174 = arith.constant 0 : i32
      %dma_start3A_175 = tpu.memref_slice %arg14[%dma_start3A_172, %dma_start3A_173, %dma_start3A_174] : memref<4x64x128xf32, #tpu.memory_space<vmem>> -> memref<1x64x128xf32, #tpu.memory_space<vmem>>
      %dma_start3A_176 = tpu.memref_squeeze %dma_start3A_175 : memref<1x64x128xf32, #tpu.memory_space<vmem>> -> memref<64x128xf32, #tpu.memory_space<vmem>>
      %dma_start3A_177 = arith.constant 0 : i32
      %dma_start3A_178 = arith.constant 0 : i32
      %dma_start3A_179 = tpu.memref_slice %arg16[%dma_start3A_177, %dma_start3A_178] : memref<10240x128xf32, #tpu.memory_space<vmem_shared>> -> memref<10240x128xf32, #tpu.memory_space<vmem_shared>>
      tpu.enqueue_indirect_dma source(%dma_start3A_176 : memref<64x128xf32, #tpu.memory_space<vmem>>) target(%dma_start3A_179 : memref<10240x128xf32, #tpu.memory_space<vmem_shared>>) offsets(%arg12 : memref<64xi32, #tpu.memory_space<vmem>>) semaphore(%arg23 : memref<!tpu.dma_semaphore, #tpu.memory_space<semaphore_mem>>) {add = true}
      %add3A_180 = arith.constant 4 : i32
      %add3A_181 = arith.addi %add3A_158, %add3A_180 : i32
      %lt3A_182 = arith.constant 160 : i32
      %lt3A_183 = arith.cmpi slt, %add3A_181, %lt3A_182 : i32
      %convert_element_type3A_184 = arith.extui %lt3A_183 : i1 to i32
      %cond3A_185 = arith.constant 0 : i32
      %cond3A_186 = arith.cmpi ne, %convert_element_type3A_184, %cond3A_185 : i32
      scf.if %cond3A_186 {
        %add3A_243 = arith.constant 4 : i32
        %add3A_244 = arith.addi %add3A_158, %add3A_243 : i32
        %mul3A_245 = arith.constant 64 : i32
        %mul3A_246 = arith.muli %add3A_244, %mul3A_245 : i32
        %add3A_247 = arith.addi %mul3A_11, %mul3A_246 : i32
        %dma_start3A_248 = tpu.memref_slice %arg2[%add3A_247] : memref<327680xi32, #tpu.memory_space<hbm>> -> memref<64xi32, #tpu.memory_space<hbm>>
        %dma_start3A_249 = tpu.memref_slice %arg2[%add3A_247] : memref<327680xi32, #tpu.memory_space<hbm>> -> memref<64xi32, #tpu.memory_space<hbm>>
        tpu.enqueue_dma source(%dma_start3A_249 : memref<64xi32, #tpu.memory_space<hbm>>) target(%arg8 : memref<64xi32, #tpu.memory_space<vmem>>) target_semaphore(%arg27 : memref<!tpu.dma_semaphore, #tpu.memory_space<semaphore_mem>>)
      } else {
      }
      %ge3A_187 = arith.constant 2 : i32
      %ge3A_188 = arith.cmpi sge, %add3A_158, %ge3A_187 : i32
      %convert_element_type3A_189 = arith.extui %ge3A_188 : i1 to i32
      %cond3A_190 = arith.constant 0 : i32
      %cond3A_191 = arith.cmpi ne, %convert_element_type3A_189, %cond3A_190 : i32
      scf.if %cond3A_191 {
        %dma_wait3A_243 = arith.constant 0 : i32
        %dma_wait3A_244 = arith.constant 0 : i32
        %dma_wait3A_245 = arith.constant 0 : i32
        %dma_wait3A_246 = tpu.memref_slice %arg14[%dma_wait3A_243, %dma_wait3A_244, %dma_wait3A_245] : memref<4x64x128xf32, #tpu.memory_space<vmem>> -> memref<1x64x128xf32, #tpu.memory_space<vmem>>
        %dma_wait3A_247 = tpu.memref_squeeze %dma_wait3A_246 : memref<1x64x128xf32, #tpu.memory_space<vmem>> -> memref<64x128xf32, #tpu.memory_space<vmem>>
        %dma_wait3A_248 = arith.constant 0 : i32
        %dma_wait3A_249 = arith.constant 0 : i32
        %dma_wait3A_250 = tpu.memref_slice %arg16[%dma_wait3A_248, %dma_wait3A_249] : memref<10240x128xf32, #tpu.memory_space<vmem_shared>> -> memref<10240x128xf32, #tpu.memory_space<vmem_shared>>
        tpu.wait_indirect_dma semaphore(%arg21 : memref<!tpu.dma_semaphore, #tpu.memory_space<semaphore_mem>>) src(%dma_wait3A_247 : memref<64x128xf32, #tpu.memory_space<vmem>>) dst(%dma_wait3A_250 : memref<10240x128xf32, #tpu.memory_space<vmem_shared>>)
      } else {
      }
      %add3A_192 = arith.constant 2 : i32
      %add3A_193 = arith.addi %add3A_158, %add3A_192 : i32
      %lt3A_194 = arith.constant 160 : i32
      %lt3A_195 = arith.cmpi slt, %add3A_193, %lt3A_194 : i32
      %convert_element_type3A_196 = arith.extui %lt3A_195 : i1 to i32
      %cond3A_197 = arith.constant 0 : i32
      %cond3A_198 = arith.cmpi ne, %convert_element_type3A_196, %cond3A_197 : i32
      scf.if %cond3A_198 {
        %ge3A_243 = arith.constant 2 : i32
        %ge3A_244 = arith.cmpi sge, %add3A_158, %ge3A_243 : i32
        %convert_element_type3A_245 = arith.extui %ge3A_244 : i1 to i32
        %cond3A_246 = arith.constant 0 : i32
        %cond3A_247 = arith.cmpi ne, %convert_element_type3A_245, %cond3A_246 : i32
        scf.if %cond3A_247 {
          %add3A_256 = arith.constant 2 : i32
          %add3A_257 = arith.addi %add3A_158, %add3A_256 : i32
          %mul3A_258 = arith.constant 64 : i32
          %mul3A_259 = arith.muli %add3A_257, %mul3A_258 : i32
          %add3A_260 = arith.addi %mul3A_11, %mul3A_259 : i32
          %dma_start3A_261 = tpu.memref_slice %arg3[%add3A_260] : memref<327680xi32, #tpu.memory_space<hbm>> -> memref<64xi32, #tpu.memory_space<hbm>>
          %dma_start3A_262 = tpu.memref_slice %arg3[%add3A_260] : memref<327680xi32, #tpu.memory_space<hbm>> -> memref<64xi32, #tpu.memory_space<hbm>>
          tpu.enqueue_dma source(%dma_start3A_262 : memref<64xi32, #tpu.memory_space<hbm>>) target(%arg10 : memref<64xi32, #tpu.memory_space<vmem>>) target_semaphore(%arg29 : memref<!tpu.dma_semaphore, #tpu.memory_space<semaphore_mem>>)
          %add3A_263 = arith.constant 2 : i32
          %add3A_264 = arith.addi %add3A_158, %add3A_263 : i32
          %mul3A_265 = arith.constant 64 : i32
          %mul3A_266 = arith.muli %add3A_264, %mul3A_265 : i32
          %add3A_267 = arith.addi %mul3A_11, %mul3A_266 : i32
          %dma_wait3A_268 = tpu.memref_slice %arg2[%add3A_267] : memref<327680xi32, #tpu.memory_space<hbm>> -> memref<64xi32, #tpu.memory_space<hbm>>
          %dma_wait3A_269 = tpu.memref_slice %arg2[%add3A_267] : memref<327680xi32, #tpu.memory_space<hbm>> -> memref<64xi32, #tpu.memory_space<hbm>>
          tpu.wait_dma2 semaphore(%arg25 : memref<!tpu.dma_semaphore, #tpu.memory_space<semaphore_mem>>) src(%dma_wait3A_269 : memref<64xi32, #tpu.memory_space<hbm>>) dst(%arg6 : memref<64xi32, #tpu.memory_space<vmem>>)
        } else {
        }
        %dma_start3A_248 = arith.constant 0 : i32
        %dma_start3A_249 = arith.constant 0 : i32
        %dma_start3A_250 = arith.constant 0 : i32
        %dma_start3A_251 = tpu.memref_slice %arg14[%dma_start3A_248, %dma_start3A_249, %dma_start3A_250] : memref<4x64x128xf32, #tpu.memory_space<vmem>> -> memref<1x64x128xf32, #tpu.memory_space<vmem>>
        %dma_start3A_252 = tpu.memref_squeeze %dma_start3A_251 : memref<1x64x128xf32, #tpu.memory_space<vmem>> -> memref<64x128xf32, #tpu.memory_space<vmem>>
        %dma_start3A_253 = arith.constant 0 : i32
        %dma_start3A_254 = arith.constant 0 : i32
        %dma_start3A_255 = tpu.memref_slice %arg4[%dma_start3A_253, %dma_start3A_254] : memref<10240x128xf32, #tpu.memory_space<hbm>> -> memref<10240x128xf32, #tpu.memory_space<hbm>>
        tpu.enqueue_indirect_dma source(%dma_start3A_255 : memref<10240x128xf32, #tpu.memory_space<hbm>>) target(%dma_start3A_252 : memref<64x128xf32, #tpu.memory_space<vmem>>) offsets(%arg6 : memref<64xi32, #tpu.memory_space<vmem>>) semaphore(%arg17 : memref<!tpu.dma_semaphore, #tpu.memory_space<semaphore_mem>>)
      } else {
      }
      %mul3A_199 = arith.constant 4 : i32
      %mul3A_200 = arith.muli %mul3A_199, %add3A_70 : i32
      %add3A_201 = arith.constant 3 : i32
      %add3A_202 = arith.addi %mul3A_200, %add3A_201 : i32
      %dma_wait3A_203 = arith.constant 3 : i32
      %dma_wait3A_204 = arith.constant 0 : i32
      %dma_wait3A_205 = arith.constant 0 : i32
      %dma_wait3A_206 = tpu.memref_slice %arg14[%dma_wait3A_203, %dma_wait3A_204, %dma_wait3A_205] : memref<4x64x128xf32, #tpu.memory_space<vmem>> -> memref<1x64x128xf32, #tpu.memory_space<vmem>>
      %dma_wait3A_207 = tpu.memref_squeeze %dma_wait3A_206 : memref<1x64x128xf32, #tpu.memory_space<vmem>> -> memref<64x128xf32, #tpu.memory_space<vmem>>
      %dma_wait3A_208 = arith.constant 0 : i32
      %dma_wait3A_209 = arith.constant 0 : i32
      %dma_wait3A_210 = tpu.memref_slice %arg4[%dma_wait3A_208, %dma_wait3A_209] : memref<10240x128xf32, #tpu.memory_space<hbm>> -> memref<10240x128xf32, #tpu.memory_space<hbm>>
      tpu.wait_indirect_dma semaphore(%arg20 : memref<!tpu.dma_semaphore, #tpu.memory_space<semaphore_mem>>) src(%dma_wait3A_210 : memref<10240x128xf32, #tpu.memory_space<hbm>>) dst(%dma_wait3A_207 : memref<64x128xf32, #tpu.memory_space<vmem>>)
      %ge3A_211 = arith.constant 4 : i32
      %ge3A_212 = arith.cmpi sge, %add3A_202, %ge3A_211 : i32
      %convert_element_type3A_213 = arith.extui %ge3A_212 : i1 to i32
      %cond3A_214 = arith.constant 0 : i32
      %cond3A_215 = arith.cmpi ne, %convert_element_type3A_213, %cond3A_214 : i32
      scf.if %cond3A_215 {
        %mul3A_243 = arith.constant 64 : i32
        %mul3A_244 = arith.muli %add3A_202, %mul3A_243 : i32
        %add3A_245 = arith.addi %mul3A_11, %mul3A_244 : i32
        %dma_wait3A_246 = tpu.memref_slice %arg3[%add3A_245] : memref<327680xi32, #tpu.memory_space<hbm>> -> memref<64xi32, #tpu.memory_space<hbm>>
        %dma_wait3A_247 = tpu.memref_slice %arg3[%add3A_245] : memref<327680xi32, #tpu.memory_space<hbm>> -> memref<64xi32, #tpu.memory_space<hbm>>
        tpu.wait_dma2 semaphore(%arg32 : memref<!tpu.dma_semaphore, #tpu.memory_space<semaphore_mem>>) src(%dma_wait3A_247 : memref<64xi32, #tpu.memory_space<hbm>>) dst(%arg13 : memref<64xi32, #tpu.memory_space<vmem>>)
      } else {
      }
      %dma_start3A_216 = arith.constant 3 : i32
      %dma_start3A_217 = arith.constant 0 : i32
      %dma_start3A_218 = arith.constant 0 : i32
      %dma_start3A_219 = tpu.memref_slice %arg14[%dma_start3A_216, %dma_start3A_217, %dma_start3A_218] : memref<4x64x128xf32, #tpu.memory_space<vmem>> -> memref<1x64x128xf32, #tpu.memory_space<vmem>>
      %dma_start3A_220 = tpu.memref_squeeze %dma_start3A_219 : memref<1x64x128xf32, #tpu.memory_space<vmem>> -> memref<64x128xf32, #tpu.memory_space<vmem>>
      %dma_start3A_221 = arith.constant 0 : i32
      %dma_start3A_222 = arith.constant 0 : i32
      %dma_start3A_223 = tpu.memref_slice %arg16[%dma_start3A_221, %dma_start3A_222] : memref<10240x128xf32, #tpu.memory_space<vmem_shared>> -> memref<10240x128xf32, #tpu.memory_space<vmem_shared>>
      tpu.enqueue_indirect_dma source(%dma_start3A_220 : memref<64x128xf32, #tpu.memory_space<vmem>>) target(%dma_start3A_223 : memref<10240x128xf32, #tpu.memory_space<vmem_shared>>) offsets(%arg13 : memref<64xi32, #tpu.memory_space<vmem>>) semaphore(%arg24 : memref<!tpu.dma_semaphore, #tpu.memory_space<semaphore_mem>>) {add = true}
      %add3A_224 = arith.constant 4 : i32
      %add3A_225 = arith.addi %add3A_202, %add3A_224 : i32
      %lt3A_226 = arith.constant 160 : i32
      %lt3A_227 = arith.cmpi slt, %add3A_225, %lt3A_226 : i32
      %convert_element_type3A_228 = arith.extui %lt3A_227 : i1 to i32
      %cond3A_229 = arith.constant 0 : i32
      %cond3A_230 = arith.cmpi ne, %convert_element_type3A_228, %cond3A_229 : i32
      scf.if %cond3A_230 {
        %add3A_243 = arith.constant 4 : i32
        %add3A_244 = arith.addi %add3A_202, %add3A_243 : i32
        %mul3A_245 = arith.constant 64 : i32
        %mul3A_246 = arith.muli %add3A_244, %mul3A_245 : i32
        %add3A_247 = arith.addi %mul3A_11, %mul3A_246 : i32
        %dma_start3A_248 = tpu.memref_slice %arg2[%add3A_247] : memref<327680xi32, #tpu.memory_space<hbm>> -> memref<64xi32, #tpu.memory_space<hbm>>
        %dma_start3A_249 = tpu.memref_slice %arg2[%add3A_247] : memref<327680xi32, #tpu.memory_space<hbm>> -> memref<64xi32, #tpu.memory_space<hbm>>
        tpu.enqueue_dma source(%dma_start3A_249 : memref<64xi32, #tpu.memory_space<hbm>>) target(%arg9 : memref<64xi32, #tpu.memory_space<vmem>>) target_semaphore(%arg28 : memref<!tpu.dma_semaphore, #tpu.memory_space<semaphore_mem>>)
      } else {
      }
      %ge3A_231 = arith.constant 2 : i32
      %ge3A_232 = arith.cmpi sge, %add3A_202, %ge3A_231 : i32
      %convert_element_type3A_233 = arith.extui %ge3A_232 : i1 to i32
      %cond3A_234 = arith.constant 0 : i32
      %cond3A_235 = arith.cmpi ne, %convert_element_type3A_233, %cond3A_234 : i32
      scf.if %cond3A_235 {
        %dma_wait3A_243 = arith.constant 1 : i32
        %dma_wait3A_244 = arith.constant 0 : i32
        %dma_wait3A_245 = arith.constant 0 : i32
        %dma_wait3A_246 = tpu.memref_slice %arg14[%dma_wait3A_243, %dma_wait3A_244, %dma_wait3A_245] : memref<4x64x128xf32, #tpu.memory_space<vmem>> -> memref<1x64x128xf32, #tpu.memory_space<vmem>>
        %dma_wait3A_247 = tpu.memref_squeeze %dma_wait3A_246 : memref<1x64x128xf32, #tpu.memory_space<vmem>> -> memref<64x128xf32, #tpu.memory_space<vmem>>
        %dma_wait3A_248 = arith.constant 0 : i32
        %dma_wait3A_249 = arith.constant 0 : i32
        %dma_wait3A_250 = tpu.memref_slice %arg16[%dma_wait3A_248, %dma_wait3A_249] : memref<10240x128xf32, #tpu.memory_space<vmem_shared>> -> memref<10240x128xf32, #tpu.memory_space<vmem_shared>>
        tpu.wait_indirect_dma semaphore(%arg22 : memref<!tpu.dma_semaphore, #tpu.memory_space<semaphore_mem>>) src(%dma_wait3A_247 : memref<64x128xf32, #tpu.memory_space<vmem>>) dst(%dma_wait3A_250 : memref<10240x128xf32, #tpu.memory_space<vmem_shared>>)
      } else {
      }
      %add3A_236 = arith.constant 2 : i32
      %add3A_237 = arith.addi %add3A_202, %add3A_236 : i32
      %lt3A_238 = arith.constant 160 : i32
      %lt3A_239 = arith.cmpi slt, %add3A_237, %lt3A_238 : i32
      %convert_element_type3A_240 = arith.extui %lt3A_239 : i1 to i32
      %cond3A_241 = arith.constant 0 : i32
      %cond3A_242 = arith.cmpi ne, %convert_element_type3A_240, %cond3A_241 : i32
      scf.if %cond3A_242 {
        %ge3A_243 = arith.constant 2 : i32
        %ge3A_244 = arith.cmpi sge, %add3A_202, %ge3A_243 : i32
        %convert_element_type3A_245 = arith.extui %ge3A_244 : i1 to i32
        %cond3A_246 = arith.constant 0 : i32
        %cond3A_247 = arith.cmpi ne, %convert_element_type3A_245, %cond3A_246 : i32
        scf.if %cond3A_247 {
          %add3A_256 = arith.constant 2 : i32
          %add3A_257 = arith.addi %add3A_202, %add3A_256 : i32
          %mul3A_258 = arith.constant 64 : i32
          %mul3A_259 = arith.muli %add3A_257, %mul3A_258 : i32
          %add3A_260 = arith.addi %mul3A_11, %mul3A_259 : i32
          %dma_start3A_261 = tpu.memref_slice %arg3[%add3A_260] : memref<327680xi32, #tpu.memory_space<hbm>> -> memref<64xi32, #tpu.memory_space<hbm>>
          %dma_start3A_262 = tpu.memref_slice %arg3[%add3A_260] : memref<327680xi32, #tpu.memory_space<hbm>> -> memref<64xi32, #tpu.memory_space<hbm>>
          tpu.enqueue_dma source(%dma_start3A_262 : memref<64xi32, #tpu.memory_space<hbm>>) target(%arg11 : memref<64xi32, #tpu.memory_space<vmem>>) target_semaphore(%arg30 : memref<!tpu.dma_semaphore, #tpu.memory_space<semaphore_mem>>)
          %add3A_263 = arith.constant 2 : i32
          %add3A_264 = arith.addi %add3A_202, %add3A_263 : i32
          %mul3A_265 = arith.constant 64 : i32
          %mul3A_266 = arith.muli %add3A_264, %mul3A_265 : i32
          %add3A_267 = arith.addi %mul3A_11, %mul3A_266 : i32
          %dma_wait3A_268 = tpu.memref_slice %arg2[%add3A_267] : memref<327680xi32, #tpu.memory_space<hbm>> -> memref<64xi32, #tpu.memory_space<hbm>>
          %dma_wait3A_269 = tpu.memref_slice %arg2[%add3A_267] : memref<327680xi32, #tpu.memory_space<hbm>> -> memref<64xi32, #tpu.memory_space<hbm>>
          tpu.wait_dma2 semaphore(%arg26 : memref<!tpu.dma_semaphore, #tpu.memory_space<semaphore_mem>>) src(%dma_wait3A_269 : memref<64xi32, #tpu.memory_space<hbm>>) dst(%arg7 : memref<64xi32, #tpu.memory_space<vmem>>)
        } else {
        }
        %dma_start3A_248 = arith.constant 1 : i32
        %dma_start3A_249 = arith.constant 0 : i32
        %dma_start3A_250 = arith.constant 0 : i32
        %dma_start3A_251 = tpu.memref_slice %arg14[%dma_start3A_248, %dma_start3A_249, %dma_start3A_250] : memref<4x64x128xf32, #tpu.memory_space<vmem>> -> memref<1x64x128xf32, #tpu.memory_space<vmem>>
        %dma_start3A_252 = tpu.memref_squeeze %dma_start3A_251 : memref<1x64x128xf32, #tpu.memory_space<vmem>> -> memref<64x128xf32, #tpu.memory_space<vmem>>
        %dma_start3A_253 = arith.constant 0 : i32
        %dma_start3A_254 = arith.constant 0 : i32
        %dma_start3A_255 = tpu.memref_slice %arg4[%dma_start3A_253, %dma_start3A_254] : memref<10240x128xf32, #tpu.memory_space<hbm>> -> memref<10240x128xf32, #tpu.memory_space<hbm>>
        tpu.enqueue_indirect_dma source(%dma_start3A_255 : memref<10240x128xf32, #tpu.memory_space<hbm>>) target(%dma_start3A_252 : memref<64x128xf32, #tpu.memory_space<vmem>>) offsets(%arg7 : memref<64xi32, #tpu.memory_space<vmem>>) semaphore(%arg18 : memref<!tpu.dma_semaphore, #tpu.memory_space<semaphore_mem>>)
      } else {
      }
    }
    %scan3A_47 = arith.constant 40 : i32
    %dma_wait3A = arith.constant 2 : i32
    %dma_wait3A_48 = arith.constant 0 : i32
    %dma_wait3A_49 = arith.constant 0 : i32
    %dma_wait3A_50 = tpu.memref_slice %arg14[%dma_wait3A, %dma_wait3A_48, %dma_wait3A_49] : memref<4x64x128xf32, #tpu.memory_space<vmem>> -> memref<1x64x128xf32, #tpu.memory_space<vmem>>
    %dma_wait3A_51 = tpu.memref_squeeze %dma_wait3A_50 : memref<1x64x128xf32, #tpu.memory_space<vmem>> -> memref<64x128xf32, #tpu.memory_space<vmem>>
    %dma_wait3A_52 = arith.constant 0 : i32
    %dma_wait3A_53 = arith.constant 0 : i32
    %dma_wait3A_54 = tpu.memref_slice %arg16[%dma_wait3A_52, %dma_wait3A_53] : memref<10240x128xf32, #tpu.memory_space<vmem_shared>> -> memref<10240x128xf32, #tpu.memory_space<vmem_shared>>
    tpu.wait_indirect_dma semaphore(%arg23 : memref<!tpu.dma_semaphore, #tpu.memory_space<semaphore_mem>>) src(%dma_wait3A_51 : memref<64x128xf32, #tpu.memory_space<vmem>>) dst(%dma_wait3A_54 : memref<10240x128xf32, #tpu.memory_space<vmem_shared>>)
    %dma_wait3A_55 = arith.constant 3 : i32
    %dma_wait3A_56 = arith.constant 0 : i32
    %dma_wait3A_57 = arith.constant 0 : i32
    %dma_wait3A_58 = tpu.memref_slice %arg14[%dma_wait3A_55, %dma_wait3A_56, %dma_wait3A_57] : memref<4x64x128xf32, #tpu.memory_space<vmem>> -> memref<1x64x128xf32, #tpu.memory_space<vmem>>
    %dma_wait3A_59 = tpu.memref_squeeze %dma_wait3A_58 : memref<1x64x128xf32, #tpu.memory_space<vmem>> -> memref<64x128xf32, #tpu.memory_space<vmem>>
    %dma_wait3A_60 = arith.constant 0 : i32
    %dma_wait3A_61 = arith.constant 0 : i32
    %dma_wait3A_62 = tpu.memref_slice %arg16[%dma_wait3A_60, %dma_wait3A_61] : memref<10240x128xf32, #tpu.memory_space<vmem_shared>> -> memref<10240x128xf32, #tpu.memory_space<vmem_shared>>
    tpu.wait_indirect_dma semaphore(%arg24 : memref<!tpu.dma_semaphore, #tpu.memory_space<semaphore_mem>>) src(%dma_wait3A_59 : memref<64x128xf32, #tpu.memory_space<vmem>>) dst(%dma_wait3A_62 : memref<10240x128xf32, #tpu.memory_space<vmem_shared>>)
    %barrier3A_63 = arith.constant 0 : index
    tpu.barrier barrier_id(%barrier3A_63)
    %mul3A_64 = arith.constant 640 : i32
    %mul3A_65 = arith.muli %arg1, %mul3A_64 : i32
    "tpu.region"() ({
      %run_scoped3A = tpu.sem_alloc : memref<!tpu.dma_semaphore, #tpu.memory_space<semaphore_mem>>
      %dma_start3A_66 = arith.constant 0 : i32
      %dma_start3A_67 = tpu.memref_slice %arg5[%arg0, %mul3A_65, %dma_start3A_66] : memref<2x10240x128xf32, #tpu.memory_space<hbm>> -> memref<1x640x128xf32, #tpu.memory_space<hbm>>
      %dma_start3A_68 = tpu.memref_squeeze %dma_start3A_67 : memref<1x640x128xf32, #tpu.memory_space<hbm>> -> memref<640x128xf32, #tpu.memory_space<hbm>>
      %dma_start3A_69 = arith.constant 0 : i32
      %dma_start3A_70 = tpu.memref_slice %arg16[%mul3A_65, %dma_start3A_69] : memref<10240x128xf32, #tpu.memory_space<vmem_shared>> -> memref<640x128xf32, #tpu.memory_space<vmem_shared>>
      tpu.enqueue_dma source(%dma_start3A_70 : memref<640x128xf32, #tpu.memory_space<vmem_shared>>) target(%dma_start3A_68 : memref<640x128xf32, #tpu.memory_space<hbm>>) target_semaphore(%run_scoped3A : memref<!tpu.dma_semaphore, #tpu.memory_space<semaphore_mem>>)
      %dma_wait3A_71 = arith.constant 0 : i32
      %dma_wait3A_72 = tpu.memref_slice %arg5[%arg0, %mul3A_65, %dma_wait3A_71] : memref<2x10240x128xf32, #tpu.memory_space<hbm>> -> memref<1x640x128xf32, #tpu.memory_space<hbm>>
      %dma_wait3A_73 = tpu.memref_squeeze %dma_wait3A_72 : memref<1x640x128xf32, #tpu.memory_space<hbm>> -> memref<640x128xf32, #tpu.memory_space<hbm>>
      %dma_wait3A_74 = arith.constant 0 : i32
      %dma_wait3A_75 = tpu.memref_slice %arg16[%mul3A_65, %dma_wait3A_74] : memref<10240x128xf32, #tpu.memory_space<vmem_shared>> -> memref<640x128xf32, #tpu.memory_space<vmem_shared>>
      tpu.wait_dma2 semaphore(%run_scoped3A : memref<!tpu.dma_semaphore, #tpu.memory_space<semaphore_mem>>) src(%dma_wait3A_75 : memref<640x128xf32, #tpu.memory_space<vmem_shared>>) dst(%dma_wait3A_73 : memref<640x128xf32, #tpu.memory_space<hbm>>)
      tpu.yield
    }) : () -> ()
    return
  }
}

module attributes {stable_mosaic.version = 14 : i64} {
  func.func @_tc_scale_body(%arg0: i32, %arg1: memref<512x1xf32, #tpu.memory_space<vmem>>, %arg2: memref<512x128xf32, #tpu.memory_space<vmem>>, %arg3: memref<512x128xf32, #tpu.memory_space<vmem>>) attributes {dimension_semantics = [#tpu.dimension_semantics<arbitrary>], iteration_bounds = array<i64: 20>, scalar_prefetch = 0 : i64, scratch_operands = 0 : i64, tpu.core_type = #tpu.core_type<tc>, window_params = [{transform_indices = @transform_0, window_bounds = array<i64: 512, 1>}, {transform_indices = @transform_1, window_bounds = array<i64: 512, 128>}, {transform_indices = @transform_2, window_bounds = array<i64: 512, 128>}]} {
    %get3A = arith.constant 0 : index
    %get3A_0 = arith.constant 0 : index
    %get3A_1 = vector.load %arg1[%get3A, %get3A_0] : memref<512x1xf32, #tpu.memory_space<vmem>>, vector<512x1xf32>
    %get3A_2 = arith.constant 0 : index
    %get3A_3 = arith.constant 0 : index
    %get3A_4 = vector.load %arg2[%get3A_2, %get3A_3] : memref<512x128xf32, #tpu.memory_space<vmem>>, vector<512x128xf32>
    %mul3A = vector.broadcast %get3A_1 : vector<512x1xf32> to vector<512x128xf32>
    %mul3A_5 = arith.mulf %mul3A, %get3A_4 : vector<512x128xf32>
    %swap3A = arith.constant 0 : index
    %swap3A_6 = arith.constant 0 : index
    %swap3A_7 = vector.load %arg3[%swap3A, %swap3A_6] : memref<512x128xf32, #tpu.memory_space<vmem>>, vector<512x128xf32>
    tpu.vector_store %arg3[%swap3A, %swap3A_6], %mul3A_5 {strides = array<i32>} : memref<512x128xf32, #tpu.memory_space<vmem>>, vector<512x128xf32>,
    return
  }
  func.func @transform_0(%arg0: i32) -> (i32, i32) {
    %c0_i32 = arith.constant 0 : i32
    %c0_i32_0 = arith.constant 0 : i32
    return %arg0, %c0_i32 : i32, i32
  }
  func.func @transform_1(%arg0: i32) -> (i32, i32) {
    %c0_i32 = arith.constant 0 : i32
    %c0_i32_0 = arith.constant 0 : i32
    return %arg0, %c0_i32 : i32, i32
  }
  func.func @transform_2(%arg0: i32) -> (i32, i32) {
    %c0_i32 = arith.constant 0 : i32
    %c0_i32_0 = arith.constant 0 : i32
    return %arg0, %c0_i32 : i32, i32
  }
}

module attributes {stable_mosaic.version = 14 : i64} {
  func.func @_tc_mm_body(%arg0: i32, %arg1: memref<2x512x128xf32, #tpu.memory_space<vmem>>, %arg2: memref<512x128xf32, #tpu.memory_space<vmem>>, %arg3: memref<512x1xf32, #tpu.memory_space<vmem>>, %arg4: memref<128x1024xf32, #tpu.memory_space<vmem>>, %arg5: memref<1x1024xf32, #tpu.memory_space<vmem>>, %arg6: memref<1024x16xf32, #tpu.memory_space<vmem>>, %arg7: memref<512x16xf32, #tpu.memory_space<vmem>>) attributes {dimension_semantics = [#tpu.dimension_semantics<arbitrary>], iteration_bounds = array<i64: 20>, scalar_prefetch = 0 : i64, scratch_operands = 0 : i64, tpu.core_type = #tpu.core_type<tc>, window_params = [{transform_indices = @transform_0, window_bounds = array<i64: 2, 512, 128>}, {transform_indices = @transform_1, window_bounds = array<i64: 512, 128>}, {transform_indices = @transform_2, window_bounds = array<i64: 512, 1>}, {pipeline_mode = #tpu.pipeline_mode<synchronous>, transform_indices = @transform_3, window_bounds = array<i64: 128, 1024>}, {pipeline_mode = #tpu.pipeline_mode<synchronous>, transform_indices = @transform_4, window_bounds = array<i64: 1, 1024>}, {pipeline_mode = #tpu.pipeline_mode<synchronous>, transform_indices = @transform_5, window_bounds = array<i64: 1024, 16>}, {transform_indices = @transform_6, window_bounds = array<i64: 512, 16>}]} {
    %get3A = arith.constant 0 : index
    %get3A_0 = arith.constant 0 : index
    %get3A_1 = vector.load %arg3[%get3A, %get3A_0] : memref<512x1xf32, #tpu.memory_space<vmem>>, vector<512x1xf32>
    %get3A_2 = arith.constant 0 : index
    %get3A_3 = arith.constant 0 : index
    %get3A_4 = arith.constant 0 : index
    %get3A_5 = vector.load %arg1[%get3A_2, %get3A_3, %get3A_4] : memref<2x512x128xf32, #tpu.memory_space<vmem>>, vector<1x512x128xf32>
    %get3A_6 = vector.shape_cast %get3A_5 : vector<1x512x128xf32> to vector<512x128xf32>
    %get3A_7 = arith.constant 1 : index
    %get3A_8 = arith.constant 0 : index
    %get3A_9 = arith.constant 0 : index
    %get3A_10 = vector.load %arg1[%get3A_7, %get3A_8, %get3A_9] : memref<2x512x128xf32, #tpu.memory_space<vmem>>, vector<1x512x128xf32>
    %get3A_11 = vector.shape_cast %get3A_10 : vector<1x512x128xf32> to vector<512x128xf32>
    %add3A = arith.addf %get3A_6, %get3A_11 : vector<512x128xf32>
    %get3A_12 = arith.constant 0 : index
    %get3A_13 = arith.constant 0 : index
    %get3A_14 = vector.load %arg2[%get3A_12, %get3A_13] : memref<512x128xf32, #tpu.memory_space<vmem>>, vector<512x128xf32>
    %add3A_15 = arith.addf %add3A, %get3A_14 : vector<512x128xf32>
    %mul3A = vector.broadcast %get3A_1 : vector<512x1xf32> to vector<512x128xf32>
    %mul3A_16 = arith.mulf %mul3A, %add3A_15 : vector<512x128xf32>
    %get3A_17 = arith.constant 0 : index
    %get3A_18 = arith.constant 0 : index
    %get3A_19 = vector.load %arg4[%get3A_17, %get3A_18] : memref<128x1024xf32, #tpu.memory_space<vmem>>, vector<128x1024xf32>
    %dot_general3A = arith.constant dense<0.000000e+00> : vector<512x1024xf32>
    %dot_general3A_20 = tpu.matmul %mul3A_16, %get3A_19, %dot_general3A {dimension_numbers = #tpu.dot_dimension_numbers<[1], [0], [0], [1], [0, 0, 1, 1], [], []>, transpose_lhs_hint = false} : vector<512x128xf32>, vector<128x1024xf32>, vector<512x1024xf32> -> vector<512x1024xf32>
    %get3A_21 = arith.constant 0 : index
    %get3A_22 = arith.constant 0 : index
    %get3A_23 = vector.load %arg5[%get3A_21, %get3A_22] : memref<1x1024xf32, #tpu.memory_space<vmem>>, vector<1x1024xf32>
    %add3A_24 = vector.broadcast %get3A_23 : vector<1x1024xf32> to vector<512x1024xf32>
    %add3A_25 = arith.addf %dot_general3A_20, %add3A_24 : vector<512x1024xf32>
    %max3A = arith.constant 0.000000e+00 : f32
    %max3A_26 = vector.broadcast %max3A : f32 to vector<512x1024xf32>
    %max3A_27 = arith.maximumf %add3A_25, %max3A_26 : vector<512x1024xf32>
    %get3A_28 = arith.constant 0 : index
    %get3A_29 = arith.constant 0 : index
    %get3A_30 = vector.load %arg6[%get3A_28, %get3A_29] : memref<1024x16xf32, #tpu.memory_space<vmem>>, vector<1024x16xf32>
    %dot_general3A_31 = arith.constant dense<0.000000e+00> : vector<512x16xf32>
    %dot_general3A_32 = tpu.matmul %max3A_27, %get3A_30, %dot_general3A_31 {dimension_numbers = #tpu.dot_dimension_numbers<[1], [0], [0], [1], [0, 0, 1, 1], [], []>, transpose_lhs_hint = false} : vector<512x1024xf32>, vector<1024x16xf32>, vector<512x16xf32> -> vector<512x16xf32>
    %mul3A_33 = vector.broadcast %get3A_1 : vector<512x1xf32> to vector<512x16xf32>
    %mul3A_34 = arith.mulf %mul3A_33, %dot_general3A_32 : vector<512x16xf32>
    %swap3A = arith.constant 0 : index
    %swap3A_35 = arith.constant 0 : index
    %swap3A_36 = vector.load %arg7[%swap3A, %swap3A_35] : memref<512x16xf32, #tpu.memory_space<vmem>>, vector<512x16xf32>
    tpu.vector_store %arg7[%swap3A, %swap3A_35], %mul3A_34 {strides = array<i32>} : memref<512x16xf32, #tpu.memory_space<vmem>>, vector<512x16xf32>,
    return
  }
  func.func @transform_0(%arg0: i32) -> (i32, i32, i32) {
    %c0_i32 = arith.constant 0 : i32
    %c0_i32_0 = arith.constant 0 : i32
    %c0_i32_1 = arith.constant 0 : i32
    return %c0_i32, %arg0, %c0_i32_0 : i32, i32, i32
  }
  func.func @transform_1(%arg0: i32) -> (i32, i32) {
    %c0_i32 = arith.constant 0 : i32
    %c0_i32_0 = arith.constant 0 : i32
    return %arg0, %c0_i32 : i32, i32
  }
  func.func @transform_2(%arg0: i32) -> (i32, i32) {
    %c0_i32 = arith.constant 0 : i32
    %c0_i32_0 = arith.constant 0 : i32
    return %arg0, %c0_i32 : i32, i32
  }
  func.func @transform_3(%arg0: i32) -> (i32, i32) {
    %c0_i32 = arith.constant 0 : i32
    %c0_i32_0 = arith.constant 0 : i32
    %c0_i32_1 = arith.constant 0 : i32
    return %c0_i32, %c0_i32_0 : i32, i32
  }
  func.func @transform_4(%arg0: i32) -> (i32, i32) {
    %c0_i32 = arith.constant 0 : i32
    %c0_i32_0 = arith.constant 0 : i32
    %c0_i32_1 = arith.constant 0 : i32
    return %c0_i32, %c0_i32_0 : i32, i32
  }
  func.func @transform_5(%arg0: i32) -> (i32, i32) {
    %c0_i32 = arith.constant 0 : i32
    %c0_i32_0 = arith.constant 0 : i32
    %c0_i32_1 = arith.constant 0 : i32
    return %c0_i32, %c0_i32_0 : i32, i32
  }
  func.func @transform_6(%arg0: i32) -> (i32, i32) {
    %c0_i32 = arith.constant 0 : i32
    %c0_i32_0 = arith.constant 0 : i32
    return %arg0, %c0_i32 : i32, i32
  }
}

module attributes {stable_mosaic.version = 14 : i64} {
  func.func @_tc_fin_body(%arg0: i32, %arg1: memref<2x400x16xf32, #tpu.memory_space<vmem>>, %arg2: memref<400x16xf32, #tpu.memory_space<vmem>>, %arg3: memref<400x1xf32, #tpu.memory_space<vmem>>, %arg4: memref<400x2xf32, #tpu.memory_space<vmem>>, %arg5: memref<1x16xf32, #tpu.memory_space<vmem>>, %arg6: memref<16x16xf32, #tpu.memory_space<vmem>>, %arg7: memref<1x16xf32, #tpu.memory_space<vmem>>, %arg8: memref<16x3xf32, #tpu.memory_space<vmem>>, %arg9: memref<1x3xf32, #tpu.memory_space<vmem>>, %arg10: memref<1x3xf32, #tpu.memory_space<vmem>>, %arg11: memref<1x16xf32, #tpu.memory_space<vmem>>) attributes {dimension_semantics = [#tpu.dimension_semantics<arbitrary>], iteration_bounds = array<i64: 25>, scalar_prefetch = 0 : i64, scratch_operands = 1 : i64, tpu.core_type = #tpu.core_type<tc>, window_params = [{transform_indices = @transform_0, window_bounds = array<i64: 2, 400, 16>}, {transform_indices = @transform_1, window_bounds = array<i64: 400, 16>}, {transform_indices = @transform_2, window_bounds = array<i64: 400, 1>}, {transform_indices = @transform_3, window_bounds = array<i64: 400, 2>}, {pipeline_mode = #tpu.pipeline_mode<synchronous>, transform_indices = @transform_4, window_bounds = array<i64: 1, 16>}, {pipeline_mode = #tpu.pipeline_mode<synchronous>, transform_indices = @transform_5, window_bounds = array<i64: 16, 16>}, {pipeline_mode = #tpu.pipeline_mode<synchronous>, transform_indices = @transform_6, window_bounds = array<i64: 1, 16>}, {pipeline_mode = #tpu.pipeline_mode<synchronous>, transform_indices = @transform_7, window_bounds = array<i64: 16, 3>}, {pipeline_mode = #tpu.pipeline_mode<synchronous>, transform_indices = @transform_8, window_bounds = array<i64: 1, 3>}, {pipeline_mode = #tpu.pipeline_mode<synchronous>, transform_indices = @transform_9, window_bounds = array<i64: 1, 3>}]} {
    %eq3A = arith.constant 0 : i32
    %eq3A_0 = arith.cmpi eq, %arg0, %eq3A : i32
    %convert_element_type3A = arith.extui %eq3A_0 : i1 to i32
    %cond3A = arith.constant 0 : i32
    %cond3A_1 = arith.cmpi ne, %convert_element_type3A, %cond3A : i32
    scf.if %cond3A_1 {
      %broadcast_in_dim3A_50 = arith.constant 0.000000e+00 : f32
      %broadcast_in_dim3A_51 = vector.broadcast %broadcast_in_dim3A_50 : f32 to vector<1x16xf32>
      %swap3A_52 = arith.constant 0 : index
      %swap3A_53 = arith.constant 0 : index
      %swap3A_54 = vector.load %arg11[%swap3A_52, %swap3A_53] : memref<1x16xf32, #tpu.memory_space<vmem>>, vector<1x16xf32>
      tpu.vector_store %arg11[%swap3A_52, %swap3A_53], %broadcast_in_dim3A_51 {strides = array<i32>} : memref<1x16xf32, #tpu.memory_space<vmem>>, vector<1x16xf32>,
    } else {
    }
    %get3A = arith.constant 0 : index
    %get3A_2 = arith.constant 0 : index
    %get3A_3 = vector.load %arg3[%get3A, %get3A_2] : memref<400x1xf32, #tpu.memory_space<vmem>>, vector<400x1xf32>
    %get3A_4 = arith.constant 0 : index
    %get3A_5 = arith.constant 0 : index
    %get3A_6 = arith.constant 0 : index
    %get3A_7 = vector.load %arg1[%get3A_4, %get3A_5, %get3A_6] : memref<2x400x16xf32, #tpu.memory_space<vmem>>, vector<1x400x16xf32>
    %get3A_8 = vector.shape_cast %get3A_7 : vector<1x400x16xf32> to vector<400x16xf32>
    %get3A_9 = arith.constant 1 : index
    %get3A_10 = arith.constant 0 : index
    %get3A_11 = arith.constant 0 : index
    %get3A_12 = vector.load %arg1[%get3A_9, %get3A_10, %get3A_11] : memref<2x400x16xf32, #tpu.memory_space<vmem>>, vector<1x400x16xf32>
    %get3A_13 = vector.shape_cast %get3A_12 : vector<1x400x16xf32> to vector<400x16xf32>
    %add3A = arith.addf %get3A_8, %get3A_13 : vector<400x16xf32>
    %get3A_14 = arith.constant 0 : index
    %get3A_15 = arith.constant 0 : index
    %get3A_16 = vector.load %arg2[%get3A_14, %get3A_15] : memref<400x16xf32, #tpu.memory_space<vmem>>, vector<400x16xf32>
    %add3A_17 = arith.addf %add3A, %get3A_16 : vector<400x16xf32>
    %mul3A = vector.broadcast %get3A_3 : vector<400x1xf32> to vector<400x16xf32>
    %mul3A_18 = arith.mulf %mul3A, %add3A_17 : vector<400x16xf32>
    %get3A_19 = arith.constant 0 : index
    %get3A_20 = arith.constant 0 : index
    %get3A_21 = vector.load %arg5[%get3A_19, %get3A_20] : memref<1x16xf32, #tpu.memory_space<vmem>>, vector<1x16xf32>
    %add3A_22 = vector.broadcast %get3A_21 : vector<1x16xf32> to vector<400x16xf32>
    %add3A_23 = arith.addf %mul3A_18, %add3A_22 : vector<400x16xf32>
    %max3A = arith.constant 0.000000e+00 : f32
    %max3A_24 = vector.broadcast %max3A : f32 to vector<400x16xf32>
    %max3A_25 = arith.maximumf %add3A_23, %max3A_24 : vector<400x16xf32>
    %get3A_26 = arith.constant 0 : index
    %get3A_27 = arith.constant 0 : index
    %get3A_28 = vector.load %arg4[%get3A_26, %get3A_27] : memref<400x2xf32, #tpu.memory_space<vmem>>, vector<400x1xf32>
    %get3A_29 = arith.constant 0 : index
    %get3A_30 = arith.constant 1 : index
    %get3A_31 = vector.load %arg4[%get3A_29, %get3A_30] : memref<400x2xf32, #tpu.memory_space<vmem>>, vector<400x1xf32>
    %add3A_32 = arith.addf %get3A_28, %get3A_31 : vector<400x1xf32>
    %mul3A_33 = arith.mulf %get3A_3, %add3A_32 : vector<400x1xf32>
    %mul3A_34 = arith.mulf %get3A_3, %get3A_3 : vector<400x1xf32>
    %add3A_35 = arith.addf %mul3A_33, %mul3A_34 : vector<400x1xf32>
    %get3A_36 = arith.constant 0 : index
    %get3A_37 = arith.constant 0 : index
    %get3A_38 = vector.load %arg11[%get3A_36, %get3A_37] : memref<1x16xf32, #tpu.memory_space<vmem>>, vector<1x16xf32>
    %mul3A_39 = vector.broadcast %add3A_35 : vector<400x1xf32> to vector<400x16xf32>
    %mul3A_40 = arith.mulf %mul3A_39, %max3A_25 : vector<400x16xf32>
    %reduce_sum3A = arith.constant dense<0.000000e+00> : vector<16xf32>
    %reduce_sum3A_41 = vector.multi_reduction <add>, %mul3A_40, %reduce_sum3A [0] : vector<400x16xf32> to vector<16xf32>
    %broadcast_in_dim3A = vector.shape_cast %reduce_sum3A_41 : vector<16xf32> to vector<1x16xf32>
    %add3A_42 = arith.addf %get3A_38, %broadcast_in_dim3A : vector<1x16xf32>
    %swap3A = arith.constant 0 : index
    %swap3A_43 = arith.constant 0 : index
    %swap3A_44 = vector.load %arg11[%swap3A, %swap3A_43] : memref<1x16xf32, #tpu.memory_space<vmem>>, vector<1x16xf32>
    tpu.vector_store %arg11[%swap3A, %swap3A_43], %add3A_42 {strides = array<i32>} : memref<1x16xf32, #tpu.memory_space<vmem>>, vector<1x16xf32>,
    %eq3A_45 = arith.constant 24 : i32
    %eq3A_46 = arith.cmpi eq, %arg0, %eq3A_45 : i32
    %convert_element_type3A_47 = arith.extui %eq3A_46 : i1 to i32
    %cond3A_48 = arith.constant 0 : i32
    %cond3A_49 = arith.cmpi ne, %convert_element_type3A_47, %cond3A_48 : i32
    scf.if %cond3A_49 {
      %get3A_50 = arith.constant 0 : index
      %get3A_51 = arith.constant 0 : index
      %get3A_52 = vector.load %arg11[%get3A_50, %get3A_51] : memref<1x16xf32, #tpu.memory_space<vmem>>, vector<1x16xf32>
      %mul3A_53 = arith.constant 9.99999974E-5 : f32
      %mul3A_54 = vector.broadcast %mul3A_53 : f32 to vector<1x16xf32>
      %mul3A_55 = arith.mulf %get3A_52, %mul3A_54 : vector<1x16xf32>
      %get3A_56 = arith.constant 0 : index
      %get3A_57 = arith.constant 0 : index
      %get3A_58 = vector.load %arg6[%get3A_56, %get3A_57] : memref<16x16xf32, #tpu.memory_space<vmem>>, vector<16x16xf32>
      %dot_general3A = arith.constant dense<0.000000e+00> : vector<1x16xf32>
      %dot_general3A_59 = tpu.matmul %mul3A_55, %get3A_58, %dot_general3A {dimension_numbers = #tpu.dot_dimension_numbers<[1], [0], [0], [1], [0, 0, 1, 1], [], []>, transpose_lhs_hint = false} : vector<1x16xf32>, vector<16x16xf32>, vector<1x16xf32> -> vector<1x16xf32>
      %get3A_60 = arith.constant 0 : index
      %get3A_61 = arith.constant 0 : index
      %get3A_62 = vector.load %arg7[%get3A_60, %get3A_61] : memref<1x16xf32, #tpu.memory_space<vmem>>, vector<1x16xf32>
      %add3A_63 = arith.addf %dot_general3A_59, %get3A_62 : vector<1x16xf32>
      %get3A_64 = arith.constant 0 : index
      %get3A_65 = arith.constant 0 : index
      %get3A_66 = vector.load %arg8[%get3A_64, %get3A_65] : memref<16x3xf32, #tpu.memory_space<vmem>>, vector<16x3xf32>
      %dot_general3A_67 = arith.constant dense<0.000000e+00> : vector<1x3xf32>
      %dot_general3A_68 = tpu.matmul %add3A_63, %get3A_66, %dot_general3A_67 {dimension_numbers = #tpu.dot_dimension_numbers<[1], [0], [0], [1], [0, 0, 1, 1], [], []>, transpose_lhs_hint = false} : vector<1x16xf32>, vector<16x3xf32>, vector<1x3xf32> -> vector<1x3xf32>
      %get3A_69 = arith.constant 0 : index
      %get3A_70 = arith.constant 0 : index
      %get3A_71 = vector.load %arg9[%get3A_69, %get3A_70] : memref<1x3xf32, #tpu.memory_space<vmem>>, vector<1x3xf32>
      %add3A_72 = arith.addf %dot_general3A_68, %get3A_71 : vector<1x3xf32>
      %swap3A_73 = arith.constant 0 : index
      %swap3A_74 = arith.constant 0 : index
      %swap3A_75 = vector.load %arg10[%swap3A_73, %swap3A_74] : memref<1x3xf32, #tpu.memory_space<vmem>>, vector<1x3xf32>
      tpu.vector_store %arg10[%swap3A_73, %swap3A_74], %add3A_72 {strides = array<i32>} : memref<1x3xf32, #tpu.memory_space<vmem>>, vector<1x3xf32>,
    } else {
    }
    return
  }
  func.func @transform_0(%arg0: i32) -> (i32, i32, i32) {
    %c0_i32 = arith.constant 0 : i32
    %c0_i32_0 = arith.constant 0 : i32
    %c0_i32_1 = arith.constant 0 : i32
    return %c0_i32, %arg0, %c0_i32_0 : i32, i32, i32
  }
  func.func @transform_1(%arg0: i32) -> (i32, i32) {
    %c0_i32 = arith.constant 0 : i32
    %c0_i32_0 = arith.constant 0 : i32
    return %arg0, %c0_i32 : i32, i32
  }
  func.func @transform_2(%arg0: i32) -> (i32, i32) {
    %c0_i32 = arith.constant 0 : i32
    %c0_i32_0 = arith.constant 0 : i32
    return %arg0, %c0_i32 : i32, i32
  }
  func.func @transform_3(%arg0: i32) -> (i32, i32) {
    %c0_i32 = arith.constant 0 : i32
    %c0_i32_0 = arith.constant 0 : i32
    return %arg0, %c0_i32 : i32, i32
  }
  func.func @transform_4(%arg0: i32) -> (i32, i32) {
    %c0_i32 = arith.constant 0 : i32
    %c0_i32_0 = arith.constant 0 : i32
    %c0_i32_1 = arith.constant 0 : i32
    return %c0_i32, %c0_i32_0 : i32, i32
  }
  func.func @transform_5(%arg0: i32) -> (i32, i32) {
    %c0_i32 = arith.constant 0 : i32
    %c0_i32_0 = arith.constant 0 : i32
    %c0_i32_1 = arith.constant 0 : i32
    return %c0_i32, %c0_i32_0 : i32, i32
  }
  func.func @transform_6(%arg0: i32) -> (i32, i32) {
    %c0_i32 = arith.constant 0 : i32
    %c0_i32_0 = arith.constant 0 : i32
    %c0_i32_1 = arith.constant 0 : i32
    return %c0_i32, %c0_i32_0 : i32, i32
  }
  func.func @transform_7(%arg0: i32) -> (i32, i32) {
    %c0_i32 = arith.constant 0 : i32
    %c0_i32_0 = arith.constant 0 : i32
    %c0_i32_1 = arith.constant 0 : i32
    return %c0_i32, %c0_i32_0 : i32, i32
  }
  func.func @transform_8(%arg0: i32) -> (i32, i32) {
    %c0_i32 = arith.constant 0 : i32
    %c0_i32_0 = arith.constant 0 : i32
    %c0_i32_1 = arith.constant 0 : i32
    return %c0_i32, %c0_i32_0 : i32, i32
  }
  func.func @transform_9(%arg0: i32) -> (i32, i32) {
    %c0_i32 = arith.constant 0 : i32
    %c0_i32_0 = arith.constant 0 : i32
    %c0_i32_1 = arith.constant 0 : i32
    return %c0_i32, %c0_i32_0 : i32, i32
  }
}

</mosaic_0001>

<sc_bundles>
// kernel: kernel.11.cloned.1.call-start
scs
__scs_entry_jumppad:
0x0: {  	(pc) =	sbr.rel $0x88, $3  }
0x1: {  	(tag) =	ssettag $0x0;
	lr =	simm.s32 $0x1  }
0x2: {  	[smem:$0x3F97] =	sst lr;
	_ =	strace $0xD0000000  }
0x3: {  	_ = 	snop  }
0x4: {  	_ = 	snop  }
0x5: {  	_ = 	snop  }
0x6: {  	_ = 	snop  }
0x7: {  	_ = 	snop  }
__scs_overlays_trampoline_lowered:
0x8: {  	[smem:$0x3FA6] =	sst s0  }
0x9: {  	[smem:$0x3FA7] =	sst s1  }
0xa: {  	[smem:$0x3FA8] =	sst s2  }
0xb: {  	[smem:$0x3FA9] =	sst s3  }
0xc: {  	[smem:$0x3FAA] =	sst s4  }
0xd: {  	[smem:$0x3FAB] =	sst s5  }
0xe: {  	[smem:$0x3FAC] =	sst s6  }
0xf: {  	[smem:$0x3FAD] =	sst s7  }
0x10: {  	[smem:$0x3FAE] =	sst s8  }
0x11: {  	[smem:$0x3FAF] =	sst s9;
	s0 =	simm.s32 @!p0 $0x0  }
0x12: {  	s1 =	sld [smem:$0x3F95];
	s0 =	simm.s32 @p0 $0x1  }
0x13: {  	[smem:$0x3FB0] =	sst s0;
	s0 =	simm.s32 @!p1 $0x0  }
0x14: {  	s2 =	sld [smem:$0x3F94];
	s0 =	simm.s32 @p1 $0x1  }
0x15: {  	[smem:$0x3FB1] =	sst s0;
	s0 =	simm.s32 @!p2 $0x0  }
0x16: {  	s3 =	sld [smem:$0x3FDB];
	s0 =	simm.s32 @p2 $0x1  }
0x17: {  	s4 =	simm.s32 $0x1BF5;
	[smem:$0x3FB3] =	sst s0  }
0x18: {  	s0 =	sld [smem:$0x3F96];
	_ =	swait.ge [sflag:s4], $0x0  }
0x19: {  	s7 =	sld [smem:$0x3F97]  }
0x1a: {  	s8 =	sadd.s32 $0xFFFFE003, lr  }
0x1b: {  	s9 =	sadd.s32 $0xFFFFFEF7, lr;
	s5 =	simm.s32 $0xFFFFFFFF;
	p2 =	slt.u32 s8, $0xFFFFF086  }
0x1c: {  	p1 =	slt.u32 s9, $0xF7A;
	s5 =	simm.s32 @!p2 $0x0  }
0x1d: {  	s5 =	simm.s32 @p1 $0x1;
	p0 =	seq.s32 s7, s2  }
0x1e: {  	s7 =	smul.u32 @!p0 $0xF7A, s2;
	p2 =	seq.s32 @!p0 s5, $0x0  }
0x1f: {  	s9 =	smul.u32 $0xF7A, s1;
	s8 =	simm.s32 @!p0 $0x1BF5;
	p2 =	por !p2, p0  }
0x20: {  	[sflag:s8] =	ssyncset.s32 @!p0 $0xFFFFF086;
	s6 =	sadd.s32 @!p0 s3, s7;
	s7 =	simm.s32 @!p0 $0x108  }
0x21: {  	s3 =	sadd.s32 s3, s9;
	s6 =	sadd.s32 @!p0 $0x88, s6;
	s7 =	simm.s32 @p2 $0x1082  }
0x22: {  	[simem:s7], [sflag:s8] =	dma.local @!p0 [hbm:s6], $0xF7A  }
0x23: {  	s9 =	sor.u32 $0xD0000000, s2;
	s6 =	simm.s32 $0x108;
	_ =	swait.ge @!p0 [sflag:s8], $0x0  }
0x24: {  	s3 =	sadd.s32 $0x88, s3;
	s6 =	simm.s32 @!p1 $0x1082;
	[sflag:s4] =	ssyncset.s32 $0xFFFFF086  }
0x25: {  	[simem:s6], [sflag:s4] =	dma.local [hbm:s3], $0xF7A  }
0x26: {  	[smem:$0x3F97] =	sst s1;
	(tag) =	ssettag s2;
	_ =	strace s9  }
0x27: {  	s1 =	sld [smem:$0x3FA7]  }
0x28: {  	s2 =	sld [smem:$0x3FA8]  }
0x29: {  	s4 =	sld [smem:$0x3FAA]  }
0x2a: {  	p0 =	seq.s32 s5, $0x0;
	s5 =	sld [smem:$0x3FAB]  }
0x2b: {  	s6 =	sld [smem:$0x3FAC]  }
0x2c: {  	s7 =	sld [smem:$0x3FAD]  }
0x2d: {  	s3 =	simm.s32 $0x108;
	s8 =	sld [smem:$0x3FAE]  }
0x2e: {  	s3 =	simm.s32 @!p0 $0x1082;
	s9 =	sld [smem:$0x3FAF]  }
0x2f: {  	lr =	sadd.s32 s0, s3;
	s0 =	sld [smem:$0x3FA6]  }
0x30: {  	s3 =	sld [smem:$0x3FA9]  }
0x31: {  	[smem:$0x3FB2] =	sst s10  }
0x32: {  	s10 =	sld [smem:$0x3FB0];
	_ =	sdelay $0x3  }
0x33: {  	p0 =	seq.s32 s10, $0x1;
	s10 =	sld [smem:$0x3FB2];
	_ =	sdelay $0x3  }
0x34: {  	[smem:$0x3FB2] =	sst s10  }
0x35: {  	s10 =	sld [smem:$0x3FB1];
	_ =	sdelay $0x3  }
0x36: {  	p1 =	seq.s32 s10, $0x1;
	s10 =	sld [smem:$0x3FB2];
	_ =	sdelay $0x3  }
0x37: {  	[smem:$0x3FB2] =	sst s10  }
0x38: {  	s10 =	sld [smem:$0x3FB3]  }
0x39: {  	_ = 	snop;
	(pc) =	sbr.ind lr, $3  }
0x3a: {  	_ = 	snop  }
0x3b: {  	_ = 	snop  }
0x3c: {  	p2 =	seq.s32 s10, $0x1;
	s10 =	sld [smem:$0x3FB2]  }
0x3d: {  	_ =	shalt  }
0x3e: {  	_ =	shalt  }
0x3f: {  	_ =	shalt  }
0x40: {  	_ =	shalt  }
0x41: {  	_ =	shalt  }
0x42: {  	_ =	shalt  }
0x43: {  	_ =	shalt  }
0x44: {  	_ =	shalt  }
0x45: {  	_ =	shalt  }
0x46: {  	_ =	shalt  }
0x47: {  	_ =	shalt  }
0x48: {  	_ =	shalt  }
0x49: {  	_ =	shalt  }
0x4a: {  	_ =	shalt  }
0x4b: {  	_ =	shalt  }
0x4c: {  	_ =	shalt  }
0x4d: {  	_ =	shalt  }
0x4e: {  	_ =	shalt  }
0x4f: {  	_ =	shalt  }
0x50: {  	_ =	shalt  }
0x51: {  	_ =	shalt  }
0x52: {  	_ =	shalt  }
0x53: {  	_ =	shalt  }
0x54: {  	_ =	shalt  }
0x55: {  	_ =	shalt  }
0x56: {  	_ =	shalt  }
0x57: {  	_ =	shalt  }
0x58: {  	_ =	shalt  }
0x59: {  	_ =	shalt  }
0x5a: {  	_ =	shalt  }
0x5b: {  	_ =	shalt  }
0x5c: {  	_ =	shalt  }
0x5d: {  	_ =	shalt  }
0x5e: {  	_ =	shalt  }
0x5f: {  	_ =	shalt  }
0x60: {  	_ =	shalt  }
0x61: {  	_ =	shalt  }
0x62: {  	_ =	shalt  }
0x63: {  	_ =	shalt  }
0x64: {  	_ =	shalt  }
0x65: {  	_ =	shalt  }
0x66: {  	_ =	shalt  }
0x67: {  	_ =	shalt  }
0x68: {  	_ =	shalt  }
0x69: {  	_ =	shalt  }
0x6a: {  	_ =	shalt  }
0x6b: {  	_ =	shalt  }
0x6c: {  	_ =	shalt  }
0x6d: {  	_ =	shalt  }
0x6e: {  	_ =	shalt  }
0x6f: {  	_ =	shalt  }
0x70: {  	_ =	shalt  }
0x71: {  	_ =	shalt  }
0x72: {  	_ =	shalt  }
0x73: {  	_ =	shalt  }
0x74: {  	_ =	shalt  }
0x75: {  	_ =	shalt  }
0x76: {  	_ =	shalt  }
0x77: {  	_ =	shalt  }
0x78: {  	_ =	shalt  }
0x79: {  	_ =	shalt  }
0x7a: {  	_ =	shalt  }
0x7b: {  	_ =	shalt  }
0x7c: {  	_ =	shalt  }
0x7d: {  	_ =	shalt  }
0x7e: {  	_ =	shalt  }
0x7f: {  	_ =	shalt  }
0x80: {  	_ =	shalt  }
0x81: {  	_ =	shalt  }
0x82: {  	_ =	shalt  }
0x83: {  	_ =	shalt  }
0x84: {  	_ =	shalt  }
0x85: {  	_ =	shalt  }
0x86: {  	_ =	shalt  }
0x87: {  	_ =	shalt  }
.Lfunc_end0:
.L_simem_size_0:
called_computation.1_lowered:
.L_overlay_start_0:
0x88: {  	s2 =	sld [smem:$0x3FD9]  }
0x89: {  	s3 =	sld [smem:$0x3FFE];
	_ =	sdelay $0x1  }
0x8a: {  	s1 =	srdreg.scid  }
0x8b: {  	s0 =	sand.u32 $0x1, s1  }
0x8c: {  	s16 =	sshll.u32 s0, $0xA;
	s2 =	sadd.s32 s3, s2  }
0x8d: {  	s2 =	sadd.s32 s2, s16  }
0x8e: {  	[smem:$0x3FBE] =	sst s2  }
0x8f: {  	_ = 	snop  }
0x90: {  	(tm) =	ssettm $0x1  }
0x91: {  	s17 =	sld [smem:$0x3FFB];
	_ =	sdelay $0x3  }
0x92: {  	_ =	strace s17  }
0x93: {  	s2 =	sld [smem:$0x3FFC];
	_ =	sdelay $0x3  }
0x94: {  	_ =	strace s2  }
0x95: {  	s2 =	sld [smem:$0x3FFD];
	_ =	sdelay $0x3  }
0x96: {  	_ =	strace s2  }
0x97: {  	_ =	strace $0x8FFFFFFF  }
0x98: {  	s18 =	sld [smem:$0x3FDB];
	_ =	sdelay $0x1  }
0x99: {  	s19 =	simm.s32 $_scs_section_size  }
0x9a: {  	s4 =	simm.s32 $_size__tile_overlayer_lowered;
	s5 =	simm.s32 $_tile_overlayer_lowered  }
0x9b: {  	s22 =	simm.s32 $0x1BFF;
	s21 =	sshll.u32 s5, $0x1;
	s2 =	sadd.s32 s19, s18  }
0x9c: {  	s6 =	simm.s32 $0x0;
	s20 =	sshll.u32 s4, $0x1;
	s4 =	sadd.s32 s21, s2  }
0x9d: {  	[timem:s6], [sflag:s22] =	dma.local [hbm:s4], s20  }
0x9e: {  	_ =	swait.ge [sflag:s22], s20  }
0x9f: {  	s3 =	ssub.s32 $0x0, s20;
	[sflag:s22] =	ssyncset.done $0x0  }
0xa0: {  	[sflag:s22] =	ssyncadd.s32 s3;
	_ =	sdelay $0x1  }
0xa1: {  	s23 =	simm.s32 $0x1B8B  }
0xa2: {  	_ =	swait.ge [sflag:s23], $0x1  }
0xa3: {  	[sflag:s23] =	ssyncset.done $0x0  }
0xa4: {  	s25 =	simm.s32 $0x1B8E;
	s24 =	sld [smem:$0x3FFE];
	[sflag:s23] =	ssyncadd.s32 $0xFFFFFFFF  }
0xa5: {  	s26 =	simm.s32 $execute0_lowered;
	[smem:$0x3FD2] =	sst s25  }
0xa6: {  	s4 =	sshll.u32 s26, $0x1;
	_ =	strace $0x80000049;
	[dreg:$0x1] =	wrdreg $0xFFFFFFFF  }
0xa7: {  	s28 =	simm.s32 $_size_execute0_lowered;
	s2 =	sadd.s32 s2, s4;
	[dreg:$0x0] =	wrdreg $0x0  }
0xa8: {  	s4 =	sshll.u32 s28, $0x1;
	[dreg:$0x2] =	wrdreg s2  }
0xa9: {  	[dreg:$0x3] =	wrdreg s4  }
0xaa: {  	[dreg:$0x4] =	wrdreg $0xC0  }
0xab: {  	_ =	task [dreg:s6], $0x5FFFF  }
0xac: {  	[dreg:$0x1] =	wrdreg $0xFFFFFFFF  }
0xad: {  	[dreg:$0x0] =	wrdreg $0x60  }
0xae: {  	[dreg:$0x2] =	wrdreg s24  }
0xaf: {  	[dreg:$0x3] =	wrdreg $0x88000  }
0xb0: {  	[dreg:$0x4] =	wrdreg $0x9  }
0xb1: {  	_ =	task.clear_ibuf [dreg:s6], $0x5FFFF;
	_ =	strace $0x90000049  }
0xb2: {  	s29 =	simm.s32 $0x9;
	_ =	strace $0x8000004B  }
0xb3: {  	_ =	swait.ge [sflag:s29], $0x1  }
0xb4: {  	[sflag:s29] =	ssyncadd.s32 $0xFFFFFFFF  }
0xb5: {  	_ =	strace $0x9000004B  }
0xb6: {  	_ =	sfence  }
0xb7: {  	s30 =	sld [smem:$0x0];
	_ =	sdelay $0x2  }
0xb8: {  	s31 =	sshll.u32 s1, $0xD;
	s1 =	sshrl.u32 s1, $0x2  }
0xb9: {  	s3 =	sand.u32 $0x4000, s31;
	s1 =	sadd.s32 s1, s30  }
0xba: {  	s0 =	sor.u32 s3, s0;
	s1 =	sshll.u32 s1, $0x11  }
0xbb: {  	s0 =	sor.u32 s1, s0  }
0xbc: {  	s0 =	sadd.s32 $0x8F2B, s0  }
0xbd: {  	[sflag:s0] =	ssyncadd.remote.s32 $0x1  }
0xbe: {  	_ =	sfence.sel $0xFFFF  }
0xbf: {  	[dreg:$0x0] =	wrdreg $0xFFFFFFFF;
	(pc) =	sbr.abs _section_cstart, $3  }
0xc0: {  	[dreg:$0x1] =	wrdreg $0xFFFFFFFF  }
0xc1: {  	_ =	task.clear_ibuf [dreg:s6], $0x2FFFF;
	_ =	strace $0x9FFFFFFF  }
0xc2: {  	(tm) =	ssettm $0x7FFFFFFF  }
0xc3: {  	_ =	shalt  }
tec
execute0_lowered:
.L_overlay_start_1:
0x0: {  	(tag) =	ssettag $0x1  }
0x1: {  	s0 =	rddreg [dreg:$0x0]  }
0x2: {  	s1 =	rddreg [dreg:$0x1];
	s3 =	simm.s32 $0x0;
	s2 =	srdreg.scid  }
0x3: {  	s4 =	stileid.u32;
	s29 =	simm.s32 $0xB;
	[smem:$0x7FF] =	sst s3  }
0x4: {  	s2 =	sand.u32 $0x1, s2;
	s14 =	sadd.s32 $0x20E00, s0;
	s8 =	smul.u32 $0x14000, s4  }
0x5: {  	s5 =	sadd.s32 $0x16E00, s0;
	s6 =	sadd.s32 $0x2BE00, s0;
	s26 =	smul.u32 $0x50000, s4  }
0x6: {  	s7 =	smul.u32 $0x140000, s2;
	_ =	strace $0x8000004A;
	s9 =	sshll.u32 s2, $0x4  }
0x7: {  	s11 =	ssub.s32 $0x2, s2;
	s2 =	smul.u32 $0x28000, s2;
	s3 =	smov.u32 s14  }
0x8: {  	s25 =	sor.u32 s4, s9;
	s28 =	sshrl.u32 s11, $0x1;
	s7 =	sadd.s32 s8, s7  }
0x9: {  	s30 =	ssub.s32 s11, s28;
	s10 =	sshrl.u32 s7, $0x3;
	s7 =	smul.u32 $0x2800, s25  }
0xa: {  	s9 =	sshrl.u32 s26, $0x2;
	s25 =	smax.u32 s30, $0x1;
	s0 =	sadd.s32 s10, s0  }
0xb: {  	[dreg:$0xc] =	wrdreg s25;
	s31 =	sshrl.u32 s7, $0x3;
	s0 =	sadd.s32 $0x53E00, s0  }
0xc: {  	s8 =	sadd.s32 s9, s1;
	s12 =	sadd.s32 s14, s31;
	[dreg:$0xb] =	wrdreg s0  }
0xd: {  	s13 =	sadd.s32 s5, s31;
	s15 =	sor.u32 $0x8, s31;
	[dreg:$0x3] =	wrdreg s12  }
0xe: {  	s25 =	simm.s32 $0x8400;
	[dreg:$0x4] =	wrdreg s13;
	s16 =	sadd.s32 s14, s15  }
0xf: {  	s9 =	sor.u32 $0x18, s31;
	s17 =	sadd.s32 s5, s15;
	[dreg:$0x5] =	wrdreg s16  }
0x10: {  	s12 =	sor.u32 $0x10, s31;
	s20 =	sadd.s32 s14, s9;
	[dreg:$0x6] =	wrdreg s17  }
0x11: {  	s13 =	smul.u32 $0x2800, s4;
	s21 =	sadd.s32 s5, s9;
	[dreg:$0x9] =	wrdreg s20  }
0x12: {  	s15 =	simm.s32 $0x4;
	s18 =	sadd.s32 s14, s12;
	[dreg:$0xa] =	wrdreg s21  }
0x13: {  	s4 =	simm.s32 $0x0;
	s19 =	sadd.s32 s5, s12;
	[dreg:$0x7] =	wrdreg s18  }
0x14: {  	s12 =	simm.s32 $0x1;
	s17 =	simm.s32 $0x7;
	[dreg:$0x8] =	wrdreg s19  }
0x15: {  	s2 =	sadd.s32 s13, s2;
	s13 =	simm.s32 $0x4400;
	s18 =	simm.s32 $0xD  }
0x16: {  	s22 =	sor.u32 $0xC0, s2;
	s24 =	sor.u32 $0x1C0, s2;
	s28 =	sor.u32 $0x180, s2  }
0x17: {  	s30 =	sor.u32 $0x140, s2;
	s2 =	sor.u32 $0x80, s2;
	s23 =	sshrl.u32 s22, $0x3  }
.Ltmp0:
0x18: {  	s26 =	sshrl.u32 s24, $0x3;
	s0 =	sshrl.u32 s28, $0x3;
	(pc) =	sbr.rel .LBB2_1-.Ltmp0, $4  }
0x19: {  	s9 =	sshrl.u32 s30, $0x3;
	s31 =	sshrl.u32 s2, $0x3;
	s19 =	sadd.s32 s23, s5  }
0x1a: {  	s20 =	sadd.s32 s26, s14;
	s21 =	sadd.s32 s0, s14;
	s22 =	sadd.s32 s9, s5  }
0x1b: {  	s23 =	sadd.s32 s9, s14;
	s24 =	sadd.s32 s31, s5;
	s26 =	simm.s32 $0x11  }
0x1c: {  	v0 =	vimm.f32 $0.0e+00;
	s0 =	simm.s32 $0x300;
	s9 =	simm.s32 $0x40;
	s14 =	simm.s32 $0x2  }
.LBB2_10:
0x1d: {  	_ =	swait.ge [sflag:s17], $0x2000  }
0x1e: {  	[sflag:s17] =	ssyncset.done $0x0  }
0x1f: {  	s2 =	simm.s32 $0x8;
	[sflag:s17] =	ssyncadd.s32 $0xFFFFE000  }
0x20: {  	_ =	swait.ge [sflag:s2], $0x2000  }
0x21: {  	[sflag:s2] =	ssyncset.done $0x0  }
0x22: {  	s28 =	stileid.u32;
	[sflag:s2] =	ssyncadd.s32 $0xFFFFE000  }
0x23: {  	s2 =	sshll.u32 s28, $0x6;
	[bflag:$0x0] =	sbarrier.arrive $0xFFFF  }
0x24: {  	s4 =	sshrl.u32 s8, $0x3;
	s2 =	sor.u32 $0x1C11, s2;
	s10 =	rddreg [dreg:$0xb]  }
0x25: {  	[hbm:s10], [sflag:s2] =	dma.local [spmem:s4], $0x2800  }
0x26: {  	_ =	swait.ge [sflag:s26], $0x2800  }
0x27: {  	s30 =	rddreg [dreg:$0xd]  }
0x28: {  	s31 =	rddreg [dreg:$0xc];
	s4 =	sadd.s32 $0x1, s30  }
0x29: {  	p0 =	sne.s32 s4, s31  }
.Ltmp1:
0x2a: {  	_ = 	snop;
	(pc) =	sbr.rel @!p0 .LBB2_11-.Ltmp1, $3  }
0x2b: {  	_ =	sdelay $0x1  }
0x2c: {  	[sflag:s26] =	ssyncset.done $0x0  }
0x2d: {  	[sflag:s26] =	ssyncadd.s32 $0xFFFFD800  }
.LBB2_1:
0x2e: {  	[tilespmem:$0x8400] =	vst v0  }
0x2f: {  	[tilespmem:$0x8410] =	vst v0  }
0x30: {  	[tilespmem:$0x8420] =	vst v0  }
0x31: {  	[tilespmem:$0x8430] =	vst v0  }
0x32: {  	[tilespmem:$0x8440] =	vst v0  }
0x33: {  	[tilespmem:$0x8450] =	vst v0  }
0x34: {  	[tilespmem:$0x8460] =	vst v0  }
0x35: {  	[tilespmem:$0x8470] =	vst v0  }
0x36: {  	[tilespmem:$0x8480] =	vst v0  }
0x37: {  	[tilespmem:$0x8490] =	vst v0  }
0x38: {  	[tilespmem:$0x84A0] =	vst v0  }
0x39: {  	[tilespmem:$0x84B0] =	vst v0  }
0x3a: {  	[tilespmem:$0x84C0] =	vst v0  }
0x3b: {  	[tilespmem:$0x84D0] =	vst v0  }
0x3c: {  	[tilespmem:$0x84E0] =	vst v0  }
0x3d: {  	[tilespmem:$0x84F0] =	vst v0  }
0x3e: {  	[tilespmem:$0x8500] =	vst v0  }
0x3f: {  	[tilespmem:$0x8510] =	vst v0  }
0x40: {  	[tilespmem:$0x8520] =	vst v0  }
0x41: {  	[tilespmem:$0x8530] =	vst v0  }
0x42: {  	[tilespmem:$0x8540] =	vst v0  }
0x43: {  	[tilespmem:$0x8550] =	vst v0  }
0x44: {  	[tilespmem:$0x8560] =	vst v0  }
0x45: {  	[tilespmem:$0x8570] =	vst v0  }
0x46: {  	[tilespmem:$0x8580] =	vst v0  }
0x47: {  	[tilespmem:$0x8590] =	vst v0  }
0x48: {  	[tilespmem:$0x85A0] =	vst v0  }
0x49: {  	[tilespmem:$0x85B0] =	vst v0  }
0x4a: {  	[tilespmem:$0x85C0] =	vst v0  }
0x4b: {  	[tilespmem:$0x85D0] =	vst v0  }
0x4c: {  	[tilespmem:$0x85E0] =	vst v0  }
0x4d: {  	[tilespmem:$0x85F0] =	vst v0  }
0x4e: {  	[tilespmem:$0x8600] =	vst v0  }
0x4f: {  	[tilespmem:$0x8610] =	vst v0  }
0x50: {  	[tilespmem:$0x8620] =	vst v0  }
0x51: {  	[tilespmem:$0x8630] =	vst v0  }
0x52: {  	[tilespmem:$0x8640] =	vst v0  }
0x53: {  	[tilespmem:$0x8650] =	vst v0  }
0x54: {  	[tilespmem:$0x8660] =	vst v0  }
0x55: {  	[tilespmem:$0x8670] =	vst v0  }
0x56: {  	[tilespmem:$0x8680] =	vst v0  }
0x57: {  	[tilespmem:$0x8690] =	vst v0  }
0x58: {  	[tilespmem:$0x86A0] =	vst v0  }
0x59: {  	[tilespmem:$0x86B0] =	vst v0  }
0x5a: {  	[tilespmem:$0x86C0] =	vst v0  }
0x5b: {  	[tilespmem:$0x86D0] =	vst v0  }
0x5c: {  	[tilespmem:$0x86E0] =	vst v0  }
0x5d: {  	[tilespmem:$0x86F0] =	vst v0  }
0x5e: {  	[tilespmem:$0x8700] =	vst v0  }
0x5f: {  	[tilespmem:$0x8710] =	vst v0  }
0x60: {  	[tilespmem:$0x8720] =	vst v0  }
0x61: {  	[tilespmem:$0x8730] =	vst v0  }
0x62: {  	[tilespmem:$0x8740] =	vst v0  }
0x63: {  	[tilespmem:$0x8750] =	vst v0  }
0x64: {  	[tilespmem:$0x8760] =	vst v0  }
0x65: {  	[tilespmem:$0x8770] =	vst v0  }
0x66: {  	[tilespmem:$0x8780] =	vst v0  }
0x67: {  	[tilespmem:$0x8790] =	vst v0  }
0x68: {  	[tilespmem:$0x87A0] =	vst v0  }
0x69: {  	[tilespmem:$0x87B0] =	vst v0  }
0x6a: {  	[tilespmem:$0x87C0] =	vst v0  }
0x6b: {  	[tilespmem:$0x87D0] =	vst v0  }
0x6c: {  	[tilespmem:$0x87E0] =	vst v0  }
0x6d: {  	[dreg:$0xd] =	wrdreg s4;
	[tilespmem:$0x87F0] =	vst v0;
	s2 =	sadd.s32 $0x0, s8  }
0x6e: {  	[spmem:s2] =	stream.linear.scatter [tilespmem:s25], [sflag:$0x11], $0x400, $0x38;
	[tilespmem:$0x1C800] =	vst v63  }
0x6f: {  	s2 =	simm.s32 $0x1000;
	_ =	swait.ge [sflag:s26], $0x400  }
.LBB2_2:
0x70: {  	s16 =	sshra.s32 s2, $0x2;
	[sflag:s26] =	ssyncset.done $0x0;
	p0 =	sne.s32 s2, $0x4F000  }
.Ltmp2:
0x71: {  	s16 =	sadd.s32 s16, s8;
	[sflag:s26] =	ssyncadd.s32 $0xFFFFFC00;
	(pc) =	sbr.rel @p0 .LBB2_2-.Ltmp2, $3  }
0x72: {  	[spmem:s16] =	stream.linear.scatter [tilespmem:s25], [sflag:$0x11], $0x400, $0x38;
	[tilespmem:$0x1C800] =	vst v63  }
0x73: {  	s2 =	sadd.s32 $0x1000, s2;
	_ =	sdelay $0x1  }
0x74: {  	_ =	swait.ge [sflag:s26], $0x400  }
0x75: {  	[sflag:s26] =	ssyncset.done $0x0  }
0x76: {  	s28 =	simm.s32 $0x0;
	s2 =	rddreg [dreg:$0x3];
	[sflag:s26] =	ssyncadd.s32 $0xFFFFFC00  }
0x77: {  	[tilespmem:s28], [sflag:$0x11] =	stream.linear.gather [hbm4b:s2+s28], $0x40, $0x38;
	[tilespmem:$0x1C800] =	vst v63  }
0x78: {  	_ =	swait.ge [sflag:s26], $0x40  }
0x79: {  	[sflag:s26] =	ssyncset.done $0x0  }
0x7a: {  	s4 =	simm.s32 $0x200;
	s31 =	rddreg [dreg:$0x4];
	[sflag:s26] =	ssyncadd.s32 $0xFFFFFFC0  }
0x7b: {  	[tilespmem:s4], [sflag:$0x11] =	stream.linear.gather [hbm4b:s31+s28], $0x40, $0x38;
	[tilespmem:$0x1C800] =	vst v63  }
0x7c: {  	_ =	swait.ge [sflag:s26], $0x40  }
0x7d: {  	[sflag:s26] =	ssyncset.done $0x0  }
0x7e: {  	s4 =	simm.s32 $0x80;
	s10 =	rddreg [dreg:$0x5];
	[sflag:s26] =	ssyncadd.s32 $0xFFFFFFC0  }
0x7f: {  	[tilespmem:s4], [sflag:$0x11] =	stream.linear.gather [hbm4b:s10+s28], $0x40, $0x38;
	[tilespmem:$0x1C800] =	vst v63  }
0x80: {  	_ =	swait.ge [sflag:s26], $0x40  }
0x81: {  	[sflag:s26] =	ssyncset.done $0x0  }
0x82: {  	s10 =	simm.s32 $0x280;
	s11 =	rddreg [dreg:$0x6];
	[sflag:s26] =	ssyncadd.s32 $0xFFFFFFC0  }
0x83: {  	[tilespmem:s10], [sflag:$0x11] =	stream.linear.gather [hbm4b:s11+s28], $0x40, $0x38;
	[tilespmem:$0x1C800] =	vst v63  }
0x84: {  	_ =	swait.ge [sflag:s26], $0x40  }
0x85: {  	[sflag:s26] =	ssyncset.done $0x0  }
0x86: {  	s31 =	simm.s32 $0x100;
	s16 =	rddreg [dreg:$0x7];
	[sflag:s26] =	ssyncadd.s32 $0xFFFFFFC0  }
0x87: {  	[tilespmem:s31], [sflag:$0x11] =	stream.linear.gather [hbm4b:s16+s28], $0x40, $0x38;
	[tilespmem:$0x1C800] =	vst v63  }
0x88: {  	_ =	swait.ge [sflag:s26], $0x40  }
0x89: {  	[sflag:s26] =	ssyncset.done $0x0  }
0x8a: {  	s11 =	rddreg [dreg:$0x8];
	[sflag:s26] =	ssyncadd.s32 $0xFFFFFFC0  }
0x8b: {  	[tilespmem:s0], [sflag:$0x11] =	stream.linear.gather [hbm4b:s11+s28], $0x40, $0x38;
	[tilespmem:$0x1C800] =	vst v63  }
0x8c: {  	_ =	swait.ge [sflag:s26], $0x40  }
0x8d: {  	[sflag:s26] =	ssyncset.done $0x0  }
0x8e: {  	s31 =	simm.s32 $0x180;
	s16 =	rddreg [dreg:$0x9];
	[sflag:s26] =	ssyncadd.s32 $0xFFFFFFC0  }
0x8f: {  	[tilespmem:s31], [sflag:$0x11] =	stream.linear.gather [hbm4b:s16+s28], $0x40, $0x38;
	[tilespmem:$0x1C800] =	vst v63  }
0x90: {  	_ =	swait.ge [sflag:s26], $0x40  }
0x91: {  	[sflag:s26] =	ssyncset.done $0x0  }
0x92: {  	s11 =	simm.s32 $0x380;
	s10 =	rddreg [dreg:$0xa];
	[sflag:s26] =	ssyncadd.s32 $0xFFFFFFC0  }
0x93: {  	[tilespmem:s11], [sflag:$0x11] =	stream.linear.gather [hbm4b:s10+s28], $0x40, $0x38;
	[tilespmem:$0x1C800] =	vst v63  }
0x94: {  	_ =	swait.ge [sflag:s26], $0x40  }
0x95: {  	[sflag:s26] =	ssyncset.done $0x0  }
.Ltmp3:
0x96: {  	[sflag:s26] =	ssyncadd.s32 $0xFFFFFFC0;
	(pc) =	sbr.rel .LBB2_4-.Ltmp3, $4  }
0x97: {  	s16 =	simm.s32 $0x400;
	[bflag:$0x0] =	sbarrier.arrive $0xFFFF  }
0x98: {  	[tilespmem:s16], [sflag:$0x1] =	stream.indirect.gather [hbm4b:s6+s9], $0x80, s28, s9, $0xb8;
	[tilespmem:$0x1C800] =	vst v63  }
0x99: {  	s30 =	simm.s32 $0x4;
	s31 =	simm.s32 $0x2400  }
0x9a: {  	[tilespmem:s31], [sflag:$0x2] =	stream.indirect.gather [hbm4b:s6+s9], $0x80, s4, s9, $0xb8;
	[tilespmem:$0x1C800] =	vst v63  }
.LBB2_8:
0x9b: {  	_ =	swait.ge [sflag:s17], $0x2000  }
0x9c: {  	[sflag:s17] =	ssyncset.done $0x0  }
0x9d: {  	s16 =	sadd.s32 s28, s24;
	s4 =	simm.s32 $0x0;
	[sflag:s17] =	ssyncadd.s32 $0xFFFFE000  }
0x9e: {  	[tilespmem:s0], [sflag:$0xF] =	stream.linear.gather [hbm4b:s16+s4], $0x40, $0x38;
	[tilespmem:$0x1C800] =	vst v63  }
0x9f: {  	_ =	swait.ge [sflag:s29], $0x40  }
0xa0: {  	[sflag:s29] =	ssyncset.done $0x0  }
0xa1: {  	[sflag:s29] =	ssyncadd.s32 $0xFFFFFFC0  }
.LBB2_9:
0xa2: {  	s4 =	simm.s32 $0x100  }
0xa3: {  	[tilespmem:s13], [sflag:$0x3] =	stream.indirect.gather [hbm4b:s6+s9], $0x80, s4, s9, $0xb8;
	[tilespmem:$0x1C800] =	vst v63  }
0xa4: {  	_ =	swait.ge [sflag:s14], $0x2000  }
0xa5: {  	p1 =	seq.s32 s28, $0x0;
	[sflag:s14] =	ssyncset.done $0x0  }
0xa6: {  	s16 =	simm.s32 @!p1 $0xE;
	[sflag:s14] =	ssyncadd.s32 $0xFFFFE000  }
0xa7: {  	_ =	swait.ge @!p1 [sflag:s16], $0x40  }
0xa8: {  	[sflag:s16] =	ssyncset.done @!p1 $0x0  }
0xa9: {  	s31 =	simm.s32 $0x280;
	s10 =	simm.s32 $0x2400;
	[sflag:s16] =	ssyncadd.s32 @!p1 $0xFFFFFFC0  }
0xaa: {  	[spmem:s1] =	stream.indirect.scatter.add.f32 [tilespmem:s10], [sflag:$0x6], $0x80, s31, s9, $0xb8;
	[tilespmem:$0x1C800] =	vst v63  }
0xab: {  	s16 =	simm.s32 @!p0 $0x0;
	s10 =	sadd.s32 @!p0 s28, s23;
	s31 =	simm.s32 @!p0 $0x80  }
0xac: {  	[tilespmem:s31], [sflag:$0xA] =	stream.linear.gather @!p0 [hbm4b:s10+s16], $0x40, $0x38;
	[tilespmem:$0x1C800] =	vst v63  }
0xad: {  	s11 =	simm.s32 @p1 $0x180;
	s4 =	simm.s32 @p1 $0x6400;
	s10 =	simm.s32 @p1 $0x40  }
0xae: {  	[tilespmem:s4], [sflag:$0x4] =	stream.indirect.gather @p1 [hbm4b:s6+s10], $0x80, s11, s10, $0xb8;
	[tilespmem:$0x1C800] =	vst v63  }
0xaf: {  	s4 =	simm.s32 @p1 $0x3  }
0xb0: {  	_ =	swait.ge @p1 [sflag:s4], $0x2000  }
0xb1: {  	[sflag:s4] =	ssyncset.done @p1 $0x0  }
0xb2: {  	[sflag:s4] =	ssyncadd.s32 @p1 $0xFFFFE000;
	s4 =	simm.s32 @!p1 $0x8  }
0xb3: {  	_ =	swait.ge @!p1 [sflag:s4], $0x2000  }
0xb4: {  	s10 =	simm.s32 @!p1 $0x0;
	[sflag:s4] =	ssyncset.done @!p1 $0x0  }
0xb5: {  	s11 =	simm.s32 @!p1 $0x380;
	[sflag:s4] =	ssyncadd.s32 @!p1 $0xFFFFE000;
	s4 =	sadd.s32 @!p1 s28, s19  }
0xb6: {  	[tilespmem:s11], [sflag:$0x10] =	stream.linear.gather @!p1 [hbm4b:s4+s10], $0x40, $0x38;
	[tilespmem:$0x1C800] =	vst v63  }
0xb7: {  	s4 =	simm.s32 @!p1 $0xC  }
0xb8: {  	_ =	swait.ge @!p1 [sflag:s4], $0x40  }
0xb9: {  	s10 =	simm.s32 @!p1 $0x180;
	[sflag:s4] =	ssyncset.done @!p1 $0x0  }
0xba: {  	s11 =	simm.s32 @!p1 $0x6400;
	[sflag:s4] =	ssyncadd.s32 @!p1 $0xFFFFFFC0;
	s4 =	simm.s32 @!p1 $0x40  }
0xbb: {  	[tilespmem:s11], [sflag:$0x4] =	stream.indirect.gather @!p1 [hbm4b:s6+s4], $0x80, s10, s4, $0xb8;
	[tilespmem:$0x1C800] =	vst v63  }
0xbc: {  	s4 =	simm.s32 @!p1 $0x3  }
0xbd: {  	_ =	swait.ge @!p1 [sflag:s4], $0x2000  }
0xbe: {  	[sflag:s4] =	ssyncset.done @!p1 $0x0  }
0xbf: {  	[sflag:s4] =	ssyncadd.s32 @!p1 $0xFFFFE000;
	s4 =	simm.s32 @!p1 $0xF  }
0xc0: {  	_ =	swait.ge @!p1 [sflag:s4], $0x40  }
0xc1: {  	[sflag:s4] =	ssyncset.done @!p1 $0x0  }
0xc2: {  	[sflag:s4] =	ssyncadd.s32 @!p1 $0xFFFFFFC0  }
0xc3: {  	[spmem:s1] =	stream.indirect.scatter.add.f32 [tilespmem:s13], [sflag:$0x7], $0x80, s0, s9, $0xb8;
	[tilespmem:$0x1C800] =	vst v63  }
0xc4: {  	s10 =	simm.s32 @!p0 $0x100;
	s4 =	sadd.s32 @!p0 s28, s21  }
0xc5: {  	[tilespmem:s10], [sflag:$0xB] =	stream.linear.gather @!p0 [hbm4b:s4+s16], $0x40, $0x38;
	[tilespmem:$0x1C800] =	vst v63  }
0xc6: {  	s2 =	sshll.u32 @!p0 s2, $0x6;
	s4 =	simm.s32 @!p0 $0x5  }
0xc7: {  	s2 =	sadd.s32 @!p0 s7, s2;
	_ =	swait.ge @!p0 [sflag:s4], $0x2000  }
0xc8: {  	s2 =	sshrl.u32 @!p0 s2, $0x3;
	[sflag:s4] =	ssyncset.done @!p0 $0x0  }
0xc9: {  	s2 =	sadd.s32 @!p0 s5, s2;
	[sflag:s4] =	ssyncadd.s32 @!p0 $0xFFFFE000;
	s4 =	simm.s32 @!p0 $0x200  }
0xca: {  	[tilespmem:s4], [sflag:$0xD] =	stream.linear.gather @!p0 [hbm4b:s2+s16], $0x40, $0x38;
	[tilespmem:$0x1C800] =	vst v63  }
0xcb: {  	s2 =	simm.s32 @!p0 $0x9  }
0xcc: {  	_ =	swait.ge @!p0 [sflag:s2], $0x40  }
0xcd: {  	[sflag:s2] =	ssyncset.done @!p0 $0x0  }
0xce: {  	s4 =	simm.s32 @!p0 $0x400;
	[sflag:s2] =	ssyncadd.s32 @!p0 $0xFFFFFFC0;
	s2 =	simm.s32 @!p0 $0x40  }
0xcf: {  	[tilespmem:s4], [sflag:$0x1] =	stream.indirect.gather @!p0 [hbm4b:s6+s2], $0x80, s16, s2, $0xb8;
	[tilespmem:$0x1C800] =	vst v63  }
0xd0: {  	s4 =	simm.s32 @p0 $0x5  }
0xd1: {  	_ =	swait.ge @p0 [sflag:s4], $0x2000  }
0xd2: {  	[sflag:s4] =	ssyncset.done @p0 $0x0  }
0xd3: {  	[sflag:s4] =	ssyncadd.s32 @p0 $0xFFFFE000  }
0xd4: {  	_ =	swait.ge [sflag:s15], $0x2000  }
0xd5: {  	[sflag:s15] =	ssyncset.done $0x0  }
0xd6: {  	s4 =	simm.s32 @!p1 $0x10;
	[sflag:s15] =	ssyncadd.s32 $0xFFFFE000  }
0xd7: {  	_ =	swait.ge @!p1 [sflag:s4], $0x40  }
0xd8: {  	[sflag:s4] =	ssyncset.done @!p1 $0x0  }
0xd9: {  	s11 =	simm.s32 $0x6400;
	s10 =	simm.s32 $0x380;
	[sflag:s4] =	ssyncadd.s32 @!p1 $0xFFFFFFC0  }
0xda: {  	[spmem:s1] =	stream.indirect.scatter.add.f32 [tilespmem:s11], [sflag:$0x8], $0x80, s10, s9, $0xb8;
	[tilespmem:$0x1C800] =	vst v63  }
0xdb: {  	s4 =	sadd.s32 @!p0 s28, s20;
	s10 =	simm.s32 @!p0 $0x180  }
0xdc: {  	[tilespmem:s10], [sflag:$0xC] =	stream.linear.gather @!p0 [hbm4b:s4+s16], $0x40, $0x38;
	[tilespmem:$0x1C800] =	vst v63  }
0xdd: {  	s4 =	simm.s32 @!p0 $0x6  }
0xde: {  	_ =	swait.ge @!p0 [sflag:s4], $0x2000  }
0xdf: {  	[sflag:s4] =	ssyncset.done @!p0 $0x0  }
0xe0: {  	s10 =	simm.s32 @!p0 $0x280;
	[sflag:s4] =	ssyncadd.s32 @!p0 $0xFFFFE000;
	s4 =	sadd.s32 @!p0 s28, s22  }
0xe1: {  	[tilespmem:s10], [sflag:$0xE] =	stream.linear.gather @!p0 [hbm4b:s4+s16], $0x40, $0x38;
	[tilespmem:$0x1C800] =	vst v63  }
0xe2: {  	s4 =	simm.s32 @!p0 $0xA  }
0xe3: {  	_ =	swait.ge @!p0 [sflag:s4], $0x40  }
0xe4: {  	s28 =	sadd.s32 $0x20, s28;
	[sflag:s4] =	ssyncset.done @!p0 $0x0  }
0xe5: {  	p1 =	sne.s32 s28, $0x500;
	[sflag:s4] =	ssyncadd.s32 @!p0 $0xFFFFFFC0;
	s4 =	simm.s32 @!p0 $0x2400  }
0xe6: {  	[tilespmem:s4], [sflag:$0x2] =	stream.indirect.gather @!p0 [hbm4b:s6+s2], $0x80, s31, s2, $0xb8;
	[tilespmem:$0x1C800] =	vst v63  }
.Ltmp4:
0xe7: {  	_ = 	snop;
	(pc) =	sbr.rel @!p1 .LBB2_10-.Ltmp4, $4  }
0xe8: {  	s2 =	simm.s32 @p0 $0x6  }
0xe9: {  	_ =	swait.ge @p0 [sflag:s2], $0x2000  }
0xea: {  	[sflag:s2] =	ssyncset.done @p0 $0x0  }
0xeb: {  	s30 =	sadd.s32 $0x4, s30;
	[sflag:s2] =	ssyncadd.s32 @p0 $0xFFFFE000  }
.LBB2_4:
0xec: {  	p0 =	sne.s32 s28, $0x0  }
.Ltmp5:
0xed: {  	_ = 	snop;
	(pc) =	sbr.rel @!p0 .LBB2_5-.Ltmp5, $4  }
0xee: {  	_ = 	snop  }
0xef: {  	_ =	swait.ge [sflag:s12], $0x2000  }
0xf0: {  	[sflag:s12] =	ssyncset.done $0x0  }
0xf1: {  	[sflag:s12] =	ssyncadd.s32 $0xFFFFE000  }
0xf2: {  	p1 =	seq.s32 s28, $0x4E0  }
.Ltmp6:
0xf3: {  	_ =	swait.ge [sflag:s18], $0x40;
	(pc) =	sbr.rel @p1 .LBB2_8-.Ltmp6, $4  }
.Ltmp7:
0xf4: {  	[sflag:s18] =	ssyncset.done $0x0;
	(pc) =	sbr.rel @!p1 .LBB2_7-.Ltmp7, $4  }
0xf5: {  	s2 =	simm.s32 $0x200;
	s4 =	simm.s32 $0x400;
	[sflag:s18] =	ssyncadd.s32 $0xFFFFFFC0  }
0xf6: {  	[spmem:s1] =	stream.indirect.scatter.add.f32 [tilespmem:s4], [sflag:$0x5], $0x80, s2, s9, $0xb8;
	[tilespmem:$0x1C800] =	vst v63  }
0xf7: {  	p0 =	por $0x1, $0x1;
	s2 =	smov.u32 s30  }
0xf8: {  	_ = 	snop  }
.LBB2_5:
0xf9: {  	s2 =	simm.s32 $0x200;
	s4 =	simm.s32 $0x400  }
0xfa: {  	[spmem:s1] =	stream.indirect.scatter.add.f32 [tilespmem:s4], [sflag:$0x5], $0x80, s2, s9, $0xb8;
	[tilespmem:$0x1C800] =	vst v63  }
0xfb: {  	s2 =	simm.s32 $0x4  }
.LBB2_7:
0xfc: {  	p1 =	seq.s32 s28, $0x0  }
.Ltmp8:
0xfd: {  	s16 =	sshll.u32 s2, $0x6;
	(pc) =	sbr.rel @!p1 .LBB2_8-.Ltmp8, $4  }
.Ltmp9:
0xfe: {  	s16 =	sadd.s32 s7, s16;
	(pc) =	sbr.rel @p1 .LBB2_9-.Ltmp9, $4  }
0xff: {  	s16 =	sshrl.u32 s16, $0x3  }
0x100: {  	s4 =	simm.s32 $0x0;
	p0 =	por $0x0, $0x0;
	s16 =	sadd.s32 s3, s16  }
0x101: {  	[tilespmem:s4], [sflag:$0x9] =	stream.linear.gather [hbm4b:s16+s4], $0x40, $0x38;
	[tilespmem:$0x1C800] =	vst v63  }
0x102: {  	_ = 	snop  }
.LBB2_11:
0x103: {  	_ =	sfence.sel $0x180000  }
0x104: {  	[bflag:$0x0] =	sbarrier.arrive $0xFFFF  }
0x105: {  	_ =	strace $0x9000004A  }
0x106: {  	s0 =	stileid.u32;
	[bflag:$0x2] =	sbarrier.arrive $0xFFFF  }
0x107: {  	p0 =	sne.s32 s0, $0x0;
	s0 =	rddreg [dreg:$0x2]  }
0x108: {  	s0 =	sadd.s32 @!p0 $0x100000, s0  }
0x109: {  	[sflag:s0] =	ssyncadd.tile.s32 @!p0 $0x1;
	_ =	shalt  }
.Lfunc_end2:
_tile_overlayer_lowered:
.L_overlay_start_2:
0x10a: {  	(tag) =	ssettag $0x2  }
0x10b: {  	s0 =	rddreg [dreg:$0x0];
	s2 =	stileid.u32  }
0x10c: {  	s1 =	rddreg [dreg:$0x1];
	p0 =	sne.s32 s2, $0x0  }
0x10d: {  	s3 =	rddreg [dreg:$0x2];
	[bflag:$0x3] =	sbarrier.arrive $0xFFFF;
	s2 =	simm.s32 @!p0 $0x1C11  }
0x10e: {  	[timem:s3], [sflag:s2] =	dma.local @!p0 [hbm:s0], s1  }
0x10f: {  	s0 =	simm.s32 @!p0 $0x11  }
0x110: {  	_ =	swait.ge @!p0 [sflag:s0], s1  }
0x111: {  	s1 =	ssub.s32 @!p0 $0x0, s1;
	[sflag:s0] =	ssyncset.done @!p0 $0x0  }
0x112: {  	[sflag:s0] =	ssyncadd.s32 @!p0 s1  }
0x113: {  	[bflag:$0x3] =	sbarrier.arrive $0xFFFF  }
0x114: {  	_ =	shalt  }

// kernel: kernel.14.cloned.1.call-start
scs
__scs_entry_jumppad:
0x0: {  	(pc) =	sbr.rel $0x88, $3  }
0x1: {  	(tag) =	ssettag $0x0;
	lr =	simm.s32 $0x1  }
0x2: {  	[smem:$0x3F97] =	sst lr;
	_ =	strace $0xD0000000  }
0x3: {  	_ = 	snop  }
0x4: {  	_ = 	snop  }
0x5: {  	_ = 	snop  }
0x6: {  	_ = 	snop  }
0x7: {  	_ = 	snop  }
__scs_overlays_trampoline_lowered:
0x8: {  	[smem:$0x3FA6] =	sst s0  }
0x9: {  	[smem:$0x3FA7] =	sst s1  }
0xa: {  	[smem:$0x3FA8] =	sst s2  }
0xb: {  	[smem:$0x3FA9] =	sst s3  }
0xc: {  	[smem:$0x3FAA] =	sst s4  }
0xd: {  	[smem:$0x3FAB] =	sst s5  }
0xe: {  	[smem:$0x3FAC] =	sst s6  }
0xf: {  	[smem:$0x3FAD] =	sst s7  }
0x10: {  	[smem:$0x3FAE] =	sst s8  }
0x11: {  	[smem:$0x3FAF] =	sst s9;
	s0 =	simm.s32 @!p0 $0x0  }
0x12: {  	s1 =	sld [smem:$0x3F95];
	s0 =	simm.s32 @p0 $0x1  }
0x13: {  	[smem:$0x3FB0] =	sst s0;
	s0 =	simm.s32 @!p1 $0x0  }
0x14: {  	s2 =	sld [smem:$0x3F94];
	s0 =	simm.s32 @p1 $0x1  }
0x15: {  	[smem:$0x3FB1] =	sst s0;
	s0 =	simm.s32 @!p2 $0x0  }
0x16: {  	s3 =	sld [smem:$0x3FDB];
	s0 =	simm.s32 @p2 $0x1  }
0x17: {  	s4 =	simm.s32 $0x1BF5;
	[smem:$0x3FB3] =	sst s0  }
0x18: {  	s0 =	sld [smem:$0x3F96];
	_ =	swait.ge [sflag:s4], $0x0  }
0x19: {  	s7 =	sld [smem:$0x3F97]  }
0x1a: {  	s8 =	sadd.s32 $0xFFFFE003, lr  }
0x1b: {  	s9 =	sadd.s32 $0xFFFFFEF7, lr;
	s5 =	simm.s32 $0xFFFFFFFF;
	p2 =	slt.u32 s8, $0xFFFFF086  }
0x1c: {  	p1 =	slt.u32 s9, $0xF7A;
	s5 =	simm.s32 @!p2 $0x0  }
0x1d: {  	s5 =	simm.s32 @p1 $0x1;
	p0 =	seq.s32 s7, s2  }
0x1e: {  	s7 =	smul.u32 @!p0 $0xF7A, s2;
	p2 =	seq.s32 @!p0 s5, $0x0  }
0x1f: {  	s9 =	smul.u32 $0xF7A, s1;
	s8 =	simm.s32 @!p0 $0x1BF5;
	p2 =	por !p2, p0  }
0x20: {  	[sflag:s8] =	ssyncset.s32 @!p0 $0xFFFFF086;
	s6 =	sadd.s32 @!p0 s3, s7;
	s7 =	simm.s32 @!p0 $0x108  }
0x21: {  	s3 =	sadd.s32 s3, s9;
	s6 =	sadd.s32 @!p0 $0x88, s6;
	s7 =	simm.s32 @p2 $0x1082  }
0x22: {  	[simem:s7], [sflag:s8] =	dma.local @!p0 [hbm:s6], $0xF7A  }
0x23: {  	s9 =	sor.u32 $0xD0000000, s2;
	s6 =	simm.s32 $0x108;
	_ =	swait.ge @!p0 [sflag:s8], $0x0  }
0x24: {  	s3 =	sadd.s32 $0x88, s3;
	s6 =	simm.s32 @!p1 $0x1082;
	[sflag:s4] =	ssyncset.s32 $0xFFFFF086  }
0x25: {  	[simem:s6], [sflag:s4] =	dma.local [hbm:s3], $0xF7A  }
0x26: {  	[smem:$0x3F97] =	sst s1;
	(tag) =	ssettag s2;
	_ =	strace s9  }
0x27: {  	s1 =	sld [smem:$0x3FA7]  }
0x28: {  	s2 =	sld [smem:$0x3FA8]  }
0x29: {  	s4 =	sld [smem:$0x3FAA]  }
0x2a: {  	p0 =	seq.s32 s5, $0x0;
	s5 =	sld [smem:$0x3FAB]  }
0x2b: {  	s6 =	sld [smem:$0x3FAC]  }
0x2c: {  	s7 =	sld [smem:$0x3FAD]  }
0x2d: {  	s3 =	simm.s32 $0x108;
	s8 =	sld [smem:$0x3FAE]  }
0x2e: {  	s3 =	simm.s32 @!p0 $0x1082;
	s9 =	sld [smem:$0x3FAF]  }
0x2f: {  	lr =	sadd.s32 s0, s3;
	s0 =	sld [smem:$0x3FA6]  }
0x30: {  	s3 =	sld [smem:$0x3FA9]  }
0x31: {  	[smem:$0x3FB2] =	sst s10  }
0x32: {  	s10 =	sld [smem:$0x3FB0];
	_ =	sdelay $0x3  }
0x33: {  	p0 =	seq.s32 s10, $0x1;
	s10 =	sld [smem:$0x3FB2];
	_ =	sdelay $0x3  }
0x34: {  	[smem:$0x3FB2] =	sst s10  }
0x35: {  	s10 =	sld [smem:$0x3FB1];
	_ =	sdelay $0x3  }
0x36: {  	p1 =	seq.s32 s10, $0x1;
	s10 =	sld [smem:$0x3FB2];
	_ =	sdelay $0x3  }
0x37: {  	[smem:$0x3FB2] =	sst s10  }
0x38: {  	s10 =	sld [smem:$0x3FB3]  }
0x39: {  	_ = 	snop;
	(pc) =	sbr.ind lr, $3  }
0x3a: {  	_ = 	snop  }
0x3b: {  	_ = 	snop  }
0x3c: {  	p2 =	seq.s32 s10, $0x1;
	s10 =	sld [smem:$0x3FB2]  }
0x3d: {  	_ =	shalt  }
0x3e: {  	_ =	shalt  }
0x3f: {  	_ =	shalt  }
0x40: {  	_ =	shalt  }
0x41: {  	_ =	shalt  }
0x42: {  	_ =	shalt  }
0x43: {  	_ =	shalt  }
0x44: {  	_ =	shalt  }
0x45: {  	_ =	shalt  }
0x46: {  	_ =	shalt  }
0x47: {  	_ =	shalt  }
0x48: {  	_ =	shalt  }
0x49: {  	_ =	shalt  }
0x4a: {  	_ =	shalt  }
0x4b: {  	_ =	shalt  }
0x4c: {  	_ =	shalt  }
0x4d: {  	_ =	shalt  }
0x4e: {  	_ =	shalt  }
0x4f: {  	_ =	shalt  }
0x50: {  	_ =	shalt  }
0x51: {  	_ =	shalt  }
0x52: {  	_ =	shalt  }
0x53: {  	_ =	shalt  }
0x54: {  	_ =	shalt  }
0x55: {  	_ =	shalt  }
0x56: {  	_ =	shalt  }
0x57: {  	_ =	shalt  }
0x58: {  	_ =	shalt  }
0x59: {  	_ =	shalt  }
0x5a: {  	_ =	shalt  }
0x5b: {  	_ =	shalt  }
0x5c: {  	_ =	shalt  }
0x5d: {  	_ =	shalt  }
0x5e: {  	_ =	shalt  }
0x5f: {  	_ =	shalt  }
0x60: {  	_ =	shalt  }
0x61: {  	_ =	shalt  }
0x62: {  	_ =	shalt  }
0x63: {  	_ =	shalt  }
0x64: {  	_ =	shalt  }
0x65: {  	_ =	shalt  }
0x66: {  	_ =	shalt  }
0x67: {  	_ =	shalt  }
0x68: {  	_ =	shalt  }
0x69: {  	_ =	shalt  }
0x6a: {  	_ =	shalt  }
0x6b: {  	_ =	shalt  }
0x6c: {  	_ =	shalt  }
0x6d: {  	_ =	shalt  }
0x6e: {  	_ =	shalt  }
0x6f: {  	_ =	shalt  }
0x70: {  	_ =	shalt  }
0x71: {  	_ =	shalt  }
0x72: {  	_ =	shalt  }
0x73: {  	_ =	shalt  }
0x74: {  	_ =	shalt  }
0x75: {  	_ =	shalt  }
0x76: {  	_ =	shalt  }
0x77: {  	_ =	shalt  }
0x78: {  	_ =	shalt  }
0x79: {  	_ =	shalt  }
0x7a: {  	_ =	shalt  }
0x7b: {  	_ =	shalt  }
0x7c: {  	_ =	shalt  }
0x7d: {  	_ =	shalt  }
0x7e: {  	_ =	shalt  }
0x7f: {  	_ =	shalt  }
0x80: {  	_ =	shalt  }
0x81: {  	_ =	shalt  }
0x82: {  	_ =	shalt  }
0x83: {  	_ =	shalt  }
0x84: {  	_ =	shalt  }
0x85: {  	_ =	shalt  }
0x86: {  	_ =	shalt  }
0x87: {  	_ =	shalt  }
.Lfunc_end0:
.L_simem_size_0:
called_computation.2_lowered:
.L_overlay_start_0:
0x88: {  	s2 =	sld [smem:$0x3FD9]  }
0x89: {  	s3 =	sld [smem:$0x3FFE];
	_ =	sdelay $0x1  }
0x8a: {  	s1 =	srdreg.scid  }
0x8b: {  	s0 =	sand.u32 $0x1, s1  }
0x8c: {  	s16 =	sshll.u32 s0, $0xA;
	s2 =	sadd.s32 s3, s2  }
0x8d: {  	s2 =	sadd.s32 s2, s16  }
0x8e: {  	[smem:$0x3FBE] =	sst s2  }
0x8f: {  	_ = 	snop  }
0x90: {  	(tm) =	ssettm $0x1  }
0x91: {  	s17 =	sld [smem:$0x3FFB];
	_ =	sdelay $0x3  }
0x92: {  	_ =	strace s17  }
0x93: {  	s2 =	sld [smem:$0x3FFC];
	_ =	sdelay $0x3  }
0x94: {  	_ =	strace s2  }
0x95: {  	s2 =	sld [smem:$0x3FFD];
	_ =	sdelay $0x3  }
0x96: {  	_ =	strace s2  }
0x97: {  	_ =	strace $0x8FFFFFFF  }
0x98: {  	s18 =	sld [smem:$0x3FDB];
	_ =	sdelay $0x1  }
0x99: {  	s19 =	simm.s32 $_scs_section_size  }
0x9a: {  	s4 =	simm.s32 $_size__tile_overlayer_lowered;
	s5 =	simm.s32 $_tile_overlayer_lowered  }
0x9b: {  	s22 =	simm.s32 $0x1BFF;
	s21 =	sshll.u32 s5, $0x1;
	s2 =	sadd.s32 s19, s18  }
0x9c: {  	s6 =	simm.s32 $0x0;
	s20 =	sshll.u32 s4, $0x1;
	s4 =	sadd.s32 s21, s2  }
0x9d: {  	[timem:s6], [sflag:s22] =	dma.local [hbm:s4], s20  }
0x9e: {  	_ =	swait.ge [sflag:s22], s20  }
0x9f: {  	s3 =	ssub.s32 $0x0, s20;
	[sflag:s22] =	ssyncset.done $0x0  }
0xa0: {  	[sflag:s22] =	ssyncadd.s32 s3;
	_ =	sdelay $0x1  }
0xa1: {  	s23 =	simm.s32 $0x1B8B  }
0xa2: {  	_ =	swait.ge [sflag:s23], $0x1  }
0xa3: {  	[sflag:s23] =	ssyncset.done $0x0  }
0xa4: {  	s25 =	simm.s32 $0x1B8E;
	s24 =	sld [smem:$0x3FFE];
	[sflag:s23] =	ssyncadd.s32 $0xFFFFFFFF  }
0xa5: {  	s26 =	simm.s32 $execute0_lowered;
	[smem:$0x3FD2] =	sst s25  }
0xa6: {  	s4 =	sshll.u32 s26, $0x1;
	_ =	strace $0x8000004C;
	[dreg:$0x1] =	wrdreg $0xFFFFFFFF  }
0xa7: {  	s28 =	simm.s32 $_size_execute0_lowered;
	s2 =	sadd.s32 s2, s4;
	[dreg:$0x0] =	wrdreg $0x0  }
0xa8: {  	s4 =	sshll.u32 s28, $0x1;
	[dreg:$0x2] =	wrdreg s2  }
0xa9: {  	[dreg:$0x3] =	wrdreg s4  }
0xaa: {  	[dreg:$0x4] =	wrdreg $0xC0  }
0xab: {  	_ =	task [dreg:s6], $0x5FFFF  }
0xac: {  	[dreg:$0x1] =	wrdreg $0xFFFFFFFF  }
0xad: {  	[dreg:$0x0] =	wrdreg $0x60  }
0xae: {  	[dreg:$0x2] =	wrdreg s24  }
0xaf: {  	[dreg:$0x3] =	wrdreg $0x25000  }
0xb0: {  	[dreg:$0x4] =	wrdreg $0x9  }
0xb1: {  	_ =	task.clear_ibuf [dreg:s6], $0x5FFFF;
	_ =	strace $0x9000004C  }
0xb2: {  	s29 =	simm.s32 $0x9;
	_ =	strace $0x8000004E  }
0xb3: {  	_ =	swait.ge [sflag:s29], $0x1  }
0xb4: {  	[sflag:s29] =	ssyncadd.s32 $0xFFFFFFFF  }
0xb5: {  	_ =	strace $0x9000004E  }
0xb6: {  	_ =	sfence  }
0xb7: {  	s30 =	sld [smem:$0x0];
	_ =	sdelay $0x2  }
0xb8: {  	s31 =	sshll.u32 s1, $0xD;
	s1 =	sshrl.u32 s1, $0x2  }
0xb9: {  	s3 =	sand.u32 $0x4000, s31;
	s1 =	sadd.s32 s1, s30  }
0xba: {  	s0 =	sor.u32 s3, s0;
	s1 =	sshll.u32 s1, $0x11  }
0xbb: {  	s0 =	sor.u32 s1, s0  }
0xbc: {  	s0 =	sadd.s32 $0x8F2B, s0  }
0xbd: {  	[sflag:s0] =	ssyncadd.remote.s32 $0x1  }
0xbe: {  	_ =	sfence.sel $0xFFFF  }
0xbf: {  	[dreg:$0x0] =	wrdreg $0xFFFFFFFF;
	(pc) =	sbr.abs _section_cstart, $3  }
0xc0: {  	[dreg:$0x1] =	wrdreg $0xFFFFFFFF  }
0xc1: {  	_ =	task.clear_ibuf [dreg:s6], $0x2FFFF;
	_ =	strace $0x9FFFFFFF  }
0xc2: {  	(tm) =	ssettm $0x7FFFFFFF  }
0xc3: {  	_ =	shalt  }
tec
execute0_lowered:
.L_overlay_start_1:
0x0: {  	(tag) =	ssettag $0x1  }
0x1: {  	s0 =	rddreg [dreg:$0x0]  }
0x2: {  	s1 =	rddreg [dreg:$0x1];
	s3 =	simm.s32 $0x0;
	s2 =	srdreg.scid  }
0x3: {  	s11 =	stileid.u32;
	s29 =	simm.s32 $0x80;
	s31 =	simm.s32 $0x100  }
0x4: {  	s30 =	simm.s32 $0x380;
	[smem:$0x7FF] =	sst s3;
	s7 =	smul.u32 $0x2800, s11  }
0x5: {  	s2 =	sand.u32 $0x1, s2;
	s6 =	sadd.s32 $0x20E00, s0;
	s18 =	smul.u32 $0xA000, s11  }
0x6: {  	s8 =	sadd.s32 $0x16E00, s0;
	s4 =	sadd.s32 $0x2E00, s0;
	s5 =	smul.u32 $0x28000, s2  }
0x7: {  	_ =	strace $0x8000004D;
	s9 =	sshll.u32 s2, $0x4;
	s2 =	ssub.s32 $0x2, s2  }
0x8: {  	s17 =	sor.u32 s11, s9;
	s20 =	sshrl.u32 s2, $0x1;
	s9 =	sshrl.u32 s18, $0x2  }
0x9: {  	s15 =	sadd.s32 s7, s1;
	s10 =	sadd.s32 s7, s5;
	s12 =	smul.u32 $0x2800, s17  }
0xa: {  	s2 =	ssub.s32 s2, s20;
	s5 =	sadd.s32 s9, s1;
	s19 =	sshrl.u32 s10, $0x3  }
0xb: {  	s14 =	sor.u32 $0x380, s10;
	s2 =	smax.u32 s2, $0x1;
	s21 =	sshrl.u32 s12, $0x3  }
0xc: {  	s0 =	sadd.s32 s19, s0;
	[dreg:$0xc] =	wrdreg s2;
	s22 =	sadd.s32 s6, s21  }
0xd: {  	s12 =	simm.s32 $0x0;
	s23 =	sadd.s32 s8, s21;
	[dreg:$0x3] =	wrdreg s22  }
0xe: {  	s24 =	sor.u32 $0x10, s21;
	s0 =	sadd.s32 $0x7E00, s0;
	[dreg:$0x4] =	wrdreg s23  }
0xf: {  	s26 =	sor.u32 $0x20, s21;
	s25 =	sadd.s32 s6, s24;
	[dreg:$0xb] =	wrdreg s0  }
0x10: {  	s9 =	sor.u32 $0x30, s21;
	s11 =	sadd.s32 s8, s24;
	[dreg:$0x5] =	wrdreg s25  }
0x11: {  	s28 =	sadd.s32 s6, s26;
	s13 =	sadd.s32 s6, s9;
	[dreg:$0x6] =	wrdreg s11  }
0x12: {  	s9 =	sadd.s32 s8, s9;
	s23 =	sshrl.u32 s14, $0x3;
	[dreg:$0x7] =	wrdreg s28  }
0x13: {  	s24 =	sor.u32 $0x300, s10;
	s0 =	sshrl.u32 s15, $0x3;
	[dreg:$0x9] =	wrdreg s13  }
0x14: {  	s11 =	sadd.s32 s8, s26;
	[dreg:$0xa] =	wrdreg s9;
	s16 =	sadd.s32 s23, s8  }
0x15: {  	s17 =	sadd.s32 s23, s6;
	s2 =	sshrl.u32 s24, $0x3;
	s25 =	sor.u32 $0x280, s10  }
0x16: {  	s26 =	sor.u32 $0x200, s10;
	s24 =	simm.s32 $0x2400;
	[dreg:$0xd] =	wrdreg s0  }
0x17: {  	s0 =	simm.s32 $0x300;
	s9 =	simm.s32 $0x1;
	s10 =	simm.s32 $0x3  }
.Ltmp0:
0x18: {  	[dreg:$0x8] =	wrdreg s11;
	s18 =	sadd.s32 s2, s8;
	(pc) =	sbr.rel .LBB2_1-.Ltmp0, $4  }
0x19: {  	s7 =	sshrl.u32 s25, $0x3;
	s19 =	sadd.s32 s2, s6;
	s28 =	sshrl.u32 s26, $0x3  }
0x1a: {  	s26 =	simm.s32 $0x5;
	s2 =	simm.s32 $0x180;
	s11 =	simm.s32 $0x4  }
0x1b: {  	s20 =	sadd.s32 s7, s8;
	s21 =	sadd.s32 s7, s6;
	s22 =	sadd.s32 s28, s8  }
0x1c: {  	v0 =	vimm.f32 $0.0e+00;
	s23 =	sadd.s32 s28, s6;
	s7 =	simm.s32 $0x1400;
	s8 =	simm.s32 $0x1C00  }
.LBB2_6:
0x1d: {  	_ =	swait.ge [sflag:s11], $0x800  }
0x1e: {  	[sflag:s11] =	ssyncset.done $0x0  }
0x1f: {  	[sflag:s11] =	ssyncadd.s32 $0xFFFFF800  }
0x20: {  	[spmem:s1] =	stream.indirect.scatter.add.f32 [tilespmem:s8], [sflag:$0x5], $0x10, s30, s29, $0xb8;
	[tilespmem:$0x4D00] =	vst v63  }
0x21: {  	_ =	swait.ge [sflag:s26], $0x800  }
0x22: {  	[sflag:s26] =	ssyncset.done $0x0  }
0x23: {  	[sflag:s26] =	ssyncadd.s32 $0xFFFFF800  }
0x24: {  	s6 =	stileid.u32;
	[bflag:$0x0] =	sbarrier.arrive $0xFFFF  }
0x25: {  	s6 =	sshll.u32 s6, $0x6;
	s12 =	rddreg [dreg:$0xb]  }
0x26: {  	s6 =	sor.u32 $0x1C05, s6;
	s13 =	rddreg [dreg:$0xd]  }
0x27: {  	[hbm:s12], [sflag:s6] =	dma.local [spmem:s13], $0x500  }
0x28: {  	_ =	swait.ge [sflag:s26], $0x500  }
0x29: {  	s25 =	rddreg [dreg:$0xe]  }
0x2a: {  	s28 =	rddreg [dreg:$0xc];
	s12 =	sadd.s32 $0x1, s25  }
0x2b: {  	p0 =	sne.s32 s12, s28  }
.Ltmp1:
0x2c: {  	_ = 	snop;
	(pc) =	sbr.rel @!p0 .LBB2_7-.Ltmp1, $3  }
0x2d: {  	_ =	sdelay $0x1  }
0x2e: {  	[sflag:s26] =	ssyncset.done $0x0  }
0x2f: {  	[sflag:s26] =	ssyncadd.s32 $0xFFFFFB00  }
.LBB2_1:
0x30: {  	[tilespmem:$0x2400] =	vst v0  }
0x31: {  	[tilespmem:$0x2410] =	vst v0  }
0x32: {  	[tilespmem:$0x2420] =	vst v0  }
0x33: {  	[tilespmem:$0x2430] =	vst v0  }
0x34: {  	[tilespmem:$0x2440] =	vst v0  }
0x35: {  	[tilespmem:$0x2450] =	vst v0  }
0x36: {  	[tilespmem:$0x2460] =	vst v0  }
0x37: {  	[tilespmem:$0x2470] =	vst v0  }
0x38: {  	[tilespmem:$0x2480] =	vst v0  }
0x39: {  	[tilespmem:$0x2490] =	vst v0  }
0x3a: {  	[tilespmem:$0x24A0] =	vst v0  }
0x3b: {  	[tilespmem:$0x24B0] =	vst v0  }
0x3c: {  	[tilespmem:$0x24C0] =	vst v0  }
0x3d: {  	[tilespmem:$0x24D0] =	vst v0  }
0x3e: {  	[tilespmem:$0x24E0] =	vst v0  }
0x3f: {  	[dreg:$0xe] =	wrdreg s12;
	[tilespmem:$0x24F0] =	vst v0;
	s13 =	sadd.s32 $0x0, s5  }
0x40: {  	[spmem:s13] =	stream.linear.scatter [tilespmem:s24], [sflag:$0x5], $0x100, $0x38;
	[tilespmem:$0x4D00] =	vst v63  }
0x41: {  	s13 =	simm.s32 $0x400;
	_ =	swait.ge [sflag:s26], $0x100  }
.LBB2_2:
0x42: {  	s14 =	sshra.s32 s13, $0x2;
	[sflag:s26] =	ssyncset.done $0x0;
	p0 =	sne.s32 s13, $0x9C00  }
.Ltmp2:
0x43: {  	s14 =	sadd.s32 s14, s5;
	[sflag:s26] =	ssyncadd.s32 $0xFFFFFF00;
	(pc) =	sbr.rel @p0 .LBB2_2-.Ltmp2, $3  }
0x44: {  	[spmem:s14] =	stream.linear.scatter [tilespmem:s24], [sflag:$0x5], $0x100, $0x38;
	[tilespmem:$0x4D00] =	vst v63  }
0x45: {  	s13 =	sadd.s32 $0x400, s13;
	_ =	sdelay $0x1  }
0x46: {  	_ =	swait.ge [sflag:s26], $0x100  }
0x47: {  	[sflag:s26] =	ssyncset.done $0x0  }
0x48: {  	s13 =	simm.s32 $0x0;
	s6 =	rddreg [dreg:$0x3];
	[sflag:s26] =	ssyncadd.s32 $0xFFFFFF00  }
0x49: {  	[tilespmem:s13], [sflag:$0x5] =	stream.linear.gather [hbm4b:s6+s13], $0x80, $0x38;
	[tilespmem:$0x4D00] =	vst v63  }
0x4a: {  	_ =	swait.ge [sflag:s26], $0x80  }
0x4b: {  	[sflag:s26] =	ssyncset.done $0x0  }
0x4c: {  	s12 =	simm.s32 $0x200;
	s28 =	rddreg [dreg:$0x4];
	[sflag:s26] =	ssyncadd.s32 $0xFFFFFF80  }
0x4d: {  	[tilespmem:s12], [sflag:$0x5] =	stream.linear.gather [hbm4b:s28+s13], $0x80, $0x38;
	[tilespmem:$0x4D00] =	vst v63  }
0x4e: {  	_ =	swait.ge [sflag:s26], $0x80  }
0x4f: {  	[sflag:s26] =	ssyncset.done $0x0  }
0x50: {  	s14 =	rddreg [dreg:$0x5];
	[sflag:s26] =	ssyncadd.s32 $0xFFFFFF80  }
0x51: {  	[tilespmem:s29], [sflag:$0x5] =	stream.linear.gather [hbm4b:s14+s13], $0x80, $0x38;
	[tilespmem:$0x4D00] =	vst v63  }
0x52: {  	_ =	swait.ge [sflag:s26], $0x80  }
0x53: {  	[sflag:s26] =	ssyncset.done $0x0  }
0x54: {  	s25 =	simm.s32 $0x280;
	s15 =	rddreg [dreg:$0x6];
	[sflag:s26] =	ssyncadd.s32 $0xFFFFFF80  }
0x55: {  	[tilespmem:s25], [sflag:$0x5] =	stream.linear.gather [hbm4b:s15+s13], $0x80, $0x38;
	[tilespmem:$0x4D00] =	vst v63  }
0x56: {  	_ =	swait.ge [sflag:s26], $0x80  }
0x57: {  	[sflag:s26] =	ssyncset.done $0x0  }
0x58: {  	s28 =	rddreg [dreg:$0x7];
	[sflag:s26] =	ssyncadd.s32 $0xFFFFFF80  }
0x59: {  	[tilespmem:s31], [sflag:$0x5] =	stream.linear.gather [hbm4b:s28+s13], $0x80, $0x38;
	[tilespmem:$0x4D00] =	vst v63  }
0x5a: {  	_ =	swait.ge [sflag:s26], $0x80  }
0x5b: {  	[sflag:s26] =	ssyncset.done $0x0  }
0x5c: {  	s12 =	rddreg [dreg:$0x8];
	[sflag:s26] =	ssyncadd.s32 $0xFFFFFF80  }
0x5d: {  	[tilespmem:s0], [sflag:$0x5] =	stream.linear.gather [hbm4b:s12+s13], $0x80, $0x38;
	[tilespmem:$0x4D00] =	vst v63  }
0x5e: {  	_ =	swait.ge [sflag:s26], $0x80  }
0x5f: {  	[sflag:s26] =	ssyncset.done $0x0  }
0x60: {  	s14 =	rddreg [dreg:$0x9];
	[sflag:s26] =	ssyncadd.s32 $0xFFFFFF80  }
0x61: {  	[tilespmem:s2], [sflag:$0x5] =	stream.linear.gather [hbm4b:s14+s13], $0x80, $0x38;
	[tilespmem:$0x4D00] =	vst v63  }
0x62: {  	_ =	swait.ge [sflag:s26], $0x80  }
0x63: {  	[sflag:s26] =	ssyncset.done $0x0  }
0x64: {  	s15 =	rddreg [dreg:$0xa];
	[sflag:s26] =	ssyncadd.s32 $0xFFFFFF80  }
0x65: {  	[tilespmem:s30], [sflag:$0x5] =	stream.linear.gather [hbm4b:s15+s13], $0x80, $0x38;
	[tilespmem:$0x4D00] =	vst v63  }
0x66: {  	_ =	swait.ge [sflag:s26], $0x80  }
0x67: {  	[sflag:s26] =	ssyncset.done $0x0  }
0x68: {  	[sflag:s26] =	ssyncadd.s32 $0xFFFFFF80  }
0x69: {  	s25 =	simm.s32 $0x400;
	[bflag:$0x0] =	sbarrier.arrive $0xFFFF  }
0x6a: {  	[tilespmem:s25], [sflag:$0x1] =	stream.indirect.gather [hbm4b:s4+s29], $0x10, s13, s29, $0xb8;
	[tilespmem:$0x4D00] =	vst v63  }
0x6b: {  	s28 =	simm.s32 $0xC00  }
0x6c: {  	[tilespmem:s28], [sflag:$0x2] =	stream.indirect.gather [hbm4b:s4+s29], $0x10, s29, s29, $0xb8;
	[tilespmem:$0x4D00] =	vst v63  }
0x6d: {  	_ = 	snop  }
0x6e: {  	[tilespmem:s7], [sflag:$0x3] =	stream.indirect.gather [hbm4b:s4+s29], $0x10, s31, s29, $0xb8;
	[tilespmem:$0x4D00] =	vst v63  }
0x6f: {  	_ = 	snop  }
0x70: {  	[tilespmem:s8], [sflag:$0x4] =	stream.indirect.gather [hbm4b:s4+s29], $0x10, s2, s29, $0xb8;
	[tilespmem:$0x4D00] =	vst v63  }
.LBB2_4:
0x71: {  	_ =	swait.ge [sflag:s9], $0x800  }
0x72: {  	[sflag:s9] =	ssyncset.done $0x0  }
0x73: {  	s6 =	simm.s32 $0x200;
	s12 =	simm.s32 $0x400;
	[sflag:s9] =	ssyncadd.s32 $0xFFFFF800  }
0x74: {  	[spmem:s1] =	stream.indirect.scatter.add.f32 [tilespmem:s12], [sflag:$0x5], $0x10, s6, s29, $0xb8;
	[tilespmem:$0x4D00] =	vst v63  }
0x75: {  	_ =	swait.ge [sflag:s26], $0x800  }
0x76: {  	p0 =	seq.s32 s13, $0x4C0;
	[sflag:s26] =	ssyncset.done $0x0  }
0x77: {  	s14 =	simm.s32 @p0 $0x2;
	[sflag:s26] =	ssyncadd.s32 $0xFFFFF800  }
0x78: {  	_ =	swait.ge @p0 [sflag:s14], $0x800  }
0x79: {  	s15 =	simm.s32 @p0 $0x280;
	[sflag:s14] =	ssyncset.done @p0 $0x0  }
0x7a: {  	s25 =	simm.s32 @p0 $0xC00;
	[sflag:s14] =	ssyncadd.s32 @p0 $0xFFFFF800;
	s14 =	simm.s32 @p0 $0x80  }
0x7b: {  	[spmem:s1] =	stream.indirect.scatter.add.f32 @p0 [tilespmem:s25], [sflag:$0x5], $0x10, s15, s14, $0xb8;
	[tilespmem:$0x4D00] =	vst v63  }
0x7c: {  	s14 =	simm.s32 @p0 $0x5  }
0x7d: {  	_ =	swait.ge @p0 [sflag:s14], $0x800  }
0x7e: {  	[sflag:s14] =	ssyncset.done @p0 $0x0  }
0x7f: {  	s15 =	simm.s32 @!p0 $0x0;
	[sflag:s14] =	ssyncadd.s32 @p0 $0xFFFFF800;
	s14 =	sadd.s32 @!p0 s13, s23  }
0x80: {  	[tilespmem:s15], [sflag:$0x5] =	stream.linear.gather @!p0 [hbm4b:s14+s15], $0x80, $0x38;
	[tilespmem:$0x4D00] =	vst v63  }
0x81: {  	s14 =	simm.s32 @!p0 $0x5  }
0x82: {  	_ =	swait.ge @!p0 [sflag:s14], $0x80  }
0x83: {  	[sflag:s14] =	ssyncset.done @!p0 $0x0  }
0x84: {  	s12 =	simm.s32 @!p0 $0x200;
	s25 =	sadd.s32 @!p0 s13, s22;
	[sflag:s14] =	ssyncadd.s32 @!p0 $0xFFFFFF80  }
0x85: {  	[tilespmem:s12], [sflag:$0x5] =	stream.linear.gather @!p0 [hbm4b:s25+s15], $0x80, $0x38;
	[tilespmem:$0x4D00] =	vst v63  }
0x86: {  	_ =	swait.ge @!p0 [sflag:s14], $0x80  }
0x87: {  	[sflag:s14] =	ssyncset.done @!p0 $0x0  }
0x88: {  	s12 =	simm.s32 @!p0 $0x80;
	s25 =	simm.s32 @!p0 $0x400;
	[sflag:s14] =	ssyncadd.s32 @!p0 $0xFFFFFF80  }
0x89: {  	[tilespmem:s25], [sflag:$0x1] =	stream.indirect.gather @!p0 [hbm4b:s4+s12], $0x10, s15, s12, $0xb8;
	[tilespmem:$0x4D00] =	vst v63  }
0x8a: {  	s25 =	simm.s32 @!p0 $0x2  }
0x8b: {  	_ =	swait.ge @!p0 [sflag:s25], $0x800  }
0x8c: {  	[sflag:s25] =	ssyncset.done @!p0 $0x0  }
0x8d: {  	s28 =	simm.s32 @!p0 $0xC00;
	[sflag:s25] =	ssyncadd.s32 @!p0 $0xFFFFF800;
	s25 =	simm.s32 @!p0 $0x280  }
0x8e: {  	[spmem:s1] =	stream.indirect.scatter.add.f32 @!p0 [tilespmem:s28], [sflag:$0x5], $0x10, s25, s12, $0xb8;
	[tilespmem:$0x4D00] =	vst v63  }
0x8f: {  	_ =	swait.ge @!p0 [sflag:s14], $0x800  }
0x90: {  	[sflag:s14] =	ssyncset.done @!p0 $0x0  }
0x91: {  	s6 =	sadd.s32 @!p0 s13, s21;
	[sflag:s14] =	ssyncadd.s32 @!p0 $0xFFFFF800  }
0x92: {  	[tilespmem:s12], [sflag:$0x5] =	stream.linear.gather @!p0 [hbm4b:s6+s15], $0x80, $0x38;
	[tilespmem:$0x4D00] =	vst v63  }
0x93: {  	_ =	swait.ge @!p0 [sflag:s14], $0x80  }
0x94: {  	[sflag:s14] =	ssyncset.done @!p0 $0x0  }
0x95: {  	s6 =	sadd.s32 @!p0 s13, s20;
	[sflag:s14] =	ssyncadd.s32 @!p0 $0xFFFFFF80  }
0x96: {  	[tilespmem:s25], [sflag:$0x5] =	stream.linear.gather @!p0 [hbm4b:s6+s15], $0x80, $0x38;
	[tilespmem:$0x4D00] =	vst v63  }
0x97: {  	_ =	swait.ge @!p0 [sflag:s14], $0x80  }
0x98: {  	[sflag:s14] =	ssyncset.done @!p0 $0x0  }
0x99: {  	[sflag:s14] =	ssyncadd.s32 @!p0 $0xFFFFFF80  }
0x9a: {  	[tilespmem:s28], [sflag:$0x2] =	stream.indirect.gather @!p0 [hbm4b:s4+s12], $0x10, s12, s12, $0xb8;
	[tilespmem:$0x4D00] =	vst v63  }
0x9b: {  	_ =	swait.ge [sflag:s10], $0x800  }
0x9c: {  	[sflag:s10] =	ssyncset.done $0x0  }
.Ltmp3:
0x9d: {  	[sflag:s10] =	ssyncadd.s32 $0xFFFFF800;
	(pc) =	sbr.rel @p0 .LBB2_6-.Ltmp3, $4  }
0x9e: {  	[spmem:s1] =	stream.indirect.scatter.add.f32 [tilespmem:s7], [sflag:$0x5], $0x10, s0, s29, $0xb8;
	[tilespmem:$0x4D00] =	vst v63  }
0x9f: {  	_ =	swait.ge [sflag:s26], $0x800  }
0xa0: {  	[sflag:s26] =	ssyncset.done $0x0  }
0xa1: {  	[sflag:s26] =	ssyncadd.s32 $0xFFFFF800  }
0xa2: {  	s6 =	sadd.s32 s13, s19  }
0xa3: {  	[tilespmem:s31], [sflag:$0x5] =	stream.linear.gather [hbm4b:s6+s3], $0x80, $0x38;
	[tilespmem:$0x4D00] =	vst v63  }
0xa4: {  	_ =	swait.ge [sflag:s26], $0x80  }
0xa5: {  	[sflag:s26] =	ssyncset.done $0x0  }
0xa6: {  	s15 =	sadd.s32 s13, s18;
	[sflag:s26] =	ssyncadd.s32 $0xFFFFFF80  }
0xa7: {  	[tilespmem:s0], [sflag:$0x5] =	stream.linear.gather [hbm4b:s15+s3], $0x80, $0x38;
	[tilespmem:$0x4D00] =	vst v63  }
0xa8: {  	_ =	swait.ge [sflag:s26], $0x80  }
0xa9: {  	[sflag:s26] =	ssyncset.done $0x0  }
0xaa: {  	[sflag:s26] =	ssyncadd.s32 $0xFFFFFF80  }
0xab: {  	[tilespmem:s7], [sflag:$0x3] =	stream.indirect.gather [hbm4b:s4+s29], $0x10, s31, s29, $0xb8;
	[tilespmem:$0x4D00] =	vst v63  }
0xac: {  	_ =	swait.ge [sflag:s11], $0x800  }
0xad: {  	[sflag:s11] =	ssyncset.done $0x0  }
0xae: {  	[sflag:s11] =	ssyncadd.s32 $0xFFFFF800  }
0xaf: {  	[spmem:s1] =	stream.indirect.scatter.add.f32 [tilespmem:s8], [sflag:$0x5], $0x10, s30, s29, $0xb8;
	[tilespmem:$0x4D00] =	vst v63  }
0xb0: {  	_ =	swait.ge [sflag:s26], $0x800  }
0xb1: {  	[sflag:s26] =	ssyncset.done $0x0  }
0xb2: {  	s25 =	sadd.s32 s13, s17;
	[sflag:s26] =	ssyncadd.s32 $0xFFFFF800  }
0xb3: {  	[tilespmem:s2], [sflag:$0x5] =	stream.linear.gather [hbm4b:s25+s3], $0x80, $0x38;
	[tilespmem:$0x4D00] =	vst v63  }
0xb4: {  	_ =	swait.ge [sflag:s26], $0x80  }
0xb5: {  	[sflag:s26] =	ssyncset.done $0x0  }
0xb6: {  	s28 =	sadd.s32 s13, s16;
	[sflag:s26] =	ssyncadd.s32 $0xFFFFFF80  }
0xb7: {  	[tilespmem:s30], [sflag:$0x5] =	stream.linear.gather [hbm4b:s28+s3], $0x80, $0x38;
	[tilespmem:$0x4D00] =	vst v63  }
.Ltmp4:
0xb8: {  	_ = 	snop;
	(pc) =	sbr.rel .LBB2_4-.Ltmp4, $4  }
0xb9: {  	_ =	swait.ge [sflag:s26], $0x80  }
0xba: {  	[sflag:s26] =	ssyncset.done $0x0  }
0xbb: {  	s13 =	sadd.s32 $0x40, s13;
	[sflag:s26] =	ssyncadd.s32 $0xFFFFFF80  }
0xbc: {  	[tilespmem:s8], [sflag:$0x4] =	stream.indirect.gather [hbm4b:s4+s29], $0x10, s2, s29, $0xb8;
	[tilespmem:$0x4D00] =	vst v63  }
.LBB2_7:
0xbd: {  	_ =	sfence.sel $0x180000  }
0xbe: {  	[bflag:$0x0] =	sbarrier.arrive $0xFFFF  }
0xbf: {  	_ =	strace $0x9000004D  }
0xc0: {  	s0 =	stileid.u32;
	[bflag:$0x2] =	sbarrier.arrive $0xFFFF  }
0xc1: {  	p0 =	sne.s32 s0, $0x0;
	s0 =	rddreg [dreg:$0x2]  }
0xc2: {  	s0 =	sadd.s32 @!p0 $0x100000, s0  }
0xc3: {  	[sflag:s0] =	ssyncadd.tile.s32 @!p0 $0x1;
	_ =	shalt  }
.Lfunc_end2:
_tile_overlayer_lowered:
.L_overlay_start_2:
0xc4: {  	(tag) =	ssettag $0x2  }
0xc5: {  	s0 =	rddreg [dreg:$0x0];
	s2 =	stileid.u32  }
0xc6: {  	s1 =	rddreg [dreg:$0x1];
	p0 =	sne.s32 s2, $0x0  }
0xc7: {  	s3 =	rddreg [dreg:$0x2];
	[bflag:$0x3] =	sbarrier.arrive $0xFFFF;
	s2 =	simm.s32 @!p0 $0x1C05  }
0xc8: {  	[timem:s3], [sflag:s2] =	dma.local @!p0 [hbm:s0], s1  }
0xc9: {  	s0 =	simm.s32 @!p0 $0x5  }
0xca: {  	_ =	swait.ge @!p0 [sflag:s0], s1  }
0xcb: {  	s1 =	ssub.s32 @!p0 $0x0, s1;
	[sflag:s0] =	ssyncset.done @!p0 $0x0  }
0xcc: {  	[sflag:s0] =	ssyncadd.s32 @!p0 s1  }
0xcd: {  	[bflag:$0x3] =	sbarrier.arrive $0xFFFF  }
0xce: {  	_ =	shalt  }

// kernel: kernel.8.cloned.1.call-start
scs
__scs_entry_jumppad:
0x0: {  	(pc) =	sbr.rel $0x88, $3  }
0x1: {  	(tag) =	ssettag $0x0;
	lr =	simm.s32 $0x1  }
0x2: {  	[smem:$0x3F97] =	sst lr;
	_ =	strace $0xD0000000  }
0x3: {  	_ = 	snop  }
0x4: {  	_ = 	snop  }
0x5: {  	_ = 	snop  }
0x6: {  	_ = 	snop  }
0x7: {  	_ = 	snop  }
__scs_overlays_trampoline_lowered:
0x8: {  	[smem:$0x3FA6] =	sst s0  }
0x9: {  	[smem:$0x3FA7] =	sst s1  }
0xa: {  	[smem:$0x3FA8] =	sst s2  }
0xb: {  	[smem:$0x3FA9] =	sst s3  }
0xc: {  	[smem:$0x3FAA] =	sst s4  }
0xd: {  	[smem:$0x3FAB] =	sst s5  }
0xe: {  	[smem:$0x3FAC] =	sst s6  }
0xf: {  	[smem:$0x3FAD] =	sst s7  }
0x10: {  	[smem:$0x3FAE] =	sst s8  }
0x11: {  	[smem:$0x3FAF] =	sst s9;
	s0 =	simm.s32 @!p0 $0x0  }
0x12: {  	s1 =	sld [smem:$0x3F95];
	s0 =	simm.s32 @p0 $0x1  }
0x13: {  	[smem:$0x3FB0] =	sst s0;
	s0 =	simm.s32 @!p1 $0x0  }
0x14: {  	s2 =	sld [smem:$0x3F94];
	s0 =	simm.s32 @p1 $0x1  }
0x15: {  	[smem:$0x3FB1] =	sst s0;
	s0 =	simm.s32 @!p2 $0x0  }
0x16: {  	s3 =	sld [smem:$0x3FDB];
	s0 =	simm.s32 @p2 $0x1  }
0x17: {  	s4 =	simm.s32 $0x1BF5;
	[smem:$0x3FB3] =	sst s0  }
0x18: {  	s0 =	sld [smem:$0x3F96];
	_ =	swait.ge [sflag:s4], $0x0  }
0x19: {  	s7 =	sld [smem:$0x3F97]  }
0x1a: {  	s8 =	sadd.s32 $0xFFFFE003, lr  }
0x1b: {  	s9 =	sadd.s32 $0xFFFFFEF7, lr;
	s5 =	simm.s32 $0xFFFFFFFF;
	p2 =	slt.u32 s8, $0xFFFFF086  }
0x1c: {  	p1 =	slt.u32 s9, $0xF7A;
	s5 =	simm.s32 @!p2 $0x0  }
0x1d: {  	s5 =	simm.s32 @p1 $0x1;
	p0 =	seq.s32 s7, s2  }
0x1e: {  	s7 =	smul.u32 @!p0 $0xF7A, s2;
	p2 =	seq.s32 @!p0 s5, $0x0  }
0x1f: {  	s9 =	smul.u32 $0xF7A, s1;
	s8 =	simm.s32 @!p0 $0x1BF5;
	p2 =	por !p2, p0  }
0x20: {  	[sflag:s8] =	ssyncset.s32 @!p0 $0xFFFFF086;
	s6 =	sadd.s32 @!p0 s3, s7;
	s7 =	simm.s32 @!p0 $0x108  }
0x21: {  	s3 =	sadd.s32 s3, s9;
	s6 =	sadd.s32 @!p0 $0x88, s6;
	s7 =	simm.s32 @p2 $0x1082  }
0x22: {  	[simem:s7], [sflag:s8] =	dma.local @!p0 [hbm:s6], $0xF7A  }
0x23: {  	s9 =	sor.u32 $0xD0000000, s2;
	s6 =	simm.s32 $0x108;
	_ =	swait.ge @!p0 [sflag:s8], $0x0  }
0x24: {  	s3 =	sadd.s32 $0x88, s3;
	s6 =	simm.s32 @!p1 $0x1082;
	[sflag:s4] =	ssyncset.s32 $0xFFFFF086  }
0x25: {  	[simem:s6], [sflag:s4] =	dma.local [hbm:s3], $0xF7A  }
0x26: {  	[smem:$0x3F97] =	sst s1;
	(tag) =	ssettag s2;
	_ =	strace s9  }
0x27: {  	s1 =	sld [smem:$0x3FA7]  }
0x28: {  	s2 =	sld [smem:$0x3FA8]  }
0x29: {  	s4 =	sld [smem:$0x3FAA]  }
0x2a: {  	p0 =	seq.s32 s5, $0x0;
	s5 =	sld [smem:$0x3FAB]  }
0x2b: {  	s6 =	sld [smem:$0x3FAC]  }
0x2c: {  	s7 =	sld [smem:$0x3FAD]  }
0x2d: {  	s3 =	simm.s32 $0x108;
	s8 =	sld [smem:$0x3FAE]  }
0x2e: {  	s3 =	simm.s32 @!p0 $0x1082;
	s9 =	sld [smem:$0x3FAF]  }
0x2f: {  	lr =	sadd.s32 s0, s3;
	s0 =	sld [smem:$0x3FA6]  }
0x30: {  	s3 =	sld [smem:$0x3FA9]  }
0x31: {  	[smem:$0x3FB2] =	sst s10  }
0x32: {  	s10 =	sld [smem:$0x3FB0];
	_ =	sdelay $0x3  }
0x33: {  	p0 =	seq.s32 s10, $0x1;
	s10 =	sld [smem:$0x3FB2];
	_ =	sdelay $0x3  }
0x34: {  	[smem:$0x3FB2] =	sst s10  }
0x35: {  	s10 =	sld [smem:$0x3FB1];
	_ =	sdelay $0x3  }
0x36: {  	p1 =	seq.s32 s10, $0x1;
	s10 =	sld [smem:$0x3FB2];
	_ =	sdelay $0x3  }
0x37: {  	[smem:$0x3FB2] =	sst s10  }
0x38: {  	s10 =	sld [smem:$0x3FB3]  }
0x39: {  	_ = 	snop;
	(pc) =	sbr.ind lr, $3  }
0x3a: {  	_ = 	snop  }
0x3b: {  	_ = 	snop  }
0x3c: {  	p2 =	seq.s32 s10, $0x1;
	s10 =	sld [smem:$0x3FB2]  }
0x3d: {  	_ =	shalt  }
0x3e: {  	_ =	shalt  }
0x3f: {  	_ =	shalt  }
0x40: {  	_ =	shalt  }
0x41: {  	_ =	shalt  }
0x42: {  	_ =	shalt  }
0x43: {  	_ =	shalt  }
0x44: {  	_ =	shalt  }
0x45: {  	_ =	shalt  }
0x46: {  	_ =	shalt  }
0x47: {  	_ =	shalt  }
0x48: {  	_ =	shalt  }
0x49: {  	_ =	shalt  }
0x4a: {  	_ =	shalt  }
0x4b: {  	_ =	shalt  }
0x4c: {  	_ =	shalt  }
0x4d: {  	_ =	shalt  }
0x4e: {  	_ =	shalt  }
0x4f: {  	_ =	shalt  }
0x50: {  	_ =	shalt  }
0x51: {  	_ =	shalt  }
0x52: {  	_ =	shalt  }
0x53: {  	_ =	shalt  }
0x54: {  	_ =	shalt  }
0x55: {  	_ =	shalt  }
0x56: {  	_ =	shalt  }
0x57: {  	_ =	shalt  }
0x58: {  	_ =	shalt  }
0x59: {  	_ =	shalt  }
0x5a: {  	_ =	shalt  }
0x5b: {  	_ =	shalt  }
0x5c: {  	_ =	shalt  }
0x5d: {  	_ =	shalt  }
0x5e: {  	_ =	shalt  }
0x5f: {  	_ =	shalt  }
0x60: {  	_ =	shalt  }
0x61: {  	_ =	shalt  }
0x62: {  	_ =	shalt  }
0x63: {  	_ =	shalt  }
0x64: {  	_ =	shalt  }
0x65: {  	_ =	shalt  }
0x66: {  	_ =	shalt  }
0x67: {  	_ =	shalt  }
0x68: {  	_ =	shalt  }
0x69: {  	_ =	shalt  }
0x6a: {  	_ =	shalt  }
0x6b: {  	_ =	shalt  }
0x6c: {  	_ =	shalt  }
0x6d: {  	_ =	shalt  }
0x6e: {  	_ =	shalt  }
0x6f: {  	_ =	shalt  }
0x70: {  	_ =	shalt  }
0x71: {  	_ =	shalt  }
0x72: {  	_ =	shalt  }
0x73: {  	_ =	shalt  }
0x74: {  	_ =	shalt  }
0x75: {  	_ =	shalt  }
0x76: {  	_ =	shalt  }
0x77: {  	_ =	shalt  }
0x78: {  	_ =	shalt  }
0x79: {  	_ =	shalt  }
0x7a: {  	_ =	shalt  }
0x7b: {  	_ =	shalt  }
0x7c: {  	_ =	shalt  }
0x7d: {  	_ =	shalt  }
0x7e: {  	_ =	shalt  }
0x7f: {  	_ =	shalt  }
0x80: {  	_ =	shalt  }
0x81: {  	_ =	shalt  }
0x82: {  	_ =	shalt  }
0x83: {  	_ =	shalt  }
0x84: {  	_ =	shalt  }
0x85: {  	_ =	shalt  }
0x86: {  	_ =	shalt  }
0x87: {  	_ =	shalt  }
.Lfunc_end0:
.L_simem_size_0:
called_computation_lowered:
.L_overlay_start_0:
0x88: {  	s2 =	sld [smem:$0x3FD9]  }
0x89: {  	s3 =	sld [smem:$0x3FFE];
	_ =	sdelay $0x1  }
0x8a: {  	s1 =	srdreg.scid  }
0x8b: {  	s0 =	sand.u32 $0x1, s1  }
0x8c: {  	s16 =	sshll.u32 s0, $0xA;
	s2 =	sadd.s32 s3, s2  }
0x8d: {  	s2 =	sadd.s32 s2, s16  }
0x8e: {  	[smem:$0x3FBE] =	sst s2  }
0x8f: {  	_ = 	snop  }
0x90: {  	(tm) =	ssettm $0x1  }
0x91: {  	s17 =	sld [smem:$0x3FFB];
	_ =	sdelay $0x3  }
0x92: {  	_ =	strace s17  }
0x93: {  	s2 =	sld [smem:$0x3FFC];
	_ =	sdelay $0x3  }
0x94: {  	_ =	strace s2  }
0x95: {  	s2 =	sld [smem:$0x3FFD];
	_ =	sdelay $0x3  }
0x96: {  	_ =	strace s2  }
0x97: {  	_ =	strace $0x8FFFFFFF  }
0x98: {  	s18 =	sld [smem:$0x3FDB];
	_ =	sdelay $0x1  }
0x99: {  	s19 =	simm.s32 $_scs_section_size  }
0x9a: {  	s4 =	simm.s32 $_size__tile_overlayer_lowered;
	s5 =	simm.s32 $_tile_overlayer_lowered  }
0x9b: {  	s22 =	simm.s32 $0x1BFF;
	s21 =	sshll.u32 s5, $0x1;
	s2 =	sadd.s32 s19, s18  }
0x9c: {  	s6 =	simm.s32 $0x0;
	s20 =	sshll.u32 s4, $0x1;
	s4 =	sadd.s32 s21, s2  }
0x9d: {  	[timem:s6], [sflag:s22] =	dma.local [hbm:s4], s20  }
0x9e: {  	_ =	swait.ge [sflag:s22], s20  }
0x9f: {  	s3 =	ssub.s32 $0x0, s20;
	[sflag:s22] =	ssyncset.done $0x0  }
0xa0: {  	[sflag:s22] =	ssyncadd.s32 s3;
	_ =	sdelay $0x1  }
0xa1: {  	s23 =	simm.s32 $0x1B8B  }
0xa2: {  	_ =	swait.ge [sflag:s23], $0x1  }
0xa3: {  	[sflag:s23] =	ssyncset.done $0x0  }
0xa4: {  	s25 =	simm.s32 $0x1B8E;
	s24 =	sld [smem:$0x3FFE];
	[sflag:s23] =	ssyncadd.s32 $0xFFFFFFFF  }
0xa5: {  	s26 =	simm.s32 $execute0_lowered;
	[smem:$0x3FD2] =	sst s25  }
0xa6: {  	s4 =	sshll.u32 s26, $0x1;
	_ =	strace $0x80000046;
	[dreg:$0x1] =	wrdreg $0xFFFFFFFF  }
0xa7: {  	s28 =	simm.s32 $_size_execute0_lowered;
	s2 =	sadd.s32 s2, s4;
	[dreg:$0x0] =	wrdreg $0x0  }
0xa8: {  	s4 =	sshll.u32 s28, $0x1;
	[dreg:$0x2] =	wrdreg s2  }
0xa9: {  	[dreg:$0x3] =	wrdreg s4  }
0xaa: {  	[dreg:$0x4] =	wrdreg $0xC0  }
0xab: {  	_ =	task [dreg:s6], $0x5FFFF  }
0xac: {  	[dreg:$0x1] =	wrdreg $0xFFFFFFFF  }
0xad: {  	[dreg:$0x0] =	wrdreg $0x60  }
0xae: {  	[dreg:$0x2] =	wrdreg s24  }
0xaf: {  	[dreg:$0x3] =	wrdreg $0xA7000  }
0xb0: {  	[dreg:$0x4] =	wrdreg $0xA9800  }
0xb1: {  	[dreg:$0x5] =	wrdreg $0x9  }
0xb2: {  	_ =	task.clear_ibuf [dreg:s6], $0x6FFFF;
	_ =	strace $0x90000046  }
0xb3: {  	s29 =	simm.s32 $0x9;
	_ =	strace $0x80000048  }
0xb4: {  	_ =	swait.ge [sflag:s29], $0x1  }
0xb5: {  	[sflag:s29] =	ssyncadd.s32 $0xFFFFFFFF  }
0xb6: {  	_ =	strace $0x90000048  }
0xb7: {  	_ =	sfence  }
0xb8: {  	s30 =	sld [smem:$0x0];
	_ =	sdelay $0x2  }
0xb9: {  	s31 =	sshll.u32 s1, $0xD;
	s1 =	sshrl.u32 s1, $0x2  }
0xba: {  	s3 =	sand.u32 $0x4000, s31;
	s1 =	sadd.s32 s1, s30  }
0xbb: {  	s0 =	sor.u32 s3, s0;
	s1 =	sshll.u32 s1, $0x11  }
0xbc: {  	s0 =	sor.u32 s1, s0  }
0xbd: {  	s0 =	sadd.s32 $0x8F2B, s0  }
0xbe: {  	[sflag:s0] =	ssyncadd.remote.s32 $0x1  }
0xbf: {  	_ =	sfence.sel $0xFFFF  }
0xc0: {  	[dreg:$0x0] =	wrdreg $0xFFFFFFFF;
	(pc) =	sbr.abs _section_cstart, $3  }
0xc1: {  	[dreg:$0x1] =	wrdreg $0xFFFFFFFF  }
0xc2: {  	_ =	task.clear_ibuf [dreg:s6], $0x2FFFF;
	_ =	strace $0x9FFFFFFF  }
0xc3: {  	(tm) =	ssettm $0x7FFFFFFF  }
tec
execute0_lowered:
.L_overlay_start_1:
0x0: {  	(tag) =	ssettag $0x1  }
0x1: {  	s0 =	srdreg.scid;
	s1 =	rddreg [dreg:$0x0]  }
0x2: {  	s11 =	stileid.u32;
	s2 =	rddreg [dreg:$0x1]  }
0x3: {  	s6 =	simm.s32 $0x0;
	s21 =	simm.s32 $0xA000;
	s22 =	simm.s32 $0xA080  }
0x4: {  	s23 =	simm.s32 $0xA100;
	s24 =	simm.s32 $0xA180;
	s25 =	simm.s32 $0xA200  }
0x5: {  	s26 =	simm.s32 $0xA280;
	s28 =	simm.s32 $0xA300;
	s0 =	sand.u32 $0x1, s0  }
0x6: {  	s29 =	simm.s32 $0x4;
	[smem:$0x7FF] =	sst s6;
	s3 =	sshll.u32 s0, $0x4  }
0x7: {  	s30 =	simm.s32 $0x5;
	s4 =	sor.u32 s11, s3;
	s3 =	rddreg [dreg:$0x2]  }
0x8: {  	s5 =	smul.u32 $0x280, s11;
	_ =	strace $0x80000047;
	[dreg:$0x4] =	wrdreg s21  }
0x9: {  	s31 =	simm.s32 $0x6;
	s13 =	smul.u32 $0x500, s11;
	[dreg:$0x5] =	wrdreg s22  }
0xa: {  	s7 =	sadd.s32 $0x2E00, s1;
	s8 =	sshll.u32 s0, $0x7;
	[dreg:$0x6] =	wrdreg s23  }
0xb: {  	s15 =	ssub.s32 $0x2, s0;
	p0 =	sne.s32 s0, $0x0;
	[dreg:$0x7] =	wrdreg s24  }
0xc: {  	s0 =	simm.s32 $0xF;
	s10 =	sshrl.u32 s5, $0x3;
	[dreg:$0x8] =	wrdreg s25  }
0xd: {  	s6 =	sor.u32 s8, s13;
	s16 =	sshrl.u32 s15, $0x1;
	[dreg:$0x9] =	wrdreg s26  }
0xe: {  	s11 =	smul.u32 $0xA00, s11;
	s8 =	simm.s32 $0xA480;
	[dreg:$0xa] =	wrdreg s28  }
0xf: {  	s13 =	simm.s32 $0x2;
	s26 =	simm.s32 $0xA380;
	s21 =	simm.s32 $0xB  }
0x10: {  	s22 =	simm.s32 $0xC;
	s23 =	simm.s32 $0xD;
	s24 =	simm.s32 $0xE  }
0x11: {  	s4 =	smul.u32 $0x500, s4;
	s14 =	sadd.s32 s10, s1;
	s6 =	sshrl.u32 s6, $0x3  }
0x12: {  	s10 =	sadd.s32 s5, s2;
	s12 =	sadd.s32 s5, s3;
	s5 =	simm.s32 $0x0  }
0x13: {  	s17 =	sadd.s32 s7, s11;
	s19 =	sadd.s32 $0x2AE00, s14;
	[dreg:$0xb] =	wrdreg s10  }
0x14: {  	s11 =	simm.s32 $0x1;
	s14 =	simm.s32 $0x3;
	[dreg:$0xc] =	wrdreg s12  }
0x15: {  	s9 =	sadd.s32 s4, s1;
	s1 =	sadd.s32 s6, s1;
	[dreg:$0xd] =	wrdreg s17  }
0x16: {  	s6 =	ssub.s32 s15, s16;
	s4 =	sadd.s32 s7, s4;
	[dreg:$0x10] =	wrdreg s19  }
0x17: {  	s17 =	simm.s32 $0x80;
	s18 =	sadd.s32 $0xCE00, s9;
	[dreg:$0xf] =	wrdreg s4  }
0x18: {  	s15 =	simm.s32 $0x8;
	s1 =	sadd.s32 $0x2B400, s1;
	[dreg:$0xe] =	wrdreg s18  }
0x19: {  	s19 =	simm.s32 $0x9;
	s20 =	smax.u32 s6, $0x1;
	[dreg:$0x11] =	wrdreg s1  }
0x1a: {  	s7 =	simm.s32 $0x10;
	s9 =	simm.s32 $0x19;
	[dreg:$0x12] =	wrdreg s20  }
0x1b: {  	v0 =	vimm.f32 $0.0e+00;
	v1 =	vimm.f32 $1.000000000e+00;
	s18 =	simm.s32 $0xA400;
	s1 =	simm.s32 $0x7;
	s20 =	simm.s32 $0xA  }
.LBB2_1:
0x1c: {  	[tilespmem:$0xA480] =	vst v0  }
0x1d: {  	[tilespmem:$0xA490] =	vst v0  }
0x1e: {  	[tilespmem:$0xA4A0] =	vst v0  }
0x1f: {  	[tilespmem:$0xA4B0] =	vst v0  }
0x20: {  	[tilespmem:$0xA4C0] =	vst v0  }
0x21: {  	[tilespmem:$0xA4D0] =	vst v0  }
0x22: {  	[tilespmem:$0xA4E0] =	vst v0  }
0x23: {  	[tilespmem:$0xA4F0] =	vst v0  }
0x24: {  	[tilespmem:$0xA500] =	vst v0  }
0x25: {  	[tilespmem:$0xA510] =	vst v0  }
0x26: {  	[tilespmem:$0xA520] =	vst v0  }
0x27: {  	[tilespmem:$0xA530] =	vst v0  }
0x28: {  	[tilespmem:$0xA540] =	vst v0  }
0x29: {  	[tilespmem:$0xA550] =	vst v0  }
0x2a: {  	[tilespmem:$0xA560] =	vst v0  }
0x2b: {  	[tilespmem:$0xA570] =	vst v0  }
0x2c: {  	[tilespmem:$0xA580] =	vst v0  }
0x2d: {  	[tilespmem:$0xA590] =	vst v0  }
0x2e: {  	[tilespmem:$0xA5A0] =	vst v0  }
0x2f: {  	[tilespmem:$0xA5B0] =	vst v0  }
0x30: {  	[tilespmem:$0xA5C0] =	vst v0  }
0x31: {  	[tilespmem:$0xA5D0] =	vst v0  }
0x32: {  	[tilespmem:$0xA5E0] =	vst v0  }
0x33: {  	[tilespmem:$0xA5F0] =	vst v0  }
0x34: {  	[tilespmem:$0xA600] =	vst v0  }
0x35: {  	[tilespmem:$0xA610] =	vst v0  }
0x36: {  	[tilespmem:$0xA620] =	vst v0  }
0x37: {  	[tilespmem:$0xA630] =	vst v0  }
0x38: {  	[tilespmem:$0xA640] =	vst v0  }
0x39: {  	[tilespmem:$0xA650] =	vst v0  }
0x3a: {  	[tilespmem:$0xA660] =	vst v0  }
0x3b: {  	[tilespmem:$0xA670] =	vst v0  }
0x3c: {  	[tilespmem:$0xA680] =	vst v0  }
0x3d: {  	[tilespmem:$0xA690] =	vst v0  }
0x3e: {  	[tilespmem:$0xA6A0] =	vst v0  }
0x3f: {  	[tilespmem:$0xA6B0] =	vst v0  }
0x40: {  	[tilespmem:$0xA6C0] =	vst v0  }
0x41: {  	[tilespmem:$0xA6D0] =	vst v0  }
0x42: {  	[tilespmem:$0xA6E0] =	vst v0  }
0x43: {  	[tilespmem:$0xA6F0] =	vst v0  }
0x44: {  	[tilespmem:$0xA400] =	vst v1  }
0x45: {  	[tilespmem:$0xA410] =	vst v1  }
0x46: {  	[tilespmem:$0xA420] =	vst v1  }
0x47: {  	[tilespmem:$0xA430] =	vst v1  }
0x48: {  	[tilespmem:$0xA440] =	vst v1  }
0x49: {  	[tilespmem:$0xA450] =	vst v1  }
0x4a: {  	[tilespmem:$0xA460] =	vst v1  }
0x4b: {  	[dreg:$0x13] =	wrdreg s5;
	[tilespmem:$0xA470] =	vst v1  }
0x4c: {  	[spmem:s10] =	stream.linear.scatter [tilespmem:s8], [sflag:$0x19], $0x280, $0x38;
	[tilespmem:$0xAC00] =	vst v63  }
0x4d: {  	_ =	swait.ge [sflag:s9], $0x280  }
0x4e: {  	[sflag:s9] =	ssyncset.done $0x0  }
0x4f: {  	[sflag:s9] =	ssyncadd.s32 $0xFFFFFD80  }
0x50: {  	[spmem:s12] =	stream.linear.scatter [tilespmem:s8], [sflag:$0x19], $0x280, $0x38;
	[tilespmem:$0xAC00] =	vst v63  }
0x51: {  	_ =	swait.ge [sflag:s9], $0x280  }
0x52: {  	[sflag:s9] =	ssyncset.done $0x0  }
0x53: {  	s4 =	simm.s32 $0x0;
	s6 =	rddreg [dreg:$0xd];
	[sflag:s9] =	ssyncadd.s32 $0xFFFFFD80  }
0x54: {  	[tilespmem:s4], [sflag:$0x19] =	stream.linear.gather [hbm4b:s6+s4], $0x5000, $0x38;
	[tilespmem:$0xAC00] =	vst v63  }
0x55: {  	_ =	swait.ge [sflag:s9], $0x5000  }
0x56: {  	[sflag:s9] =	ssyncset.done $0x0  }
0x57: {  	s6 =	simm.s32 $0x5000;
	s12 =	rddreg [dreg:$0xe];
	[sflag:s9] =	ssyncadd.s32 $0xFFFFB000  }
0x58: {  	[tilespmem:s6], [sflag:$0x19] =	stream.linear.gather [hbm4b:s12+s4], $0x2800, $0x38;
	[tilespmem:$0xAC00] =	vst v63  }
0x59: {  	_ =	swait.ge [sflag:s9], $0x2800  }
0x5a: {  	[sflag:s9] =	ssyncset.done $0x0  }
0x5b: {  	s25 =	simm.s32 $0x7800;
	s16 =	rddreg [dreg:$0xf];
	[sflag:s9] =	ssyncadd.s32 $0xFFFFD800  }
0x5c: {  	[tilespmem:s25], [sflag:$0x19] =	stream.linear.gather [hbm4b:s16+s4], $0x2800, $0x38;
	[tilespmem:$0xAC00] =	vst v63  }
0x5d: {  	_ =	swait.ge [sflag:s9], $0x2800  }
0x5e: {  	[sflag:s9] =	ssyncset.done $0x0  }
0x5f: {  	[sflag:s9] =	ssyncadd.s32 $0xFFFFD800  }
0x60: {  	[bflag:$0x0] =	sbarrier.arrive $0xFFFF  }
0x61: {  	[spmem:s2] =	stream.indirect.scatter.add.f32 [tilespmem:s18], [sflag:$0x1], $0x1, s4, s17, $0xb8;
	[tilespmem:$0xAC00] =	vst v63  }
0x62: {  	_ = 	snop  }
0x63: {  	[spmem:s2] =	stream.indirect.scatter.add.f32 [tilespmem:s18], [sflag:$0x2], $0x1, s17, s17, $0xb8;
	[tilespmem:$0xAC00] =	vst v63  }
0x64: {  	s28 =	simm.s32 $0x100  }
0x65: {  	[spmem:s2] =	stream.indirect.scatter.add.f32 [tilespmem:s18], [sflag:$0x3], $0x1, s28, s17, $0xb8;
	[tilespmem:$0xAC00] =	vst v63  }
0x66: {  	s5 =	simm.s32 $0x180  }
0x67: {  	[spmem:s2] =	stream.indirect.scatter.add.f32 [tilespmem:s18], [sflag:$0x4], $0x1, s5, s17, $0xb8;
	[tilespmem:$0xAC00] =	vst v63  }
0x68: {  	s6 =	simm.s32 $0x200  }
0x69: {  	[spmem:s2] =	stream.indirect.scatter.add.f32 [tilespmem:s18], [sflag:$0x5], $0x1, s6, s17, $0xb8;
	[tilespmem:$0xAC00] =	vst v63  }
0x6a: {  	s12 =	simm.s32 $0x280  }
0x6b: {  	[spmem:s2] =	stream.indirect.scatter.add.f32 [tilespmem:s18], [sflag:$0x6], $0x1, s12, s17, $0xb8;
	[tilespmem:$0xAC00] =	vst v63  }
0x6c: {  	s16 =	simm.s32 $0x300  }
0x6d: {  	[spmem:s2] =	stream.indirect.scatter.add.f32 [tilespmem:s18], [sflag:$0x7], $0x1, s16, s17, $0xb8;
	[tilespmem:$0xAC00] =	vst v63  }
0x6e: {  	s25 =	simm.s32 $0x380  }
0x6f: {  	[spmem:s2] =	stream.indirect.scatter.add.f32 [tilespmem:s18], [sflag:$0x8], $0x1, s25, s17, $0xb8;
	[tilespmem:$0xAC00] =	vst v63  }
0x70: {  	_ =	swait.ge [sflag:s11], $0x80  }
0x71: {  	[sflag:s11] =	ssyncset.done $0x0  }
0x72: {  	s28 =	simm.s32 $0x400;
	[sflag:s11] =	ssyncadd.s32 $0xFFFFFF80  }
0x73: {  	[spmem:s2] =	stream.indirect.scatter.add.f32 [tilespmem:s18], [sflag:$0x1], $0x1, s28, s17, $0xb8;
	[tilespmem:$0xAC00] =	vst v63  }
0x74: {  	_ =	swait.ge [sflag:s13], $0x80  }
0x75: {  	[sflag:s13] =	ssyncset.done $0x0  }
0x76: {  	s5 =	simm.s32 $0x480;
	[sflag:s13] =	ssyncadd.s32 $0xFFFFFF80  }
0x77: {  	[spmem:s2] =	stream.indirect.scatter.add.f32 [tilespmem:s18], [sflag:$0x2], $0x1, s5, s17, $0xb8;
	[tilespmem:$0xAC00] =	vst v63  }
0x78: {  	_ =	swait.ge [sflag:s14], $0x80  }
0x79: {  	[sflag:s14] =	ssyncset.done $0x0  }
0x7a: {  	s6 =	simm.s32 $0x500;
	[sflag:s14] =	ssyncadd.s32 $0xFFFFFF80  }
0x7b: {  	[spmem:s2] =	stream.indirect.scatter.add.f32 [tilespmem:s18], [sflag:$0x3], $0x1, s6, s17, $0xb8;
	[tilespmem:$0xAC00] =	vst v63  }
0x7c: {  	_ =	swait.ge [sflag:s29], $0x80  }
0x7d: {  	[sflag:s29] =	ssyncset.done $0x0  }
0x7e: {  	s12 =	simm.s32 $0x580;
	[sflag:s29] =	ssyncadd.s32 $0xFFFFFF80  }
0x7f: {  	[spmem:s2] =	stream.indirect.scatter.add.f32 [tilespmem:s18], [sflag:$0x4], $0x1, s12, s17, $0xb8;
	[tilespmem:$0xAC00] =	vst v63  }
0x80: {  	_ =	swait.ge [sflag:s30], $0x80  }
0x81: {  	[sflag:s30] =	ssyncset.done $0x0  }
0x82: {  	s16 =	simm.s32 $0x600;
	[sflag:s30] =	ssyncadd.s32 $0xFFFFFF80  }
0x83: {  	[spmem:s2] =	stream.indirect.scatter.add.f32 [tilespmem:s18], [sflag:$0x5], $0x1, s16, s17, $0xb8;
	[tilespmem:$0xAC00] =	vst v63  }
0x84: {  	_ =	swait.ge [sflag:s31], $0x80  }
0x85: {  	[sflag:s31] =	ssyncset.done $0x0  }
0x86: {  	s25 =	simm.s32 $0x680;
	[sflag:s31] =	ssyncadd.s32 $0xFFFFFF80  }
0x87: {  	[spmem:s2] =	stream.indirect.scatter.add.f32 [tilespmem:s18], [sflag:$0x6], $0x1, s25, s17, $0xb8;
	[tilespmem:$0xAC00] =	vst v63  }
0x88: {  	_ =	swait.ge [sflag:s1], $0x80  }
0x89: {  	[sflag:s1] =	ssyncset.done $0x0  }
0x8a: {  	s28 =	simm.s32 $0x700;
	[sflag:s1] =	ssyncadd.s32 $0xFFFFFF80  }
0x8b: {  	[spmem:s2] =	stream.indirect.scatter.add.f32 [tilespmem:s18], [sflag:$0x7], $0x1, s28, s17, $0xb8;
	[tilespmem:$0xAC00] =	vst v63  }
0x8c: {  	_ =	swait.ge [sflag:s15], $0x80  }
0x8d: {  	[sflag:s15] =	ssyncset.done $0x0  }
0x8e: {  	s4 =	simm.s32 $0x1000;
	s5 =	simm.s32 $0x780;
	[sflag:s15] =	ssyncadd.s32 $0xFFFFFF80  }
.LBB2_2:
0x8f: {  	[spmem:s2] =	stream.indirect.scatter.add.f32 [tilespmem:s18], [sflag:$0x8], $0x1, s5, s17, $0xb8;
	[tilespmem:$0xAC00] =	vst v63  }
0x90: {  	s5 =	smov.u32 s4  }
0x91: {  	p1 =	sne.s32 s4, $0x12000;
	s4 =	sadd.s32 $0x1000, s4;
	_ =	swait.ge [sflag:s11], $0x80  }
0x92: {  	s5 =	sshra.s32 s5, $0x2;
	[sflag:s11] =	ssyncset.done $0x0  }
0x93: {  	s6 =	sadd.s32 $0x400, s5;
	[sflag:s11] =	ssyncadd.s32 $0xFFFFFF80  }
0x94: {  	[spmem:s2] =	stream.indirect.scatter.add.f32 [tilespmem:s18], [sflag:$0x1], $0x1, s6, s17, $0xb8;
	[tilespmem:$0xAC00] =	vst v63  }
0x95: {  	_ =	swait.ge [sflag:s13], $0x80  }
0x96: {  	[sflag:s13] =	ssyncset.done $0x0  }
0x97: {  	s6 =	sadd.s32 $0x480, s5;
	[sflag:s13] =	ssyncadd.s32 $0xFFFFFF80  }
0x98: {  	[spmem:s2] =	stream.indirect.scatter.add.f32 [tilespmem:s18], [sflag:$0x2], $0x1, s6, s17, $0xb8;
	[tilespmem:$0xAC00] =	vst v63  }
0x99: {  	_ =	swait.ge [sflag:s14], $0x80  }
0x9a: {  	[sflag:s14] =	ssyncset.done $0x0  }
0x9b: {  	s6 =	sadd.s32 $0x500, s5;
	[sflag:s14] =	ssyncadd.s32 $0xFFFFFF80  }
0x9c: {  	[spmem:s2] =	stream.indirect.scatter.add.f32 [tilespmem:s18], [sflag:$0x3], $0x1, s6, s17, $0xb8;
	[tilespmem:$0xAC00] =	vst v63  }
0x9d: {  	_ =	swait.ge [sflag:s29], $0x80  }
0x9e: {  	[sflag:s29] =	ssyncset.done $0x0  }
0x9f: {  	s6 =	sadd.s32 $0x580, s5;
	[sflag:s29] =	ssyncadd.s32 $0xFFFFFF80  }
0xa0: {  	[spmem:s2] =	stream.indirect.scatter.add.f32 [tilespmem:s18], [sflag:$0x4], $0x1, s6, s17, $0xb8;
	[tilespmem:$0xAC00] =	vst v63  }
0xa1: {  	_ =	swait.ge [sflag:s30], $0x80  }
0xa2: {  	[sflag:s30] =	ssyncset.done $0x0  }
0xa3: {  	s6 =	sadd.s32 $0x600, s5;
	[sflag:s30] =	ssyncadd.s32 $0xFFFFFF80  }
0xa4: {  	[spmem:s2] =	stream.indirect.scatter.add.f32 [tilespmem:s18], [sflag:$0x5], $0x1, s6, s17, $0xb8;
	[tilespmem:$0xAC00] =	vst v63  }
0xa5: {  	_ =	swait.ge [sflag:s31], $0x80  }
0xa6: {  	[sflag:s31] =	ssyncset.done $0x0  }
0xa7: {  	s6 =	sadd.s32 $0x680, s5;
	[sflag:s31] =	ssyncadd.s32 $0xFFFFFF80  }
0xa8: {  	[spmem:s2] =	stream.indirect.scatter.add.f32 [tilespmem:s18], [sflag:$0x6], $0x1, s6, s17, $0xb8;
	[tilespmem:$0xAC00] =	vst v63  }
0xa9: {  	_ =	swait.ge [sflag:s1], $0x80  }
0xaa: {  	[sflag:s1] =	ssyncset.done $0x0  }
.Ltmp0:
0xab: {  	s6 =	sadd.s32 $0x700, s5;
	[sflag:s1] =	ssyncadd.s32 $0xFFFFFF80;
	(pc) =	sbr.rel @p1 .LBB2_2-.Ltmp0, $4  }
0xac: {  	[spmem:s2] =	stream.indirect.scatter.add.f32 [tilespmem:s18], [sflag:$0x7], $0x1, s6, s17, $0xb8;
	[tilespmem:$0xAC00] =	vst v63  }
0xad: {  	_ =	swait.ge [sflag:s15], $0x80  }
0xae: {  	[sflag:s15] =	ssyncset.done $0x0  }
0xaf: {  	s5 =	sadd.s32 $0x780, s5;
	[sflag:s15] =	ssyncadd.s32 $0xFFFFFF80  }
0xb0: {  	[spmem:s2] =	stream.indirect.scatter.add.f32 [tilespmem:s18], [sflag:$0x8], $0x1, s5, s17, $0xb8;
	[tilespmem:$0xAC00] =	vst v63  }
0xb1: {  	_ =	swait.ge [sflag:s11], $0x80  }
0xb2: {  	[sflag:s11] =	ssyncset.done $0x0  }
0xb3: {  	[sflag:s11] =	ssyncadd.s32 $0xFFFFFF80  }
0xb4: {  	_ =	swait.ge [sflag:s13], $0x80  }
0xb5: {  	[sflag:s13] =	ssyncset.done $0x0  }
0xb6: {  	[sflag:s13] =	ssyncadd.s32 $0xFFFFFF80  }
0xb7: {  	_ =	swait.ge [sflag:s14], $0x80  }
0xb8: {  	[sflag:s14] =	ssyncset.done $0x0  }
0xb9: {  	[sflag:s14] =	ssyncadd.s32 $0xFFFFFF80  }
0xba: {  	_ =	swait.ge [sflag:s29], $0x80  }
0xbb: {  	[sflag:s29] =	ssyncset.done $0x0  }
0xbc: {  	[sflag:s29] =	ssyncadd.s32 $0xFFFFFF80  }
0xbd: {  	_ =	swait.ge [sflag:s30], $0x80  }
0xbe: {  	[sflag:s30] =	ssyncset.done $0x0  }
0xbf: {  	[sflag:s30] =	ssyncadd.s32 $0xFFFFFF80  }
0xc0: {  	_ =	swait.ge [sflag:s31], $0x80  }
0xc1: {  	[sflag:s31] =	ssyncset.done $0x0  }
0xc2: {  	[sflag:s31] =	ssyncadd.s32 $0xFFFFFF80  }
0xc3: {  	_ =	swait.ge [sflag:s1], $0x80  }
0xc4: {  	[sflag:s1] =	ssyncset.done $0x0  }
0xc5: {  	[sflag:s1] =	ssyncadd.s32 $0xFFFFFF80  }
0xc6: {  	_ =	swait.ge [sflag:s15], $0x80  }
0xc7: {  	[sflag:s15] =	ssyncset.done $0x0  }
0xc8: {  	[sflag:s15] =	ssyncadd.s32 $0xFFFFFF80  }
0xc9: {  	[bflag:$0x0] =	sbarrier.arrive $0xFFFF  }
0xca: {  	[tilespmem:s8], [sflag:$0x19] =	stream.linear.gather [spmem:s10], $0x280, $0x38;
	[tilespmem:$0xAC00] =	vst v63  }
0xcb: {  	_ =	swait.ge [sflag:s9], $0x280  }
0xcc: {  	[sflag:s9] =	ssyncset.done $0x0  }
0xcd: {  	s4 =	simm.s32 $0x0;
	s5 =	simm.s32 $0x40;
	[sflag:s9] =	ssyncadd.s32 $0xFFFFFD80  }
.LBB2_4:
0xce: {  	p1 =	sne.s32 s5, $0x9C0;
	v2 =	vld [tilespmem:s4+$0xA480];
	_ =	sdelay $0x4  }
0xcf: {  	v2 =	vadd.f32 $1.000000000e+00, v2;
	_ =	sdelay $0x1  }
0xd0: {  	v3 =	vshrl.u32 v2, $0x1;
	v2 =	vmul.f32 $5.000000000e-01, v2  }
0xd1: {  	v3 =	vsub.s32 $0x5F3759DF, v3  }
0xd2: {  	v4 =	vmul.f32 v3, v2;
	_ =	sdelay $0x1  }
0xd3: {  	v4 =	vmul.f32 v3, v4;
	_ =	sdelay $0x1  }
0xd4: {  	v4 =	vsub.f32 $1.500000000e+00, v4;
	_ =	sdelay $0x1  }
0xd5: {  	v3 =	vmul.f32 v3, v4;
	_ =	sdelay $0x1  }
0xd6: {  	v4 =	vmul.f32 v3, v2;
	_ =	sdelay $0x1  }
0xd7: {  	v4 =	vmul.f32 v4, v3;
	_ =	sdelay $0x1  }
0xd8: {  	v4 =	vsub.f32 $1.500000000e+00, v4;
	_ =	sdelay $0x1  }
0xd9: {  	v3 =	vmul.f32 v4, v3;
	_ =	sdelay $0x1  }
0xda: {  	v2 =	vmul.f32 v3, v2;
	_ =	sdelay $0x1  }
0xdb: {  	v2 =	vmul.f32 v2, v3;
	_ =	sdelay $0x1  }
.Ltmp1:
0xdc: {  	v2 =	vsub.f32 $1.500000000e+00, v2;
	(pc) =	sbr.rel @p1 .LBB2_4-.Ltmp1, $3  }
0xdd: {  	_ = 	snop  }
0xde: {  	v2 =	vmul.f32 v2, v3;
	_ =	sdelay $0x1  }
0xdf: {  	[tilespmem:s4+$0xA480] =	vst v2;
	s4 =	sshra.s32 s5, $0x2;
	s5 =	sadd.s32 $0x40, s5  }
0xe0: {  	v2 =	vld [tilespmem:s4+$0xA480];
	_ =	sdelay $0x4  }
0xe1: {  	v2 =	vadd.f32 $1.000000000e+00, v2;
	_ =	sdelay $0x1  }
0xe2: {  	v3 =	vshrl.u32 v2, $0x1;
	v2 =	vmul.f32 $5.000000000e-01, v2  }
0xe3: {  	v3 =	vsub.s32 $0x5F3759DF, v3  }
0xe4: {  	v4 =	vmul.f32 v3, v2;
	_ =	sdelay $0x1  }
0xe5: {  	v4 =	vmul.f32 v3, v4;
	_ =	sdelay $0x1  }
0xe6: {  	v4 =	vsub.f32 $1.500000000e+00, v4;
	_ =	sdelay $0x1  }
0xe7: {  	v3 =	vmul.f32 v3, v4;
	_ =	sdelay $0x1  }
0xe8: {  	v4 =	vmul.f32 v3, v2;
	_ =	sdelay $0x1  }
0xe9: {  	v4 =	vmul.f32 v4, v3;
	_ =	sdelay $0x1  }
0xea: {  	v4 =	vsub.f32 $1.500000000e+00, v4;
	_ =	sdelay $0x1  }
0xeb: {  	v3 =	vmul.f32 v4, v3;
	_ =	sdelay $0x1  }
0xec: {  	v2 =	vmul.f32 v3, v2;
	_ =	sdelay $0x1  }
0xed: {  	v2 =	vmul.f32 v2, v3;
	_ =	sdelay $0x1  }
0xee: {  	v2 =	vsub.f32 $1.500000000e+00, v2;
	_ =	sdelay $0x1  }
0xef: {  	v2 =	vmul.f32 v2, v3;
	_ =	sdelay $0x1  }
0xf0: {  	s5 =	simm.s32 @!p0 $0xA480;
	s6 =	rddreg [dreg:$0x10];
	[tilespmem:s4+$0xA480] =	vst v2;
	s4 =	simm.s32 @!p0 $0x0  }
0xf1: {  	[hbm4b:s6+s4] =	stream.linear.scatter @!p0 [tilespmem:s5], [sflag:$0x19], $0x280, $0x38;
	[tilespmem:$0xAC00] =	vst v63  }
0xf2: {  	s4 =	simm.s32 @!p0 $0x19  }
0xf3: {  	_ =	swait.ge @!p0 [sflag:s4], $0x280  }
0xf4: {  	[sflag:s4] =	ssyncset.done @!p0 $0x0  }
0xf5: {  	[sflag:s4] =	ssyncadd.s32 @!p0 $0xFFFFFD80  }
0xf6: {  	[spmem:s10] =	stream.linear.scatter [tilespmem:s8], [sflag:$0x19], $0x280, $0x38;
	[tilespmem:$0xAC00] =	vst v63  }
0xf7: {  	_ =	swait.ge [sflag:s9], $0x280  }
0xf8: {  	[sflag:s9] =	ssyncset.done $0x0  }
0xf9: {  	p1 =	por $0x0, $0x0;
	[sflag:s9] =	ssyncadd.s32 $0xFFFFFD80  }
0xfa: {  	s4 =	simm.s32 @p1 $0x11;
	[bflag:$0x0] =	sbarrier.arrive $0xFFFF  }
0xfb: {  	_ =	swait.ge @p1 [sflag:s4], $0x80  }
0xfc: {  	s5 =	simm.s32 @p1 $0x7800;
	s6 =	simm.s32 @p1 $0x80;
	[sflag:s4] =	ssyncset.done @p1 $0x0  }
0xfd: {  	s8 =	simm.s32 @p1 $0x12;
	[sflag:s4] =	ssyncadd.s32 @p1 $0xFFFFFF80;
	s4 =	simm.s32 @p1 $0xA000  }
0xfe: {  	[tilespmem:s4], [sflag:$0x9] =	stream.indirect.gather @p1 [spmem:s2], $0x1, s5, s6, $0xb8;
	[tilespmem:$0xAC00] =	vst v63  }
0xff: {  	_ =	swait.ge @p1 [sflag:s8], $0x80  }
0x100: {  	s4 =	simm.s32 @p1 $0x7880;
	[sflag:s8] =	ssyncset.done @p1 $0x0  }
0x101: {  	s5 =	simm.s32 @p1 $0xA080;
	[sflag:s8] =	ssyncadd.s32 @p1 $0xFFFFFF80;
	s8 =	simm.s32 @p1 $0x13  }
0x102: {  	[tilespmem:s5], [sflag:$0xA] =	stream.indirect.gather @p1 [spmem:s2], $0x1, s4, s6, $0xb8;
	[tilespmem:$0xAC00] =	vst v63  }
0x103: {  	_ =	swait.ge @p1 [sflag:s8], $0x80  }
0x104: {  	s4 =	simm.s32 @p1 $0x7900;
	[sflag:s8] =	ssyncset.done @p1 $0x0  }
0x105: {  	s5 =	simm.s32 @p1 $0xA100;
	[sflag:s8] =	ssyncadd.s32 @p1 $0xFFFFFF80;
	s8 =	simm.s32 @p1 $0x14  }
0x106: {  	[tilespmem:s5], [sflag:$0xB] =	stream.indirect.gather @p1 [spmem:s2], $0x1, s4, s6, $0xb8;
	[tilespmem:$0xAC00] =	vst v63  }
0x107: {  	_ =	swait.ge @p1 [sflag:s8], $0x80  }
0x108: {  	s4 =	simm.s32 @p1 $0x7980;
	[sflag:s8] =	ssyncset.done @p1 $0x0  }
0x109: {  	s5 =	simm.s32 @p1 $0xA180;
	[sflag:s8] =	ssyncadd.s32 @p1 $0xFFFFFF80;
	s8 =	simm.s32 @p1 $0x15  }
0x10a: {  	[tilespmem:s5], [sflag:$0xC] =	stream.indirect.gather @p1 [spmem:s2], $0x1, s4, s6, $0xb8;
	[tilespmem:$0xAC00] =	vst v63  }
0x10b: {  	_ =	swait.ge @p1 [sflag:s8], $0x80  }
0x10c: {  	s4 =	simm.s32 @p1 $0x7A00;
	[sflag:s8] =	ssyncset.done @p1 $0x0  }
0x10d: {  	s5 =	simm.s32 @p1 $0xA200;
	[sflag:s8] =	ssyncadd.s32 @p1 $0xFFFFFF80;
	s8 =	simm.s32 @p1 $0x16  }
0x10e: {  	[tilespmem:s5], [sflag:$0xD] =	stream.indirect.gather @p1 [spmem:s2], $0x1, s4, s6, $0xb8;
	[tilespmem:$0xAC00] =	vst v63  }
0x10f: {  	_ =	swait.ge @p1 [sflag:s8], $0x80  }
0x110: {  	s4 =	simm.s32 @p1 $0x7A80;
	[sflag:s8] =	ssyncset.done @p1 $0x0  }
0x111: {  	s5 =	simm.s32 @p1 $0xA280;
	[sflag:s8] =	ssyncadd.s32 @p1 $0xFFFFFF80;
	s8 =	simm.s32 @p1 $0x17  }
0x112: {  	[tilespmem:s5], [sflag:$0xE] =	stream.indirect.gather @p1 [spmem:s2], $0x1, s4, s6, $0xb8;
	[tilespmem:$0xAC00] =	vst v63  }
0x113: {  	_ =	swait.ge @p1 [sflag:s8], $0x80  }
0x114: {  	s4 =	simm.s32 $0x7B00;
	[sflag:s8] =	ssyncset.done @p1 $0x0  }
0x115: {  	s5 =	simm.s32 @p1 $0xA300;
	[sflag:s8] =	ssyncadd.s32 @p1 $0xFFFFFF80;
	s8 =	simm.s32 @p1 $0x18  }
0x116: {  	[tilespmem:s5], [sflag:$0xF] =	stream.indirect.gather @p1 [spmem:s2], $0x1, s4, s6, $0xb8;
	[tilespmem:$0xAC00] =	vst v63  }
0x117: {  	_ =	swait.ge @p1 [sflag:s8], $0x80  }
0x118: {  	s5 =	simm.s32 @!p1 $0x80;
	[sflag:s8] =	ssyncset.done @p1 $0x0  }
0x119: {  	s4 =	simm.s32 @!p1 $0x7800;
	s6 =	simm.s32 @!p1 $0xA000;
	[sflag:s8] =	ssyncadd.s32 @p1 $0xFFFFFF80  }
0x11a: {  	[tilespmem:s6], [sflag:$0x9] =	stream.indirect.gather @!p1 [spmem:s2], $0x1, s4, s5, $0xb8;
	[tilespmem:$0xAC00] =	vst v63  }
0x11b: {  	s4 =	simm.s32 @!p1 $0x7880;
	s6 =	simm.s32 @!p1 $0xA080  }
0x11c: {  	[tilespmem:s6], [sflag:$0xA] =	stream.indirect.gather @!p1 [spmem:s2], $0x1, s4, s5, $0xb8;
	[tilespmem:$0xAC00] =	vst v63  }
0x11d: {  	s4 =	simm.s32 @!p1 $0x7900;
	s6 =	simm.s32 @!p1 $0xA100  }
0x11e: {  	[tilespmem:s6], [sflag:$0xB] =	stream.indirect.gather @!p1 [spmem:s2], $0x1, s4, s5, $0xb8;
	[tilespmem:$0xAC00] =	vst v63  }
0x11f: {  	s4 =	simm.s32 @!p1 $0x7980;
	s6 =	simm.s32 @!p1 $0xA180  }
0x120: {  	[tilespmem:s6], [sflag:$0xC] =	stream.indirect.gather @!p1 [spmem:s2], $0x1, s4, s5, $0xb8;
	[tilespmem:$0xAC00] =	vst v63  }
0x121: {  	s4 =	simm.s32 @!p1 $0x7A00;
	s6 =	simm.s32 @!p1 $0xA200  }
0x122: {  	[tilespmem:s6], [sflag:$0xD] =	stream.indirect.gather @!p1 [spmem:s2], $0x1, s4, s5, $0xb8;
	[tilespmem:$0xAC00] =	vst v63  }
0x123: {  	s8 =	simm.s32 @!p1 $0xA280;
	s4 =	simm.s32 @p1 $0x0;
	s6 =	simm.s32 @!p1 $0x7A80  }
0x124: {  	[tilespmem:s8], [sflag:$0xE] =	stream.indirect.gather @!p1 [spmem:s2], $0x1, s6, s5, $0xb8;
	[tilespmem:$0xAC00] =	vst v63  }
0x125: {  	s4 =	simm.s32 @!p1 $0x0;
	s6 =	simm.s32 @!p1 $0xA300;
	s8 =	simm.s32 @!p1 $0x7B00  }
0x126: {  	[tilespmem:s6], [sflag:$0xF] =	stream.indirect.gather @!p1 [spmem:s2], $0x1, s8, s5, $0xb8;
	[tilespmem:$0xAC00] =	vst v63  }
0x127: {  	s9 =	sadd.s32 $0x7B80, s4  }
0x128: {  	[tilespmem:s26], [sflag:$0x10] =	stream.indirect.gather [spmem:s2], $0x1, s9, s17, $0xb8;
	[tilespmem:$0xAC00] =	vst v63  }
0x129: {  	_ =	swait.ge [sflag:s19], $0x80  }
0x12a: {  	[sflag:s19] =	ssyncset.done $0x0  }
0x12b: {  	s11 =	sadd.s32 $0x5000, s4;
	s10 =	rddreg [dreg:$0x4];
	[sflag:s19] =	ssyncadd.s32 $0xFFFFFF80  }
0x12c: {  	[spmem:s3] =	stream.indirect.scatter.add.f32 [tilespmem:s10], [sflag:$0x11], $0x1, s11, s17, $0xb8;
	[tilespmem:$0xAC00] =	vst v63  }
0x12d: {  	s5 =	simm.s32 @p1 $0x80;
	_ =	swait.ge [sflag:s20], $0x80  }
0x12e: {  	s5 =	simm.s32 @!p1 $0x80;
	[sflag:s20] =	ssyncset.done $0x0  }
0x12f: {  	s5 =	sadd.s32 $0x5000, s5;
	s12 =	rddreg [dreg:$0x5];
	[sflag:s20] =	ssyncadd.s32 $0xFFFFFF80  }
0x130: {  	[spmem:s3] =	stream.indirect.scatter.add.f32 [tilespmem:s12], [sflag:$0x12], $0x1, s5, s17, $0xb8;
	[tilespmem:$0xAC00] =	vst v63  }
0x131: {  	s5 =	simm.s32 @p1 $0x100;
	_ =	swait.ge [sflag:s21], $0x80  }
0x132: {  	s5 =	simm.s32 @!p1 $0x100;
	[sflag:s21] =	ssyncset.done $0x0  }
0x133: {  	s13 =	rddreg [dreg:$0x6];
	s5 =	sadd.s32 $0x5000, s5;
	[sflag:s21] =	ssyncadd.s32 $0xFFFFFF80  }
0x134: {  	[spmem:s3] =	stream.indirect.scatter.add.f32 [tilespmem:s13], [sflag:$0x13], $0x1, s5, s17, $0xb8;
	[tilespmem:$0xAC00] =	vst v63  }
0x135: {  	s5 =	simm.s32 @p1 $0x180;
	_ =	swait.ge [sflag:s22], $0x80  }
0x136: {  	s5 =	simm.s32 @!p1 $0x180;
	[sflag:s22] =	ssyncset.done $0x0  }
0x137: {  	s14 =	rddreg [dreg:$0x7];
	s5 =	sadd.s32 $0x5000, s5;
	[sflag:s22] =	ssyncadd.s32 $0xFFFFFF80  }
0x138: {  	[spmem:s3] =	stream.indirect.scatter.add.f32 [tilespmem:s14], [sflag:$0x14], $0x1, s5, s17, $0xb8;
	[tilespmem:$0xAC00] =	vst v63  }
0x139: {  	s5 =	simm.s32 @p1 $0x200;
	_ =	swait.ge [sflag:s23], $0x80  }
0x13a: {  	s4 =	sadd.s32 $0x5380, s4;
	s5 =	simm.s32 @!p1 $0x200;
	[sflag:s23] =	ssyncset.done $0x0  }
0x13b: {  	s16 =	rddreg [dreg:$0x8];
	s5 =	sadd.s32 $0x5000, s5;
	[sflag:s23] =	ssyncadd.s32 $0xFFFFFF80  }
0x13c: {  	[spmem:s3] =	stream.indirect.scatter.add.f32 [tilespmem:s16], [sflag:$0x15], $0x1, s5, s17, $0xb8;
	[tilespmem:$0xAC00] =	vst v63  }
0x13d: {  	s8 =	simm.s32 $0x7F00;
	s5 =	simm.s32 @p1 $0x280;
	_ =	swait.ge [sflag:s24], $0x80  }
0x13e: {  	s9 =	simm.s32 $0xB00;
	s5 =	simm.s32 @!p1 $0x280;
	[sflag:s24] =	ssyncset.done $0x0  }
0x13f: {  	s25 =	rddreg [dreg:$0x9];
	s5 =	sadd.s32 $0x5000, s5;
	[sflag:s24] =	ssyncadd.s32 $0xFFFFFF80  }
0x140: {  	[spmem:s3] =	stream.indirect.scatter.add.f32 [tilespmem:s25], [sflag:$0x16], $0x1, s5, s17, $0xb8;
	[tilespmem:$0xAC00] =	vst v63  }
0x141: {  	s12 =	simm.s32 $0x700;
	s5 =	simm.s32 $0x300;
	_ =	swait.ge [sflag:s0], $0x80  }
0x142: {  	s5 =	simm.s32 @!p1 $0x300;
	p1 =	por $0x1, $0x1;
	[sflag:s0] =	ssyncset.done $0x0  }
0x143: {  	s28 =	rddreg [dreg:$0xa];
	s5 =	sadd.s32 $0x5000, s5;
	[sflag:s0] =	ssyncadd.s32 $0xFFFFFF80  }
0x144: {  	[spmem:s3] =	stream.indirect.scatter.add.f32 [tilespmem:s28], [sflag:$0x17], $0x1, s5, s17, $0xb8;
	[tilespmem:$0xAC00] =	vst v63  }
.LBB2_6:
0x145: {  	_ =	swait.ge [sflag:s7], $0x80  }
0x146: {  	[sflag:s7] =	ssyncset.done $0x0  }
0x147: {  	s5 =	simm.s32 @p1 $0x11;
	[sflag:s7] =	ssyncadd.s32 $0xFFFFFF80  }
0x148: {  	[spmem:s3] =	stream.indirect.scatter.add.f32 [tilespmem:s26], [sflag:$0x18], $0x1, s4, s17, $0xb8;
	[tilespmem:$0xAC00] =	vst v63  }
0x149: {  	_ =	swait.ge @p1 [sflag:s5], $0x80  }
0x14a: {  	s16 =	simm.s32 @p1 $0x80;
	s11 =	simm.s32 @p1 $0x12;
	[sflag:s5] =	ssyncset.done @p1 $0x0  }
0x14b: {  	s4 =	sadd.s32 @p1 $0xFFFFFD00, s8;
	[sflag:s5] =	ssyncadd.s32 @p1 $0xFFFFFF80;
	s5 =	simm.s32 @p1 $0xA000  }
0x14c: {  	[tilespmem:s5], [sflag:$0x9] =	stream.indirect.gather @p1 [spmem:s2], $0x1, s4, s16, $0xb8;
	[tilespmem:$0xAC00] =	vst v63  }
0x14d: {  	_ =	swait.ge @p1 [sflag:s11], $0x80  }
0x14e: {  	s25 =	simm.s32 @p1 $0xA080;
	[sflag:s11] =	ssyncset.done @p1 $0x0  }
0x14f: {  	s26 =	simm.s32 @p1 $0x13;
	s4 =	sadd.s32 @p1 $0xFFFFFD80, s8;
	[sflag:s11] =	ssyncadd.s32 @p1 $0xFFFFFF80  }
0x150: {  	[tilespmem:s25], [sflag:$0xA] =	stream.indirect.gather @p1 [spmem:s2], $0x1, s4, s16, $0xb8;
	[tilespmem:$0xAC00] =	vst v63  }
0x151: {  	_ =	swait.ge @p1 [sflag:s26], $0x80  }
0x152: {  	s28 =	simm.s32 @p1 $0xA100;
	[sflag:s26] =	ssyncset.done @p1 $0x0  }
0x153: {  	s25 =	sadd.s32 @p1 $0xFFFFFE00, s8;
	[sflag:s26] =	ssyncadd.s32 @p1 $0xFFFFFF80;
	s26 =	simm.s32 @p1 $0x14  }
0x154: {  	[tilespmem:s28], [sflag:$0xB] =	stream.indirect.gather @p1 [spmem:s2], $0x1, s25, s16, $0xb8;
	[tilespmem:$0xAC00] =	vst v63  }
0x155: {  	_ =	swait.ge @p1 [sflag:s26], $0x80  }
0x156: {  	s25 =	sadd.s32 @p1 $0xFFFFFE80, s8;
	[sflag:s26] =	ssyncset.done @p1 $0x0  }
0x157: {  	s28 =	simm.s32 @p1 $0xA180;
	[sflag:s26] =	ssyncadd.s32 @p1 $0xFFFFFF80;
	s26 =	simm.s32 @p1 $0x15  }
0x158: {  	[tilespmem:s28], [sflag:$0xC] =	stream.indirect.gather @p1 [spmem:s2], $0x1, s25, s16, $0xb8;
	[tilespmem:$0xAC00] =	vst v63  }
0x159: {  	_ =	swait.ge @p1 [sflag:s26], $0x80  }
0x15a: {  	s25 =	sadd.s32 @p1 $0xFFFFFF00, s8;
	[sflag:s26] =	ssyncset.done @p1 $0x0  }
0x15b: {  	s28 =	simm.s32 @p1 $0xA200;
	[sflag:s26] =	ssyncadd.s32 @p1 $0xFFFFFF80;
	s26 =	simm.s32 @p1 $0x16  }
0x15c: {  	[tilespmem:s28], [sflag:$0xD] =	stream.indirect.gather @p1 [spmem:s2], $0x1, s25, s16, $0xb8;
	[tilespmem:$0xAC00] =	vst v63  }
0x15d: {  	_ =	swait.ge @p1 [sflag:s26], $0x80  }
0x15e: {  	s25 =	sadd.s32 @p1 $0xFFFFFF80, s8;
	[sflag:s26] =	ssyncset.done @p1 $0x0  }
0x15f: {  	s28 =	simm.s32 @p1 $0xA280;
	[sflag:s26] =	ssyncadd.s32 @p1 $0xFFFFFF80;
	s26 =	simm.s32 @p1 $0x17  }
0x160: {  	[tilespmem:s28], [sflag:$0xE] =	stream.indirect.gather @p1 [spmem:s2], $0x1, s25, s16, $0xb8;
	[tilespmem:$0xAC00] =	vst v63  }
0x161: {  	_ =	swait.ge @p1 [sflag:s26], $0x80  }
0x162: {  	[sflag:s26] =	ssyncset.done @p1 $0x0  }
0x163: {  	s25 =	simm.s32 @p1 $0xA300;
	s28 =	simm.s32 @p1 $0x18;
	[sflag:s26] =	ssyncadd.s32 @p1 $0xFFFFFF80  }
0x164: {  	[tilespmem:s25], [sflag:$0xF] =	stream.indirect.gather @p1 [spmem:s2], $0x1, s8, s16, $0xb8;
	[tilespmem:$0xAC00] =	vst v63  }
0x165: {  	_ =	swait.ge @p1 [sflag:s28], $0x80  }
0x166: {  	s26 =	simm.s32 @!p1 $0xA000;
	[sflag:s28] =	ssyncset.done @p1 $0x0  }
0x167: {  	s16 =	simm.s32 @!p1 $0x80;
	s25 =	simm.s32 @!p1 $0x7800;
	[sflag:s28] =	ssyncadd.s32 @p1 $0xFFFFFF80  }
0x168: {  	[tilespmem:s26], [sflag:$0x9] =	stream.indirect.gather @!p1 [spmem:s2], $0x1, s25, s16, $0xb8;
	[tilespmem:$0xAC00] =	vst v63  }
0x169: {  	s25 =	simm.s32 @!p1 $0x7880;
	s26 =	simm.s32 @!p1 $0xA080  }
0x16a: {  	[tilespmem:s26], [sflag:$0xA] =	stream.indirect.gather @!p1 [spmem:s2], $0x1, s25, s16, $0xb8;
	[tilespmem:$0xAC00] =	vst v63  }
0x16b: {  	s25 =	simm.s32 @!p1 $0x7900;
	s26 =	simm.s32 @!p1 $0xA100  }
0x16c: {  	[tilespmem:s26], [sflag:$0xB] =	stream.indirect.gather @!p1 [spmem:s2], $0x1, s25, s16, $0xb8;
	[tilespmem:$0xAC00] =	vst v63  }
0x16d: {  	s25 =	simm.s32 @!p1 $0x7980;
	s26 =	simm.s32 @!p1 $0xA180  }
0x16e: {  	[tilespmem:s26], [sflag:$0xC] =	stream.indirect.gather @!p1 [spmem:s2], $0x1, s25, s16, $0xb8;
	[tilespmem:$0xAC00] =	vst v63  }
0x16f: {  	s25 =	simm.s32 @!p1 $0x7A00;
	s26 =	simm.s32 @!p1 $0xA200  }
0x170: {  	[tilespmem:s26], [sflag:$0xD] =	stream.indirect.gather @!p1 [spmem:s2], $0x1, s25, s16, $0xb8;
	[tilespmem:$0xAC00] =	vst v63  }
0x171: {  	s10 =	sadd.s32 @p1 $0xFFFFFD00, s12;
	s25 =	simm.s32 @!p1 $0x7A80;
	s26 =	simm.s32 @!p1 $0xA280  }
0x172: {  	[tilespmem:s26], [sflag:$0xE] =	stream.indirect.gather @!p1 [spmem:s2], $0x1, s25, s16, $0xb8;
	[tilespmem:$0xAC00] =	vst v63  }
0x173: {  	s10 =	simm.s32 @!p1 $0x0;
	s28 =	simm.s32 @!p1 $0xA300;
	s25 =	simm.s32 @!p1 $0x7B00  }
0x174: {  	[tilespmem:s28], [sflag:$0xF] =	stream.indirect.gather @!p1 [spmem:s2], $0x1, s25, s16, $0xb8;
	[tilespmem:$0xAC00] =	vst v63  }
0x175: {  	s26 =	simm.s32 $0xA380;
	s28 =	sadd.s32 $0x7B80, s10  }
0x176: {  	[tilespmem:s26], [sflag:$0x10] =	stream.indirect.gather [spmem:s2], $0x1, s28, s17, $0xb8;
	[tilespmem:$0xAC00] =	vst v63  }
0x177: {  	_ =	swait.ge [sflag:s19], $0x80  }
0x178: {  	[sflag:s19] =	ssyncset.done $0x0  }
0x179: {  	s28 =	sadd.s32 $0x5000, s10;
	s25 =	rddreg [dreg:$0x4];
	[sflag:s19] =	ssyncadd.s32 $0xFFFFFF80  }
0x17a: {  	[spmem:s3] =	stream.indirect.scatter.add.f32 [tilespmem:s25], [sflag:$0x11], $0x1, s28, s17, $0xb8;
	[tilespmem:$0xAC00] =	vst v63  }
0x17b: {  	s14 =	sadd.s32 @p1 $0xFFFFFD80, s12;
	_ =	swait.ge [sflag:s20], $0x80  }
0x17c: {  	s14 =	simm.s32 @!p1 $0x80;
	[sflag:s20] =	ssyncset.done $0x0  }
0x17d: {  	s14 =	sadd.s32 $0x5000, s14;
	s28 =	rddreg [dreg:$0x5];
	[sflag:s20] =	ssyncadd.s32 $0xFFFFFF80  }
0x17e: {  	[spmem:s3] =	stream.indirect.scatter.add.f32 [tilespmem:s28], [sflag:$0x12], $0x1, s14, s17, $0xb8;
	[tilespmem:$0xAC00] =	vst v63  }
0x17f: {  	s13 =	sadd.s32 @p1 $0xFFFFFE00, s12;
	_ =	swait.ge [sflag:s21], $0x80  }
0x180: {  	s6 =	sadd.s32 @p1 $0xFFFFFE80, s12;
	s13 =	simm.s32 @!p1 $0x100;
	[sflag:s21] =	ssyncset.done $0x0  }
0x181: {  	s13 =	sadd.s32 $0x5000, s13;
	s25 =	rddreg [dreg:$0x6];
	[sflag:s21] =	ssyncadd.s32 $0xFFFFFF80  }
0x182: {  	[spmem:s3] =	stream.indirect.scatter.add.f32 [tilespmem:s25], [sflag:$0x13], $0x1, s13, s17, $0xb8;
	[tilespmem:$0xAC00] =	vst v63  }
0x183: {  	s6 =	simm.s32 @!p1 $0x180;
	_ =	swait.ge [sflag:s22], $0x80  }
0x184: {  	s6 =	sadd.s32 $0x5000, s6;
	[sflag:s22] =	ssyncset.done $0x0  }
0x185: {  	s5 =	sadd.s32 @p1 $0xFFFFFF00, s12;
	s28 =	rddreg [dreg:$0x7];
	[sflag:s22] =	ssyncadd.s32 $0xFFFFFF80  }
0x186: {  	[spmem:s3] =	stream.indirect.scatter.add.f32 [tilespmem:s28], [sflag:$0x14], $0x1, s6, s17, $0xb8;
	[tilespmem:$0xAC00] =	vst v63  }
0x187: {  	s5 =	simm.s32 @!p1 $0x200;
	_ =	swait.ge [sflag:s23], $0x80  }
0x188: {  	s5 =	sadd.s32 $0x5000, s5;
	s11 =	sadd.s32 @p1 $0xFFFFFF80, s12;
	[sflag:s23] =	ssyncset.done $0x0  }
0x189: {  	s4 =	smov.u32 s12;
	s13 =	rddreg [dreg:$0x8];
	[sflag:s23] =	ssyncadd.s32 $0xFFFFFF80  }
0x18a: {  	[spmem:s3] =	stream.indirect.scatter.add.f32 [tilespmem:s13], [sflag:$0x15], $0x1, s5, s17, $0xb8;
	[tilespmem:$0xAC00] =	vst v63  }
0x18b: {  	s12 =	smov.u32 s9;
	s9 =	sadd.s32 $0x400, s9;
	_ =	swait.ge [sflag:s24], $0x80  }
0x18c: {  	s11 =	simm.s32 @!p1 $0x280;
	p2 =	sne.s32 s9, $0x2B00;
	[sflag:s24] =	ssyncset.done $0x0  }
0x18d: {  	s16 =	sadd.s32 $0x5000, s11;
	s14 =	rddreg [dreg:$0x9];
	[sflag:s24] =	ssyncadd.s32 $0xFFFFFF80  }
0x18e: {  	[spmem:s3] =	stream.indirect.scatter.add.f32 [tilespmem:s14], [sflag:$0x16], $0x1, s16, s17, $0xb8;
	[tilespmem:$0xAC00] =	vst v63  }
.Ltmp2:
0x18f: {  	_ = 	snop;
	(pc) =	sbr.rel @p2 .LBB2_6-.Ltmp2, $4  }
0x190: {  	s4 =	simm.s32 @!p1 $0x300;
	s8 =	sadd.s32 $0x400, s8;
	_ =	swait.ge [sflag:s0], $0x80  }
0x191: {  	p1 =	sne.s32 s12, $0x300;
	s28 =	sadd.s32 $0x5000, s4;
	[sflag:s0] =	ssyncset.done $0x0  }
0x192: {  	s4 =	sadd.s32 $0x5380, s10;
	s25 =	rddreg [dreg:$0xa];
	[sflag:s0] =	ssyncadd.s32 $0xFFFFFF80  }
0x193: {  	[spmem:s3] =	stream.indirect.scatter.add.f32 [tilespmem:s25], [sflag:$0x17], $0x1, s28, s17, $0xb8;
	[tilespmem:$0xAC00] =	vst v63  }
0x194: {  	_ =	swait.ge [sflag:s7], $0x80  }
0x195: {  	[sflag:s7] =	ssyncset.done $0x0  }
0x196: {  	s5 =	simm.s32 @p1 $0x11;
	[sflag:s7] =	ssyncadd.s32 $0xFFFFFF80  }
0x197: {  	[spmem:s3] =	stream.indirect.scatter.add.f32 [tilespmem:s26], [sflag:$0x18], $0x1, s4, s17, $0xb8;
	[tilespmem:$0xAC00] =	vst v63  }
0x198: {  	_ =	swait.ge @p1 [sflag:s5], $0x80  }
0x199: {  	s6 =	simm.s32 @p1 $0x80;
	[sflag:s5] =	ssyncset.done @p1 $0x0  }
0x19a: {  	s4 =	sadd.s32 @p1 $0xFFFFFD00, s8;
	[sflag:s5] =	ssyncadd.s32 @p1 $0xFFFFFF80;
	s5 =	simm.s32 @p1 $0xA000  }
0x19b: {  	[tilespmem:s5], [sflag:$0x9] =	stream.indirect.gather @p1 [spmem:s2], $0x1, s4, s6, $0xb8;
	[tilespmem:$0xAC00] =	vst v63  }
0x19c: {  	s4 =	simm.s32 @p1 $0x12  }
0x19d: {  	_ =	swait.ge @p1 [sflag:s4], $0x80  }
0x19e: {  	[sflag:s4] =	ssyncset.done @p1 $0x0  }
0x19f: {  	s5 =	sadd.s32 @p1 $0xFFFFFD80, s8;
	[sflag:s4] =	ssyncadd.s32 @p1 $0xFFFFFF80;
	s4 =	simm.s32 @p1 $0xA080  }
0x1a0: {  	[tilespmem:s4], [sflag:$0xA] =	stream.indirect.gather @p1 [spmem:s2], $0x1, s5, s6, $0xb8;
	[tilespmem:$0xAC00] =	vst v63  }
0x1a1: {  	s4 =	simm.s32 @p1 $0x13  }
0x1a2: {  	_ =	swait.ge @p1 [sflag:s4], $0x80  }
0x1a3: {  	[sflag:s4] =	ssyncset.done @p1 $0x0  }
0x1a4: {  	s5 =	sadd.s32 @p1 $0xFFFFFE00, s8;
	[sflag:s4] =	ssyncadd.s32 @p1 $0xFFFFFF80;
	s4 =	simm.s32 @p1 $0xA100  }
0x1a5: {  	[tilespmem:s4], [sflag:$0xB] =	stream.indirect.gather @p1 [spmem:s2], $0x1, s5, s6, $0xb8;
	[tilespmem:$0xAC00] =	vst v63  }
0x1a6: {  	s4 =	simm.s32 @p1 $0x14  }
0x1a7: {  	_ =	swait.ge @p1 [sflag:s4], $0x80  }
0x1a8: {  	[sflag:s4] =	ssyncset.done @p1 $0x0  }
0x1a9: {  	s5 =	sadd.s32 @p1 $0xFFFFFE80, s8;
	[sflag:s4] =	ssyncadd.s32 @p1 $0xFFFFFF80;
	s4 =	simm.s32 @p1 $0xA180  }
0x1aa: {  	[tilespmem:s4], [sflag:$0xC] =	stream.indirect.gather @p1 [spmem:s2], $0x1, s5, s6, $0xb8;
	[tilespmem:$0xAC00] =	vst v63  }
0x1ab: {  	s4 =	simm.s32 @p1 $0x15  }
0x1ac: {  	_ =	swait.ge @p1 [sflag:s4], $0x80  }
0x1ad: {  	[sflag:s4] =	ssyncset.done @p1 $0x0  }
0x1ae: {  	s5 =	sadd.s32 @p1 $0xFFFFFF00, s8;
	[sflag:s4] =	ssyncadd.s32 @p1 $0xFFFFFF80;
	s4 =	simm.s32 @p1 $0xA200  }
0x1af: {  	[tilespmem:s4], [sflag:$0xD] =	stream.indirect.gather @p1 [spmem:s2], $0x1, s5, s6, $0xb8;
	[tilespmem:$0xAC00] =	vst v63  }
0x1b0: {  	s4 =	simm.s32 @p1 $0x16  }
0x1b1: {  	_ =	swait.ge @p1 [sflag:s4], $0x80  }
0x1b2: {  	[sflag:s4] =	ssyncset.done @p1 $0x0  }
0x1b3: {  	s5 =	sadd.s32 @p1 $0xFFFFFF80, s8;
	[sflag:s4] =	ssyncadd.s32 @p1 $0xFFFFFF80;
	s4 =	simm.s32 @p1 $0xA280  }
0x1b4: {  	[tilespmem:s4], [sflag:$0xE] =	stream.indirect.gather @p1 [spmem:s2], $0x1, s5, s6, $0xb8;
	[tilespmem:$0xAC00] =	vst v63  }
0x1b5: {  	s4 =	simm.s32 @p1 $0x17  }
0x1b6: {  	_ =	swait.ge @p1 [sflag:s4], $0x80  }
0x1b7: {  	[sflag:s4] =	ssyncset.done @p1 $0x0  }
0x1b8: {  	[sflag:s4] =	ssyncadd.s32 @p1 $0xFFFFFF80;
	s4 =	simm.s32 @p1 $0xA300  }
0x1b9: {  	[tilespmem:s4], [sflag:$0xF] =	stream.indirect.gather @p1 [spmem:s2], $0x1, s8, s6, $0xb8;
	[tilespmem:$0xAC00] =	vst v63  }
0x1ba: {  	s4 =	simm.s32 @p1 $0x18  }
0x1bb: {  	_ =	swait.ge @p1 [sflag:s4], $0x80  }
0x1bc: {  	s5 =	simm.s32 @!p1 $0x80;
	[sflag:s4] =	ssyncset.done @p1 $0x0  }
0x1bd: {  	s6 =	simm.s32 @!p1 $0x7800;
	[sflag:s4] =	ssyncadd.s32 @p1 $0xFFFFFF80;
	s4 =	simm.s32 @!p1 $0xA000  }
0x1be: {  	[tilespmem:s4], [sflag:$0x9] =	stream.indirect.gather @!p1 [spmem:s2], $0x1, s6, s5, $0xb8;
	[tilespmem:$0xAC00] =	vst v63  }
0x1bf: {  	s4 =	simm.s32 @!p1 $0x7880;
	s6 =	simm.s32 @!p1 $0xA080  }
0x1c0: {  	[tilespmem:s6], [sflag:$0xA] =	stream.indirect.gather @!p1 [spmem:s2], $0x1, s4, s5, $0xb8;
	[tilespmem:$0xAC00] =	vst v63  }
0x1c1: {  	s4 =	simm.s32 @!p1 $0x7900;
	s6 =	simm.s32 @!p1 $0xA100  }
0x1c2: {  	[tilespmem:s6], [sflag:$0xB] =	stream.indirect.gather @!p1 [spmem:s2], $0x1, s4, s5, $0xb8;
	[tilespmem:$0xAC00] =	vst v63  }
0x1c3: {  	s4 =	simm.s32 @!p1 $0x7980;
	s6 =	simm.s32 @!p1 $0xA180  }
0x1c4: {  	[tilespmem:s6], [sflag:$0xC] =	stream.indirect.gather @!p1 [spmem:s2], $0x1, s4, s5, $0xb8;
	[tilespmem:$0xAC00] =	vst v63  }
0x1c5: {  	s4 =	simm.s32 @!p1 $0x7A00;
	s6 =	simm.s32 @!p1 $0xA200  }
0x1c6: {  	[tilespmem:s6], [sflag:$0xD] =	stream.indirect.gather @!p1 [spmem:s2], $0x1, s4, s5, $0xb8;
	[tilespmem:$0xAC00] =	vst v63  }
0x1c7: {  	s4 =	simm.s32 @!p1 $0x7A80;
	s6 =	simm.s32 @!p1 $0xA280  }
0x1c8: {  	[tilespmem:s6], [sflag:$0xE] =	stream.indirect.gather @!p1 [spmem:s2], $0x1, s4, s5, $0xb8;
	[tilespmem:$0xAC00] =	vst v63  }
0x1c9: {  	s4 =	simm.s32 @!p1 $0xA300;
	s6 =	simm.s32 @!p1 $0x7B00  }
0x1ca: {  	[tilespmem:s4], [sflag:$0xF] =	stream.indirect.gather @!p1 [spmem:s2], $0x1, s6, s5, $0xb8;
	[tilespmem:$0xAC00] =	vst v63  }
0x1cb: {  	s4 =	sadd.s32 @p1 $0xFFFFFD00, s12  }
0x1cc: {  	s4 =	simm.s32 @!p1 $0x0  }
0x1cd: {  	s16 =	sadd.s32 $0x7B80, s4  }
0x1ce: {  	[tilespmem:s26], [sflag:$0x10] =	stream.indirect.gather [spmem:s2], $0x1, s16, s17, $0xb8;
	[tilespmem:$0xAC00] =	vst v63  }
0x1cf: {  	_ =	swait.ge [sflag:s19], $0x80  }
0x1d0: {  	[sflag:s19] =	ssyncset.done $0x0  }
0x1d1: {  	s28 =	sadd.s32 $0x5000, s4;
	s25 =	rddreg [dreg:$0x4];
	[sflag:s19] =	ssyncadd.s32 $0xFFFFFF80  }
0x1d2: {  	[spmem:s3] =	stream.indirect.scatter.add.f32 [tilespmem:s25], [sflag:$0x11], $0x1, s28, s17, $0xb8;
	[tilespmem:$0xAC00] =	vst v63  }
0x1d3: {  	s5 =	sadd.s32 @p1 $0xFFFFFD80, s12;
	_ =	swait.ge [sflag:s20], $0x80  }
0x1d4: {  	s5 =	simm.s32 @!p1 $0x80;
	[sflag:s20] =	ssyncset.done $0x0  }
0x1d5: {  	s5 =	sadd.s32 $0x5000, s5;
	s8 =	rddreg [dreg:$0x5];
	[sflag:s20] =	ssyncadd.s32 $0xFFFFFF80  }
0x1d6: {  	[spmem:s3] =	stream.indirect.scatter.add.f32 [tilespmem:s8], [sflag:$0x12], $0x1, s5, s17, $0xb8;
	[tilespmem:$0xAC00] =	vst v63  }
0x1d7: {  	s5 =	sadd.s32 @p1 $0xFFFFFE00, s12;
	_ =	swait.ge [sflag:s21], $0x80  }
0x1d8: {  	s5 =	simm.s32 @!p1 $0x100;
	[sflag:s21] =	ssyncset.done $0x0  }
0x1d9: {  	s9 =	rddreg [dreg:$0x6];
	s5 =	sadd.s32 $0x5000, s5;
	[sflag:s21] =	ssyncadd.s32 $0xFFFFFF80  }
0x1da: {  	[spmem:s3] =	stream.indirect.scatter.add.f32 [tilespmem:s9], [sflag:$0x13], $0x1, s5, s17, $0xb8;
	[tilespmem:$0xAC00] =	vst v63  }
0x1db: {  	s5 =	sadd.s32 @p1 $0xFFFFFE80, s12;
	_ =	swait.ge [sflag:s22], $0x80  }
0x1dc: {  	s5 =	simm.s32 @!p1 $0x180;
	[sflag:s22] =	ssyncset.done $0x0  }
0x1dd: {  	s10 =	rddreg [dreg:$0x7];
	s5 =	sadd.s32 $0x5000, s5;
	[sflag:s22] =	ssyncadd.s32 $0xFFFFFF80  }
0x1de: {  	[spmem:s3] =	stream.indirect.scatter.add.f32 [tilespmem:s10], [sflag:$0x14], $0x1, s5, s17, $0xb8;
	[tilespmem:$0xAC00] =	vst v63  }
0x1df: {  	s5 =	sadd.s32 @p1 $0xFFFFFF00, s12;
	_ =	swait.ge [sflag:s23], $0x80  }
0x1e0: {  	s5 =	simm.s32 @!p1 $0x200;
	[sflag:s23] =	ssyncset.done $0x0  }
0x1e1: {  	s11 =	rddreg [dreg:$0x8];
	s5 =	sadd.s32 $0x5000, s5;
	[sflag:s23] =	ssyncadd.s32 $0xFFFFFF80  }
0x1e2: {  	[spmem:s3] =	stream.indirect.scatter.add.f32 [tilespmem:s11], [sflag:$0x15], $0x1, s5, s17, $0xb8;
	[tilespmem:$0xAC00] =	vst v63  }
0x1e3: {  	s5 =	sadd.s32 @p1 $0xFFFFFF80, s12;
	_ =	swait.ge [sflag:s24], $0x80  }
0x1e4: {  	s5 =	simm.s32 @!p1 $0x280;
	[sflag:s24] =	ssyncset.done $0x0  }
0x1e5: {  	s13 =	rddreg [dreg:$0x9];
	s5 =	sadd.s32 $0x5000, s5;
	[sflag:s24] =	ssyncadd.s32 $0xFFFFFF80  }
0x1e6: {  	[spmem:s3] =	stream.indirect.scatter.add.f32 [tilespmem:s13], [sflag:$0x16], $0x1, s5, s17, $0xb8;
	[tilespmem:$0xAC00] =	vst v63  }
0x1e7: {  	_ =	swait.ge [sflag:s0], $0x80  }
0x1e8: {  	s12 =	simm.s32 @!p1 $0x300;
	[sflag:s0] =	ssyncset.done $0x0  }
0x1e9: {  	s16 =	sadd.s32 $0x5000, s12;
	s14 =	rddreg [dreg:$0xa];
	[sflag:s0] =	ssyncadd.s32 $0xFFFFFF80  }
0x1ea: {  	[spmem:s3] =	stream.indirect.scatter.add.f32 [tilespmem:s14], [sflag:$0x17], $0x1, s16, s17, $0xb8;
	[tilespmem:$0xAC00] =	vst v63  }
0x1eb: {  	_ =	swait.ge [sflag:s7], $0x80  }
0x1ec: {  	[sflag:s7] =	ssyncset.done $0x0  }
0x1ed: {  	s4 =	sadd.s32 $0x5380, s4;
	s25 =	simm.s32 $0x11;
	[sflag:s7] =	ssyncadd.s32 $0xFFFFFF80  }
0x1ee: {  	[spmem:s3] =	stream.indirect.scatter.add.f32 [tilespmem:s26], [sflag:$0x18], $0x1, s4, s17, $0xb8;
	[tilespmem:$0xAC00] =	vst v63  }
0x1ef: {  	_ =	swait.ge [sflag:s25], $0x80  }
0x1f0: {  	[sflag:s25] =	ssyncset.done $0x0  }
0x1f1: {  	s28 =	simm.s32 $0x12;
	[sflag:s25] =	ssyncadd.s32 $0xFFFFFF80  }
0x1f2: {  	_ =	swait.ge [sflag:s28], $0x80  }
0x1f3: {  	[sflag:s28] =	ssyncset.done $0x0  }
0x1f4: {  	s5 =	simm.s32 $0x13;
	[sflag:s28] =	ssyncadd.s32 $0xFFFFFF80  }
0x1f5: {  	_ =	swait.ge [sflag:s5], $0x80  }
0x1f6: {  	[sflag:s5] =	ssyncset.done $0x0  }
0x1f7: {  	s6 =	simm.s32 $0x14;
	[sflag:s5] =	ssyncadd.s32 $0xFFFFFF80  }
0x1f8: {  	_ =	swait.ge [sflag:s6], $0x80  }
0x1f9: {  	[sflag:s6] =	ssyncset.done $0x0  }
0x1fa: {  	s8 =	simm.s32 $0x15;
	[sflag:s6] =	ssyncadd.s32 $0xFFFFFF80  }
0x1fb: {  	_ =	swait.ge [sflag:s8], $0x80  }
0x1fc: {  	[sflag:s8] =	ssyncset.done $0x0  }
0x1fd: {  	s9 =	simm.s32 $0x16;
	[sflag:s8] =	ssyncadd.s32 $0xFFFFFF80  }
0x1fe: {  	_ =	swait.ge [sflag:s9], $0x80  }
0x1ff: {  	[sflag:s9] =	ssyncset.done $0x0  }
0x200: {  	s10 =	simm.s32 $0x17;
	[sflag:s9] =	ssyncadd.s32 $0xFFFFFF80  }
0x201: {  	_ =	swait.ge [sflag:s10], $0x80  }
0x202: {  	[sflag:s10] =	ssyncset.done $0x0  }
0x203: {  	s11 =	simm.s32 $0x18;
	[sflag:s10] =	ssyncadd.s32 $0xFFFFFF80  }
0x204: {  	_ =	swait.ge [sflag:s11], $0x80  }
0x205: {  	[sflag:s11] =	ssyncset.done $0x0  }
0x206: {  	s12 =	stileid.u32;
	[sflag:s11] =	ssyncadd.s32 $0xFFFFFF80  }
0x207: {  	s16 =	simm.s32 $0x20;
	s4 =	sshll.u32 s12, $0x6;
	[bflag:$0x0] =	sbarrier.arrive $0xFFFF  }
0x208: {  	s4 =	sor.u32 $0x1C19, s4;
	s9 =	simm.s32 $0x19;
	s12 =	rddreg [dreg:$0xc]  }
0x209: {  	s11 =	simm.s32 $0x1;
	s14 =	rddreg [dreg:$0x11];
	s13 =	sshrl.u32 s12, $0x3  }
0x20a: {  	[hbm:s14@s16], [sflag:s4] =	dma.strided [spmem:s13@s7], $0x50, s11, $0x10   }
0x20b: {  	_ =	swait.ge [sflag:s9], $0x50  }
0x20c: {  	s25 =	rddreg [dreg:$0x13]  }
0x20d: {  	s28 =	rddreg [dreg:$0x12];
	s5 =	sadd.s32 $0x1, s25  }
0x20e: {  	p1 =	sne.s32 s5, s28  }
.Ltmp3:
0x20f: {  	_ = 	snop;
	(pc) =	sbr.rel @p1 .LBB2_1-.Ltmp3, $3  }
0x210: {  	_ =	sdelay $0x1  }
0x211: {  	s8 =	simm.s32 $0xA480;
	s13 =	simm.s32 $0x2;
	[sflag:s9] =	ssyncset.done $0x0  }
0x212: {  	s14 =	simm.s32 $0x3;
	s10 =	rddreg [dreg:$0xb];
	[sflag:s9] =	ssyncadd.s32 $0xFFFFFFB0  }
0x213: {  	_ =	sfence.sel $0x180000  }
0x214: {  	[bflag:$0x0] =	sbarrier.arrive $0xFFFF  }
0x215: {  	_ =	strace $0x90000047  }
0x216: {  	s0 =	stileid.u32;
	[bflag:$0x2] =	sbarrier.arrive $0xFFFF  }
0x217: {  	p0 =	sne.s32 s0, $0x0;
	s0 =	rddreg [dreg:$0x3]  }
0x218: {  	s0 =	sadd.s32 @!p0 $0x100000, s0  }
0x219: {  	[sflag:s0] =	ssyncadd.tile.s32 @!p0 $0x1;
	_ =	shalt  }
.Lfunc_end2:
_tile_overlayer_lowered:
.L_overlay_start_2:
0x21a: {  	(tag) =	ssettag $0x2  }
0x21b: {  	s0 =	rddreg [dreg:$0x0];
	s2 =	stileid.u32  }
0x21c: {  	s1 =	rddreg [dreg:$0x1];
	p0 =	sne.s32 s2, $0x0  }
0x21d: {  	s3 =	rddreg [dreg:$0x2];
	[bflag:$0x3] =	sbarrier.arrive $0xFFFF;
	s2 =	simm.s32 @!p0 $0x1C19  }
0x21e: {  	[timem:s3], [sflag:s2] =	dma.local @!p0 [hbm:s0], s1  }
0x21f: {  	s0 =	simm.s32 @!p0 $0x19  }
0x220: {  	_ =	swait.ge @!p0 [sflag:s0], s1  }
0x221: {  	s1 =	ssub.s32 @!p0 $0x0, s1;
	[sflag:s0] =	ssyncset.done @!p0 $0x0  }
0x222: {  	[sflag:s0] =	ssyncadd.s32 @!p0 s1  }
0x223: {  	[bflag:$0x3] =	sbarrier.arrive $0xFFFF  }
0x224: {  	_ =	shalt  }

</sc_bundles>
